<compile_context>
chip_gen: v7x
topology: tpu7x:2x2x1
jax: 0.10.2.dev20260603
libtpu: 0.0.44.dev20260713+nightly
codegen_flags: <defaults>
</compile_context>

<pallas_src>
import jax
import jax.numpy as jnp
from jax import lax
from jax.experimental import pallas as pl
from jax.experimental.pallas import tpu as pltpu
from jax.experimental.pallas import tpu_sc as plsc

_P = 40
_GW = 48
_NW = 32


def _agg_body(x_hbm, nbr_hbm, geo_hbm, out_hbm,
              idx0, idx1, gv0, gv1, wv0, wv1, rows0, rows1, agg0, agg1,
              sg0, sg1, ss0, ss1):
    NB = x_hbm.shape[0]
    C = x_hbm.shape[2]
    N = x_hbm.shape[1]
    nchunk = N // _P
    per_worker = (nchunk + _NW - 1) // _NW
    pairs = per_worker // 2
    wid = lax.axis_index("s") * 2 + lax.axis_index("c")
    base = wid * per_worker

    def cid_of(i):
        return jnp.minimum(base + i, nchunk - 1)

    def idx_copies(cid, idxb, semg):
        return [pltpu.make_async_copy(
            nbr_hbm.at[pl.ds(g * N + cid * _P, _P)], idxb.at[g], semg)
            for g in range(4)]

    def gather_copies(cid, idxb, gvb, rowsb, semg):
        copies = []
        for g in range(4):
            copies.append(pltpu.make_async_copy(
                geo_hbm.at[idxb.at[g]], gvb.at[pl.ds(g * _GW, _P)], semg))
            for b in range(NB):
                copies.append(pltpu.make_async_copy(
                    x_hbm.at[b].at[idxb.at[g]],
                    rowsb.at[b, pl.ds(g * _P, _P)], semg))
        return copies

    def issue(cid, idxb, gvb, rowsb, semg):
        ics = idx_copies(cid, idxb, semg)
        for c in ics:
            c.start()
        for c in ics:
            c.wait()
        for c in gather_copies(cid, idxb, gvb, rowsb, semg):
            c.start()

    def wait_gathers(cid, idxb, gvb, rowsb, semg):
        for c in gather_copies(cid, idxb, gvb, rowsb, semg):
            c.wait()

    def compute(gvb, wvb, rowsb, aggb):
        for grp in range(3):
            a = [gvb[pl.ds(k * _GW + grp * 16, 16)] for k in range(4)]
            m = jnp.maximum(jnp.maximum(a[0], a[1]), jnp.maximum(a[2], a[3]))
            e = [jnp.exp(ak - m) for ak in a]
            r = 1.0 / (e[0] + e[1] + e[2] + e[3])
            for k in range(4):
                wvb[pl.ds(k * _GW + grp * 16, 16)] = e[k] * r

        def point_body(p, carry2):
            w = [wvb[pl.ds(k * _GW + p, 16)][0] for k in range(4)]
            for b in range(NB):
                for c in range(C // 16):
                    sl = pl.ds(c * 16, 16)
                    acc = (w[0] * rowsb[b, p, sl]
                           + w[1] * rowsb[b, _P + p, sl]
                           + w[2] * rowsb[b, 2 * _P + p, sl]
                           + w[3] * rowsb[b, 3 * _P + p, sl])
                    aggb[b, p, sl] = acc
            return carry2

        lax.fori_loop(0, _P, point_body, 0)

    def store_copies(aggb, cid, sems):
        return [pltpu.make_async_copy(
            aggb.at[b], out_hbm.at[b, pl.ds(cid * _P, _P)], sems)
            for b in range(NB)]

    def store(aggb, cid, sems):
        for c in store_copies(aggb, cid, sems):
            c.start()

    def wait_store(aggb, cid, sems):
        for c in store_copies(aggb, cid, sems):
            c.wait()

    issue(cid_of(0), idx0, gv0, rows0, sg0)

    def pair_body(t, carry):
        c0 = cid_of(2 * t)
        c1 = cid_of(2 * t + 1)
        c2 = cid_of(2 * t + 2)
        issue(c1, idx1, gv1, rows1, sg1)
        wait_gathers(c0, idx0, gv0, rows0, sg0)

        @pl.when(t > 0)
        def _():
            wait_store(agg0, c0, ss0)

        compute(gv0, wv0, rows0, agg0)
        store(agg0, c0, ss0)
        issue(c2, idx0, gv0, rows0, sg0)
        wait_gathers(c1, idx1, gv1, rows1, sg1)

        @pl.when(t > 0)
        def _():
            wait_store(agg1, c1, ss1)

        compute(gv1, wv1, rows1, agg1)
        store(agg1, c1, ss1)
        return carry

    lax.fori_loop(0, pairs, pair_body, 0)
    wait_gathers(cid_of(0), idx0, gv0, rows0, sg0)
    wait_store(agg0, cid_of(0), ss0)
    wait_store(agg1, cid_of(0), ss1)


def _aggregate(x_bnc, nbr_k, geo):
    NB, N, C = x_bnc.shape
    mesh = plsc.VectorSubcoreMesh(core_axis_name="c", subcore_axis_name="s")
    f = pl.kernel(
        _agg_body,
        out_type=jax.ShapeDtypeStruct((NB, N, C), jnp.float32),
        mesh=mesh,
        scratch_types=(
            [pltpu.VMEM((4, _P), jnp.int32)] * 2
            + [pltpu.VMEM((4 * _GW,), jnp.float32)] * 2
            + [pltpu.VMEM((4 * _GW + 16,), jnp.float32)] * 2
            + [pltpu.VMEM((NB, 4 * _P, C), jnp.float32)] * 2
            + [pltpu.VMEM((NB, _P, C), jnp.float32)] * 2
            + [pltpu.SemaphoreType.DMA] * 4
        ),
    )
    return f(x_bnc, nbr_k, geo)


def _linear_body(a_ref, w_ref, b_ref, o_ref):
    a = a_ref[...]
    w = w_ref[...]
    bias = b_ref[...]
    NB, NT, CI = a.shape
    row_mod = lax.broadcasted_iota(jnp.int32, (NT, CI), 0) % 4
    masks = [row_mod == k for k in range(4)]
    wb = [w[k].astype(jnp.bfloat16) for k in range(4)]
    zero = jnp.bfloat16(0.0)
    outs = []
    for b in range(NB):
        ab = a[b].astype(jnp.bfloat16)
        acc = None
        for k in range(4):
            zk = jnp.where(masks[k], ab, zero)
            ok = lax.dot_general(
                zk, wb[k], (((1,), (0,)), ((), ())),
                preferred_element_type=jnp.float32)
            acc = ok if acc is None else acc + ok
        outs.append(acc + bias[None, :])
    o_ref[...] = jnp.stack(outs, axis=0)


def _linear(aggb, weight_r, bias):
    NB, n_out, CI = aggb.shape
    CO = weight_r.shape[2]
    NT = 4096
    return pl.pallas_call(
        _linear_body,
        grid=(pl.cdiv(n_out, NT),),
        in_specs=[
            pl.BlockSpec((NB, NT, CI), lambda q: (0, q, 0)),
            pl.BlockSpec((4, CI, CO), lambda q: (0, 0, 0)),
            pl.BlockSpec((CO,), lambda q: (0,)),
        ],
        out_specs=pl.BlockSpec((NB, NT, CO), lambda q: (0, q, 0)),
        out_shape=jax.ShapeDtypeStruct((NB, n_out, CO), jnp.float32),
    )(aggb, weight_r, bias)


def kernel(x, neighbors, weight, bias, geo_attention):
    B, C, N = x.shape
    x_bnc = jnp.transpose(x, (0, 2, 1))
    nbr_k = neighbors.T.reshape(-1)
    aggb = _aggregate(x_bnc, nbr_k, geo_attention)
    weight_r = jnp.transpose(weight, (2, 1, 0))
    out_bnc = _linear(aggb, weight_r, bias)
    return jnp.transpose(out_bnc, (0, 2, 1))

# --- scband reference (transcript-rebuilt; emitter-appended) ---
"""Pipeline reference for scband-tetrahedral-convolution-73547019976726 (READ-ONLY COPY).

The authoritative reference and input builder live on the scoring server;
editing this copy changes nothing except your own understanding.
"""

import jax, jax.numpy as jnp
import numpy as np

B = 2
C_IN = 128
C_OUT = 128
N = 50000
K = 4  # tetrahedral: 4 neighbors per point


def setup_inputs(seed: int = 0) -> dict:
    key = jax.random.key(seed)
    k1, k2, k3 = jax.random.split(key, 3)
    x = jax.random.normal(k1, (B, C_IN, N), dtype=jnp.float32)
    # grid structure: dense tetrahedral neighbor table, 4 neighbors per point
    neighbors = jax.random.randint(k2, (N, K), 0, N, dtype=jnp.int32)
    # learned parameters per __init__
    weight = jax.random.normal(k3, (C_OUT, C_IN, K), dtype=jnp.float32)
    bias = jnp.zeros((C_OUT,), dtype=jnp.float32)
    geo_attention = jnp.ones((N,), dtype=jnp.float32)
    return {"x": x, "neighbors": neighbors, "weight": weight, "bias": bias,
            "geo_attention": geo_attention}


def reference(x, neighbors, weight, bias, geo_attention):
    # Faithful vectorization of the per-point loop.
    # attention over each point's 4 neighbors (softmax of gathered geo_attention)
    att = geo_attention[neighbors]                      # [N, 4]
    attw = jax.nn.softmax(att, axis=1)                  # [N, 4]
    # gather neighbor features: [B, C_in, N, 4]
    nf = x[:, :, neighbors]
    # attention-weighted aggregation over the 4 neighbors -> [B, C_in, N]
    agg = jnp.sum(nf * attw[None, None, :, :], axis=3)
    # per-point linear with weight[:, :, point_idx % 4] (weight has last dim 4;
    # original torch indexing weight[:, :, point_idx] only stays in-bounds via mod-4
    # cycling, which the reshape below implements exactly).
    agg_r = agg.reshape(B, C_IN, N // K, K)             # [B, C_in, N//4, 4]
    out = jnp.einsum('bimk,oik->bomk', agg_r, weight)   # [B, C_out, N//4, 4]
    out = out.reshape(B, C_OUT, N) + bias[None, :, None]
    return out

if __name__ == "__main__":
    import jax
    _d = setup_inputs()
    print(jax.jit(kernel)(*tuple(_d.values())))

</pallas_src>

<mosaic_0001>
#map = affine_map<(d0, d1) -> (0, 0, 0)>
#map1 = affine_map<(d0, d1) -> (0)>
module attributes {stable_mosaic.version = 14 : i64} {
  func.func @_agg_body(%arg0: i32, %arg1: i32, %arg2: memref<2x50000x128xf32, #tpu.memory_space<hbm>>, %arg3: memref<200000xi32, #tpu.memory_space<hbm>>, %arg4: memref<50000xf32, #tpu.memory_space<hbm>>, %arg5: memref<2x50000x128xf32, #tpu.memory_space<hbm>>, %arg6: memref<4x40xi32, #tpu.memory_space<vmem>>, %arg7: memref<4x40xi32, #tpu.memory_space<vmem>>, %arg8: memref<192xf32, #tpu.memory_space<vmem>>, %arg9: memref<192xf32, #tpu.memory_space<vmem>>, %arg10: memref<208xf32, #tpu.memory_space<vmem>>, %arg11: memref<208xf32, #tpu.memory_space<vmem>>, %arg12: memref<2x160x128xf32, #tpu.memory_space<vmem>>, %arg13: memref<2x160x128xf32, #tpu.memory_space<vmem>>, %arg14: memref<2x40x128xf32, #tpu.memory_space<vmem>>, %arg15: memref<2x40x128xf32, #tpu.memory_space<vmem>>, %arg16: memref<!tpu.dma_semaphore, #tpu.memory_space<semaphore_mem>>, %arg17: memref<!tpu.dma_semaphore, #tpu.memory_space<semaphore_mem>>, %arg18: memref<!tpu.dma_semaphore, #tpu.memory_space<semaphore_mem>>, %arg19: memref<!tpu.dma_semaphore, #tpu.memory_space<semaphore_mem>>) attributes {dimension_semantics = [#tpu.dimension_semantics<core_parallel>, #tpu.dimension_semantics<subcore_parallel>], iteration_bounds = array<i64: 2, 16>, scalar_prefetch = 0 : i64, scratch_operands = 14 : i64, tpu.core_type = #tpu.core_type<sc_vector_subcore>, window_params = [{transform_indices = #map}, {transform_indices = #map1}, {transform_indices = #map1}, {transform_indices = #map}]} {
    %mul3A = arith.constant 2 : i32
    %mul3A_0 = arith.muli %arg1, %mul3A : i32
    %add3A = arith.addi %mul3A_0, %arg0 : i32
    %mul3A_1 = arith.constant 40 : i32
    %mul3A_2 = arith.muli %add3A, %mul3A_1 : i32
    %add3A_3 = arith.constant 0 : i32
    %add3A_4 = arith.addi %mul3A_2, %add3A_3 : i32
    %min3A = arith.constant 1249 : i32
    %min3A_5 = arith.minsi %add3A_4, %min3A : i32
    %mul3A_6 = arith.constant 40 : i32
    %mul3A_7 = arith.muli %min3A_5, %mul3A_6 : i32
    %add3A_8 = arith.constant 0 : i32
    %add3A_9 = arith.addi %add3A_8, %mul3A_7 : i32
    %mul3A_10 = arith.constant 40 : i32
    %mul3A_11 = arith.muli %min3A_5, %mul3A_10 : i32
    %add3A_12 = arith.constant 50000 : i32
    %add3A_13 = arith.addi %add3A_12, %mul3A_11 : i32
    %mul3A_14 = arith.constant 40 : i32
    %mul3A_15 = arith.muli %min3A_5, %mul3A_14 : i32
    %add3A_16 = arith.constant 100000 : i32
    %add3A_17 = arith.addi %add3A_16, %mul3A_15 : i32
    %mul3A_18 = arith.constant 40 : i32
    %mul3A_19 = arith.muli %min3A_5, %mul3A_18 : i32
    %add3A_20 = arith.constant 150000 : i32
    %add3A_21 = arith.addi %add3A_20, %mul3A_19 : i32
    %dma_start3A = arith.constant 0 : i32
    %dma_start3A_22 = arith.constant 0 : i32
    %dma_start3A_23 = tpu.memref_slice %arg6[%dma_start3A, %dma_start3A_22] : memref<4x40xi32, #tpu.memory_space<vmem>> -> memref<1x40xi32, #tpu.memory_space<vmem>>
    %dma_start3A_24 = tpu.memref_squeeze %dma_start3A_23 : memref<1x40xi32, #tpu.memory_space<vmem>> -> memref<40xi32, #tpu.memory_space<vmem>>
    %dma_start3A_25 = tpu.memref_slice %arg3[%add3A_9] : memref<200000xi32, #tpu.memory_space<hbm>> -> memref<40xi32, #tpu.memory_space<hbm>>
    %dma_start3A_26 = arith.constant 0 : i32
    %dma_start3A_27 = tpu.memref_slice %arg6[%dma_start3A, %dma_start3A_26] : memref<4x40xi32, #tpu.memory_space<vmem>> -> memref<1x40xi32, #tpu.memory_space<vmem>>
    %dma_start3A_28 = tpu.memref_squeeze %dma_start3A_27 : memref<1x40xi32, #tpu.memory_space<vmem>> -> memref<40xi32, #tpu.memory_space<vmem>>
    %dma_start3A_29 = tpu.memref_slice %arg3[%add3A_9] : memref<200000xi32, #tpu.memory_space<hbm>> -> memref<40xi32, #tpu.memory_space<hbm>>
    tpu.enqueue_dma source(%dma_start3A_29 : memref<40xi32, #tpu.memory_space<hbm>>) target(%dma_start3A_28 : memref<40xi32, #tpu.memory_space<vmem>>) target_semaphore(%arg16 : memref<!tpu.dma_semaphore, #tpu.memory_space<semaphore_mem>>)
    %dma_start3A_30 = arith.constant 1 : i32
    %dma_start3A_31 = arith.constant 0 : i32
    %dma_start3A_32 = tpu.memref_slice %arg6[%dma_start3A_30, %dma_start3A_31] : memref<4x40xi32, #tpu.memory_space<vmem>> -> memref<1x40xi32, #tpu.memory_space<vmem>>
    %dma_start3A_33 = tpu.memref_squeeze %dma_start3A_32 : memref<1x40xi32, #tpu.memory_space<vmem>> -> memref<40xi32, #tpu.memory_space<vmem>>
    %dma_start3A_34 = tpu.memref_slice %arg3[%add3A_13] : memref<200000xi32, #tpu.memory_space<hbm>> -> memref<40xi32, #tpu.memory_space<hbm>>
    %dma_start3A_35 = arith.constant 0 : i32
    %dma_start3A_36 = tpu.memref_slice %arg6[%dma_start3A_30, %dma_start3A_35] : memref<4x40xi32, #tpu.memory_space<vmem>> -> memref<1x40xi32, #tpu.memory_space<vmem>>
    %dma_start3A_37 = tpu.memref_squeeze %dma_start3A_36 : memref<1x40xi32, #tpu.memory_space<vmem>> -> memref<40xi32, #tpu.memory_space<vmem>>
    %dma_start3A_38 = tpu.memref_slice %arg3[%add3A_13] : memref<200000xi32, #tpu.memory_space<hbm>> -> memref<40xi32, #tpu.memory_space<hbm>>
    tpu.enqueue_dma source(%dma_start3A_38 : memref<40xi32, #tpu.memory_space<hbm>>) target(%dma_start3A_37 : memref<40xi32, #tpu.memory_space<vmem>>) target_semaphore(%arg16 : memref<!tpu.dma_semaphore, #tpu.memory_space<semaphore_mem>>)
    %dma_start3A_39 = arith.constant 2 : i32
    %dma_start3A_40 = arith.constant 0 : i32
    %dma_start3A_41 = tpu.memref_slice %arg6[%dma_start3A_39, %dma_start3A_40] : memref<4x40xi32, #tpu.memory_space<vmem>> -> memref<1x40xi32, #tpu.memory_space<vmem>>
    %dma_start3A_42 = tpu.memref_squeeze %dma_start3A_41 : memref<1x40xi32, #tpu.memory_space<vmem>> -> memref<40xi32, #tpu.memory_space<vmem>>
    %dma_start3A_43 = tpu.memref_slice %arg3[%add3A_17] : memref<200000xi32, #tpu.memory_space<hbm>> -> memref<40xi32, #tpu.memory_space<hbm>>
    %dma_start3A_44 = arith.constant 0 : i32
    %dma_start3A_45 = tpu.memref_slice %arg6[%dma_start3A_39, %dma_start3A_44] : memref<4x40xi32, #tpu.memory_space<vmem>> -> memref<1x40xi32, #tpu.memory_space<vmem>>
    %dma_start3A_46 = tpu.memref_squeeze %dma_start3A_45 : memref<1x40xi32, #tpu.memory_space<vmem>> -> memref<40xi32, #tpu.memory_space<vmem>>
    %dma_start3A_47 = tpu.memref_slice %arg3[%add3A_17] : memref<200000xi32, #tpu.memory_space<hbm>> -> memref<40xi32, #tpu.memory_space<hbm>>
    tpu.enqueue_dma source(%dma_start3A_47 : memref<40xi32, #tpu.memory_space<hbm>>) target(%dma_start3A_46 : memref<40xi32, #tpu.memory_space<vmem>>) target_semaphore(%arg16 : memref<!tpu.dma_semaphore, #tpu.memory_space<semaphore_mem>>)
    %dma_start3A_48 = arith.constant 3 : i32
    %dma_start3A_49 = arith.constant 0 : i32
    %dma_start3A_50 = tpu.memref_slice %arg6[%dma_start3A_48, %dma_start3A_49] : memref<4x40xi32, #tpu.memory_space<vmem>> -> memref<1x40xi32, #tpu.memory_space<vmem>>
    %dma_start3A_51 = tpu.memref_squeeze %dma_start3A_50 : memref<1x40xi32, #tpu.memory_space<vmem>> -> memref<40xi32, #tpu.memory_space<vmem>>
    %dma_start3A_52 = tpu.memref_slice %arg3[%add3A_21] : memref<200000xi32, #tpu.memory_space<hbm>> -> memref<40xi32, #tpu.memory_space<hbm>>
    %dma_start3A_53 = arith.constant 0 : i32
    %dma_start3A_54 = tpu.memref_slice %arg6[%dma_start3A_48, %dma_start3A_53] : memref<4x40xi32, #tpu.memory_space<vmem>> -> memref<1x40xi32, #tpu.memory_space<vmem>>
    %dma_start3A_55 = tpu.memref_squeeze %dma_start3A_54 : memref<1x40xi32, #tpu.memory_space<vmem>> -> memref<40xi32, #tpu.memory_space<vmem>>
    %dma_start3A_56 = tpu.memref_slice %arg3[%add3A_21] : memref<200000xi32, #tpu.memory_space<hbm>> -> memref<40xi32, #tpu.memory_space<hbm>>
    tpu.enqueue_dma source(%dma_start3A_56 : memref<40xi32, #tpu.memory_space<hbm>>) target(%dma_start3A_55 : memref<40xi32, #tpu.memory_space<vmem>>) target_semaphore(%arg16 : memref<!tpu.dma_semaphore, #tpu.memory_space<semaphore_mem>>)
    %dma_wait3A = arith.constant 0 : i32
    %dma_wait3A_57 = arith.constant 0 : i32
    %dma_wait3A_58 = tpu.memref_slice %arg6[%dma_wait3A, %dma_wait3A_57] : memref<4x40xi32, #tpu.memory_space<vmem>> -> memref<1x40xi32, #tpu.memory_space<vmem>>
    %dma_wait3A_59 = tpu.memref_squeeze %dma_wait3A_58 : memref<1x40xi32, #tpu.memory_space<vmem>> -> memref<40xi32, #tpu.memory_space<vmem>>
    %dma_wait3A_60 = tpu.memref_slice %arg3[%add3A_9] : memref<200000xi32, #tpu.memory_space<hbm>> -> memref<40xi32, #tpu.memory_space<hbm>>
    %dma_wait3A_61 = arith.constant 0 : i32
    %dma_wait3A_62 = tpu.memref_slice %arg6[%dma_wait3A, %dma_wait3A_61] : memref<4x40xi32, #tpu.memory_space<vmem>> -> memref<1x40xi32, #tpu.memory_space<vmem>>
    %dma_wait3A_63 = tpu.memref_squeeze %dma_wait3A_62 : memref<1x40xi32, #tpu.memory_space<vmem>> -> memref<40xi32, #tpu.memory_space<vmem>>
    %dma_wait3A_64 = tpu.memref_slice %arg3[%add3A_9] : memref<200000xi32, #tpu.memory_space<hbm>> -> memref<40xi32, #tpu.memory_space<hbm>>
    tpu.wait_dma2 semaphore(%arg16 : memref<!tpu.dma_semaphore, #tpu.memory_space<semaphore_mem>>) src(%dma_wait3A_64 : memref<40xi32, #tpu.memory_space<hbm>>) dst(%dma_wait3A_63 : memref<40xi32, #tpu.memory_space<vmem>>)
    %dma_wait3A_65 = arith.constant 1 : i32
    %dma_wait3A_66 = arith.constant 0 : i32
    %dma_wait3A_67 = tpu.memref_slice %arg6[%dma_wait3A_65, %dma_wait3A_66] : memref<4x40xi32, #tpu.memory_space<vmem>> -> memref<1x40xi32, #tpu.memory_space<vmem>>
    %dma_wait3A_68 = tpu.memref_squeeze %dma_wait3A_67 : memref<1x40xi32, #tpu.memory_space<vmem>> -> memref<40xi32, #tpu.memory_space<vmem>>
    %dma_wait3A_69 = tpu.memref_slice %arg3[%add3A_13] : memref<200000xi32, #tpu.memory_space<hbm>> -> memref<40xi32, #tpu.memory_space<hbm>>
    %dma_wait3A_70 = arith.constant 0 : i32
    %dma_wait3A_71 = tpu.memref_slice %arg6[%dma_wait3A_65, %dma_wait3A_70] : memref<4x40xi32, #tpu.memory_space<vmem>> -> memref<1x40xi32, #tpu.memory_space<vmem>>
    %dma_wait3A_72 = tpu.memref_squeeze %dma_wait3A_71 : memref<1x40xi32, #tpu.memory_space<vmem>> -> memref<40xi32, #tpu.memory_space<vmem>>
    %dma_wait3A_73 = tpu.memref_slice %arg3[%add3A_13] : memref<200000xi32, #tpu.memory_space<hbm>> -> memref<40xi32, #tpu.memory_space<hbm>>
    tpu.wait_dma2 semaphore(%arg16 : memref<!tpu.dma_semaphore, #tpu.memory_space<semaphore_mem>>) src(%dma_wait3A_73 : memref<40xi32, #tpu.memory_space<hbm>>) dst(%dma_wait3A_72 : memref<40xi32, #tpu.memory_space<vmem>>)
    %dma_wait3A_74 = arith.constant 2 : i32
    %dma_wait3A_75 = arith.constant 0 : i32
    %dma_wait3A_76 = tpu.memref_slice %arg6[%dma_wait3A_74, %dma_wait3A_75] : memref<4x40xi32, #tpu.memory_space<vmem>> -> memref<1x40xi32, #tpu.memory_space<vmem>>
    %dma_wait3A_77 = tpu.memref_squeeze %dma_wait3A_76 : memref<1x40xi32, #tpu.memory_space<vmem>> -> memref<40xi32, #tpu.memory_space<vmem>>
    %dma_wait3A_78 = tpu.memref_slice %arg3[%add3A_17] : memref<200000xi32, #tpu.memory_space<hbm>> -> memref<40xi32, #tpu.memory_space<hbm>>
    %dma_wait3A_79 = arith.constant 0 : i32
    %dma_wait3A_80 = tpu.memref_slice %arg6[%dma_wait3A_74, %dma_wait3A_79] : memref<4x40xi32, #tpu.memory_space<vmem>> -> memref<1x40xi32, #tpu.memory_space<vmem>>
    %dma_wait3A_81 = tpu.memref_squeeze %dma_wait3A_80 : memref<1x40xi32, #tpu.memory_space<vmem>> -> memref<40xi32, #tpu.memory_space<vmem>>
    %dma_wait3A_82 = tpu.memref_slice %arg3[%add3A_17] : memref<200000xi32, #tpu.memory_space<hbm>> -> memref<40xi32, #tpu.memory_space<hbm>>
    tpu.wait_dma2 semaphore(%arg16 : memref<!tpu.dma_semaphore, #tpu.memory_space<semaphore_mem>>) src(%dma_wait3A_82 : memref<40xi32, #tpu.memory_space<hbm>>) dst(%dma_wait3A_81 : memref<40xi32, #tpu.memory_space<vmem>>)
    %dma_wait3A_83 = arith.constant 3 : i32
    %dma_wait3A_84 = arith.constant 0 : i32
    %dma_wait3A_85 = tpu.memref_slice %arg6[%dma_wait3A_83, %dma_wait3A_84] : memref<4x40xi32, #tpu.memory_space<vmem>> -> memref<1x40xi32, #tpu.memory_space<vmem>>
    %dma_wait3A_86 = tpu.memref_squeeze %dma_wait3A_85 : memref<1x40xi32, #tpu.memory_space<vmem>> -> memref<40xi32, #tpu.memory_space<vmem>>
    %dma_wait3A_87 = tpu.memref_slice %arg3[%add3A_21] : memref<200000xi32, #tpu.memory_space<hbm>> -> memref<40xi32, #tpu.memory_space<hbm>>
    %dma_wait3A_88 = arith.constant 0 : i32
    %dma_wait3A_89 = tpu.memref_slice %arg6[%dma_wait3A_83, %dma_wait3A_88] : memref<4x40xi32, #tpu.memory_space<vmem>> -> memref<1x40xi32, #tpu.memory_space<vmem>>
    %dma_wait3A_90 = tpu.memref_squeeze %dma_wait3A_89 : memref<1x40xi32, #tpu.memory_space<vmem>> -> memref<40xi32, #tpu.memory_space<vmem>>
    %dma_wait3A_91 = tpu.memref_slice %arg3[%add3A_21] : memref<200000xi32, #tpu.memory_space<hbm>> -> memref<40xi32, #tpu.memory_space<hbm>>
    tpu.wait_dma2 semaphore(%arg16 : memref<!tpu.dma_semaphore, #tpu.memory_space<semaphore_mem>>) src(%dma_wait3A_91 : memref<40xi32, #tpu.memory_space<hbm>>) dst(%dma_wait3A_90 : memref<40xi32, #tpu.memory_space<vmem>>)
    %dma_start3A_92 = arith.constant 0 : i32
    %dma_start3A_93 = arith.constant 0 : i32
    %dma_start3A_94 = tpu.memref_slice %arg8[%dma_start3A_93] : memref<192xf32, #tpu.memory_space<vmem>> -> memref<40xf32, #tpu.memory_space<vmem>>
    %dma_start3A_95 = arith.constant 0 : i32
    %dma_start3A_96 = tpu.memref_slice %arg6[%dma_start3A_92, %dma_start3A_95] : memref<4x40xi32, #tpu.memory_space<vmem>> -> memref<1x40xi32, #tpu.memory_space<vmem>>
    %dma_start3A_97 = tpu.memref_squeeze %dma_start3A_96 : memref<1x40xi32, #tpu.memory_space<vmem>> -> memref<40xi32, #tpu.memory_space<vmem>>
    %dma_start3A_98 = arith.constant 0 : i32
    %dma_start3A_99 = tpu.memref_slice %arg4[%dma_start3A_98] : memref<50000xf32, #tpu.memory_space<hbm>> -> memref<50000xf32, #tpu.memory_space<hbm>>
    tpu.enqueue_indirect_dma source(%dma_start3A_99 : memref<50000xf32, #tpu.memory_space<hbm>>) target(%dma_start3A_94 : memref<40xf32, #tpu.memory_space<vmem>>) offsets(%dma_start3A_97 : memref<40xi32, #tpu.memory_space<vmem>>) semaphore(%arg16 : memref<!tpu.dma_semaphore, #tpu.memory_space<semaphore_mem>>)
    %dma_start3A_100 = arith.constant 0 : i32
    %dma_start3A_101 = arith.constant 0 : i32
    %dma_start3A_102 = arith.constant 0 : i32
    %dma_start3A_103 = arith.constant 0 : i32
    %dma_start3A_104 = arith.constant 0 : i32
    %dma_start3A_105 = tpu.memref_slice %arg12[%dma_start3A_102, %dma_start3A_103, %dma_start3A_104] : memref<2x160x128xf32, #tpu.memory_space<vmem>> -> memref<1x40x128xf32, #tpu.memory_space<vmem>>
    %dma_start3A_106 = tpu.memref_squeeze %dma_start3A_105 : memref<1x40x128xf32, #tpu.memory_space<vmem>> -> memref<40x128xf32, #tpu.memory_space<vmem>>
    %dma_start3A_107 = arith.constant 0 : i32
    %dma_start3A_108 = tpu.memref_slice %arg6[%dma_start3A_101, %dma_start3A_107] : memref<4x40xi32, #tpu.memory_space<vmem>> -> memref<1x40xi32, #tpu.memory_space<vmem>>
    %dma_start3A_109 = tpu.memref_squeeze %dma_start3A_108 : memref<1x40xi32, #tpu.memory_space<vmem>> -> memref<40xi32, #tpu.memory_space<vmem>>
    %dma_start3A_110 = arith.constant 0 : i32
    %dma_start3A_111 = arith.constant 0 : i32
    %dma_start3A_112 = tpu.memref_slice %arg2[%dma_start3A_100, %dma_start3A_110, %dma_start3A_111] : memref<2x50000x128xf32, #tpu.memory_space<hbm>> -> memref<1x50000x128xf32, #tpu.memory_space<hbm>>
    %dma_start3A_113 = tpu.memref_squeeze %dma_start3A_112 : memref<1x50000x128xf32, #tpu.memory_space<hbm>> -> memref<50000x128xf32, #tpu.memory_space<hbm>>
    %dma_start3A_114 = arith.constant 0 : i32
    %dma_start3A_115 = arith.constant 0 : i32
    %dma_start3A_116 = tpu.memref_slice %dma_start3A_113[%dma_start3A_114, %dma_start3A_115] : memref<50000x128xf32, #tpu.memory_space<hbm>> -> memref<50000x128xf32, #tpu.memory_space<hbm>>
    tpu.enqueue_indirect_dma source(%dma_start3A_116 : memref<50000x128xf32, #tpu.memory_space<hbm>>) target(%dma_start3A_106 : memref<40x128xf32, #tpu.memory_space<vmem>>) offsets(%dma_start3A_109 : memref<40xi32, #tpu.memory_space<vmem>>) semaphore(%arg16 : memref<!tpu.dma_semaphore, #tpu.memory_space<semaphore_mem>>)
    %dma_start3A_117 = arith.constant 1 : i32
    %dma_start3A_118 = arith.constant 0 : i32
    %dma_start3A_119 = arith.constant 1 : i32
    %dma_start3A_120 = arith.constant 0 : i32
    %dma_start3A_121 = arith.constant 0 : i32
    %dma_start3A_122 = tpu.memref_slice %arg12[%dma_start3A_119, %dma_start3A_120, %dma_start3A_121] : memref<2x160x128xf32, #tpu.memory_space<vmem>> -> memref<1x40x128xf32, #tpu.memory_space<vmem>>
    %dma_start3A_123 = tpu.memref_squeeze %dma_start3A_122 : memref<1x40x128xf32, #tpu.memory_space<vmem>> -> memref<40x128xf32, #tpu.memory_space<vmem>>
    %dma_start3A_124 = arith.constant 0 : i32
    %dma_start3A_125 = tpu.memref_slice %arg6[%dma_start3A_118, %dma_start3A_124] : memref<4x40xi32, #tpu.memory_space<vmem>> -> memref<1x40xi32, #tpu.memory_space<vmem>>
    %dma_start3A_126 = tpu.memref_squeeze %dma_start3A_125 : memref<1x40xi32, #tpu.memory_space<vmem>> -> memref<40xi32, #tpu.memory_space<vmem>>
    %dma_start3A_127 = arith.constant 0 : i32
    %dma_start3A_128 = arith.constant 0 : i32
    %dma_start3A_129 = tpu.memref_slice %arg2[%dma_start3A_117, %dma_start3A_127, %dma_start3A_128] : memref<2x50000x128xf32, #tpu.memory_space<hbm>> -> memref<1x50000x128xf32, #tpu.memory_space<hbm>>
    %dma_start3A_130 = tpu.memref_squeeze %dma_start3A_129 : memref<1x50000x128xf32, #tpu.memory_space<hbm>> -> memref<50000x128xf32, #tpu.memory_space<hbm>>
    %dma_start3A_131 = arith.constant 0 : i32
    %dma_start3A_132 = arith.constant 0 : i32
    %dma_start3A_133 = tpu.memref_slice %dma_start3A_130[%dma_start3A_131, %dma_start3A_132] : memref<50000x128xf32, #tpu.memory_space<hbm>> -> memref<50000x128xf32, #tpu.memory_space<hbm>>
    tpu.enqueue_indirect_dma source(%dma_start3A_133 : memref<50000x128xf32, #tpu.memory_space<hbm>>) target(%dma_start3A_123 : memref<40x128xf32, #tpu.memory_space<vmem>>) offsets(%dma_start3A_126 : memref<40xi32, #tpu.memory_space<vmem>>) semaphore(%arg16 : memref<!tpu.dma_semaphore, #tpu.memory_space<semaphore_mem>>)
    %dma_start3A_134 = arith.constant 1 : i32
    %dma_start3A_135 = arith.constant 48 : i32
    %dma_start3A_136 = tpu.memref_slice %arg8[%dma_start3A_135] : memref<192xf32, #tpu.memory_space<vmem>> -> memref<40xf32, #tpu.memory_space<vmem>>
    %dma_start3A_137 = arith.constant 0 : i32
    %dma_start3A_138 = tpu.memref_slice %arg6[%dma_start3A_134, %dma_start3A_137] : memref<4x40xi32, #tpu.memory_space<vmem>> -> memref<1x40xi32, #tpu.memory_space<vmem>>
    %dma_start3A_139 = tpu.memref_squeeze %dma_start3A_138 : memref<1x40xi32, #tpu.memory_space<vmem>> -> memref<40xi32, #tpu.memory_space<vmem>>
    %dma_start3A_140 = arith.constant 0 : i32
    %dma_start3A_141 = tpu.memref_slice %arg4[%dma_start3A_140] : memref<50000xf32, #tpu.memory_space<hbm>> -> memref<50000xf32, #tpu.memory_space<hbm>>
    tpu.enqueue_indirect_dma source(%dma_start3A_141 : memref<50000xf32, #tpu.memory_space<hbm>>) target(%dma_start3A_136 : memref<40xf32, #tpu.memory_space<vmem>>) offsets(%dma_start3A_139 : memref<40xi32, #tpu.memory_space<vmem>>) semaphore(%arg16 : memref<!tpu.dma_semaphore, #tpu.memory_space<semaphore_mem>>)
    %dma_start3A_142 = arith.constant 0 : i32
    %dma_start3A_143 = arith.constant 1 : i32
    %dma_start3A_144 = arith.constant 0 : i32
    %dma_start3A_145 = arith.constant 40 : i32
    %dma_start3A_146 = arith.constant 0 : i32
    %dma_start3A_147 = tpu.memref_slice %arg12[%dma_start3A_144, %dma_start3A_145, %dma_start3A_146] : memref<2x160x128xf32, #tpu.memory_space<vmem>> -> memref<1x40x128xf32, #tpu.memory_space<vmem>>
    %dma_start3A_148 = tpu.memref_squeeze %dma_start3A_147 : memref<1x40x128xf32, #tpu.memory_space<vmem>> -> memref<40x128xf32, #tpu.memory_space<vmem>>
    %dma_start3A_149 = arith.constant 0 : i32
    %dma_start3A_150 = tpu.memref_slice %arg6[%dma_start3A_143, %dma_start3A_149] : memref<4x40xi32, #tpu.memory_space<vmem>> -> memref<1x40xi32, #tpu.memory_space<vmem>>
    %dma_start3A_151 = tpu.memref_squeeze %dma_start3A_150 : memref<1x40xi32, #tpu.memory_space<vmem>> -> memref<40xi32, #tpu.memory_space<vmem>>
    %dma_start3A_152 = arith.constant 0 : i32
    %dma_start3A_153 = arith.constant 0 : i32
    %dma_start3A_154 = tpu.memref_slice %arg2[%dma_start3A_142, %dma_start3A_152, %dma_start3A_153] : memref<2x50000x128xf32, #tpu.memory_space<hbm>> -> memref<1x50000x128xf32, #tpu.memory_space<hbm>>
    %dma_start3A_155 = tpu.memref_squeeze %dma_start3A_154 : memref<1x50000x128xf32, #tpu.memory_space<hbm>> -> memref<50000x128xf32, #tpu.memory_space<hbm>>
    %dma_start3A_156 = arith.constant 0 : i32
    %dma_start3A_157 = arith.constant 0 : i32
    %dma_start3A_158 = tpu.memref_slice %dma_start3A_155[%dma_start3A_156, %dma_start3A_157] : memref<50000x128xf32, #tpu.memory_space<hbm>> -> memref<50000x128xf32, #tpu.memory_space<hbm>>
    tpu.enqueue_indirect_dma source(%dma_start3A_158 : memref<50000x128xf32, #tpu.memory_space<hbm>>) target(%dma_start3A_148 : memref<40x128xf32, #tpu.memory_space<vmem>>) offsets(%dma_start3A_151 : memref<40xi32, #tpu.memory_space<vmem>>) semaphore(%arg16 : memref<!tpu.dma_semaphore, #tpu.memory_space<semaphore_mem>>)
    %dma_start3A_159 = arith.constant 1 : i32
    %dma_start3A_160 = arith.constant 1 : i32
    %dma_start3A_161 = arith.constant 1 : i32
    %dma_start3A_162 = arith.constant 40 : i32
    %dma_start3A_163 = arith.constant 0 : i32
    %dma_start3A_164 = tpu.memref_slice %arg12[%dma_start3A_161, %dma_start3A_162, %dma_start3A_163] : memref<2x160x128xf32, #tpu.memory_space<vmem>> -> memref<1x40x128xf32, #tpu.memory_space<vmem>>
    %dma_start3A_165 = tpu.memref_squeeze %dma_start3A_164 : memref<1x40x128xf32, #tpu.memory_space<vmem>> -> memref<40x128xf32, #tpu.memory_space<vmem>>
    %dma_start3A_166 = arith.constant 0 : i32
    %dma_start3A_167 = tpu.memref_slice %arg6[%dma_start3A_160, %dma_start3A_166] : memref<4x40xi32, #tpu.memory_space<vmem>> -> memref<1x40xi32, #tpu.memory_space<vmem>>
    %dma_start3A_168 = tpu.memref_squeeze %dma_start3A_167 : memref<1x40xi32, #tpu.memory_space<vmem>> -> memref<40xi32, #tpu.memory_space<vmem>>
    %dma_start3A_169 = arith.constant 0 : i32
    %dma_start3A_170 = arith.constant 0 : i32
    %dma_start3A_171 = tpu.memref_slice %arg2[%dma_start3A_159, %dma_start3A_169, %dma_start3A_170] : memref<2x50000x128xf32, #tpu.memory_space<hbm>> -> memref<1x50000x128xf32, #tpu.memory_space<hbm>>
    %dma_start3A_172 = tpu.memref_squeeze %dma_start3A_171 : memref<1x50000x128xf32, #tpu.memory_space<hbm>> -> memref<50000x128xf32, #tpu.memory_space<hbm>>
    %dma_start3A_173 = arith.constant 0 : i32
    %dma_start3A_174 = arith.constant 0 : i32
    %dma_start3A_175 = tpu.memref_slice %dma_start3A_172[%dma_start3A_173, %dma_start3A_174] : memref<50000x128xf32, #tpu.memory_space<hbm>> -> memref<50000x128xf32, #tpu.memory_space<hbm>>
    tpu.enqueue_indirect_dma source(%dma_start3A_175 : memref<50000x128xf32, #tpu.memory_space<hbm>>) target(%dma_start3A_165 : memref<40x128xf32, #tpu.memory_space<vmem>>) offsets(%dma_start3A_168 : memref<40xi32, #tpu.memory_space<vmem>>) semaphore(%arg16 : memref<!tpu.dma_semaphore, #tpu.memory_space<semaphore_mem>>)
    %dma_start3A_176 = arith.constant 2 : i32
    %dma_start3A_177 = arith.constant 96 : i32
    %dma_start3A_178 = tpu.memref_slice %arg8[%dma_start3A_177] : memref<192xf32, #tpu.memory_space<vmem>> -> memref<40xf32, #tpu.memory_space<vmem>>
    %dma_start3A_179 = arith.constant 0 : i32
    %dma_start3A_180 = tpu.memref_slice %arg6[%dma_start3A_176, %dma_start3A_179] : memref<4x40xi32, #tpu.memory_space<vmem>> -> memref<1x40xi32, #tpu.memory_space<vmem>>
    %dma_start3A_181 = tpu.memref_squeeze %dma_start3A_180 : memref<1x40xi32, #tpu.memory_space<vmem>> -> memref<40xi32, #tpu.memory_space<vmem>>
    %dma_start3A_182 = arith.constant 0 : i32
    %dma_start3A_183 = tpu.memref_slice %arg4[%dma_start3A_182] : memref<50000xf32, #tpu.memory_space<hbm>> -> memref<50000xf32, #tpu.memory_space<hbm>>
    tpu.enqueue_indirect_dma source(%dma_start3A_183 : memref<50000xf32, #tpu.memory_space<hbm>>) target(%dma_start3A_178 : memref<40xf32, #tpu.memory_space<vmem>>) offsets(%dma_start3A_181 : memref<40xi32, #tpu.memory_space<vmem>>) semaphore(%arg16 : memref<!tpu.dma_semaphore, #tpu.memory_space<semaphore_mem>>)
    %dma_start3A_184 = arith.constant 0 : i32
    %dma_start3A_185 = arith.constant 2 : i32
    %dma_start3A_186 = arith.constant 0 : i32
    %dma_start3A_187 = arith.constant 80 : i32
    %dma_start3A_188 = arith.constant 0 : i32
    %dma_start3A_189 = tpu.memref_slice %arg12[%dma_start3A_186, %dma_start3A_187, %dma_start3A_188] : memref<2x160x128xf32, #tpu.memory_space<vmem>> -> memref<1x40x128xf32, #tpu.memory_space<vmem>>
    %dma_start3A_190 = tpu.memref_squeeze %dma_start3A_189 : memref<1x40x128xf32, #tpu.memory_space<vmem>> -> memref<40x128xf32, #tpu.memory_space<vmem>>
    %dma_start3A_191 = arith.constant 0 : i32
    %dma_start3A_192 = tpu.memref_slice %arg6[%dma_start3A_185, %dma_start3A_191] : memref<4x40xi32, #tpu.memory_space<vmem>> -> memref<1x40xi32, #tpu.memory_space<vmem>>
    %dma_start3A_193 = tpu.memref_squeeze %dma_start3A_192 : memref<1x40xi32, #tpu.memory_space<vmem>> -> memref<40xi32, #tpu.memory_space<vmem>>
    %dma_start3A_194 = arith.constant 0 : i32
    %dma_start3A_195 = arith.constant 0 : i32
    %dma_start3A_196 = tpu.memref_slice %arg2[%dma_start3A_184, %dma_start3A_194, %dma_start3A_195] : memref<2x50000x128xf32, #tpu.memory_space<hbm>> -> memref<1x50000x128xf32, #tpu.memory_space<hbm>>
    %dma_start3A_197 = tpu.memref_squeeze %dma_start3A_196 : memref<1x50000x128xf32, #tpu.memory_space<hbm>> -> memref<50000x128xf32, #tpu.memory_space<hbm>>
    %dma_start3A_198 = arith.constant 0 : i32
    %dma_start3A_199 = arith.constant 0 : i32
    %dma_start3A_200 = tpu.memref_slice %dma_start3A_197[%dma_start3A_198, %dma_start3A_199] : memref<50000x128xf32, #tpu.memory_space<hbm>> -> memref<50000x128xf32, #tpu.memory_space<hbm>>
    tpu.enqueue_indirect_dma source(%dma_start3A_200 : memref<50000x128xf32, #tpu.memory_space<hbm>>) target(%dma_start3A_190 : memref<40x128xf32, #tpu.memory_space<vmem>>) offsets(%dma_start3A_193 : memref<40xi32, #tpu.memory_space<vmem>>) semaphore(%arg16 : memref<!tpu.dma_semaphore, #tpu.memory_space<semaphore_mem>>)
    %dma_start3A_201 = arith.constant 1 : i32
    %dma_start3A_202 = arith.constant 2 : i32
    %dma_start3A_203 = arith.constant 1 : i32
    %dma_start3A_204 = arith.constant 80 : i32
    %dma_start3A_205 = arith.constant 0 : i32
    %dma_start3A_206 = tpu.memref_slice %arg12[%dma_start3A_203, %dma_start3A_204, %dma_start3A_205] : memref<2x160x128xf32, #tpu.memory_space<vmem>> -> memref<1x40x128xf32, #tpu.memory_space<vmem>>
    %dma_start3A_207 = tpu.memref_squeeze %dma_start3A_206 : memref<1x40x128xf32, #tpu.memory_space<vmem>> -> memref<40x128xf32, #tpu.memory_space<vmem>>
    %dma_start3A_208 = arith.constant 0 : i32
    %dma_start3A_209 = tpu.memref_slice %arg6[%dma_start3A_202, %dma_start3A_208] : memref<4x40xi32, #tpu.memory_space<vmem>> -> memref<1x40xi32, #tpu.memory_space<vmem>>
    %dma_start3A_210 = tpu.memref_squeeze %dma_start3A_209 : memref<1x40xi32, #tpu.memory_space<vmem>> -> memref<40xi32, #tpu.memory_space<vmem>>
    %dma_start3A_211 = arith.constant 0 : i32
    %dma_start3A_212 = arith.constant 0 : i32
    %dma_start3A_213 = tpu.memref_slice %arg2[%dma_start3A_201, %dma_start3A_211, %dma_start3A_212] : memref<2x50000x128xf32, #tpu.memory_space<hbm>> -> memref<1x50000x128xf32, #tpu.memory_space<hbm>>
    %dma_start3A_214 = tpu.memref_squeeze %dma_start3A_213 : memref<1x50000x128xf32, #tpu.memory_space<hbm>> -> memref<50000x128xf32, #tpu.memory_space<hbm>>
    %dma_start3A_215 = arith.constant 0 : i32
    %dma_start3A_216 = arith.constant 0 : i32
    %dma_start3A_217 = tpu.memref_slice %dma_start3A_214[%dma_start3A_215, %dma_start3A_216] : memref<50000x128xf32, #tpu.memory_space<hbm>> -> memref<50000x128xf32, #tpu.memory_space<hbm>>
    tpu.enqueue_indirect_dma source(%dma_start3A_217 : memref<50000x128xf32, #tpu.memory_space<hbm>>) target(%dma_start3A_207 : memref<40x128xf32, #tpu.memory_space<vmem>>) offsets(%dma_start3A_210 : memref<40xi32, #tpu.memory_space<vmem>>) semaphore(%arg16 : memref<!tpu.dma_semaphore, #tpu.memory_space<semaphore_mem>>)
    %dma_start3A_218 = arith.constant 3 : i32
    %dma_start3A_219 = arith.constant 144 : i32
    %dma_start3A_220 = tpu.memref_slice %arg8[%dma_start3A_219] : memref<192xf32, #tpu.memory_space<vmem>> -> memref<40xf32, #tpu.memory_space<vmem>>
    %dma_start3A_221 = arith.constant 0 : i32
    %dma_start3A_222 = tpu.memref_slice %arg6[%dma_start3A_218, %dma_start3A_221] : memref<4x40xi32, #tpu.memory_space<vmem>> -> memref<1x40xi32, #tpu.memory_space<vmem>>
    %dma_start3A_223 = tpu.memref_squeeze %dma_start3A_222 : memref<1x40xi32, #tpu.memory_space<vmem>> -> memref<40xi32, #tpu.memory_space<vmem>>
    %dma_start3A_224 = arith.constant 0 : i32
    %dma_start3A_225 = tpu.memref_slice %arg4[%dma_start3A_224] : memref<50000xf32, #tpu.memory_space<hbm>> -> memref<50000xf32, #tpu.memory_space<hbm>>
    tpu.enqueue_indirect_dma source(%dma_start3A_225 : memref<50000xf32, #tpu.memory_space<hbm>>) target(%dma_start3A_220 : memref<40xf32, #tpu.memory_space<vmem>>) offsets(%dma_start3A_223 : memref<40xi32, #tpu.memory_space<vmem>>) semaphore(%arg16 : memref<!tpu.dma_semaphore, #tpu.memory_space<semaphore_mem>>)
    %dma_start3A_226 = arith.constant 0 : i32
    %dma_start3A_227 = arith.constant 3 : i32
    %dma_start3A_228 = arith.constant 0 : i32
    %dma_start3A_229 = arith.constant 120 : i32
    %dma_start3A_230 = arith.constant 0 : i32
    %dma_start3A_231 = tpu.memref_slice %arg12[%dma_start3A_228, %dma_start3A_229, %dma_start3A_230] : memref<2x160x128xf32, #tpu.memory_space<vmem>> -> memref<1x40x128xf32, #tpu.memory_space<vmem>>
    %dma_start3A_232 = tpu.memref_squeeze %dma_start3A_231 : memref<1x40x128xf32, #tpu.memory_space<vmem>> -> memref<40x128xf32, #tpu.memory_space<vmem>>
    %dma_start3A_233 = arith.constant 0 : i32
    %dma_start3A_234 = tpu.memref_slice %arg6[%dma_start3A_227, %dma_start3A_233] : memref<4x40xi32, #tpu.memory_space<vmem>> -> memref<1x40xi32, #tpu.memory_space<vmem>>
    %dma_start3A_235 = tpu.memref_squeeze %dma_start3A_234 : memref<1x40xi32, #tpu.memory_space<vmem>> -> memref<40xi32, #tpu.memory_space<vmem>>
    %dma_start3A_236 = arith.constant 0 : i32
    %dma_start3A_237 = arith.constant 0 : i32
    %dma_start3A_238 = tpu.memref_slice %arg2[%dma_start3A_226, %dma_start3A_236, %dma_start3A_237] : memref<2x50000x128xf32, #tpu.memory_space<hbm>> -> memref<1x50000x128xf32, #tpu.memory_space<hbm>>
    %dma_start3A_239 = tpu.memref_squeeze %dma_start3A_238 : memref<1x50000x128xf32, #tpu.memory_space<hbm>> -> memref<50000x128xf32, #tpu.memory_space<hbm>>
    %dma_start3A_240 = arith.constant 0 : i32
    %dma_start3A_241 = arith.constant 0 : i32
    %dma_start3A_242 = tpu.memref_slice %dma_start3A_239[%dma_start3A_240, %dma_start3A_241] : memref<50000x128xf32, #tpu.memory_space<hbm>> -> memref<50000x128xf32, #tpu.memory_space<hbm>>
    tpu.enqueue_indirect_dma source(%dma_start3A_242 : memref<50000x128xf32, #tpu.memory_space<hbm>>) target(%dma_start3A_232 : memref<40x128xf32, #tpu.memory_space<vmem>>) offsets(%dma_start3A_235 : memref<40xi32, #tpu.memory_space<vmem>>) semaphore(%arg16 : memref<!tpu.dma_semaphore, #tpu.memory_space<semaphore_mem>>)
    %dma_start3A_243 = arith.constant 1 : i32
    %dma_start3A_244 = arith.constant 3 : i32
    %dma_start3A_245 = arith.constant 1 : i32
    %dma_start3A_246 = arith.constant 120 : i32
    %dma_start3A_247 = arith.constant 0 : i32
    %dma_start3A_248 = tpu.memref_slice %arg12[%dma_start3A_245, %dma_start3A_246, %dma_start3A_247] : memref<2x160x128xf32, #tpu.memory_space<vmem>> -> memref<1x40x128xf32, #tpu.memory_space<vmem>>
    %dma_start3A_249 = tpu.memref_squeeze %dma_start3A_248 : memref<1x40x128xf32, #tpu.memory_space<vmem>> -> memref<40x128xf32, #tpu.memory_space<vmem>>
    %dma_start3A_250 = arith.constant 0 : i32
    %dma_start3A_251 = tpu.memref_slice %arg6[%dma_start3A_244, %dma_start3A_250] : memref<4x40xi32, #tpu.memory_space<vmem>> -> memref<1x40xi32, #tpu.memory_space<vmem>>
    %dma_start3A_252 = tpu.memref_squeeze %dma_start3A_251 : memref<1x40xi32, #tpu.memory_space<vmem>> -> memref<40xi32, #tpu.memory_space<vmem>>
    %dma_start3A_253 = arith.constant 0 : i32
    %dma_start3A_254 = arith.constant 0 : i32
    %dma_start3A_255 = tpu.memref_slice %arg2[%dma_start3A_243, %dma_start3A_253, %dma_start3A_254] : memref<2x50000x128xf32, #tpu.memory_space<hbm>> -> memref<1x50000x128xf32, #tpu.memory_space<hbm>>
    %dma_start3A_256 = tpu.memref_squeeze %dma_start3A_255 : memref<1x50000x128xf32, #tpu.memory_space<hbm>> -> memref<50000x128xf32, #tpu.memory_space<hbm>>
    %dma_start3A_257 = arith.constant 0 : i32
    %dma_start3A_258 = arith.constant 0 : i32
    %dma_start3A_259 = tpu.memref_slice %dma_start3A_256[%dma_start3A_257, %dma_start3A_258] : memref<50000x128xf32, #tpu.memory_space<hbm>> -> memref<50000x128xf32, #tpu.memory_space<hbm>>
    tpu.enqueue_indirect_dma source(%dma_start3A_259 : memref<50000x128xf32, #tpu.memory_space<hbm>>) target(%dma_start3A_249 : memref<40x128xf32, #tpu.memory_space<vmem>>) offsets(%dma_start3A_252 : memref<40xi32, #tpu.memory_space<vmem>>) semaphore(%arg16 : memref<!tpu.dma_semaphore, #tpu.memory_space<semaphore_mem>>)
    %scan3A = arith.constant 0 : i32
    %scan3A_260 = arith.constant 0 : i32
    %scan3A_261 = arith.constant 20 : i32
    %scan3A_262 = arith.addi %scan3A_260, %scan3A_261 : i32
    %scan3A_263 = arith.constant 1 : i32
    scf.for %scan3A_517 = %scan3A_260 to %scan3A_262 step %scan3A_263  : i32 {
      %mul3A_518 = arith.constant 2 : i32
      %mul3A_519 = arith.muli %mul3A_518, %scan3A_517 : i32
      %add3A_520 = arith.addi %mul3A_2, %mul3A_519 : i32
      %min3A_521 = arith.constant 1249 : i32
      %min3A_522 = arith.minsi %add3A_520, %min3A_521 : i32
      %mul3A_523 = arith.constant 2 : i32
      %mul3A_524 = arith.muli %mul3A_523, %scan3A_517 : i32
      %add3A_525 = arith.constant 1 : i32
      %add3A_526 = arith.addi %mul3A_524, %add3A_525 : i32
      %add3A_527 = arith.addi %mul3A_2, %add3A_526 : i32
      %min3A_528 = arith.constant 1249 : i32
      %min3A_529 = arith.minsi %add3A_527, %min3A_528 : i32
      %mul3A_530 = arith.constant 2 : i32
      %mul3A_531 = arith.muli %mul3A_530, %scan3A_517 : i32
      %add3A_532 = arith.constant 2 : i32
      %add3A_533 = arith.addi %mul3A_531, %add3A_532 : i32
      %add3A_534 = arith.addi %mul3A_2, %add3A_533 : i32
      %min3A_535 = arith.constant 1249 : i32
      %min3A_536 = arith.minsi %add3A_534, %min3A_535 : i32
      %mul3A_537 = arith.constant 40 : i32
      %mul3A_538 = arith.muli %min3A_529, %mul3A_537 : i32
      %add3A_539 = arith.constant 0 : i32
      %add3A_540 = arith.addi %add3A_539, %mul3A_538 : i32
      %mul3A_541 = arith.constant 40 : i32
      %mul3A_542 = arith.muli %min3A_529, %mul3A_541 : i32
      %add3A_543 = arith.constant 50000 : i32
      %add3A_544 = arith.addi %add3A_543, %mul3A_542 : i32
      %mul3A_545 = arith.constant 40 : i32
      %mul3A_546 = arith.muli %min3A_529, %mul3A_545 : i32
      %add3A_547 = arith.constant 100000 : i32
      %add3A_548 = arith.addi %add3A_547, %mul3A_546 : i32
      %mul3A_549 = arith.constant 40 : i32
      %mul3A_550 = arith.muli %min3A_529, %mul3A_549 : i32
      %add3A_551 = arith.constant 150000 : i32
      %add3A_552 = arith.addi %add3A_551, %mul3A_550 : i32
      %dma_start3A_553 = arith.constant 0 : i32
      %dma_start3A_554 = arith.constant 0 : i32
      %dma_start3A_555 = tpu.memref_slice %arg7[%dma_start3A_553, %dma_start3A_554] : memref<4x40xi32, #tpu.memory_space<vmem>> -> memref<1x40xi32, #tpu.memory_space<vmem>>
      %dma_start3A_556 = tpu.memref_squeeze %dma_start3A_555 : memref<1x40xi32, #tpu.memory_space<vmem>> -> memref<40xi32, #tpu.memory_space<vmem>>
      %dma_start3A_557 = tpu.memref_slice %arg3[%add3A_540] : memref<200000xi32, #tpu.memory_space<hbm>> -> memref<40xi32, #tpu.memory_space<hbm>>
      %dma_start3A_558 = arith.constant 0 : i32
      %dma_start3A_559 = tpu.memref_slice %arg7[%dma_start3A_553, %dma_start3A_558] : memref<4x40xi32, #tpu.memory_space<vmem>> -> memref<1x40xi32, #tpu.memory_space<vmem>>
      %dma_start3A_560 = tpu.memref_squeeze %dma_start3A_559 : memref<1x40xi32, #tpu.memory_space<vmem>> -> memref<40xi32, #tpu.memory_space<vmem>>
      %dma_start3A_561 = tpu.memref_slice %arg3[%add3A_540] : memref<200000xi32, #tpu.memory_space<hbm>> -> memref<40xi32, #tpu.memory_space<hbm>>
      tpu.enqueue_dma source(%dma_start3A_561 : memref<40xi32, #tpu.memory_space<hbm>>) target(%dma_start3A_560 : memref<40xi32, #tpu.memory_space<vmem>>) target_semaphore(%arg17 : memref<!tpu.dma_semaphore, #tpu.memory_space<semaphore_mem>>)
      %dma_start3A_562 = arith.constant 1 : i32
      %dma_start3A_563 = arith.constant 0 : i32
      %dma_start3A_564 = tpu.memref_slice %arg7[%dma_start3A_562, %dma_start3A_563] : memref<4x40xi32, #tpu.memory_space<vmem>> -> memref<1x40xi32, #tpu.memory_space<vmem>>
      %dma_start3A_565 = tpu.memref_squeeze %dma_start3A_564 : memref<1x40xi32, #tpu.memory_space<vmem>> -> memref<40xi32, #tpu.memory_space<vmem>>
      %dma_start3A_566 = tpu.memref_slice %arg3[%add3A_544] : memref<200000xi32, #tpu.memory_space<hbm>> -> memref<40xi32, #tpu.memory_space<hbm>>
      %dma_start3A_567 = arith.constant 0 : i32
      %dma_start3A_568 = tpu.memref_slice %arg7[%dma_start3A_562, %dma_start3A_567] : memref<4x40xi32, #tpu.memory_space<vmem>> -> memref<1x40xi32, #tpu.memory_space<vmem>>
      %dma_start3A_569 = tpu.memref_squeeze %dma_start3A_568 : memref<1x40xi32, #tpu.memory_space<vmem>> -> memref<40xi32, #tpu.memory_space<vmem>>
      %dma_start3A_570 = tpu.memref_slice %arg3[%add3A_544] : memref<200000xi32, #tpu.memory_space<hbm>> -> memref<40xi32, #tpu.memory_space<hbm>>
      tpu.enqueue_dma source(%dma_start3A_570 : memref<40xi32, #tpu.memory_space<hbm>>) target(%dma_start3A_569 : memref<40xi32, #tpu.memory_space<vmem>>) target_semaphore(%arg17 : memref<!tpu.dma_semaphore, #tpu.memory_space<semaphore_mem>>)
      %dma_start3A_571 = arith.constant 2 : i32
      %dma_start3A_572 = arith.constant 0 : i32
      %dma_start3A_573 = tpu.memref_slice %arg7[%dma_start3A_571, %dma_start3A_572] : memref<4x40xi32, #tpu.memory_space<vmem>> -> memref<1x40xi32, #tpu.memory_space<vmem>>
      %dma_start3A_574 = tpu.memref_squeeze %dma_start3A_573 : memref<1x40xi32, #tpu.memory_space<vmem>> -> memref<40xi32, #tpu.memory_space<vmem>>
      %dma_start3A_575 = tpu.memref_slice %arg3[%add3A_548] : memref<200000xi32, #tpu.memory_space<hbm>> -> memref<40xi32, #tpu.memory_space<hbm>>
      %dma_start3A_576 = arith.constant 0 : i32
      %dma_start3A_577 = tpu.memref_slice %arg7[%dma_start3A_571, %dma_start3A_576] : memref<4x40xi32, #tpu.memory_space<vmem>> -> memref<1x40xi32, #tpu.memory_space<vmem>>
      %dma_start3A_578 = tpu.memref_squeeze %dma_start3A_577 : memref<1x40xi32, #tpu.memory_space<vmem>> -> memref<40xi32, #tpu.memory_space<vmem>>
      %dma_start3A_579 = tpu.memref_slice %arg3[%add3A_548] : memref<200000xi32, #tpu.memory_space<hbm>> -> memref<40xi32, #tpu.memory_space<hbm>>
      tpu.enqueue_dma source(%dma_start3A_579 : memref<40xi32, #tpu.memory_space<hbm>>) target(%dma_start3A_578 : memref<40xi32, #tpu.memory_space<vmem>>) target_semaphore(%arg17 : memref<!tpu.dma_semaphore, #tpu.memory_space<semaphore_mem>>)
      %dma_start3A_580 = arith.constant 3 : i32
      %dma_start3A_581 = arith.constant 0 : i32
      %dma_start3A_582 = tpu.memref_slice %arg7[%dma_start3A_580, %dma_start3A_581] : memref<4x40xi32, #tpu.memory_space<vmem>> -> memref<1x40xi32, #tpu.memory_space<vmem>>
      %dma_start3A_583 = tpu.memref_squeeze %dma_start3A_582 : memref<1x40xi32, #tpu.memory_space<vmem>> -> memref<40xi32, #tpu.memory_space<vmem>>
      %dma_start3A_584 = tpu.memref_slice %arg3[%add3A_552] : memref<200000xi32, #tpu.memory_space<hbm>> -> memref<40xi32, #tpu.memory_space<hbm>>
      %dma_start3A_585 = arith.constant 0 : i32
      %dma_start3A_586 = tpu.memref_slice %arg7[%dma_start3A_580, %dma_start3A_585] : memref<4x40xi32, #tpu.memory_space<vmem>> -> memref<1x40xi32, #tpu.memory_space<vmem>>
      %dma_start3A_587 = tpu.memref_squeeze %dma_start3A_586 : memref<1x40xi32, #tpu.memory_space<vmem>> -> memref<40xi32, #tpu.memory_space<vmem>>
      %dma_start3A_588 = tpu.memref_slice %arg3[%add3A_552] : memref<200000xi32, #tpu.memory_space<hbm>> -> memref<40xi32, #tpu.memory_space<hbm>>
      tpu.enqueue_dma source(%dma_start3A_588 : memref<40xi32, #tpu.memory_space<hbm>>) target(%dma_start3A_587 : memref<40xi32, #tpu.memory_space<vmem>>) target_semaphore(%arg17 : memref<!tpu.dma_semaphore, #tpu.memory_space<semaphore_mem>>)
      %dma_wait3A_589 = arith.constant 0 : i32
      %dma_wait3A_590 = arith.constant 0 : i32
      %dma_wait3A_591 = tpu.memref_slice %arg7[%dma_wait3A_589, %dma_wait3A_590] : memref<4x40xi32, #tpu.memory_space<vmem>> -> memref<1x40xi32, #tpu.memory_space<vmem>>
      %dma_wait3A_592 = tpu.memref_squeeze %dma_wait3A_591 : memref<1x40xi32, #tpu.memory_space<vmem>> -> memref<40xi32, #tpu.memory_space<vmem>>
      %dma_wait3A_593 = tpu.memref_slice %arg3[%add3A_540] : memref<200000xi32, #tpu.memory_space<hbm>> -> memref<40xi32, #tpu.memory_space<hbm>>
      %dma_wait3A_594 = arith.constant 0 : i32
      %dma_wait3A_595 = tpu.memref_slice %arg7[%dma_wait3A_589, %dma_wait3A_594] : memref<4x40xi32, #tpu.memory_space<vmem>> -> memref<1x40xi32, #tpu.memory_space<vmem>>
      %dma_wait3A_596 = tpu.memref_squeeze %dma_wait3A_595 : memref<1x40xi32, #tpu.memory_space<vmem>> -> memref<40xi32, #tpu.memory_space<vmem>>
      %dma_wait3A_597 = tpu.memref_slice %arg3[%add3A_540] : memref<200000xi32, #tpu.memory_space<hbm>> -> memref<40xi32, #tpu.memory_space<hbm>>
      tpu.wait_dma2 semaphore(%arg17 : memref<!tpu.dma_semaphore, #tpu.memory_space<semaphore_mem>>) src(%dma_wait3A_597 : memref<40xi32, #tpu.memory_space<hbm>>) dst(%dma_wait3A_596 : memref<40xi32, #tpu.memory_space<vmem>>)
      %dma_wait3A_598 = arith.constant 1 : i32
      %dma_wait3A_599 = arith.constant 0 : i32
      %dma_wait3A_600 = tpu.memref_slice %arg7[%dma_wait3A_598, %dma_wait3A_599] : memref<4x40xi32, #tpu.memory_space<vmem>> -> memref<1x40xi32, #tpu.memory_space<vmem>>
      %dma_wait3A_601 = tpu.memref_squeeze %dma_wait3A_600 : memref<1x40xi32, #tpu.memory_space<vmem>> -> memref<40xi32, #tpu.memory_space<vmem>>
      %dma_wait3A_602 = tpu.memref_slice %arg3[%add3A_544] : memref<200000xi32, #tpu.memory_space<hbm>> -> memref<40xi32, #tpu.memory_space<hbm>>
      %dma_wait3A_603 = arith.constant 0 : i32
      %dma_wait3A_604 = tpu.memref_slice %arg7[%dma_wait3A_598, %dma_wait3A_603] : memref<4x40xi32, #tpu.memory_space<vmem>> -> memref<1x40xi32, #tpu.memory_space<vmem>>
      %dma_wait3A_605 = tpu.memref_squeeze %dma_wait3A_604 : memref<1x40xi32, #tpu.memory_space<vmem>> -> memref<40xi32, #tpu.memory_space<vmem>>
      %dma_wait3A_606 = tpu.memref_slice %arg3[%add3A_544] : memref<200000xi32, #tpu.memory_space<hbm>> -> memref<40xi32, #tpu.memory_space<hbm>>
      tpu.wait_dma2 semaphore(%arg17 : memref<!tpu.dma_semaphore, #tpu.memory_space<semaphore_mem>>) src(%dma_wait3A_606 : memref<40xi32, #tpu.memory_space<hbm>>) dst(%dma_wait3A_605 : memref<40xi32, #tpu.memory_space<vmem>>)
      %dma_wait3A_607 = arith.constant 2 : i32
      %dma_wait3A_608 = arith.constant 0 : i32
      %dma_wait3A_609 = tpu.memref_slice %arg7[%dma_wait3A_607, %dma_wait3A_608] : memref<4x40xi32, #tpu.memory_space<vmem>> -> memref<1x40xi32, #tpu.memory_space<vmem>>
      %dma_wait3A_610 = tpu.memref_squeeze %dma_wait3A_609 : memref<1x40xi32, #tpu.memory_space<vmem>> -> memref<40xi32, #tpu.memory_space<vmem>>
      %dma_wait3A_611 = tpu.memref_slice %arg3[%add3A_548] : memref<200000xi32, #tpu.memory_space<hbm>> -> memref<40xi32, #tpu.memory_space<hbm>>
      %dma_wait3A_612 = arith.constant 0 : i32
      %dma_wait3A_613 = tpu.memref_slice %arg7[%dma_wait3A_607, %dma_wait3A_612] : memref<4x40xi32, #tpu.memory_space<vmem>> -> memref<1x40xi32, #tpu.memory_space<vmem>>
      %dma_wait3A_614 = tpu.memref_squeeze %dma_wait3A_613 : memref<1x40xi32, #tpu.memory_space<vmem>> -> memref<40xi32, #tpu.memory_space<vmem>>
      %dma_wait3A_615 = tpu.memref_slice %arg3[%add3A_548] : memref<200000xi32, #tpu.memory_space<hbm>> -> memref<40xi32, #tpu.memory_space<hbm>>
      tpu.wait_dma2 semaphore(%arg17 : memref<!tpu.dma_semaphore, #tpu.memory_space<semaphore_mem>>) src(%dma_wait3A_615 : memref<40xi32, #tpu.memory_space<hbm>>) dst(%dma_wait3A_614 : memref<40xi32, #tpu.memory_space<vmem>>)
      %dma_wait3A_616 = arith.constant 3 : i32
      %dma_wait3A_617 = arith.constant 0 : i32
      %dma_wait3A_618 = tpu.memref_slice %arg7[%dma_wait3A_616, %dma_wait3A_617] : memref<4x40xi32, #tpu.memory_space<vmem>> -> memref<1x40xi32, #tpu.memory_space<vmem>>
      %dma_wait3A_619 = tpu.memref_squeeze %dma_wait3A_618 : memref<1x40xi32, #tpu.memory_space<vmem>> -> memref<40xi32, #tpu.memory_space<vmem>>
      %dma_wait3A_620 = tpu.memref_slice %arg3[%add3A_552] : memref<200000xi32, #tpu.memory_space<hbm>> -> memref<40xi32, #tpu.memory_space<hbm>>
      %dma_wait3A_621 = arith.constant 0 : i32
      %dma_wait3A_622 = tpu.memref_slice %arg7[%dma_wait3A_616, %dma_wait3A_621] : memref<4x40xi32, #tpu.memory_space<vmem>> -> memref<1x40xi32, #tpu.memory_space<vmem>>
      %dma_wait3A_623 = tpu.memref_squeeze %dma_wait3A_622 : memref<1x40xi32, #tpu.memory_space<vmem>> -> memref<40xi32, #tpu.memory_space<vmem>>
      %dma_wait3A_624 = tpu.memref_slice %arg3[%add3A_552] : memref<200000xi32, #tpu.memory_space<hbm>> -> memref<40xi32, #tpu.memory_space<hbm>>
      tpu.wait_dma2 semaphore(%arg17 : memref<!tpu.dma_semaphore, #tpu.memory_space<semaphore_mem>>) src(%dma_wait3A_624 : memref<40xi32, #tpu.memory_space<hbm>>) dst(%dma_wait3A_623 : memref<40xi32, #tpu.memory_space<vmem>>)
      %dma_start3A_625 = arith.constant 0 : i32
      %dma_start3A_626 = arith.constant 0 : i32
      %dma_start3A_627 = tpu.memref_slice %arg9[%dma_start3A_626] : memref<192xf32, #tpu.memory_space<vmem>> -> memref<40xf32, #tpu.memory_space<vmem>>
      %dma_start3A_628 = arith.constant 0 : i32
      %dma_start3A_629 = tpu.memref_slice %arg7[%dma_start3A_625, %dma_start3A_628] : memref<4x40xi32, #tpu.memory_space<vmem>> -> memref<1x40xi32, #tpu.memory_space<vmem>>
      %dma_start3A_630 = tpu.memref_squeeze %dma_start3A_629 : memref<1x40xi32, #tpu.memory_space<vmem>> -> memref<40xi32, #tpu.memory_space<vmem>>
      %dma_start3A_631 = arith.constant 0 : i32
      %dma_start3A_632 = tpu.memref_slice %arg4[%dma_start3A_631] : memref<50000xf32, #tpu.memory_space<hbm>> -> memref<50000xf32, #tpu.memory_space<hbm>>
      tpu.enqueue_indirect_dma source(%dma_start3A_632 : memref<50000xf32, #tpu.memory_space<hbm>>) target(%dma_start3A_627 : memref<40xf32, #tpu.memory_space<vmem>>) offsets(%dma_start3A_630 : memref<40xi32, #tpu.memory_space<vmem>>) semaphore(%arg17 : memref<!tpu.dma_semaphore, #tpu.memory_space<semaphore_mem>>)
      %dma_start3A_633 = arith.constant 0 : i32
      %dma_start3A_634 = arith.constant 0 : i32
      %dma_start3A_635 = arith.constant 0 : i32
      %dma_start3A_636 = arith.constant 0 : i32
      %dma_start3A_637 = arith.constant 0 : i32
      %dma_start3A_638 = tpu.memref_slice %arg13[%dma_start3A_635, %dma_start3A_636, %dma_start3A_637] : memref<2x160x128xf32, #tpu.memory_space<vmem>> -> memref<1x40x128xf32, #tpu.memory_space<vmem>>
      %dma_start3A_639 = tpu.memref_squeeze %dma_start3A_638 : memref<1x40x128xf32, #tpu.memory_space<vmem>> -> memref<40x128xf32, #tpu.memory_space<vmem>>
      %dma_start3A_640 = arith.constant 0 : i32
      %dma_start3A_641 = tpu.memref_slice %arg7[%dma_start3A_634, %dma_start3A_640] : memref<4x40xi32, #tpu.memory_space<vmem>> -> memref<1x40xi32, #tpu.memory_space<vmem>>
      %dma_start3A_642 = tpu.memref_squeeze %dma_start3A_641 : memref<1x40xi32, #tpu.memory_space<vmem>> -> memref<40xi32, #tpu.memory_space<vmem>>
      %dma_start3A_643 = arith.constant 0 : i32
      %dma_start3A_644 = arith.constant 0 : i32
      %dma_start3A_645 = tpu.memref_slice %arg2[%dma_start3A_633, %dma_start3A_643, %dma_start3A_644] : memref<2x50000x128xf32, #tpu.memory_space<hbm>> -> memref<1x50000x128xf32, #tpu.memory_space<hbm>>
      %dma_start3A_646 = tpu.memref_squeeze %dma_start3A_645 : memref<1x50000x128xf32, #tpu.memory_space<hbm>> -> memref<50000x128xf32, #tpu.memory_space<hbm>>
      %dma_start3A_647 = arith.constant 0 : i32
      %dma_start3A_648 = arith.constant 0 : i32
      %dma_start3A_649 = tpu.memref_slice %dma_start3A_646[%dma_start3A_647, %dma_start3A_648] : memref<50000x128xf32, #tpu.memory_space<hbm>> -> memref<50000x128xf32, #tpu.memory_space<hbm>>
      tpu.enqueue_indirect_dma source(%dma_start3A_649 : memref<50000x128xf32, #tpu.memory_space<hbm>>) target(%dma_start3A_639 : memref<40x128xf32, #tpu.memory_space<vmem>>) offsets(%dma_start3A_642 : memref<40xi32, #tpu.memory_space<vmem>>) semaphore(%arg17 : memref<!tpu.dma_semaphore, #tpu.memory_space<semaphore_mem>>)
      %dma_start3A_650 = arith.constant 1 : i32
      %dma_start3A_651 = arith.constant 0 : i32
      %dma_start3A_652 = arith.constant 1 : i32
      %dma_start3A_653 = arith.constant 0 : i32
      %dma_start3A_654 = arith.constant 0 : i32
      %dma_start3A_655 = tpu.memref_slice %arg13[%dma_start3A_652, %dma_start3A_653, %dma_start3A_654] : memref<2x160x128xf32, #tpu.memory_space<vmem>> -> memref<1x40x128xf32, #tpu.memory_space<vmem>>
      %dma_start3A_656 = tpu.memref_squeeze %dma_start3A_655 : memref<1x40x128xf32, #tpu.memory_space<vmem>> -> memref<40x128xf32, #tpu.memory_space<vmem>>
      %dma_start3A_657 = arith.constant 0 : i32
      %dma_start3A_658 = tpu.memref_slice %arg7[%dma_start3A_651, %dma_start3A_657] : memref<4x40xi32, #tpu.memory_space<vmem>> -> memref<1x40xi32, #tpu.memory_space<vmem>>
      %dma_start3A_659 = tpu.memref_squeeze %dma_start3A_658 : memref<1x40xi32, #tpu.memory_space<vmem>> -> memref<40xi32, #tpu.memory_space<vmem>>
      %dma_start3A_660 = arith.constant 0 : i32
      %dma_start3A_661 = arith.constant 0 : i32
      %dma_start3A_662 = tpu.memref_slice %arg2[%dma_start3A_650, %dma_start3A_660, %dma_start3A_661] : memref<2x50000x128xf32, #tpu.memory_space<hbm>> -> memref<1x50000x128xf32, #tpu.memory_space<hbm>>
      %dma_start3A_663 = tpu.memref_squeeze %dma_start3A_662 : memref<1x50000x128xf32, #tpu.memory_space<hbm>> -> memref<50000x128xf32, #tpu.memory_space<hbm>>
      %dma_start3A_664 = arith.constant 0 : i32
      %dma_start3A_665 = arith.constant 0 : i32
      %dma_start3A_666 = tpu.memref_slice %dma_start3A_663[%dma_start3A_664, %dma_start3A_665] : memref<50000x128xf32, #tpu.memory_space<hbm>> -> memref<50000x128xf32, #tpu.memory_space<hbm>>
      tpu.enqueue_indirect_dma source(%dma_start3A_666 : memref<50000x128xf32, #tpu.memory_space<hbm>>) target(%dma_start3A_656 : memref<40x128xf32, #tpu.memory_space<vmem>>) offsets(%dma_start3A_659 : memref<40xi32, #tpu.memory_space<vmem>>) semaphore(%arg17 : memref<!tpu.dma_semaphore, #tpu.memory_space<semaphore_mem>>)
      %dma_start3A_667 = arith.constant 1 : i32
      %dma_start3A_668 = arith.constant 48 : i32
      %dma_start3A_669 = tpu.memref_slice %arg9[%dma_start3A_668] : memref<192xf32, #tpu.memory_space<vmem>> -> memref<40xf32, #tpu.memory_space<vmem>>
      %dma_start3A_670 = arith.constant 0 : i32
      %dma_start3A_671 = tpu.memref_slice %arg7[%dma_start3A_667, %dma_start3A_670] : memref<4x40xi32, #tpu.memory_space<vmem>> -> memref<1x40xi32, #tpu.memory_space<vmem>>
      %dma_start3A_672 = tpu.memref_squeeze %dma_start3A_671 : memref<1x40xi32, #tpu.memory_space<vmem>> -> memref<40xi32, #tpu.memory_space<vmem>>
      %dma_start3A_673 = arith.constant 0 : i32
      %dma_start3A_674 = tpu.memref_slice %arg4[%dma_start3A_673] : memref<50000xf32, #tpu.memory_space<hbm>> -> memref<50000xf32, #tpu.memory_space<hbm>>
      tpu.enqueue_indirect_dma source(%dma_start3A_674 : memref<50000xf32, #tpu.memory_space<hbm>>) target(%dma_start3A_669 : memref<40xf32, #tpu.memory_space<vmem>>) offsets(%dma_start3A_672 : memref<40xi32, #tpu.memory_space<vmem>>) semaphore(%arg17 : memref<!tpu.dma_semaphore, #tpu.memory_space<semaphore_mem>>)
      %dma_start3A_675 = arith.constant 0 : i32
      %dma_start3A_676 = arith.constant 1 : i32
      %dma_start3A_677 = arith.constant 0 : i32
      %dma_start3A_678 = arith.constant 40 : i32
      %dma_start3A_679 = arith.constant 0 : i32
      %dma_start3A_680 = tpu.memref_slice %arg13[%dma_start3A_677, %dma_start3A_678, %dma_start3A_679] : memref<2x160x128xf32, #tpu.memory_space<vmem>> -> memref<1x40x128xf32, #tpu.memory_space<vmem>>
      %dma_start3A_681 = tpu.memref_squeeze %dma_start3A_680 : memref<1x40x128xf32, #tpu.memory_space<vmem>> -> memref<40x128xf32, #tpu.memory_space<vmem>>
      %dma_start3A_682 = arith.constant 0 : i32
      %dma_start3A_683 = tpu.memref_slice %arg7[%dma_start3A_676, %dma_start3A_682] : memref<4x40xi32, #tpu.memory_space<vmem>> -> memref<1x40xi32, #tpu.memory_space<vmem>>
      %dma_start3A_684 = tpu.memref_squeeze %dma_start3A_683 : memref<1x40xi32, #tpu.memory_space<vmem>> -> memref<40xi32, #tpu.memory_space<vmem>>
      %dma_start3A_685 = arith.constant 0 : i32
      %dma_start3A_686 = arith.constant 0 : i32
      %dma_start3A_687 = tpu.memref_slice %arg2[%dma_start3A_675, %dma_start3A_685, %dma_start3A_686] : memref<2x50000x128xf32, #tpu.memory_space<hbm>> -> memref<1x50000x128xf32, #tpu.memory_space<hbm>>
      %dma_start3A_688 = tpu.memref_squeeze %dma_start3A_687 : memref<1x50000x128xf32, #tpu.memory_space<hbm>> -> memref<50000x128xf32, #tpu.memory_space<hbm>>
      %dma_start3A_689 = arith.constant 0 : i32
      %dma_start3A_690 = arith.constant 0 : i32
      %dma_start3A_691 = tpu.memref_slice %dma_start3A_688[%dma_start3A_689, %dma_start3A_690] : memref<50000x128xf32, #tpu.memory_space<hbm>> -> memref<50000x128xf32, #tpu.memory_space<hbm>>
      tpu.enqueue_indirect_dma source(%dma_start3A_691 : memref<50000x128xf32, #tpu.memory_space<hbm>>) target(%dma_start3A_681 : memref<40x128xf32, #tpu.memory_space<vmem>>) offsets(%dma_start3A_684 : memref<40xi32, #tpu.memory_space<vmem>>) semaphore(%arg17 : memref<!tpu.dma_semaphore, #tpu.memory_space<semaphore_mem>>)
      %dma_start3A_692 = arith.constant 1 : i32
      %dma_start3A_693 = arith.constant 1 : i32
      %dma_start3A_694 = arith.constant 1 : i32
      %dma_start3A_695 = arith.constant 40 : i32
      %dma_start3A_696 = arith.constant 0 : i32
      %dma_start3A_697 = tpu.memref_slice %arg13[%dma_start3A_694, %dma_start3A_695, %dma_start3A_696] : memref<2x160x128xf32, #tpu.memory_space<vmem>> -> memref<1x40x128xf32, #tpu.memory_space<vmem>>
      %dma_start3A_698 = tpu.memref_squeeze %dma_start3A_697 : memref<1x40x128xf32, #tpu.memory_space<vmem>> -> memref<40x128xf32, #tpu.memory_space<vmem>>
      %dma_start3A_699 = arith.constant 0 : i32
      %dma_start3A_700 = tpu.memref_slice %arg7[%dma_start3A_693, %dma_start3A_699] : memref<4x40xi32, #tpu.memory_space<vmem>> -> memref<1x40xi32, #tpu.memory_space<vmem>>
      %dma_start3A_701 = tpu.memref_squeeze %dma_start3A_700 : memref<1x40xi32, #tpu.memory_space<vmem>> -> memref<40xi32, #tpu.memory_space<vmem>>
      %dma_start3A_702 = arith.constant 0 : i32
      %dma_start3A_703 = arith.constant 0 : i32
      %dma_start3A_704 = tpu.memref_slice %arg2[%dma_start3A_692, %dma_start3A_702, %dma_start3A_703] : memref<2x50000x128xf32, #tpu.memory_space<hbm>> -> memref<1x50000x128xf32, #tpu.memory_space<hbm>>
      %dma_start3A_705 = tpu.memref_squeeze %dma_start3A_704 : memref<1x50000x128xf32, #tpu.memory_space<hbm>> -> memref<50000x128xf32, #tpu.memory_space<hbm>>
      %dma_start3A_706 = arith.constant 0 : i32
      %dma_start3A_707 = arith.constant 0 : i32
      %dma_start3A_708 = tpu.memref_slice %dma_start3A_705[%dma_start3A_706, %dma_start3A_707] : memref<50000x128xf32, #tpu.memory_space<hbm>> -> memref<50000x128xf32, #tpu.memory_space<hbm>>
      tpu.enqueue_indirect_dma source(%dma_start3A_708 : memref<50000x128xf32, #tpu.memory_space<hbm>>) target(%dma_start3A_698 : memref<40x128xf32, #tpu.memory_space<vmem>>) offsets(%dma_start3A_701 : memref<40xi32, #tpu.memory_space<vmem>>) semaphore(%arg17 : memref<!tpu.dma_semaphore, #tpu.memory_space<semaphore_mem>>)
      %dma_start3A_709 = arith.constant 2 : i32
      %dma_start3A_710 = arith.constant 96 : i32
      %dma_start3A_711 = tpu.memref_slice %arg9[%dma_start3A_710] : memref<192xf32, #tpu.memory_space<vmem>> -> memref<40xf32, #tpu.memory_space<vmem>>
      %dma_start3A_712 = arith.constant 0 : i32
      %dma_start3A_713 = tpu.memref_slice %arg7[%dma_start3A_709, %dma_start3A_712] : memref<4x40xi32, #tpu.memory_space<vmem>> -> memref<1x40xi32, #tpu.memory_space<vmem>>
      %dma_start3A_714 = tpu.memref_squeeze %dma_start3A_713 : memref<1x40xi32, #tpu.memory_space<vmem>> -> memref<40xi32, #tpu.memory_space<vmem>>
      %dma_start3A_715 = arith.constant 0 : i32
      %dma_start3A_716 = tpu.memref_slice %arg4[%dma_start3A_715] : memref<50000xf32, #tpu.memory_space<hbm>> -> memref<50000xf32, #tpu.memory_space<hbm>>
      tpu.enqueue_indirect_dma source(%dma_start3A_716 : memref<50000xf32, #tpu.memory_space<hbm>>) target(%dma_start3A_711 : memref<40xf32, #tpu.memory_space<vmem>>) offsets(%dma_start3A_714 : memref<40xi32, #tpu.memory_space<vmem>>) semaphore(%arg17 : memref<!tpu.dma_semaphore, #tpu.memory_space<semaphore_mem>>)
      %dma_start3A_717 = arith.constant 0 : i32
      %dma_start3A_718 = arith.constant 2 : i32
      %dma_start3A_719 = arith.constant 0 : i32
      %dma_start3A_720 = arith.constant 80 : i32
      %dma_start3A_721 = arith.constant 0 : i32
      %dma_start3A_722 = tpu.memref_slice %arg13[%dma_start3A_719, %dma_start3A_720, %dma_start3A_721] : memref<2x160x128xf32, #tpu.memory_space<vmem>> -> memref<1x40x128xf32, #tpu.memory_space<vmem>>
      %dma_start3A_723 = tpu.memref_squeeze %dma_start3A_722 : memref<1x40x128xf32, #tpu.memory_space<vmem>> -> memref<40x128xf32, #tpu.memory_space<vmem>>
      %dma_start3A_724 = arith.constant 0 : i32
      %dma_start3A_725 = tpu.memref_slice %arg7[%dma_start3A_718, %dma_start3A_724] : memref<4x40xi32, #tpu.memory_space<vmem>> -> memref<1x40xi32, #tpu.memory_space<vmem>>
      %dma_start3A_726 = tpu.memref_squeeze %dma_start3A_725 : memref<1x40xi32, #tpu.memory_space<vmem>> -> memref<40xi32, #tpu.memory_space<vmem>>
      %dma_start3A_727 = arith.constant 0 : i32
      %dma_start3A_728 = arith.constant 0 : i32
      %dma_start3A_729 = tpu.memref_slice %arg2[%dma_start3A_717, %dma_start3A_727, %dma_start3A_728] : memref<2x50000x128xf32, #tpu.memory_space<hbm>> -> memref<1x50000x128xf32, #tpu.memory_space<hbm>>
      %dma_start3A_730 = tpu.memref_squeeze %dma_start3A_729 : memref<1x50000x128xf32, #tpu.memory_space<hbm>> -> memref<50000x128xf32, #tpu.memory_space<hbm>>
      %dma_start3A_731 = arith.constant 0 : i32
      %dma_start3A_732 = arith.constant 0 : i32
      %dma_start3A_733 = tpu.memref_slice %dma_start3A_730[%dma_start3A_731, %dma_start3A_732] : memref<50000x128xf32, #tpu.memory_space<hbm>> -> memref<50000x128xf32, #tpu.memory_space<hbm>>
      tpu.enqueue_indirect_dma source(%dma_start3A_733 : memref<50000x128xf32, #tpu.memory_space<hbm>>) target(%dma_start3A_723 : memref<40x128xf32, #tpu.memory_space<vmem>>) offsets(%dma_start3A_726 : memref<40xi32, #tpu.memory_space<vmem>>) semaphore(%arg17 : memref<!tpu.dma_semaphore, #tpu.memory_space<semaphore_mem>>)
      %dma_start3A_734 = arith.constant 1 : i32
      %dma_start3A_735 = arith.constant 2 : i32
      %dma_start3A_736 = arith.constant 1 : i32
      %dma_start3A_737 = arith.constant 80 : i32
      %dma_start3A_738 = arith.constant 0 : i32
      %dma_start3A_739 = tpu.memref_slice %arg13[%dma_start3A_736, %dma_start3A_737, %dma_start3A_738] : memref<2x160x128xf32, #tpu.memory_space<vmem>> -> memref<1x40x128xf32, #tpu.memory_space<vmem>>
      %dma_start3A_740 = tpu.memref_squeeze %dma_start3A_739 : memref<1x40x128xf32, #tpu.memory_space<vmem>> -> memref<40x128xf32, #tpu.memory_space<vmem>>
      %dma_start3A_741 = arith.constant 0 : i32
      %dma_start3A_742 = tpu.memref_slice %arg7[%dma_start3A_735, %dma_start3A_741] : memref<4x40xi32, #tpu.memory_space<vmem>> -> memref<1x40xi32, #tpu.memory_space<vmem>>
      %dma_start3A_743 = tpu.memref_squeeze %dma_start3A_742 : memref<1x40xi32, #tpu.memory_space<vmem>> -> memref<40xi32, #tpu.memory_space<vmem>>
      %dma_start3A_744 = arith.constant 0 : i32
      %dma_start3A_745 = arith.constant 0 : i32
      %dma_start3A_746 = tpu.memref_slice %arg2[%dma_start3A_734, %dma_start3A_744, %dma_start3A_745] : memref<2x50000x128xf32, #tpu.memory_space<hbm>> -> memref<1x50000x128xf32, #tpu.memory_space<hbm>>
      %dma_start3A_747 = tpu.memref_squeeze %dma_start3A_746 : memref<1x50000x128xf32, #tpu.memory_space<hbm>> -> memref<50000x128xf32, #tpu.memory_space<hbm>>
      %dma_start3A_748 = arith.constant 0 : i32
      %dma_start3A_749 = arith.constant 0 : i32
      %dma_start3A_750 = tpu.memref_slice %dma_start3A_747[%dma_start3A_748, %dma_start3A_749] : memref<50000x128xf32, #tpu.memory_space<hbm>> -> memref<50000x128xf32, #tpu.memory_space<hbm>>
      tpu.enqueue_indirect_dma source(%dma_start3A_750 : memref<50000x128xf32, #tpu.memory_space<hbm>>) target(%dma_start3A_740 : memref<40x128xf32, #tpu.memory_space<vmem>>) offsets(%dma_start3A_743 : memref<40xi32, #tpu.memory_space<vmem>>) semaphore(%arg17 : memref<!tpu.dma_semaphore, #tpu.memory_space<semaphore_mem>>)
      %dma_start3A_751 = arith.constant 3 : i32
      %dma_start3A_752 = arith.constant 144 : i32
      %dma_start3A_753 = tpu.memref_slice %arg9[%dma_start3A_752] : memref<192xf32, #tpu.memory_space<vmem>> -> memref<40xf32, #tpu.memory_space<vmem>>
      %dma_start3A_754 = arith.constant 0 : i32
      %dma_start3A_755 = tpu.memref_slice %arg7[%dma_start3A_751, %dma_start3A_754] : memref<4x40xi32, #tpu.memory_space<vmem>> -> memref<1x40xi32, #tpu.memory_space<vmem>>
      %dma_start3A_756 = tpu.memref_squeeze %dma_start3A_755 : memref<1x40xi32, #tpu.memory_space<vmem>> -> memref<40xi32, #tpu.memory_space<vmem>>
      %dma_start3A_757 = arith.constant 0 : i32
      %dma_start3A_758 = tpu.memref_slice %arg4[%dma_start3A_757] : memref<50000xf32, #tpu.memory_space<hbm>> -> memref<50000xf32, #tpu.memory_space<hbm>>
      tpu.enqueue_indirect_dma source(%dma_start3A_758 : memref<50000xf32, #tpu.memory_space<hbm>>) target(%dma_start3A_753 : memref<40xf32, #tpu.memory_space<vmem>>) offsets(%dma_start3A_756 : memref<40xi32, #tpu.memory_space<vmem>>) semaphore(%arg17 : memref<!tpu.dma_semaphore, #tpu.memory_space<semaphore_mem>>)
      %dma_start3A_759 = arith.constant 0 : i32
      %dma_start3A_760 = arith.constant 3 : i32
      %dma_start3A_761 = arith.constant 0 : i32
      %dma_start3A_762 = arith.constant 120 : i32
      %dma_start3A_763 = arith.constant 0 : i32
      %dma_start3A_764 = tpu.memref_slice %arg13[%dma_start3A_761, %dma_start3A_762, %dma_start3A_763] : memref<2x160x128xf32, #tpu.memory_space<vmem>> -> memref<1x40x128xf32, #tpu.memory_space<vmem>>
      %dma_start3A_765 = tpu.memref_squeeze %dma_start3A_764 : memref<1x40x128xf32, #tpu.memory_space<vmem>> -> memref<40x128xf32, #tpu.memory_space<vmem>>
      %dma_start3A_766 = arith.constant 0 : i32
      %dma_start3A_767 = tpu.memref_slice %arg7[%dma_start3A_760, %dma_start3A_766] : memref<4x40xi32, #tpu.memory_space<vmem>> -> memref<1x40xi32, #tpu.memory_space<vmem>>
      %dma_start3A_768 = tpu.memref_squeeze %dma_start3A_767 : memref<1x40xi32, #tpu.memory_space<vmem>> -> memref<40xi32, #tpu.memory_space<vmem>>
      %dma_start3A_769 = arith.constant 0 : i32
      %dma_start3A_770 = arith.constant 0 : i32
      %dma_start3A_771 = tpu.memref_slice %arg2[%dma_start3A_759, %dma_start3A_769, %dma_start3A_770] : memref<2x50000x128xf32, #tpu.memory_space<hbm>> -> memref<1x50000x128xf32, #tpu.memory_space<hbm>>
      %dma_start3A_772 = tpu.memref_squeeze %dma_start3A_771 : memref<1x50000x128xf32, #tpu.memory_space<hbm>> -> memref<50000x128xf32, #tpu.memory_space<hbm>>
      %dma_start3A_773 = arith.constant 0 : i32
      %dma_start3A_774 = arith.constant 0 : i32
      %dma_start3A_775 = tpu.memref_slice %dma_start3A_772[%dma_start3A_773, %dma_start3A_774] : memref<50000x128xf32, #tpu.memory_space<hbm>> -> memref<50000x128xf32, #tpu.memory_space<hbm>>
      tpu.enqueue_indirect_dma source(%dma_start3A_775 : memref<50000x128xf32, #tpu.memory_space<hbm>>) target(%dma_start3A_765 : memref<40x128xf32, #tpu.memory_space<vmem>>) offsets(%dma_start3A_768 : memref<40xi32, #tpu.memory_space<vmem>>) semaphore(%arg17 : memref<!tpu.dma_semaphore, #tpu.memory_space<semaphore_mem>>)
      %dma_start3A_776 = arith.constant 1 : i32
      %dma_start3A_777 = arith.constant 3 : i32
      %dma_start3A_778 = arith.constant 1 : i32
      %dma_start3A_779 = arith.constant 120 : i32
      %dma_start3A_780 = arith.constant 0 : i32
      %dma_start3A_781 = tpu.memref_slice %arg13[%dma_start3A_778, %dma_start3A_779, %dma_start3A_780] : memref<2x160x128xf32, #tpu.memory_space<vmem>> -> memref<1x40x128xf32, #tpu.memory_space<vmem>>
      %dma_start3A_782 = tpu.memref_squeeze %dma_start3A_781 : memref<1x40x128xf32, #tpu.memory_space<vmem>> -> memref<40x128xf32, #tpu.memory_space<vmem>>
      %dma_start3A_783 = arith.constant 0 : i32
      %dma_start3A_784 = tpu.memref_slice %arg7[%dma_start3A_777, %dma_start3A_783] : memref<4x40xi32, #tpu.memory_space<vmem>> -> memref<1x40xi32, #tpu.memory_space<vmem>>
      %dma_start3A_785 = tpu.memref_squeeze %dma_start3A_784 : memref<1x40xi32, #tpu.memory_space<vmem>> -> memref<40xi32, #tpu.memory_space<vmem>>
      %dma_start3A_786 = arith.constant 0 : i32
      %dma_start3A_787 = arith.constant 0 : i32
      %dma_start3A_788 = tpu.memref_slice %arg2[%dma_start3A_776, %dma_start3A_786, %dma_start3A_787] : memref<2x50000x128xf32, #tpu.memory_space<hbm>> -> memref<1x50000x128xf32, #tpu.memory_space<hbm>>
      %dma_start3A_789 = tpu.memref_squeeze %dma_start3A_788 : memref<1x50000x128xf32, #tpu.memory_space<hbm>> -> memref<50000x128xf32, #tpu.memory_space<hbm>>
      %dma_start3A_790 = arith.constant 0 : i32
      %dma_start3A_791 = arith.constant 0 : i32
      %dma_start3A_792 = tpu.memref_slice %dma_start3A_789[%dma_start3A_790, %dma_start3A_791] : memref<50000x128xf32, #tpu.memory_space<hbm>> -> memref<50000x128xf32, #tpu.memory_space<hbm>>
      tpu.enqueue_indirect_dma source(%dma_start3A_792 : memref<50000x128xf32, #tpu.memory_space<hbm>>) target(%dma_start3A_782 : memref<40x128xf32, #tpu.memory_space<vmem>>) offsets(%dma_start3A_785 : memref<40xi32, #tpu.memory_space<vmem>>) semaphore(%arg17 : memref<!tpu.dma_semaphore, #tpu.memory_space<semaphore_mem>>)
      %dma_wait3A_793 = arith.constant 0 : i32
      %dma_wait3A_794 = arith.constant 0 : i32
      %dma_wait3A_795 = tpu.memref_slice %arg8[%dma_wait3A_794] : memref<192xf32, #tpu.memory_space<vmem>> -> memref<40xf32, #tpu.memory_space<vmem>>
      %dma_wait3A_796 = arith.constant 0 : i32
      %dma_wait3A_797 = tpu.memref_slice %arg6[%dma_wait3A_793, %dma_wait3A_796] : memref<4x40xi32, #tpu.memory_space<vmem>> -> memref<1x40xi32, #tpu.memory_space<vmem>>
      %dma_wait3A_798 = tpu.memref_squeeze %dma_wait3A_797 : memref<1x40xi32, #tpu.memory_space<vmem>> -> memref<40xi32, #tpu.memory_space<vmem>>
      %dma_wait3A_799 = arith.constant 0 : i32
      %dma_wait3A_800 = tpu.memref_slice %arg4[%dma_wait3A_799] : memref<50000xf32, #tpu.memory_space<hbm>> -> memref<50000xf32, #tpu.memory_space<hbm>>
      tpu.wait_indirect_dma semaphore(%arg16 : memref<!tpu.dma_semaphore, #tpu.memory_space<semaphore_mem>>) src(%dma_wait3A_800 : memref<50000xf32, #tpu.memory_space<hbm>>) dst(%dma_wait3A_795 : memref<40xf32, #tpu.memory_space<vmem>>)
      %dma_wait3A_801 = arith.constant 0 : i32
      %dma_wait3A_802 = arith.constant 0 : i32
      %dma_wait3A_803 = arith.constant 0 : i32
      %dma_wait3A_804 = arith.constant 0 : i32
      %dma_wait3A_805 = arith.constant 0 : i32
      %dma_wait3A_806 = tpu.memref_slice %arg12[%dma_wait3A_803, %dma_wait3A_804, %dma_wait3A_805] : memref<2x160x128xf32, #tpu.memory_space<vmem>> -> memref<1x40x128xf32, #tpu.memory_space<vmem>>
      %dma_wait3A_807 = tpu.memref_squeeze %dma_wait3A_806 : memref<1x40x128xf32, #tpu.memory_space<vmem>> -> memref<40x128xf32, #tpu.memory_space<vmem>>
      %dma_wait3A_808 = arith.constant 0 : i32
      %dma_wait3A_809 = tpu.memref_slice %arg6[%dma_wait3A_802, %dma_wait3A_808] : memref<4x40xi32, #tpu.memory_space<vmem>> -> memref<1x40xi32, #tpu.memory_space<vmem>>
      %dma_wait3A_810 = tpu.memref_squeeze %dma_wait3A_809 : memref<1x40xi32, #tpu.memory_space<vmem>> -> memref<40xi32, #tpu.memory_space<vmem>>
      %dma_wait3A_811 = arith.constant 0 : i32
      %dma_wait3A_812 = arith.constant 0 : i32
      %dma_wait3A_813 = tpu.memref_slice %arg2[%dma_wait3A_801, %dma_wait3A_811, %dma_wait3A_812] : memref<2x50000x128xf32, #tpu.memory_space<hbm>> -> memref<1x50000x128xf32, #tpu.memory_space<hbm>>
      %dma_wait3A_814 = tpu.memref_squeeze %dma_wait3A_813 : memref<1x50000x128xf32, #tpu.memory_space<hbm>> -> memref<50000x128xf32, #tpu.memory_space<hbm>>
      %dma_wait3A_815 = arith.constant 0 : i32
      %dma_wait3A_816 = arith.constant 0 : i32
      %dma_wait3A_817 = tpu.memref_slice %dma_wait3A_814[%dma_wait3A_815, %dma_wait3A_816] : memref<50000x128xf32, #tpu.memory_space<hbm>> -> memref<50000x128xf32, #tpu.memory_space<hbm>>
      tpu.wait_indirect_dma semaphore(%arg16 : memref<!tpu.dma_semaphore, #tpu.memory_space<semaphore_mem>>) src(%dma_wait3A_817 : memref<50000x128xf32, #tpu.memory_space<hbm>>) dst(%dma_wait3A_807 : memref<40x128xf32, #tpu.memory_space<vmem>>)
      %dma_wait3A_818 = arith.constant 1 : i32
      %dma_wait3A_819 = arith.constant 0 : i32
      %dma_wait3A_820 = arith.constant 1 : i32
      %dma_wait3A_821 = arith.constant 0 : i32
      %dma_wait3A_822 = arith.constant 0 : i32
      %dma_wait3A_823 = tpu.memref_slice %arg12[%dma_wait3A_820, %dma_wait3A_821, %dma_wait3A_822] : memref<2x160x128xf32, #tpu.memory_space<vmem>> -> memref<1x40x128xf32, #tpu.memory_space<vmem>>
      %dma_wait3A_824 = tpu.memref_squeeze %dma_wait3A_823 : memref<1x40x128xf32, #tpu.memory_space<vmem>> -> memref<40x128xf32, #tpu.memory_space<vmem>>
      %dma_wait3A_825 = arith.constant 0 : i32
      %dma_wait3A_826 = tpu.memref_slice %arg6[%dma_wait3A_819, %dma_wait3A_825] : memref<4x40xi32, #tpu.memory_space<vmem>> -> memref<1x40xi32, #tpu.memory_space<vmem>>
      %dma_wait3A_827 = tpu.memref_squeeze %dma_wait3A_826 : memref<1x40xi32, #tpu.memory_space<vmem>> -> memref<40xi32, #tpu.memory_space<vmem>>
      %dma_wait3A_828 = arith.constant 0 : i32
      %dma_wait3A_829 = arith.constant 0 : i32
      %dma_wait3A_830 = tpu.memref_slice %arg2[%dma_wait3A_818, %dma_wait3A_828, %dma_wait3A_829] : memref<2x50000x128xf32, #tpu.memory_space<hbm>> -> memref<1x50000x128xf32, #tpu.memory_space<hbm>>
      %dma_wait3A_831 = tpu.memref_squeeze %dma_wait3A_830 : memref<1x50000x128xf32, #tpu.memory_space<hbm>> -> memref<50000x128xf32, #tpu.memory_space<hbm>>
      %dma_wait3A_832 = arith.constant 0 : i32
      %dma_wait3A_833 = arith.constant 0 : i32
      %dma_wait3A_834 = tpu.memref_slice %dma_wait3A_831[%dma_wait3A_832, %dma_wait3A_833] : memref<50000x128xf32, #tpu.memory_space<hbm>> -> memref<50000x128xf32, #tpu.memory_space<hbm>>
      tpu.wait_indirect_dma semaphore(%arg16 : memref<!tpu.dma_semaphore, #tpu.memory_space<semaphore_mem>>) src(%dma_wait3A_834 : memref<50000x128xf32, #tpu.memory_space<hbm>>) dst(%dma_wait3A_824 : memref<40x128xf32, #tpu.memory_space<vmem>>)
      %dma_wait3A_835 = arith.constant 1 : i32
      %dma_wait3A_836 = arith.constant 48 : i32
      %dma_wait3A_837 = tpu.memref_slice %arg8[%dma_wait3A_836] : memref<192xf32, #tpu.memory_space<vmem>> -> memref<40xf32, #tpu.memory_space<vmem>>
      %dma_wait3A_838 = arith.constant 0 : i32
      %dma_wait3A_839 = tpu.memref_slice %arg6[%dma_wait3A_835, %dma_wait3A_838] : memref<4x40xi32, #tpu.memory_space<vmem>> -> memref<1x40xi32, #tpu.memory_space<vmem>>
      %dma_wait3A_840 = tpu.memref_squeeze %dma_wait3A_839 : memref<1x40xi32, #tpu.memory_space<vmem>> -> memref<40xi32, #tpu.memory_space<vmem>>
      %dma_wait3A_841 = arith.constant 0 : i32
      %dma_wait3A_842 = tpu.memref_slice %arg4[%dma_wait3A_841] : memref<50000xf32, #tpu.memory_space<hbm>> -> memref<50000xf32, #tpu.memory_space<hbm>>
      tpu.wait_indirect_dma semaphore(%arg16 : memref<!tpu.dma_semaphore, #tpu.memory_space<semaphore_mem>>) src(%dma_wait3A_842 : memref<50000xf32, #tpu.memory_space<hbm>>) dst(%dma_wait3A_837 : memref<40xf32, #tpu.memory_space<vmem>>)
      %dma_wait3A_843 = arith.constant 0 : i32
      %dma_wait3A_844 = arith.constant 1 : i32
      %dma_wait3A_845 = arith.constant 0 : i32
      %dma_wait3A_846 = arith.constant 40 : i32
      %dma_wait3A_847 = arith.constant 0 : i32
      %dma_wait3A_848 = tpu.memref_slice %arg12[%dma_wait3A_845, %dma_wait3A_846, %dma_wait3A_847] : memref<2x160x128xf32, #tpu.memory_space<vmem>> -> memref<1x40x128xf32, #tpu.memory_space<vmem>>
      %dma_wait3A_849 = tpu.memref_squeeze %dma_wait3A_848 : memref<1x40x128xf32, #tpu.memory_space<vmem>> -> memref<40x128xf32, #tpu.memory_space<vmem>>
      %dma_wait3A_850 = arith.constant 0 : i32
      %dma_wait3A_851 = tpu.memref_slice %arg6[%dma_wait3A_844, %dma_wait3A_850] : memref<4x40xi32, #tpu.memory_space<vmem>> -> memref<1x40xi32, #tpu.memory_space<vmem>>
      %dma_wait3A_852 = tpu.memref_squeeze %dma_wait3A_851 : memref<1x40xi32, #tpu.memory_space<vmem>> -> memref<40xi32, #tpu.memory_space<vmem>>
      %dma_wait3A_853 = arith.constant 0 : i32
      %dma_wait3A_854 = arith.constant 0 : i32
      %dma_wait3A_855 = tpu.memref_slice %arg2[%dma_wait3A_843, %dma_wait3A_853, %dma_wait3A_854] : memref<2x50000x128xf32, #tpu.memory_space<hbm>> -> memref<1x50000x128xf32, #tpu.memory_space<hbm>>
      %dma_wait3A_856 = tpu.memref_squeeze %dma_wait3A_855 : memref<1x50000x128xf32, #tpu.memory_space<hbm>> -> memref<50000x128xf32, #tpu.memory_space<hbm>>
      %dma_wait3A_857 = arith.constant 0 : i32
      %dma_wait3A_858 = arith.constant 0 : i32
      %dma_wait3A_859 = tpu.memref_slice %dma_wait3A_856[%dma_wait3A_857, %dma_wait3A_858] : memref<50000x128xf32, #tpu.memory_space<hbm>> -> memref<50000x128xf32, #tpu.memory_space<hbm>>
      tpu.wait_indirect_dma semaphore(%arg16 : memref<!tpu.dma_semaphore, #tpu.memory_space<semaphore_mem>>) src(%dma_wait3A_859 : memref<50000x128xf32, #tpu.memory_space<hbm>>) dst(%dma_wait3A_849 : memref<40x128xf32, #tpu.memory_space<vmem>>)
      %dma_wait3A_860 = arith.constant 1 : i32
      %dma_wait3A_861 = arith.constant 1 : i32
      %dma_wait3A_862 = arith.constant 1 : i32
      %dma_wait3A_863 = arith.constant 40 : i32
      %dma_wait3A_864 = arith.constant 0 : i32
      %dma_wait3A_865 = tpu.memref_slice %arg12[%dma_wait3A_862, %dma_wait3A_863, %dma_wait3A_864] : memref<2x160x128xf32, #tpu.memory_space<vmem>> -> memref<1x40x128xf32, #tpu.memory_space<vmem>>
      %dma_wait3A_866 = tpu.memref_squeeze %dma_wait3A_865 : memref<1x40x128xf32, #tpu.memory_space<vmem>> -> memref<40x128xf32, #tpu.memory_space<vmem>>
      %dma_wait3A_867 = arith.constant 0 : i32
      %dma_wait3A_868 = tpu.memref_slice %arg6[%dma_wait3A_861, %dma_wait3A_867] : memref<4x40xi32, #tpu.memory_space<vmem>> -> memref<1x40xi32, #tpu.memory_space<vmem>>
      %dma_wait3A_869 = tpu.memref_squeeze %dma_wait3A_868 : memref<1x40xi32, #tpu.memory_space<vmem>> -> memref<40xi32, #tpu.memory_space<vmem>>
      %dma_wait3A_870 = arith.constant 0 : i32
      %dma_wait3A_871 = arith.constant 0 : i32
      %dma_wait3A_872 = tpu.memref_slice %arg2[%dma_wait3A_860, %dma_wait3A_870, %dma_wait3A_871] : memref<2x50000x128xf32, #tpu.memory_space<hbm>> -> memref<1x50000x128xf32, #tpu.memory_space<hbm>>
      %dma_wait3A_873 = tpu.memref_squeeze %dma_wait3A_872 : memref<1x50000x128xf32, #tpu.memory_space<hbm>> -> memref<50000x128xf32, #tpu.memory_space<hbm>>
      %dma_wait3A_874 = arith.constant 0 : i32
      %dma_wait3A_875 = arith.constant 0 : i32
      %dma_wait3A_876 = tpu.memref_slice %dma_wait3A_873[%dma_wait3A_874, %dma_wait3A_875] : memref<50000x128xf32, #tpu.memory_space<hbm>> -> memref<50000x128xf32, #tpu.memory_space<hbm>>
      tpu.wait_indirect_dma semaphore(%arg16 : memref<!tpu.dma_semaphore, #tpu.memory_space<semaphore_mem>>) src(%dma_wait3A_876 : memref<50000x128xf32, #tpu.memory_space<hbm>>) dst(%dma_wait3A_866 : memref<40x128xf32, #tpu.memory_space<vmem>>)
      %dma_wait3A_877 = arith.constant 2 : i32
      %dma_wait3A_878 = arith.constant 96 : i32
      %dma_wait3A_879 = tpu.memref_slice %arg8[%dma_wait3A_878] : memref<192xf32, #tpu.memory_space<vmem>> -> memref<40xf32, #tpu.memory_space<vmem>>
      %dma_wait3A_880 = arith.constant 0 : i32
      %dma_wait3A_881 = tpu.memref_slice %arg6[%dma_wait3A_877, %dma_wait3A_880] : memref<4x40xi32, #tpu.memory_space<vmem>> -> memref<1x40xi32, #tpu.memory_space<vmem>>
      %dma_wait3A_882 = tpu.memref_squeeze %dma_wait3A_881 : memref<1x40xi32, #tpu.memory_space<vmem>> -> memref<40xi32, #tpu.memory_space<vmem>>
      %dma_wait3A_883 = arith.constant 0 : i32
      %dma_wait3A_884 = tpu.memref_slice %arg4[%dma_wait3A_883] : memref<50000xf32, #tpu.memory_space<hbm>> -> memref<50000xf32, #tpu.memory_space<hbm>>
      tpu.wait_indirect_dma semaphore(%arg16 : memref<!tpu.dma_semaphore, #tpu.memory_space<semaphore_mem>>) src(%dma_wait3A_884 : memref<50000xf32, #tpu.memory_space<hbm>>) dst(%dma_wait3A_879 : memref<40xf32, #tpu.memory_space<vmem>>)
      %dma_wait3A_885 = arith.constant 0 : i32
      %dma_wait3A_886 = arith.constant 2 : i32
      %dma_wait3A_887 = arith.constant 0 : i32
      %dma_wait3A_888 = arith.constant 80 : i32
      %dma_wait3A_889 = arith.constant 0 : i32
      %dma_wait3A_890 = tpu.memref_slice %arg12[%dma_wait3A_887, %dma_wait3A_888, %dma_wait3A_889] : memref<2x160x128xf32, #tpu.memory_space<vmem>> -> memref<1x40x128xf32, #tpu.memory_space<vmem>>
      %dma_wait3A_891 = tpu.memref_squeeze %dma_wait3A_890 : memref<1x40x128xf32, #tpu.memory_space<vmem>> -> memref<40x128xf32, #tpu.memory_space<vmem>>
      %dma_wait3A_892 = arith.constant 0 : i32
      %dma_wait3A_893 = tpu.memref_slice %arg6[%dma_wait3A_886, %dma_wait3A_892] : memref<4x40xi32, #tpu.memory_space<vmem>> -> memref<1x40xi32, #tpu.memory_space<vmem>>
      %dma_wait3A_894 = tpu.memref_squeeze %dma_wait3A_893 : memref<1x40xi32, #tpu.memory_space<vmem>> -> memref<40xi32, #tpu.memory_space<vmem>>
      %dma_wait3A_895 = arith.constant 0 : i32
      %dma_wait3A_896 = arith.constant 0 : i32
      %dma_wait3A_897 = tpu.memref_slice %arg2[%dma_wait3A_885, %dma_wait3A_895, %dma_wait3A_896] : memref<2x50000x128xf32, #tpu.memory_space<hbm>> -> memref<1x50000x128xf32, #tpu.memory_space<hbm>>
      %dma_wait3A_898 = tpu.memref_squeeze %dma_wait3A_897 : memref<1x50000x128xf32, #tpu.memory_space<hbm>> -> memref<50000x128xf32, #tpu.memory_space<hbm>>
      %dma_wait3A_899 = arith.constant 0 : i32
      %dma_wait3A_900 = arith.constant 0 : i32
      %dma_wait3A_901 = tpu.memref_slice %dma_wait3A_898[%dma_wait3A_899, %dma_wait3A_900] : memref<50000x128xf32, #tpu.memory_space<hbm>> -> memref<50000x128xf32, #tpu.memory_space<hbm>>
      tpu.wait_indirect_dma semaphore(%arg16 : memref<!tpu.dma_semaphore, #tpu.memory_space<semaphore_mem>>) src(%dma_wait3A_901 : memref<50000x128xf32, #tpu.memory_space<hbm>>) dst(%dma_wait3A_891 : memref<40x128xf32, #tpu.memory_space<vmem>>)
      %dma_wait3A_902 = arith.constant 1 : i32
      %dma_wait3A_903 = arith.constant 2 : i32
      %dma_wait3A_904 = arith.constant 1 : i32
      %dma_wait3A_905 = arith.constant 80 : i32
      %dma_wait3A_906 = arith.constant 0 : i32
      %dma_wait3A_907 = tpu.memref_slice %arg12[%dma_wait3A_904, %dma_wait3A_905, %dma_wait3A_906] : memref<2x160x128xf32, #tpu.memory_space<vmem>> -> memref<1x40x128xf32, #tpu.memory_space<vmem>>
      %dma_wait3A_908 = tpu.memref_squeeze %dma_wait3A_907 : memref<1x40x128xf32, #tpu.memory_space<vmem>> -> memref<40x128xf32, #tpu.memory_space<vmem>>
      %dma_wait3A_909 = arith.constant 0 : i32
      %dma_wait3A_910 = tpu.memref_slice %arg6[%dma_wait3A_903, %dma_wait3A_909] : memref<4x40xi32, #tpu.memory_space<vmem>> -> memref<1x40xi32, #tpu.memory_space<vmem>>
      %dma_wait3A_911 = tpu.memref_squeeze %dma_wait3A_910 : memref<1x40xi32, #tpu.memory_space<vmem>> -> memref<40xi32, #tpu.memory_space<vmem>>
      %dma_wait3A_912 = arith.constant 0 : i32
      %dma_wait3A_913 = arith.constant 0 : i32
      %dma_wait3A_914 = tpu.memref_slice %arg2[%dma_wait3A_902, %dma_wait3A_912, %dma_wait3A_913] : memref<2x50000x128xf32, #tpu.memory_space<hbm>> -> memref<1x50000x128xf32, #tpu.memory_space<hbm>>
      %dma_wait3A_915 = tpu.memref_squeeze %dma_wait3A_914 : memref<1x50000x128xf32, #tpu.memory_space<hbm>> -> memref<50000x128xf32, #tpu.memory_space<hbm>>
      %dma_wait3A_916 = arith.constant 0 : i32
      %dma_wait3A_917 = arith.constant 0 : i32
      %dma_wait3A_918 = tpu.memref_slice %dma_wait3A_915[%dma_wait3A_916, %dma_wait3A_917] : memref<50000x128xf32, #tpu.memory_space<hbm>> -> memref<50000x128xf32, #tpu.memory_space<hbm>>
      tpu.wait_indirect_dma semaphore(%arg16 : memref<!tpu.dma_semaphore, #tpu.memory_space<semaphore_mem>>) src(%dma_wait3A_918 : memref<50000x128xf32, #tpu.memory_space<hbm>>) dst(%dma_wait3A_908 : memref<40x128xf32, #tpu.memory_space<vmem>>)
      %dma_wait3A_919 = arith.constant 3 : i32
      %dma_wait3A_920 = arith.constant 144 : i32
      %dma_wait3A_921 = tpu.memref_slice %arg8[%dma_wait3A_920] : memref<192xf32, #tpu.memory_space<vmem>> -> memref<40xf32, #tpu.memory_space<vmem>>
      %dma_wait3A_922 = arith.constant 0 : i32
      %dma_wait3A_923 = tpu.memref_slice %arg6[%dma_wait3A_919, %dma_wait3A_922] : memref<4x40xi32, #tpu.memory_space<vmem>> -> memref<1x40xi32, #tpu.memory_space<vmem>>
      %dma_wait3A_924 = tpu.memref_squeeze %dma_wait3A_923 : memref<1x40xi32, #tpu.memory_space<vmem>> -> memref<40xi32, #tpu.memory_space<vmem>>
      %dma_wait3A_925 = arith.constant 0 : i32
      %dma_wait3A_926 = tpu.memref_slice %arg4[%dma_wait3A_925] : memref<50000xf32, #tpu.memory_space<hbm>> -> memref<50000xf32, #tpu.memory_space<hbm>>
      tpu.wait_indirect_dma semaphore(%arg16 : memref<!tpu.dma_semaphore, #tpu.memory_space<semaphore_mem>>) src(%dma_wait3A_926 : memref<50000xf32, #tpu.memory_space<hbm>>) dst(%dma_wait3A_921 : memref<40xf32, #tpu.memory_space<vmem>>)
      %dma_wait3A_927 = arith.constant 0 : i32
      %dma_wait3A_928 = arith.constant 3 : i32
      %dma_wait3A_929 = arith.constant 0 : i32
      %dma_wait3A_930 = arith.constant 120 : i32
      %dma_wait3A_931 = arith.constant 0 : i32
      %dma_wait3A_932 = tpu.memref_slice %arg12[%dma_wait3A_929, %dma_wait3A_930, %dma_wait3A_931] : memref<2x160x128xf32, #tpu.memory_space<vmem>> -> memref<1x40x128xf32, #tpu.memory_space<vmem>>
      %dma_wait3A_933 = tpu.memref_squeeze %dma_wait3A_932 : memref<1x40x128xf32, #tpu.memory_space<vmem>> -> memref<40x128xf32, #tpu.memory_space<vmem>>
      %dma_wait3A_934 = arith.constant 0 : i32
      %dma_wait3A_935 = tpu.memref_slice %arg6[%dma_wait3A_928, %dma_wait3A_934] : memref<4x40xi32, #tpu.memory_space<vmem>> -> memref<1x40xi32, #tpu.memory_space<vmem>>
      %dma_wait3A_936 = tpu.memref_squeeze %dma_wait3A_935 : memref<1x40xi32, #tpu.memory_space<vmem>> -> memref<40xi32, #tpu.memory_space<vmem>>
      %dma_wait3A_937 = arith.constant 0 : i32
      %dma_wait3A_938 = arith.constant 0 : i32
      %dma_wait3A_939 = tpu.memref_slice %arg2[%dma_wait3A_927, %dma_wait3A_937, %dma_wait3A_938] : memref<2x50000x128xf32, #tpu.memory_space<hbm>> -> memref<1x50000x128xf32, #tpu.memory_space<hbm>>
      %dma_wait3A_940 = tpu.memref_squeeze %dma_wait3A_939 : memref<1x50000x128xf32, #tpu.memory_space<hbm>> -> memref<50000x128xf32, #tpu.memory_space<hbm>>
      %dma_wait3A_941 = arith.constant 0 : i32
      %dma_wait3A_942 = arith.constant 0 : i32
      %dma_wait3A_943 = tpu.memref_slice %dma_wait3A_940[%dma_wait3A_941, %dma_wait3A_942] : memref<50000x128xf32, #tpu.memory_space<hbm>> -> memref<50000x128xf32, #tpu.memory_space<hbm>>
      tpu.wait_indirect_dma semaphore(%arg16 : memref<!tpu.dma_semaphore, #tpu.memory_space<semaphore_mem>>) src(%dma_wait3A_943 : memref<50000x128xf32, #tpu.memory_space<hbm>>) dst(%dma_wait3A_933 : memref<40x128xf32, #tpu.memory_space<vmem>>)
      %dma_wait3A_944 = arith.constant 1 : i32
      %dma_wait3A_945 = arith.constant 3 : i32
      %dma_wait3A_946 = arith.constant 1 : i32
      %dma_wait3A_947 = arith.constant 120 : i32
      %dma_wait3A_948 = arith.constant 0 : i32
      %dma_wait3A_949 = tpu.memref_slice %arg12[%dma_wait3A_946, %dma_wait3A_947, %dma_wait3A_948] : memref<2x160x128xf32, #tpu.memory_space<vmem>> -> memref<1x40x128xf32, #tpu.memory_space<vmem>>
      %dma_wait3A_950 = tpu.memref_squeeze %dma_wait3A_949 : memref<1x40x128xf32, #tpu.memory_space<vmem>> -> memref<40x128xf32, #tpu.memory_space<vmem>>
      %dma_wait3A_951 = arith.constant 0 : i32
      %dma_wait3A_952 = tpu.memref_slice %arg6[%dma_wait3A_945, %dma_wait3A_951] : memref<4x40xi32, #tpu.memory_space<vmem>> -> memref<1x40xi32, #tpu.memory_space<vmem>>
      %dma_wait3A_953 = tpu.memref_squeeze %dma_wait3A_952 : memref<1x40xi32, #tpu.memory_space<vmem>> -> memref<40xi32, #tpu.memory_space<vmem>>
      %dma_wait3A_954 = arith.constant 0 : i32
      %dma_wait3A_955 = arith.constant 0 : i32
      %dma_wait3A_956 = tpu.memref_slice %arg2[%dma_wait3A_944, %dma_wait3A_954, %dma_wait3A_955] : memref<2x50000x128xf32, #tpu.memory_space<hbm>> -> memref<1x50000x128xf32, #tpu.memory_space<hbm>>
      %dma_wait3A_957 = tpu.memref_squeeze %dma_wait3A_956 : memref<1x50000x128xf32, #tpu.memory_space<hbm>> -> memref<50000x128xf32, #tpu.memory_space<hbm>>
      %dma_wait3A_958 = arith.constant 0 : i32
      %dma_wait3A_959 = arith.constant 0 : i32
      %dma_wait3A_960 = tpu.memref_slice %dma_wait3A_957[%dma_wait3A_958, %dma_wait3A_959] : memref<50000x128xf32, #tpu.memory_space<hbm>> -> memref<50000x128xf32, #tpu.memory_space<hbm>>
      tpu.wait_indirect_dma semaphore(%arg16 : memref<!tpu.dma_semaphore, #tpu.memory_space<semaphore_mem>>) src(%dma_wait3A_960 : memref<50000x128xf32, #tpu.memory_space<hbm>>) dst(%dma_wait3A_950 : memref<40x128xf32, #tpu.memory_space<vmem>>)
      %gt3A = arith.constant 0 : i32
      %gt3A_961 = arith.cmpi sgt, %scan3A_517, %gt3A : i32
      %convert_element_type3A = arith.extui %gt3A_961 : i1 to i32
      %cond3A = arith.constant 0 : i32
      %cond3A_962 = arith.cmpi ne, %convert_element_type3A, %cond3A : i32
      scf.if %cond3A_962 {
        %mul3A_1764 = arith.constant 40 : i32
        %mul3A_1765 = arith.muli %min3A_522, %mul3A_1764 : i32
        %mul3A_1766 = arith.constant 40 : i32
        %mul3A_1767 = arith.muli %min3A_522, %mul3A_1766 : i32
        %dma_wait3A_1768 = arith.constant 0 : i32
        %dma_wait3A_1769 = arith.constant 0 : i32
        %dma_wait3A_1770 = arith.constant 0 : i32
        %dma_wait3A_1771 = arith.constant 0 : i32
        %dma_wait3A_1772 = tpu.memref_slice %arg14[%dma_wait3A_1768, %dma_wait3A_1770, %dma_wait3A_1771] : memref<2x40x128xf32, #tpu.memory_space<vmem>> -> memref<1x40x128xf32, #tpu.memory_space<vmem>>
        %dma_wait3A_1773 = tpu.memref_squeeze %dma_wait3A_1772 : memref<1x40x128xf32, #tpu.memory_space<vmem>> -> memref<40x128xf32, #tpu.memory_space<vmem>>
        %dma_wait3A_1774 = arith.constant 0 : i32
        %dma_wait3A_1775 = tpu.memref_slice %arg5[%dma_wait3A_1769, %mul3A_1765, %dma_wait3A_1774] : memref<2x50000x128xf32, #tpu.memory_space<hbm>> -> memref<1x40x128xf32, #tpu.memory_space<hbm>>
        %dma_wait3A_1776 = tpu.memref_squeeze %dma_wait3A_1775 : memref<1x40x128xf32, #tpu.memory_space<hbm>> -> memref<40x128xf32, #tpu.memory_space<hbm>>
        %dma_wait3A_1777 = arith.constant 0 : i32
        %dma_wait3A_1778 = tpu.memref_slice %arg5[%dma_wait3A_1769, %mul3A_1765, %dma_wait3A_1777] : memref<2x50000x128xf32, #tpu.memory_space<hbm>> -> memref<1x40x128xf32, #tpu.memory_space<hbm>>
        %dma_wait3A_1779 = tpu.memref_squeeze %dma_wait3A_1778 : memref<1x40x128xf32, #tpu.memory_space<hbm>> -> memref<40x128xf32, #tpu.memory_space<hbm>>
        %dma_wait3A_1780 = arith.constant 0 : i32
        %dma_wait3A_1781 = arith.constant 0 : i32
        %dma_wait3A_1782 = tpu.memref_slice %arg14[%dma_wait3A_1768, %dma_wait3A_1780, %dma_wait3A_1781] : memref<2x40x128xf32, #tpu.memory_space<vmem>> -> memref<1x40x128xf32, #tpu.memory_space<vmem>>
        %dma_wait3A_1783 = tpu.memref_squeeze %dma_wait3A_1782 : memref<1x40x128xf32, #tpu.memory_space<vmem>> -> memref<40x128xf32, #tpu.memory_space<vmem>>
        tpu.wait_dma2 semaphore(%arg18 : memref<!tpu.dma_semaphore, #tpu.memory_space<semaphore_mem>>) src(%dma_wait3A_1783 : memref<40x128xf32, #tpu.memory_space<vmem>>) dst(%dma_wait3A_1779 : memref<40x128xf32, #tpu.memory_space<hbm>>)
        %dma_wait3A_1784 = arith.constant 1 : i32
        %dma_wait3A_1785 = arith.constant 1 : i32
        %dma_wait3A_1786 = arith.constant 0 : i32
        %dma_wait3A_1787 = arith.constant 0 : i32
        %dma_wait3A_1788 = tpu.memref_slice %arg14[%dma_wait3A_1784, %dma_wait3A_1786, %dma_wait3A_1787] : memref<2x40x128xf32, #tpu.memory_space<vmem>> -> memref<1x40x128xf32, #tpu.memory_space<vmem>>
        %dma_wait3A_1789 = tpu.memref_squeeze %dma_wait3A_1788 : memref<1x40x128xf32, #tpu.memory_space<vmem>> -> memref<40x128xf32, #tpu.memory_space<vmem>>
        %dma_wait3A_1790 = arith.constant 0 : i32
        %dma_wait3A_1791 = tpu.memref_slice %arg5[%dma_wait3A_1785, %mul3A_1767, %dma_wait3A_1790] : memref<2x50000x128xf32, #tpu.memory_space<hbm>> -> memref<1x40x128xf32, #tpu.memory_space<hbm>>
        %dma_wait3A_1792 = tpu.memref_squeeze %dma_wait3A_1791 : memref<1x40x128xf32, #tpu.memory_space<hbm>> -> memref<40x128xf32, #tpu.memory_space<hbm>>
        %dma_wait3A_1793 = arith.constant 0 : i32
        %dma_wait3A_1794 = tpu.memref_slice %arg5[%dma_wait3A_1785, %mul3A_1767, %dma_wait3A_1793] : memref<2x50000x128xf32, #tpu.memory_space<hbm>> -> memref<1x40x128xf32, #tpu.memory_space<hbm>>
        %dma_wait3A_1795 = tpu.memref_squeeze %dma_wait3A_1794 : memref<1x40x128xf32, #tpu.memory_space<hbm>> -> memref<40x128xf32, #tpu.memory_space<hbm>>
        %dma_wait3A_1796 = arith.constant 0 : i32
        %dma_wait3A_1797 = arith.constant 0 : i32
        %dma_wait3A_1798 = tpu.memref_slice %arg14[%dma_wait3A_1784, %dma_wait3A_1796, %dma_wait3A_1797] : memref<2x40x128xf32, #tpu.memory_space<vmem>> -> memref<1x40x128xf32, #tpu.memory_space<vmem>>
        %dma_wait3A_1799 = tpu.memref_squeeze %dma_wait3A_1798 : memref<1x40x128xf32, #tpu.memory_space<vmem>> -> memref<40x128xf32, #tpu.memory_space<vmem>>
        tpu.wait_dma2 semaphore(%arg18 : memref<!tpu.dma_semaphore, #tpu.memory_space<semaphore_mem>>) src(%dma_wait3A_1799 : memref<40x128xf32, #tpu.memory_space<vmem>>) dst(%dma_wait3A_1795 : memref<40x128xf32, #tpu.memory_space<hbm>>)
      } else {
      }
      %get3A = arith.constant 0 : index
      %get3A_963 = tpu.vector_load %arg8[%get3A] {strides = array<i32>} : memref<192xf32, #tpu.memory_space<vmem>>, vector<16xf32>,
      %get3A_964 = vector.shape_cast %get3A_963 : vector<16xf32> to vector<16xf32>
      %get3A_965 = arith.constant 48 : index
      %get3A_966 = tpu.vector_load %arg8[%get3A_965] {strides = array<i32>} : memref<192xf32, #tpu.memory_space<vmem>>, vector<16xf32>,
      %get3A_967 = vector.shape_cast %get3A_966 : vector<16xf32> to vector<16xf32>
      %get3A_968 = arith.constant 96 : index
      %get3A_969 = tpu.vector_load %arg8[%get3A_968] {strides = array<i32>} : memref<192xf32, #tpu.memory_space<vmem>>, vector<16xf32>,
      %get3A_970 = vector.shape_cast %get3A_969 : vector<16xf32> to vector<16xf32>
      %get3A_971 = arith.constant 144 : index
      %get3A_972 = tpu.vector_load %arg8[%get3A_971] {strides = array<i32>} : memref<192xf32, #tpu.memory_space<vmem>>, vector<16xf32>,
      %get3A_973 = vector.shape_cast %get3A_972 : vector<16xf32> to vector<16xf32>
      %max3A = arith.maximumf %get3A_964, %get3A_967 : vector<16xf32>
      %max3A_974 = arith.maximumf %get3A_970, %get3A_973 : vector<16xf32>
      %max3A_975 = arith.maximumf %max3A, %max3A_974 : vector<16xf32>
      %sub3A = arith.subf %get3A_964, %max3A_975 : vector<16xf32>
      %exp3A = math.exp %sub3A : vector<16xf32>
      %sub3A_976 = arith.subf %get3A_967, %max3A_975 : vector<16xf32>
      %exp3A_977 = math.exp %sub3A_976 : vector<16xf32>
      %sub3A_978 = arith.subf %get3A_970, %max3A_975 : vector<16xf32>
      %exp3A_979 = math.exp %sub3A_978 : vector<16xf32>
      %sub3A_980 = arith.subf %get3A_973, %max3A_975 : vector<16xf32>
      %exp3A_981 = math.exp %sub3A_980 : vector<16xf32>
      %add3A_982 = arith.addf %exp3A, %exp3A_977 : vector<16xf32>
      %add3A_983 = arith.addf %add3A_982, %exp3A_979 : vector<16xf32>
      %add3A_984 = arith.addf %add3A_983, %exp3A_981 : vector<16xf32>
      %div3A = arith.constant 1.000000e+00 : f32
      %div3A_985 = vector.broadcast %div3A : f32 to vector<16xf32>
      %div3A_986 = arith.divf %div3A_985, %add3A_984 : vector<16xf32>
      %mul3A_987 = arith.mulf %exp3A, %div3A_986 : vector<16xf32>
      %swap3A = arith.constant 0 : index
      %swap3A_988 = tpu.vector_load %arg10[%swap3A] {strides = array<i32>} : memref<208xf32, #tpu.memory_space<vmem>>, vector<16xf32>,
      %swap3A_989 = vector.shape_cast %swap3A_988 : vector<16xf32> to vector<16xf32>
      %swap3A_990 = vector.shape_cast %mul3A_987 : vector<16xf32> to vector<16xf32>
      tpu.vector_store %arg10[%swap3A], %swap3A_990 {strides = array<i32>} : memref<208xf32, #tpu.memory_space<vmem>>, vector<16xf32>,
      %mul3A_991 = arith.mulf %exp3A_977, %div3A_986 : vector<16xf32>
      %swap3A_992 = arith.constant 48 : index
      %swap3A_993 = tpu.vector_load %arg10[%swap3A_992] {strides = array<i32>} : memref<208xf32, #tpu.memory_space<vmem>>, vector<16xf32>,
      %swap3A_994 = vector.shape_cast %swap3A_993 : vector<16xf32> to vector<16xf32>
      %swap3A_995 = vector.shape_cast %mul3A_991 : vector<16xf32> to vector<16xf32>
      tpu.vector_store %arg10[%swap3A_992], %swap3A_995 {strides = array<i32>} : memref<208xf32, #tpu.memory_space<vmem>>, vector<16xf32>,
      %mul3A_996 = arith.mulf %exp3A_979, %div3A_986 : vector<16xf32>
      %swap3A_997 = arith.constant 96 : index
      %swap3A_998 = tpu.vector_load %arg10[%swap3A_997] {strides = array<i32>} : memref<208xf32, #tpu.memory_space<vmem>>, vector<16xf32>,
      %swap3A_999 = vector.shape_cast %swap3A_998 : vector<16xf32> to vector<16xf32>
      %swap3A_1000 = vector.shape_cast %mul3A_996 : vector<16xf32> to vector<16xf32>
      tpu.vector_store %arg10[%swap3A_997], %swap3A_1000 {strides = array<i32>} : memref<208xf32, #tpu.memory_space<vmem>>, vector<16xf32>,
      %mul3A_1001 = arith.mulf %exp3A_981, %div3A_986 : vector<16xf32>
      %swap3A_1002 = arith.constant 144 : index
      %swap3A_1003 = tpu.vector_load %arg10[%swap3A_1002] {strides = array<i32>} : memref<208xf32, #tpu.memory_space<vmem>>, vector<16xf32>,
      %swap3A_1004 = vector.shape_cast %swap3A_1003 : vector<16xf32> to vector<16xf32>
      %swap3A_1005 = vector.shape_cast %mul3A_1001 : vector<16xf32> to vector<16xf32>
      tpu.vector_store %arg10[%swap3A_1002], %swap3A_1005 {strides = array<i32>} : memref<208xf32, #tpu.memory_space<vmem>>, vector<16xf32>,
      %get3A_1006 = arith.constant 16 : index
      %get3A_1007 = tpu.vector_load %arg8[%get3A_1006] {strides = array<i32>} : memref<192xf32, #tpu.memory_space<vmem>>, vector<16xf32>,
      %get3A_1008 = vector.shape_cast %get3A_1007 : vector<16xf32> to vector<16xf32>
      %get3A_1009 = arith.constant 64 : index
      %get3A_1010 = tpu.vector_load %arg8[%get3A_1009] {strides = array<i32>} : memref<192xf32, #tpu.memory_space<vmem>>, vector<16xf32>,
      %get3A_1011 = vector.shape_cast %get3A_1010 : vector<16xf32> to vector<16xf32>
      %get3A_1012 = arith.constant 112 : index
      %get3A_1013 = tpu.vector_load %arg8[%get3A_1012] {strides = array<i32>} : memref<192xf32, #tpu.memory_space<vmem>>, vector<16xf32>,
      %get3A_1014 = vector.shape_cast %get3A_1013 : vector<16xf32> to vector<16xf32>
      %get3A_1015 = arith.constant 160 : index
      %get3A_1016 = tpu.vector_load %arg8[%get3A_1015] {strides = array<i32>} : memref<192xf32, #tpu.memory_space<vmem>>, vector<16xf32>,
      %get3A_1017 = vector.shape_cast %get3A_1016 : vector<16xf32> to vector<16xf32>
      %max3A_1018 = arith.maximumf %get3A_1008, %get3A_1011 : vector<16xf32>
      %max3A_1019 = arith.maximumf %get3A_1014, %get3A_1017 : vector<16xf32>
      %max3A_1020 = arith.maximumf %max3A_1018, %max3A_1019 : vector<16xf32>
      %sub3A_1021 = arith.subf %get3A_1008, %max3A_1020 : vector<16xf32>
      %exp3A_1022 = math.exp %sub3A_1021 : vector<16xf32>
      %sub3A_1023 = arith.subf %get3A_1011, %max3A_1020 : vector<16xf32>
      %exp3A_1024 = math.exp %sub3A_1023 : vector<16xf32>
      %sub3A_1025 = arith.subf %get3A_1014, %max3A_1020 : vector<16xf32>
      %exp3A_1026 = math.exp %sub3A_1025 : vector<16xf32>
      %sub3A_1027 = arith.subf %get3A_1017, %max3A_1020 : vector<16xf32>
      %exp3A_1028 = math.exp %sub3A_1027 : vector<16xf32>
      %add3A_1029 = arith.addf %exp3A_1022, %exp3A_1024 : vector<16xf32>
      %add3A_1030 = arith.addf %add3A_1029, %exp3A_1026 : vector<16xf32>
      %add3A_1031 = arith.addf %add3A_1030, %exp3A_1028 : vector<16xf32>
      %div3A_1032 = arith.constant 1.000000e+00 : f32
      %div3A_1033 = vector.broadcast %div3A_1032 : f32 to vector<16xf32>
      %div3A_1034 = arith.divf %div3A_1033, %add3A_1031 : vector<16xf32>
      %mul3A_1035 = arith.mulf %exp3A_1022, %div3A_1034 : vector<16xf32>
      %swap3A_1036 = arith.constant 16 : index
      %swap3A_1037 = tpu.vector_load %arg10[%swap3A_1036] {strides = array<i32>} : memref<208xf32, #tpu.memory_space<vmem>>, vector<16xf32>,
      %swap3A_1038 = vector.shape_cast %swap3A_1037 : vector<16xf32> to vector<16xf32>
      %swap3A_1039 = vector.shape_cast %mul3A_1035 : vector<16xf32> to vector<16xf32>
      tpu.vector_store %arg10[%swap3A_1036], %swap3A_1039 {strides = array<i32>} : memref<208xf32, #tpu.memory_space<vmem>>, vector<16xf32>,
      %mul3A_1040 = arith.mulf %exp3A_1024, %div3A_1034 : vector<16xf32>
      %swap3A_1041 = arith.constant 64 : index
      %swap3A_1042 = tpu.vector_load %arg10[%swap3A_1041] {strides = array<i32>} : memref<208xf32, #tpu.memory_space<vmem>>, vector<16xf32>,
      %swap3A_1043 = vector.shape_cast %swap3A_1042 : vector<16xf32> to vector<16xf32>
      %swap3A_1044 = vector.shape_cast %mul3A_1040 : vector<16xf32> to vector<16xf32>
      tpu.vector_store %arg10[%swap3A_1041], %swap3A_1044 {strides = array<i32>} : memref<208xf32, #tpu.memory_space<vmem>>, vector<16xf32>,
      %mul3A_1045 = arith.mulf %exp3A_1026, %div3A_1034 : vector<16xf32>
      %swap3A_1046 = arith.constant 112 : index
      %swap3A_1047 = tpu.vector_load %arg10[%swap3A_1046] {strides = array<i32>} : memref<208xf32, #tpu.memory_space<vmem>>, vector<16xf32>,
      %swap3A_1048 = vector.shape_cast %swap3A_1047 : vector<16xf32> to vector<16xf32>
      %swap3A_1049 = vector.shape_cast %mul3A_1045 : vector<16xf32> to vector<16xf32>
      tpu.vector_store %arg10[%swap3A_1046], %swap3A_1049 {strides = array<i32>} : memref<208xf32, #tpu.memory_space<vmem>>, vector<16xf32>,
      %mul3A_1050 = arith.mulf %exp3A_1028, %div3A_1034 : vector<16xf32>
      %swap3A_1051 = arith.constant 160 : index
      %swap3A_1052 = tpu.vector_load %arg10[%swap3A_1051] {strides = array<i32>} : memref<208xf32, #tpu.memory_space<vmem>>, vector<16xf32>,
      %swap3A_1053 = vector.shape_cast %swap3A_1052 : vector<16xf32> to vector<16xf32>
      %swap3A_1054 = vector.shape_cast %mul3A_1050 : vector<16xf32> to vector<16xf32>
      tpu.vector_store %arg10[%swap3A_1051], %swap3A_1054 {strides = array<i32>} : memref<208xf32, #tpu.memory_space<vmem>>, vector<16xf32>,
      %get3A_1055 = arith.constant 32 : index
      %get3A_1056 = tpu.vector_load %arg8[%get3A_1055] {strides = array<i32>} : memref<192xf32, #tpu.memory_space<vmem>>, vector<16xf32>,
      %get3A_1057 = vector.shape_cast %get3A_1056 : vector<16xf32> to vector<16xf32>
      %get3A_1058 = arith.constant 80 : index
      %get3A_1059 = tpu.vector_load %arg8[%get3A_1058] {strides = array<i32>} : memref<192xf32, #tpu.memory_space<vmem>>, vector<16xf32>,
      %get3A_1060 = vector.shape_cast %get3A_1059 : vector<16xf32> to vector<16xf32>
      %get3A_1061 = arith.constant 128 : index
      %get3A_1062 = tpu.vector_load %arg8[%get3A_1061] {strides = array<i32>} : memref<192xf32, #tpu.memory_space<vmem>>, vector<16xf32>,
      %get3A_1063 = vector.shape_cast %get3A_1062 : vector<16xf32> to vector<16xf32>
      %get3A_1064 = arith.constant 176 : index
      %get3A_1065 = tpu.vector_load %arg8[%get3A_1064] {strides = array<i32>} : memref<192xf32, #tpu.memory_space<vmem>>, vector<16xf32>,
      %get3A_1066 = vector.shape_cast %get3A_1065 : vector<16xf32> to vector<16xf32>
      %max3A_1067 = arith.maximumf %get3A_1057, %get3A_1060 : vector<16xf32>
      %max3A_1068 = arith.maximumf %get3A_1063, %get3A_1066 : vector<16xf32>
      %max3A_1069 = arith.maximumf %max3A_1067, %max3A_1068 : vector<16xf32>
      %sub3A_1070 = arith.subf %get3A_1057, %max3A_1069 : vector<16xf32>
      %exp3A_1071 = math.exp %sub3A_1070 : vector<16xf32>
      %sub3A_1072 = arith.subf %get3A_1060, %max3A_1069 : vector<16xf32>
      %exp3A_1073 = math.exp %sub3A_1072 : vector<16xf32>
      %sub3A_1074 = arith.subf %get3A_1063, %max3A_1069 : vector<16xf32>
      %exp3A_1075 = math.exp %sub3A_1074 : vector<16xf32>
      %sub3A_1076 = arith.subf %get3A_1066, %max3A_1069 : vector<16xf32>
      %exp3A_1077 = math.exp %sub3A_1076 : vector<16xf32>
      %add3A_1078 = arith.addf %exp3A_1071, %exp3A_1073 : vector<16xf32>
      %add3A_1079 = arith.addf %add3A_1078, %exp3A_1075 : vector<16xf32>
      %add3A_1080 = arith.addf %add3A_1079, %exp3A_1077 : vector<16xf32>
      %div3A_1081 = arith.constant 1.000000e+00 : f32
      %div3A_1082 = vector.broadcast %div3A_1081 : f32 to vector<16xf32>
      %div3A_1083 = arith.divf %div3A_1082, %add3A_1080 : vector<16xf32>
      %mul3A_1084 = arith.mulf %exp3A_1071, %div3A_1083 : vector<16xf32>
      %swap3A_1085 = arith.constant 32 : index
      %swap3A_1086 = tpu.vector_load %arg10[%swap3A_1085] {strides = array<i32>} : memref<208xf32, #tpu.memory_space<vmem>>, vector<16xf32>,
      %swap3A_1087 = vector.shape_cast %swap3A_1086 : vector<16xf32> to vector<16xf32>
      %swap3A_1088 = vector.shape_cast %mul3A_1084 : vector<16xf32> to vector<16xf32>
      tpu.vector_store %arg10[%swap3A_1085], %swap3A_1088 {strides = array<i32>} : memref<208xf32, #tpu.memory_space<vmem>>, vector<16xf32>,
      %mul3A_1089 = arith.mulf %exp3A_1073, %div3A_1083 : vector<16xf32>
      %swap3A_1090 = arith.constant 80 : index
      %swap3A_1091 = tpu.vector_load %arg10[%swap3A_1090] {strides = array<i32>} : memref<208xf32, #tpu.memory_space<vmem>>, vector<16xf32>,
      %swap3A_1092 = vector.shape_cast %swap3A_1091 : vector<16xf32> to vector<16xf32>
      %swap3A_1093 = vector.shape_cast %mul3A_1089 : vector<16xf32> to vector<16xf32>
      tpu.vector_store %arg10[%swap3A_1090], %swap3A_1093 {strides = array<i32>} : memref<208xf32, #tpu.memory_space<vmem>>, vector<16xf32>,
      %mul3A_1094 = arith.mulf %exp3A_1075, %div3A_1083 : vector<16xf32>
      %swap3A_1095 = arith.constant 128 : index
      %swap3A_1096 = tpu.vector_load %arg10[%swap3A_1095] {strides = array<i32>} : memref<208xf32, #tpu.memory_space<vmem>>, vector<16xf32>,
      %swap3A_1097 = vector.shape_cast %swap3A_1096 : vector<16xf32> to vector<16xf32>
      %swap3A_1098 = vector.shape_cast %mul3A_1094 : vector<16xf32> to vector<16xf32>
      tpu.vector_store %arg10[%swap3A_1095], %swap3A_1098 {strides = array<i32>} : memref<208xf32, #tpu.memory_space<vmem>>, vector<16xf32>,
      %mul3A_1099 = arith.mulf %exp3A_1077, %div3A_1083 : vector<16xf32>
      %swap3A_1100 = arith.constant 176 : index
      %swap3A_1101 = tpu.vector_load %arg10[%swap3A_1100] {strides = array<i32>} : memref<208xf32, #tpu.memory_space<vmem>>, vector<16xf32>,
      %swap3A_1102 = vector.shape_cast %swap3A_1101 : vector<16xf32> to vector<16xf32>
      %swap3A_1103 = vector.shape_cast %mul3A_1099 : vector<16xf32> to vector<16xf32>
      tpu.vector_store %arg10[%swap3A_1100], %swap3A_1103 {strides = array<i32>} : memref<208xf32, #tpu.memory_space<vmem>>, vector<16xf32>,
      %scan3A_1104 = arith.constant 0 : i32
      %scan3A_1105 = arith.constant 0 : i32
      %scan3A_1106 = arith.constant 40 : i32
      %scan3A_1107 = arith.addi %scan3A_1105, %scan3A_1106 : i32
      %scan3A_1108 = arith.constant 1 : i32
      scf.for %scan3A_1764 = %scan3A_1105 to %scan3A_1107 step %scan3A_1108  : i32 {
        %add3A_1765 = arith.constant 0 : i32
        %add3A_1766 = arith.addi %add3A_1765, %scan3A_1764 : i32
        %get3A_1767 = arith.index_cast %add3A_1766 : i32 to index
        %get3A_1768 = tpu.vector_load %arg10[%get3A_1767] {strides = array<i32>} : memref<208xf32, #tpu.memory_space<vmem>>, vector<16xf32>,
        %get3A_1769 = vector.shape_cast %get3A_1768 : vector<16xf32> to vector<16xf32>
        %slice3A = vector.extract_strided_slice %get3A_1769 {offsets = [0], sizes = [1], strides = [1]} : vector<16xf32> to vector<1xf32>
        %squeeze3A = vector.extract %slice3A[0] : f32 from vector<1xf32>
        %add3A_1770 = arith.constant 48 : i32
        %add3A_1771 = arith.addi %add3A_1770, %scan3A_1764 : i32
        %get3A_1772 = arith.index_cast %add3A_1771 : i32 to index
        %get3A_1773 = tpu.vector_load %arg10[%get3A_1772] {strides = array<i32>} : memref<208xf32, #tpu.memory_space<vmem>>, vector<16xf32>,
        %get3A_1774 = vector.shape_cast %get3A_1773 : vector<16xf32> to vector<16xf32>
        %slice3A_1775 = vector.extract_strided_slice %get3A_1774 {offsets = [0], sizes = [1], strides = [1]} : vector<16xf32> to vector<1xf32>
        %squeeze3A_1776 = vector.extract %slice3A_1775[0] : f32 from vector<1xf32>
        %add3A_1777 = arith.constant 96 : i32
        %add3A_1778 = arith.addi %add3A_1777, %scan3A_1764 : i32
        %get3A_1779 = arith.index_cast %add3A_1778 : i32 to index
        %get3A_1780 = tpu.vector_load %arg10[%get3A_1779] {strides = array<i32>} : memref<208xf32, #tpu.memory_space<vmem>>, vector<16xf32>,
        %get3A_1781 = vector.shape_cast %get3A_1780 : vector<16xf32> to vector<16xf32>
        %slice3A_1782 = vector.extract_strided_slice %get3A_1781 {offsets = [0], sizes = [1], strides = [1]} : vector<16xf32> to vector<1xf32>
        %squeeze3A_1783 = vector.extract %slice3A_1782[0] : f32 from vector<1xf32>
        %add3A_1784 = arith.constant 144 : i32
        %add3A_1785 = arith.addi %add3A_1784, %scan3A_1764 : i32
        %get3A_1786 = arith.index_cast %add3A_1785 : i32 to index
        %get3A_1787 = tpu.vector_load %arg10[%get3A_1786] {strides = array<i32>} : memref<208xf32, #tpu.memory_space<vmem>>, vector<16xf32>,
        %get3A_1788 = vector.shape_cast %get3A_1787 : vector<16xf32> to vector<16xf32>
        %slice3A_1789 = vector.extract_strided_slice %get3A_1788 {offsets = [0], sizes = [1], strides = [1]} : vector<16xf32> to vector<1xf32>
        %squeeze3A_1790 = vector.extract %slice3A_1789[0] : f32 from vector<1xf32>
        %get3A_1791 = arith.constant 0 : i32
        %get3A_1792 = arith.index_cast %get3A_1791 : i32 to index
        %get3A_1793 = arith.index_cast %scan3A_1764 : i32 to index
        %get3A_1794 = arith.constant 0 : index
        %get3A_1795 = tpu.vector_load %arg12[%get3A_1792, %get3A_1793, %get3A_1794] {strides = array<i32>} : memref<2x160x128xf32, #tpu.memory_space<vmem>>, vector<1x1x16xf32>,
        %get3A_1796 = vector.shape_cast %get3A_1795 : vector<1x1x16xf32> to vector<16xf32>
        %mul3A_1797 = vector.broadcast %squeeze3A : f32 to vector<16xf32>
        %mul3A_1798 = arith.mulf %mul3A_1797, %get3A_1796 : vector<16xf32>
        %add3A_1799 = arith.constant 40 : i32
        %add3A_1800 = arith.addi %add3A_1799, %scan3A_1764 : i32
        %get3A_1801 = arith.constant 0 : i32
        %get3A_1802 = arith.index_cast %get3A_1801 : i32 to index
        %get3A_1803 = arith.index_cast %add3A_1800 : i32 to index
        %get3A_1804 = arith.constant 0 : index
        %get3A_1805 = tpu.vector_load %arg12[%get3A_1802, %get3A_1803, %get3A_1804] {strides = array<i32>} : memref<2x160x128xf32, #tpu.memory_space<vmem>>, vector<1x1x16xf32>,
        %get3A_1806 = vector.shape_cast %get3A_1805 : vector<1x1x16xf32> to vector<16xf32>
        %mul3A_1807 = vector.broadcast %squeeze3A_1776 : f32 to vector<16xf32>
        %mul3A_1808 = arith.mulf %mul3A_1807, %get3A_1806 : vector<16xf32>
        %add3A_1809 = arith.addf %mul3A_1798, %mul3A_1808 : vector<16xf32>
        %add3A_1810 = arith.constant 80 : i32
        %add3A_1811 = arith.addi %add3A_1810, %scan3A_1764 : i32
        %get3A_1812 = arith.constant 0 : i32
        %get3A_1813 = arith.index_cast %get3A_1812 : i32 to index
        %get3A_1814 = arith.index_cast %add3A_1811 : i32 to index
        %get3A_1815 = arith.constant 0 : index
        %get3A_1816 = tpu.vector_load %arg12[%get3A_1813, %get3A_1814, %get3A_1815] {strides = array<i32>} : memref<2x160x128xf32, #tpu.memory_space<vmem>>, vector<1x1x16xf32>,
        %get3A_1817 = vector.shape_cast %get3A_1816 : vector<1x1x16xf32> to vector<16xf32>
        %mul3A_1818 = vector.broadcast %squeeze3A_1783 : f32 to vector<16xf32>
        %mul3A_1819 = arith.mulf %mul3A_1818, %get3A_1817 : vector<16xf32>
        %add3A_1820 = arith.addf %add3A_1809, %mul3A_1819 : vector<16xf32>
        %add3A_1821 = arith.constant 120 : i32
        %add3A_1822 = arith.addi %add3A_1821, %scan3A_1764 : i32
        %get3A_1823 = arith.constant 0 : i32
        %get3A_1824 = arith.index_cast %get3A_1823 : i32 to index
        %get3A_1825 = arith.index_cast %add3A_1822 : i32 to index
        %get3A_1826 = arith.constant 0 : index
        %get3A_1827 = tpu.vector_load %arg12[%get3A_1824, %get3A_1825, %get3A_1826] {strides = array<i32>} : memref<2x160x128xf32, #tpu.memory_space<vmem>>, vector<1x1x16xf32>,
        %get3A_1828 = vector.shape_cast %get3A_1827 : vector<1x1x16xf32> to vector<16xf32>
        %mul3A_1829 = vector.broadcast %squeeze3A_1790 : f32 to vector<16xf32>
        %mul3A_1830 = arith.mulf %mul3A_1829, %get3A_1828 : vector<16xf32>
        %add3A_1831 = arith.addf %add3A_1820, %mul3A_1830 : vector<16xf32>
        %swap3A_1832 = arith.constant 0 : i32
        %swap3A_1833 = arith.index_cast %swap3A_1832 : i32 to index
        %swap3A_1834 = arith.index_cast %scan3A_1764 : i32 to index
        %swap3A_1835 = arith.constant 0 : index
        %swap3A_1836 = tpu.vector_load %arg14[%swap3A_1833, %swap3A_1834, %swap3A_1835] {strides = array<i32>} : memref<2x40x128xf32, #tpu.memory_space<vmem>>, vector<1x1x16xf32>,
        %swap3A_1837 = vector.shape_cast %swap3A_1836 : vector<1x1x16xf32> to vector<16xf32>
        %swap3A_1838 = vector.shape_cast %add3A_1831 : vector<16xf32> to vector<1x1x16xf32>
        tpu.vector_store %arg14[%swap3A_1833, %swap3A_1834, %swap3A_1835], %swap3A_1838 {strides = array<i32>} : memref<2x40x128xf32, #tpu.memory_space<vmem>>, vector<1x1x16xf32>,
        %get3A_1839 = arith.constant 0 : i32
        %get3A_1840 = arith.index_cast %get3A_1839 : i32 to index
        %get3A_1841 = arith.index_cast %scan3A_1764 : i32 to index
        %get3A_1842 = arith.constant 16 : index
        %get3A_1843 = tpu.vector_load %arg12[%get3A_1840, %get3A_1841, %get3A_1842] {strides = array<i32>} : memref<2x160x128xf32, #tpu.memory_space<vmem>>, vector<1x1x16xf32>,
        %get3A_1844 = vector.shape_cast %get3A_1843 : vector<1x1x16xf32> to vector<16xf32>
        %mul3A_1845 = vector.broadcast %squeeze3A : f32 to vector<16xf32>
        %mul3A_1846 = arith.mulf %mul3A_1845, %get3A_1844 : vector<16xf32>
        %add3A_1847 = arith.constant 40 : i32
        %add3A_1848 = arith.addi %add3A_1847, %scan3A_1764 : i32
        %get3A_1849 = arith.constant 0 : i32
        %get3A_1850 = arith.index_cast %get3A_1849 : i32 to index
        %get3A_1851 = arith.index_cast %add3A_1848 : i32 to index
        %get3A_1852 = arith.constant 16 : index
        %get3A_1853 = tpu.vector_load %arg12[%get3A_1850, %get3A_1851, %get3A_1852] {strides = array<i32>} : memref<2x160x128xf32, #tpu.memory_space<vmem>>, vector<1x1x16xf32>,
        %get3A_1854 = vector.shape_cast %get3A_1853 : vector<1x1x16xf32> to vector<16xf32>
        %mul3A_1855 = vector.broadcast %squeeze3A_1776 : f32 to vector<16xf32>
        %mul3A_1856 = arith.mulf %mul3A_1855, %get3A_1854 : vector<16xf32>
        %add3A_1857 = arith.addf %mul3A_1846, %mul3A_1856 : vector<16xf32>
        %add3A_1858 = arith.constant 80 : i32
        %add3A_1859 = arith.addi %add3A_1858, %scan3A_1764 : i32
        %get3A_1860 = arith.constant 0 : i32
        %get3A_1861 = arith.index_cast %get3A_1860 : i32 to index
        %get3A_1862 = arith.index_cast %add3A_1859 : i32 to index
        %get3A_1863 = arith.constant 16 : index
        %get3A_1864 = tpu.vector_load %arg12[%get3A_1861, %get3A_1862, %get3A_1863] {strides = array<i32>} : memref<2x160x128xf32, #tpu.memory_space<vmem>>, vector<1x1x16xf32>,
        %get3A_1865 = vector.shape_cast %get3A_1864 : vector<1x1x16xf32> to vector<16xf32>
        %mul3A_1866 = vector.broadcast %squeeze3A_1783 : f32 to vector<16xf32>
        %mul3A_1867 = arith.mulf %mul3A_1866, %get3A_1865 : vector<16xf32>
        %add3A_1868 = arith.addf %add3A_1857, %mul3A_1867 : vector<16xf32>
        %add3A_1869 = arith.constant 120 : i32
        %add3A_1870 = arith.addi %add3A_1869, %scan3A_1764 : i32
        %get3A_1871 = arith.constant 0 : i32
        %get3A_1872 = arith.index_cast %get3A_1871 : i32 to index
        %get3A_1873 = arith.index_cast %add3A_1870 : i32 to index
        %get3A_1874 = arith.constant 16 : index
        %get3A_1875 = tpu.vector_load %arg12[%get3A_1872, %get3A_1873, %get3A_1874] {strides = array<i32>} : memref<2x160x128xf32, #tpu.memory_space<vmem>>, vector<1x1x16xf32>,
        %get3A_1876 = vector.shape_cast %get3A_1875 : vector<1x1x16xf32> to vector<16xf32>
        %mul3A_1877 = vector.broadcast %squeeze3A_1790 : f32 to vector<16xf32>
        %mul3A_1878 = arith.mulf %mul3A_1877, %get3A_1876 : vector<16xf32>
        %add3A_1879 = arith.addf %add3A_1868, %mul3A_1878 : vector<16xf32>
        %swap3A_1880 = arith.constant 0 : i32
        %swap3A_1881 = arith.index_cast %swap3A_1880 : i32 to index
        %swap3A_1882 = arith.index_cast %scan3A_1764 : i32 to index
        %swap3A_1883 = arith.constant 16 : index
        %swap3A_1884 = tpu.vector_load %arg14[%swap3A_1881, %swap3A_1882, %swap3A_1883] {strides = array<i32>} : memref<2x40x128xf32, #tpu.memory_space<vmem>>, vector<1x1x16xf32>,
        %swap3A_1885 = vector.shape_cast %swap3A_1884 : vector<1x1x16xf32> to vector<16xf32>
        %swap3A_1886 = vector.shape_cast %add3A_1879 : vector<16xf32> to vector<1x1x16xf32>
        tpu.vector_store %arg14[%swap3A_1881, %swap3A_1882, %swap3A_1883], %swap3A_1886 {strides = array<i32>} : memref<2x40x128xf32, #tpu.memory_space<vmem>>, vector<1x1x16xf32>,
        %get3A_1887 = arith.constant 0 : i32
        %get3A_1888 = arith.index_cast %get3A_1887 : i32 to index
        %get3A_1889 = arith.index_cast %scan3A_1764 : i32 to index
        %get3A_1890 = arith.constant 32 : index
        %get3A_1891 = tpu.vector_load %arg12[%get3A_1888, %get3A_1889, %get3A_1890] {strides = array<i32>} : memref<2x160x128xf32, #tpu.memory_space<vmem>>, vector<1x1x16xf32>,
        %get3A_1892 = vector.shape_cast %get3A_1891 : vector<1x1x16xf32> to vector<16xf32>
        %mul3A_1893 = vector.broadcast %squeeze3A : f32 to vector<16xf32>
        %mul3A_1894 = arith.mulf %mul3A_1893, %get3A_1892 : vector<16xf32>
        %add3A_1895 = arith.constant 40 : i32
        %add3A_1896 = arith.addi %add3A_1895, %scan3A_1764 : i32
        %get3A_1897 = arith.constant 0 : i32
        %get3A_1898 = arith.index_cast %get3A_1897 : i32 to index
        %get3A_1899 = arith.index_cast %add3A_1896 : i32 to index
        %get3A_1900 = arith.constant 32 : index
        %get3A_1901 = tpu.vector_load %arg12[%get3A_1898, %get3A_1899, %get3A_1900] {strides = array<i32>} : memref<2x160x128xf32, #tpu.memory_space<vmem>>, vector<1x1x16xf32>,
        %get3A_1902 = vector.shape_cast %get3A_1901 : vector<1x1x16xf32> to vector<16xf32>
        %mul3A_1903 = vector.broadcast %squeeze3A_1776 : f32 to vector<16xf32>
        %mul3A_1904 = arith.mulf %mul3A_1903, %get3A_1902 : vector<16xf32>
        %add3A_1905 = arith.addf %mul3A_1894, %mul3A_1904 : vector<16xf32>
        %add3A_1906 = arith.constant 80 : i32
        %add3A_1907 = arith.addi %add3A_1906, %scan3A_1764 : i32
        %get3A_1908 = arith.constant 0 : i32
        %get3A_1909 = arith.index_cast %get3A_1908 : i32 to index
        %get3A_1910 = arith.index_cast %add3A_1907 : i32 to index
        %get3A_1911 = arith.constant 32 : index
        %get3A_1912 = tpu.vector_load %arg12[%get3A_1909, %get3A_1910, %get3A_1911] {strides = array<i32>} : memref<2x160x128xf32, #tpu.memory_space<vmem>>, vector<1x1x16xf32>,
        %get3A_1913 = vector.shape_cast %get3A_1912 : vector<1x1x16xf32> to vector<16xf32>
        %mul3A_1914 = vector.broadcast %squeeze3A_1783 : f32 to vector<16xf32>
        %mul3A_1915 = arith.mulf %mul3A_1914, %get3A_1913 : vector<16xf32>
        %add3A_1916 = arith.addf %add3A_1905, %mul3A_1915 : vector<16xf32>
        %add3A_1917 = arith.constant 120 : i32
        %add3A_1918 = arith.addi %add3A_1917, %scan3A_1764 : i32
        %get3A_1919 = arith.constant 0 : i32
        %get3A_1920 = arith.index_cast %get3A_1919 : i32 to index
        %get3A_1921 = arith.index_cast %add3A_1918 : i32 to index
        %get3A_1922 = arith.constant 32 : index
        %get3A_1923 = tpu.vector_load %arg12[%get3A_1920, %get3A_1921, %get3A_1922] {strides = array<i32>} : memref<2x160x128xf32, #tpu.memory_space<vmem>>, vector<1x1x16xf32>,
        %get3A_1924 = vector.shape_cast %get3A_1923 : vector<1x1x16xf32> to vector<16xf32>
        %mul3A_1925 = vector.broadcast %squeeze3A_1790 : f32 to vector<16xf32>
        %mul3A_1926 = arith.mulf %mul3A_1925, %get3A_1924 : vector<16xf32>
        %add3A_1927 = arith.addf %add3A_1916, %mul3A_1926 : vector<16xf32>
        %swap3A_1928 = arith.constant 0 : i32
        %swap3A_1929 = arith.index_cast %swap3A_1928 : i32 to index
        %swap3A_1930 = arith.index_cast %scan3A_1764 : i32 to index
        %swap3A_1931 = arith.constant 32 : index
        %swap3A_1932 = tpu.vector_load %arg14[%swap3A_1929, %swap3A_1930, %swap3A_1931] {strides = array<i32>} : memref<2x40x128xf32, #tpu.memory_space<vmem>>, vector<1x1x16xf32>,
        %swap3A_1933 = vector.shape_cast %swap3A_1932 : vector<1x1x16xf32> to vector<16xf32>
        %swap3A_1934 = vector.shape_cast %add3A_1927 : vector<16xf32> to vector<1x1x16xf32>
        tpu.vector_store %arg14[%swap3A_1929, %swap3A_1930, %swap3A_1931], %swap3A_1934 {strides = array<i32>} : memref<2x40x128xf32, #tpu.memory_space<vmem>>, vector<1x1x16xf32>,
        %get3A_1935 = arith.constant 0 : i32
        %get3A_1936 = arith.index_cast %get3A_1935 : i32 to index
        %get3A_1937 = arith.index_cast %scan3A_1764 : i32 to index
        %get3A_1938 = arith.constant 48 : index
        %get3A_1939 = tpu.vector_load %arg12[%get3A_1936, %get3A_1937, %get3A_1938] {strides = array<i32>} : memref<2x160x128xf32, #tpu.memory_space<vmem>>, vector<1x1x16xf32>,
        %get3A_1940 = vector.shape_cast %get3A_1939 : vector<1x1x16xf32> to vector<16xf32>
        %mul3A_1941 = vector.broadcast %squeeze3A : f32 to vector<16xf32>
        %mul3A_1942 = arith.mulf %mul3A_1941, %get3A_1940 : vector<16xf32>
        %add3A_1943 = arith.constant 40 : i32
        %add3A_1944 = arith.addi %add3A_1943, %scan3A_1764 : i32
        %get3A_1945 = arith.constant 0 : i32
        %get3A_1946 = arith.index_cast %get3A_1945 : i32 to index
        %get3A_1947 = arith.index_cast %add3A_1944 : i32 to index
        %get3A_1948 = arith.constant 48 : index
        %get3A_1949 = tpu.vector_load %arg12[%get3A_1946, %get3A_1947, %get3A_1948] {strides = array<i32>} : memref<2x160x128xf32, #tpu.memory_space<vmem>>, vector<1x1x16xf32>,
        %get3A_1950 = vector.shape_cast %get3A_1949 : vector<1x1x16xf32> to vector<16xf32>
        %mul3A_1951 = vector.broadcast %squeeze3A_1776 : f32 to vector<16xf32>
        %mul3A_1952 = arith.mulf %mul3A_1951, %get3A_1950 : vector<16xf32>
        %add3A_1953 = arith.addf %mul3A_1942, %mul3A_1952 : vector<16xf32>
        %add3A_1954 = arith.constant 80 : i32
        %add3A_1955 = arith.addi %add3A_1954, %scan3A_1764 : i32
        %get3A_1956 = arith.constant 0 : i32
        %get3A_1957 = arith.index_cast %get3A_1956 : i32 to index
        %get3A_1958 = arith.index_cast %add3A_1955 : i32 to index
        %get3A_1959 = arith.constant 48 : index
        %get3A_1960 = tpu.vector_load %arg12[%get3A_1957, %get3A_1958, %get3A_1959] {strides = array<i32>} : memref<2x160x128xf32, #tpu.memory_space<vmem>>, vector<1x1x16xf32>,
        %get3A_1961 = vector.shape_cast %get3A_1960 : vector<1x1x16xf32> to vector<16xf32>
        %mul3A_1962 = vector.broadcast %squeeze3A_1783 : f32 to vector<16xf32>
        %mul3A_1963 = arith.mulf %mul3A_1962, %get3A_1961 : vector<16xf32>
        %add3A_1964 = arith.addf %add3A_1953, %mul3A_1963 : vector<16xf32>
        %add3A_1965 = arith.constant 120 : i32
        %add3A_1966 = arith.addi %add3A_1965, %scan3A_1764 : i32
        %get3A_1967 = arith.constant 0 : i32
        %get3A_1968 = arith.index_cast %get3A_1967 : i32 to index
        %get3A_1969 = arith.index_cast %add3A_1966 : i32 to index
        %get3A_1970 = arith.constant 48 : index
        %get3A_1971 = tpu.vector_load %arg12[%get3A_1968, %get3A_1969, %get3A_1970] {strides = array<i32>} : memref<2x160x128xf32, #tpu.memory_space<vmem>>, vector<1x1x16xf32>,
        %get3A_1972 = vector.shape_cast %get3A_1971 : vector<1x1x16xf32> to vector<16xf32>
        %mul3A_1973 = vector.broadcast %squeeze3A_1790 : f32 to vector<16xf32>
        %mul3A_1974 = arith.mulf %mul3A_1973, %get3A_1972 : vector<16xf32>
        %add3A_1975 = arith.addf %add3A_1964, %mul3A_1974 : vector<16xf32>
        %swap3A_1976 = arith.constant 0 : i32
        %swap3A_1977 = arith.index_cast %swap3A_1976 : i32 to index
        %swap3A_1978 = arith.index_cast %scan3A_1764 : i32 to index
        %swap3A_1979 = arith.constant 48 : index
        %swap3A_1980 = tpu.vector_load %arg14[%swap3A_1977, %swap3A_1978, %swap3A_1979] {strides = array<i32>} : memref<2x40x128xf32, #tpu.memory_space<vmem>>, vector<1x1x16xf32>,
        %swap3A_1981 = vector.shape_cast %swap3A_1980 : vector<1x1x16xf32> to vector<16xf32>
        %swap3A_1982 = vector.shape_cast %add3A_1975 : vector<16xf32> to vector<1x1x16xf32>
        tpu.vector_store %arg14[%swap3A_1977, %swap3A_1978, %swap3A_1979], %swap3A_1982 {strides = array<i32>} : memref<2x40x128xf32, #tpu.memory_space<vmem>>, vector<1x1x16xf32>,
        %get3A_1983 = arith.constant 0 : i32
        %get3A_1984 = arith.index_cast %get3A_1983 : i32 to index
        %get3A_1985 = arith.index_cast %scan3A_1764 : i32 to index
        %get3A_1986 = arith.constant 64 : index
        %get3A_1987 = tpu.vector_load %arg12[%get3A_1984, %get3A_1985, %get3A_1986] {strides = array<i32>} : memref<2x160x128xf32, #tpu.memory_space<vmem>>, vector<1x1x16xf32>,
        %get3A_1988 = vector.shape_cast %get3A_1987 : vector<1x1x16xf32> to vector<16xf32>
        %mul3A_1989 = vector.broadcast %squeeze3A : f32 to vector<16xf32>
        %mul3A_1990 = arith.mulf %mul3A_1989, %get3A_1988 : vector<16xf32>
        %add3A_1991 = arith.constant 40 : i32
        %add3A_1992 = arith.addi %add3A_1991, %scan3A_1764 : i32
        %get3A_1993 = arith.constant 0 : i32
        %get3A_1994 = arith.index_cast %get3A_1993 : i32 to index
        %get3A_1995 = arith.index_cast %add3A_1992 : i32 to index
        %get3A_1996 = arith.constant 64 : index
        %get3A_1997 = tpu.vector_load %arg12[%get3A_1994, %get3A_1995, %get3A_1996] {strides = array<i32>} : memref<2x160x128xf32, #tpu.memory_space<vmem>>, vector<1x1x16xf32>,
        %get3A_1998 = vector.shape_cast %get3A_1997 : vector<1x1x16xf32> to vector<16xf32>
        %mul3A_1999 = vector.broadcast %squeeze3A_1776 : f32 to vector<16xf32>
        %mul3A_2000 = arith.mulf %mul3A_1999, %get3A_1998 : vector<16xf32>
        %add3A_2001 = arith.addf %mul3A_1990, %mul3A_2000 : vector<16xf32>
        %add3A_2002 = arith.constant 80 : i32
        %add3A_2003 = arith.addi %add3A_2002, %scan3A_1764 : i32
        %get3A_2004 = arith.constant 0 : i32
        %get3A_2005 = arith.index_cast %get3A_2004 : i32 to index
        %get3A_2006 = arith.index_cast %add3A_2003 : i32 to index
        %get3A_2007 = arith.constant 64 : index
        %get3A_2008 = tpu.vector_load %arg12[%get3A_2005, %get3A_2006, %get3A_2007] {strides = array<i32>} : memref<2x160x128xf32, #tpu.memory_space<vmem>>, vector<1x1x16xf32>,
        %get3A_2009 = vector.shape_cast %get3A_2008 : vector<1x1x16xf32> to vector<16xf32>
        %mul3A_2010 = vector.broadcast %squeeze3A_1783 : f32 to vector<16xf32>
        %mul3A_2011 = arith.mulf %mul3A_2010, %get3A_2009 : vector<16xf32>
        %add3A_2012 = arith.addf %add3A_2001, %mul3A_2011 : vector<16xf32>
        %add3A_2013 = arith.constant 120 : i32
        %add3A_2014 = arith.addi %add3A_2013, %scan3A_1764 : i32
        %get3A_2015 = arith.constant 0 : i32
        %get3A_2016 = arith.index_cast %get3A_2015 : i32 to index
        %get3A_2017 = arith.index_cast %add3A_2014 : i32 to index
        %get3A_2018 = arith.constant 64 : index
        %get3A_2019 = tpu.vector_load %arg12[%get3A_2016, %get3A_2017, %get3A_2018] {strides = array<i32>} : memref<2x160x128xf32, #tpu.memory_space<vmem>>, vector<1x1x16xf32>,
        %get3A_2020 = vector.shape_cast %get3A_2019 : vector<1x1x16xf32> to vector<16xf32>
        %mul3A_2021 = vector.broadcast %squeeze3A_1790 : f32 to vector<16xf32>
        %mul3A_2022 = arith.mulf %mul3A_2021, %get3A_2020 : vector<16xf32>
        %add3A_2023 = arith.addf %add3A_2012, %mul3A_2022 : vector<16xf32>
        %swap3A_2024 = arith.constant 0 : i32
        %swap3A_2025 = arith.index_cast %swap3A_2024 : i32 to index
        %swap3A_2026 = arith.index_cast %scan3A_1764 : i32 to index
        %swap3A_2027 = arith.constant 64 : index
        %swap3A_2028 = tpu.vector_load %arg14[%swap3A_2025, %swap3A_2026, %swap3A_2027] {strides = array<i32>} : memref<2x40x128xf32, #tpu.memory_space<vmem>>, vector<1x1x16xf32>,
        %swap3A_2029 = vector.shape_cast %swap3A_2028 : vector<1x1x16xf32> to vector<16xf32>
        %swap3A_2030 = vector.shape_cast %add3A_2023 : vector<16xf32> to vector<1x1x16xf32>
        tpu.vector_store %arg14[%swap3A_2025, %swap3A_2026, %swap3A_2027], %swap3A_2030 {strides = array<i32>} : memref<2x40x128xf32, #tpu.memory_space<vmem>>, vector<1x1x16xf32>,
        %get3A_2031 = arith.constant 0 : i32
        %get3A_2032 = arith.index_cast %get3A_2031 : i32 to index
        %get3A_2033 = arith.index_cast %scan3A_1764 : i32 to index
        %get3A_2034 = arith.constant 80 : index
        %get3A_2035 = tpu.vector_load %arg12[%get3A_2032, %get3A_2033, %get3A_2034] {strides = array<i32>} : memref<2x160x128xf32, #tpu.memory_space<vmem>>, vector<1x1x16xf32>,
        %get3A_2036 = vector.shape_cast %get3A_2035 : vector<1x1x16xf32> to vector<16xf32>
        %mul3A_2037 = vector.broadcast %squeeze3A : f32 to vector<16xf32>
        %mul3A_2038 = arith.mulf %mul3A_2037, %get3A_2036 : vector<16xf32>
        %add3A_2039 = arith.constant 40 : i32
        %add3A_2040 = arith.addi %add3A_2039, %scan3A_1764 : i32
        %get3A_2041 = arith.constant 0 : i32
        %get3A_2042 = arith.index_cast %get3A_2041 : i32 to index
        %get3A_2043 = arith.index_cast %add3A_2040 : i32 to index
        %get3A_2044 = arith.constant 80 : index
        %get3A_2045 = tpu.vector_load %arg12[%get3A_2042, %get3A_2043, %get3A_2044] {strides = array<i32>} : memref<2x160x128xf32, #tpu.memory_space<vmem>>, vector<1x1x16xf32>,
        %get3A_2046 = vector.shape_cast %get3A_2045 : vector<1x1x16xf32> to vector<16xf32>
        %mul3A_2047 = vector.broadcast %squeeze3A_1776 : f32 to vector<16xf32>
        %mul3A_2048 = arith.mulf %mul3A_2047, %get3A_2046 : vector<16xf32>
        %add3A_2049 = arith.addf %mul3A_2038, %mul3A_2048 : vector<16xf32>
        %add3A_2050 = arith.constant 80 : i32
        %add3A_2051 = arith.addi %add3A_2050, %scan3A_1764 : i32
        %get3A_2052 = arith.constant 0 : i32
        %get3A_2053 = arith.index_cast %get3A_2052 : i32 to index
        %get3A_2054 = arith.index_cast %add3A_2051 : i32 to index
        %get3A_2055 = arith.constant 80 : index
        %get3A_2056 = tpu.vector_load %arg12[%get3A_2053, %get3A_2054, %get3A_2055] {strides = array<i32>} : memref<2x160x128xf32, #tpu.memory_space<vmem>>, vector<1x1x16xf32>,
        %get3A_2057 = vector.shape_cast %get3A_2056 : vector<1x1x16xf32> to vector<16xf32>
        %mul3A_2058 = vector.broadcast %squeeze3A_1783 : f32 to vector<16xf32>
        %mul3A_2059 = arith.mulf %mul3A_2058, %get3A_2057 : vector<16xf32>
        %add3A_2060 = arith.addf %add3A_2049, %mul3A_2059 : vector<16xf32>
        %add3A_2061 = arith.constant 120 : i32
        %add3A_2062 = arith.addi %add3A_2061, %scan3A_1764 : i32
        %get3A_2063 = arith.constant 0 : i32
        %get3A_2064 = arith.index_cast %get3A_2063 : i32 to index
        %get3A_2065 = arith.index_cast %add3A_2062 : i32 to index
        %get3A_2066 = arith.constant 80 : index
        %get3A_2067 = tpu.vector_load %arg12[%get3A_2064, %get3A_2065, %get3A_2066] {strides = array<i32>} : memref<2x160x128xf32, #tpu.memory_space<vmem>>, vector<1x1x16xf32>,
        %get3A_2068 = vector.shape_cast %get3A_2067 : vector<1x1x16xf32> to vector<16xf32>
        %mul3A_2069 = vector.broadcast %squeeze3A_1790 : f32 to vector<16xf32>
        %mul3A_2070 = arith.mulf %mul3A_2069, %get3A_2068 : vector<16xf32>
        %add3A_2071 = arith.addf %add3A_2060, %mul3A_2070 : vector<16xf32>
        %swap3A_2072 = arith.constant 0 : i32
        %swap3A_2073 = arith.index_cast %swap3A_2072 : i32 to index
        %swap3A_2074 = arith.index_cast %scan3A_1764 : i32 to index
        %swap3A_2075 = arith.constant 80 : index
        %swap3A_2076 = tpu.vector_load %arg14[%swap3A_2073, %swap3A_2074, %swap3A_2075] {strides = array<i32>} : memref<2x40x128xf32, #tpu.memory_space<vmem>>, vector<1x1x16xf32>,
        %swap3A_2077 = vector.shape_cast %swap3A_2076 : vector<1x1x16xf32> to vector<16xf32>
        %swap3A_2078 = vector.shape_cast %add3A_2071 : vector<16xf32> to vector<1x1x16xf32>
        tpu.vector_store %arg14[%swap3A_2073, %swap3A_2074, %swap3A_2075], %swap3A_2078 {strides = array<i32>} : memref<2x40x128xf32, #tpu.memory_space<vmem>>, vector<1x1x16xf32>,
        %get3A_2079 = arith.constant 0 : i32
        %get3A_2080 = arith.index_cast %get3A_2079 : i32 to index
        %get3A_2081 = arith.index_cast %scan3A_1764 : i32 to index
        %get3A_2082 = arith.constant 96 : index
        %get3A_2083 = tpu.vector_load %arg12[%get3A_2080, %get3A_2081, %get3A_2082] {strides = array<i32>} : memref<2x160x128xf32, #tpu.memory_space<vmem>>, vector<1x1x16xf32>,
        %get3A_2084 = vector.shape_cast %get3A_2083 : vector<1x1x16xf32> to vector<16xf32>
        %mul3A_2085 = vector.broadcast %squeeze3A : f32 to vector<16xf32>
        %mul3A_2086 = arith.mulf %mul3A_2085, %get3A_2084 : vector<16xf32>
        %add3A_2087 = arith.constant 40 : i32
        %add3A_2088 = arith.addi %add3A_2087, %scan3A_1764 : i32
        %get3A_2089 = arith.constant 0 : i32
        %get3A_2090 = arith.index_cast %get3A_2089 : i32 to index
        %get3A_2091 = arith.index_cast %add3A_2088 : i32 to index
        %get3A_2092 = arith.constant 96 : index
        %get3A_2093 = tpu.vector_load %arg12[%get3A_2090, %get3A_2091, %get3A_2092] {strides = array<i32>} : memref<2x160x128xf32, #tpu.memory_space<vmem>>, vector<1x1x16xf32>,
        %get3A_2094 = vector.shape_cast %get3A_2093 : vector<1x1x16xf32> to vector<16xf32>
        %mul3A_2095 = vector.broadcast %squeeze3A_1776 : f32 to vector<16xf32>
        %mul3A_2096 = arith.mulf %mul3A_2095, %get3A_2094 : vector<16xf32>
        %add3A_2097 = arith.addf %mul3A_2086, %mul3A_2096 : vector<16xf32>
        %add3A_2098 = arith.constant 80 : i32
        %add3A_2099 = arith.addi %add3A_2098, %scan3A_1764 : i32
        %get3A_2100 = arith.constant 0 : i32
        %get3A_2101 = arith.index_cast %get3A_2100 : i32 to index
        %get3A_2102 = arith.index_cast %add3A_2099 : i32 to index
        %get3A_2103 = arith.constant 96 : index
        %get3A_2104 = tpu.vector_load %arg12[%get3A_2101, %get3A_2102, %get3A_2103] {strides = array<i32>} : memref<2x160x128xf32, #tpu.memory_space<vmem>>, vector<1x1x16xf32>,
        %get3A_2105 = vector.shape_cast %get3A_2104 : vector<1x1x16xf32> to vector<16xf32>
        %mul3A_2106 = vector.broadcast %squeeze3A_1783 : f32 to vector<16xf32>
        %mul3A_2107 = arith.mulf %mul3A_2106, %get3A_2105 : vector<16xf32>
        %add3A_2108 = arith.addf %add3A_2097, %mul3A_2107 : vector<16xf32>
        %add3A_2109 = arith.constant 120 : i32
        %add3A_2110 = arith.addi %add3A_2109, %scan3A_1764 : i32
        %get3A_2111 = arith.constant 0 : i32
        %get3A_2112 = arith.index_cast %get3A_2111 : i32 to index
        %get3A_2113 = arith.index_cast %add3A_2110 : i32 to index
        %get3A_2114 = arith.constant 96 : index
        %get3A_2115 = tpu.vector_load %arg12[%get3A_2112, %get3A_2113, %get3A_2114] {strides = array<i32>} : memref<2x160x128xf32, #tpu.memory_space<vmem>>, vector<1x1x16xf32>,
        %get3A_2116 = vector.shape_cast %get3A_2115 : vector<1x1x16xf32> to vector<16xf32>
        %mul3A_2117 = vector.broadcast %squeeze3A_1790 : f32 to vector<16xf32>
        %mul3A_2118 = arith.mulf %mul3A_2117, %get3A_2116 : vector<16xf32>
        %add3A_2119 = arith.addf %add3A_2108, %mul3A_2118 : vector<16xf32>
        %swap3A_2120 = arith.constant 0 : i32
        %swap3A_2121 = arith.index_cast %swap3A_2120 : i32 to index
        %swap3A_2122 = arith.index_cast %scan3A_1764 : i32 to index
        %swap3A_2123 = arith.constant 96 : index
        %swap3A_2124 = tpu.vector_load %arg14[%swap3A_2121, %swap3A_2122, %swap3A_2123] {strides = array<i32>} : memref<2x40x128xf32, #tpu.memory_space<vmem>>, vector<1x1x16xf32>,
        %swap3A_2125 = vector.shape_cast %swap3A_2124 : vector<1x1x16xf32> to vector<16xf32>
        %swap3A_2126 = vector.shape_cast %add3A_2119 : vector<16xf32> to vector<1x1x16xf32>
        tpu.vector_store %arg14[%swap3A_2121, %swap3A_2122, %swap3A_2123], %swap3A_2126 {strides = array<i32>} : memref<2x40x128xf32, #tpu.memory_space<vmem>>, vector<1x1x16xf32>,
        %get3A_2127 = arith.constant 0 : i32
        %get3A_2128 = arith.index_cast %get3A_2127 : i32 to index
        %get3A_2129 = arith.index_cast %scan3A_1764 : i32 to index
        %get3A_2130 = arith.constant 112 : index
        %get3A_2131 = tpu.vector_load %arg12[%get3A_2128, %get3A_2129, %get3A_2130] {strides = array<i32>} : memref<2x160x128xf32, #tpu.memory_space<vmem>>, vector<1x1x16xf32>,
        %get3A_2132 = vector.shape_cast %get3A_2131 : vector<1x1x16xf32> to vector<16xf32>
        %mul3A_2133 = vector.broadcast %squeeze3A : f32 to vector<16xf32>
        %mul3A_2134 = arith.mulf %mul3A_2133, %get3A_2132 : vector<16xf32>
        %add3A_2135 = arith.constant 40 : i32
        %add3A_2136 = arith.addi %add3A_2135, %scan3A_1764 : i32
        %get3A_2137 = arith.constant 0 : i32
        %get3A_2138 = arith.index_cast %get3A_2137 : i32 to index
        %get3A_2139 = arith.index_cast %add3A_2136 : i32 to index
        %get3A_2140 = arith.constant 112 : index
        %get3A_2141 = tpu.vector_load %arg12[%get3A_2138, %get3A_2139, %get3A_2140] {strides = array<i32>} : memref<2x160x128xf32, #tpu.memory_space<vmem>>, vector<1x1x16xf32>,
        %get3A_2142 = vector.shape_cast %get3A_2141 : vector<1x1x16xf32> to vector<16xf32>
        %mul3A_2143 = vector.broadcast %squeeze3A_1776 : f32 to vector<16xf32>
        %mul3A_2144 = arith.mulf %mul3A_2143, %get3A_2142 : vector<16xf32>
        %add3A_2145 = arith.addf %mul3A_2134, %mul3A_2144 : vector<16xf32>
        %add3A_2146 = arith.constant 80 : i32
        %add3A_2147 = arith.addi %add3A_2146, %scan3A_1764 : i32
        %get3A_2148 = arith.constant 0 : i32
        %get3A_2149 = arith.index_cast %get3A_2148 : i32 to index
        %get3A_2150 = arith.index_cast %add3A_2147 : i32 to index
        %get3A_2151 = arith.constant 112 : index
        %get3A_2152 = tpu.vector_load %arg12[%get3A_2149, %get3A_2150, %get3A_2151] {strides = array<i32>} : memref<2x160x128xf32, #tpu.memory_space<vmem>>, vector<1x1x16xf32>,
        %get3A_2153 = vector.shape_cast %get3A_2152 : vector<1x1x16xf32> to vector<16xf32>
        %mul3A_2154 = vector.broadcast %squeeze3A_1783 : f32 to vector<16xf32>
        %mul3A_2155 = arith.mulf %mul3A_2154, %get3A_2153 : vector<16xf32>
        %add3A_2156 = arith.addf %add3A_2145, %mul3A_2155 : vector<16xf32>
        %add3A_2157 = arith.constant 120 : i32
        %add3A_2158 = arith.addi %add3A_2157, %scan3A_1764 : i32
        %get3A_2159 = arith.constant 0 : i32
        %get3A_2160 = arith.index_cast %get3A_2159 : i32 to index
        %get3A_2161 = arith.index_cast %add3A_2158 : i32 to index
        %get3A_2162 = arith.constant 112 : index
        %get3A_2163 = tpu.vector_load %arg12[%get3A_2160, %get3A_2161, %get3A_2162] {strides = array<i32>} : memref<2x160x128xf32, #tpu.memory_space<vmem>>, vector<1x1x16xf32>,
        %get3A_2164 = vector.shape_cast %get3A_2163 : vector<1x1x16xf32> to vector<16xf32>
        %mul3A_2165 = vector.broadcast %squeeze3A_1790 : f32 to vector<16xf32>
        %mul3A_2166 = arith.mulf %mul3A_2165, %get3A_2164 : vector<16xf32>
        %add3A_2167 = arith.addf %add3A_2156, %mul3A_2166 : vector<16xf32>
        %swap3A_2168 = arith.constant 0 : i32
        %swap3A_2169 = arith.index_cast %swap3A_2168 : i32 to index
        %swap3A_2170 = arith.index_cast %scan3A_1764 : i32 to index
        %swap3A_2171 = arith.constant 112 : index
        %swap3A_2172 = tpu.vector_load %arg14[%swap3A_2169, %swap3A_2170, %swap3A_2171] {strides = array<i32>} : memref<2x40x128xf32, #tpu.memory_space<vmem>>, vector<1x1x16xf32>,
        %swap3A_2173 = vector.shape_cast %swap3A_2172 : vector<1x1x16xf32> to vector<16xf32>
        %swap3A_2174 = vector.shape_cast %add3A_2167 : vector<16xf32> to vector<1x1x16xf32>
        tpu.vector_store %arg14[%swap3A_2169, %swap3A_2170, %swap3A_2171], %swap3A_2174 {strides = array<i32>} : memref<2x40x128xf32, #tpu.memory_space<vmem>>, vector<1x1x16xf32>,
        %get3A_2175 = arith.constant 1 : i32
        %get3A_2176 = arith.index_cast %get3A_2175 : i32 to index
        %get3A_2177 = arith.index_cast %scan3A_1764 : i32 to index
        %get3A_2178 = arith.constant 0 : index
        %get3A_2179 = tpu.vector_load %arg12[%get3A_2176, %get3A_2177, %get3A_2178] {strides = array<i32>} : memref<2x160x128xf32, #tpu.memory_space<vmem>>, vector<1x1x16xf32>,
        %get3A_2180 = vector.shape_cast %get3A_2179 : vector<1x1x16xf32> to vector<16xf32>
        %mul3A_2181 = vector.broadcast %squeeze3A : f32 to vector<16xf32>
        %mul3A_2182 = arith.mulf %mul3A_2181, %get3A_2180 : vector<16xf32>
        %add3A_2183 = arith.constant 40 : i32
        %add3A_2184 = arith.addi %add3A_2183, %scan3A_1764 : i32
        %get3A_2185 = arith.constant 1 : i32
        %get3A_2186 = arith.index_cast %get3A_2185 : i32 to index
        %get3A_2187 = arith.index_cast %add3A_2184 : i32 to index
        %get3A_2188 = arith.constant 0 : index
        %get3A_2189 = tpu.vector_load %arg12[%get3A_2186, %get3A_2187, %get3A_2188] {strides = array<i32>} : memref<2x160x128xf32, #tpu.memory_space<vmem>>, vector<1x1x16xf32>,
        %get3A_2190 = vector.shape_cast %get3A_2189 : vector<1x1x16xf32> to vector<16xf32>
        %mul3A_2191 = vector.broadcast %squeeze3A_1776 : f32 to vector<16xf32>
        %mul3A_2192 = arith.mulf %mul3A_2191, %get3A_2190 : vector<16xf32>
        %add3A_2193 = arith.addf %mul3A_2182, %mul3A_2192 : vector<16xf32>
        %add3A_2194 = arith.constant 80 : i32
        %add3A_2195 = arith.addi %add3A_2194, %scan3A_1764 : i32
        %get3A_2196 = arith.constant 1 : i32
        %get3A_2197 = arith.index_cast %get3A_2196 : i32 to index
        %get3A_2198 = arith.index_cast %add3A_2195 : i32 to index
        %get3A_2199 = arith.constant 0 : index
        %get3A_2200 = tpu.vector_load %arg12[%get3A_2197, %get3A_2198, %get3A_2199] {strides = array<i32>} : memref<2x160x128xf32, #tpu.memory_space<vmem>>, vector<1x1x16xf32>,
        %get3A_2201 = vector.shape_cast %get3A_2200 : vector<1x1x16xf32> to vector<16xf32>
        %mul3A_2202 = vector.broadcast %squeeze3A_1783 : f32 to vector<16xf32>
        %mul3A_2203 = arith.mulf %mul3A_2202, %get3A_2201 : vector<16xf32>
        %add3A_2204 = arith.addf %add3A_2193, %mul3A_2203 : vector<16xf32>
        %add3A_2205 = arith.constant 120 : i32
        %add3A_2206 = arith.addi %add3A_2205, %scan3A_1764 : i32
        %get3A_2207 = arith.constant 1 : i32
        %get3A_2208 = arith.index_cast %get3A_2207 : i32 to index
        %get3A_2209 = arith.index_cast %add3A_2206 : i32 to index
        %get3A_2210 = arith.constant 0 : index
        %get3A_2211 = tpu.vector_load %arg12[%get3A_2208, %get3A_2209, %get3A_2210] {strides = array<i32>} : memref<2x160x128xf32, #tpu.memory_space<vmem>>, vector<1x1x16xf32>,
        %get3A_2212 = vector.shape_cast %get3A_2211 : vector<1x1x16xf32> to vector<16xf32>
        %mul3A_2213 = vector.broadcast %squeeze3A_1790 : f32 to vector<16xf32>
        %mul3A_2214 = arith.mulf %mul3A_2213, %get3A_2212 : vector<16xf32>
        %add3A_2215 = arith.addf %add3A_2204, %mul3A_2214 : vector<16xf32>
        %swap3A_2216 = arith.constant 1 : i32
        %swap3A_2217 = arith.index_cast %swap3A_2216 : i32 to index
        %swap3A_2218 = arith.index_cast %scan3A_1764 : i32 to index
        %swap3A_2219 = arith.constant 0 : index
        %swap3A_2220 = tpu.vector_load %arg14[%swap3A_2217, %swap3A_2218, %swap3A_2219] {strides = array<i32>} : memref<2x40x128xf32, #tpu.memory_space<vmem>>, vector<1x1x16xf32>,
        %swap3A_2221 = vector.shape_cast %swap3A_2220 : vector<1x1x16xf32> to vector<16xf32>
        %swap3A_2222 = vector.shape_cast %add3A_2215 : vector<16xf32> to vector<1x1x16xf32>
        tpu.vector_store %arg14[%swap3A_2217, %swap3A_2218, %swap3A_2219], %swap3A_2222 {strides = array<i32>} : memref<2x40x128xf32, #tpu.memory_space<vmem>>, vector<1x1x16xf32>,
        %get3A_2223 = arith.constant 1 : i32
        %get3A_2224 = arith.index_cast %get3A_2223 : i32 to index
        %get3A_2225 = arith.index_cast %scan3A_1764 : i32 to index
        %get3A_2226 = arith.constant 16 : index
        %get3A_2227 = tpu.vector_load %arg12[%get3A_2224, %get3A_2225, %get3A_2226] {strides = array<i32>} : memref<2x160x128xf32, #tpu.memory_space<vmem>>, vector<1x1x16xf32>,
        %get3A_2228 = vector.shape_cast %get3A_2227 : vector<1x1x16xf32> to vector<16xf32>
        %mul3A_2229 = vector.broadcast %squeeze3A : f32 to vector<16xf32>
        %mul3A_2230 = arith.mulf %mul3A_2229, %get3A_2228 : vector<16xf32>
        %add3A_2231 = arith.constant 40 : i32
        %add3A_2232 = arith.addi %add3A_2231, %scan3A_1764 : i32
        %get3A_2233 = arith.constant 1 : i32
        %get3A_2234 = arith.index_cast %get3A_2233 : i32 to index
        %get3A_2235 = arith.index_cast %add3A_2232 : i32 to index
        %get3A_2236 = arith.constant 16 : index
        %get3A_2237 = tpu.vector_load %arg12[%get3A_2234, %get3A_2235, %get3A_2236] {strides = array<i32>} : memref<2x160x128xf32, #tpu.memory_space<vmem>>, vector<1x1x16xf32>,
        %get3A_2238 = vector.shape_cast %get3A_2237 : vector<1x1x16xf32> to vector<16xf32>
        %mul3A_2239 = vector.broadcast %squeeze3A_1776 : f32 to vector<16xf32>
        %mul3A_2240 = arith.mulf %mul3A_2239, %get3A_2238 : vector<16xf32>
        %add3A_2241 = arith.addf %mul3A_2230, %mul3A_2240 : vector<16xf32>
        %add3A_2242 = arith.constant 80 : i32
        %add3A_2243 = arith.addi %add3A_2242, %scan3A_1764 : i32
        %get3A_2244 = arith.constant 1 : i32
        %get3A_2245 = arith.index_cast %get3A_2244 : i32 to index
        %get3A_2246 = arith.index_cast %add3A_2243 : i32 to index
        %get3A_2247 = arith.constant 16 : index
        %get3A_2248 = tpu.vector_load %arg12[%get3A_2245, %get3A_2246, %get3A_2247] {strides = array<i32>} : memref<2x160x128xf32, #tpu.memory_space<vmem>>, vector<1x1x16xf32>,
        %get3A_2249 = vector.shape_cast %get3A_2248 : vector<1x1x16xf32> to vector<16xf32>
        %mul3A_2250 = vector.broadcast %squeeze3A_1783 : f32 to vector<16xf32>
        %mul3A_2251 = arith.mulf %mul3A_2250, %get3A_2249 : vector<16xf32>
        %add3A_2252 = arith.addf %add3A_2241, %mul3A_2251 : vector<16xf32>
        %add3A_2253 = arith.constant 120 : i32
        %add3A_2254 = arith.addi %add3A_2253, %scan3A_1764 : i32
        %get3A_2255 = arith.constant 1 : i32
        %get3A_2256 = arith.index_cast %get3A_2255 : i32 to index
        %get3A_2257 = arith.index_cast %add3A_2254 : i32 to index
        %get3A_2258 = arith.constant 16 : index
        %get3A_2259 = tpu.vector_load %arg12[%get3A_2256, %get3A_2257, %get3A_2258] {strides = array<i32>} : memref<2x160x128xf32, #tpu.memory_space<vmem>>, vector<1x1x16xf32>,
        %get3A_2260 = vector.shape_cast %get3A_2259 : vector<1x1x16xf32> to vector<16xf32>
        %mul3A_2261 = vector.broadcast %squeeze3A_1790 : f32 to vector<16xf32>
        %mul3A_2262 = arith.mulf %mul3A_2261, %get3A_2260 : vector<16xf32>
        %add3A_2263 = arith.addf %add3A_2252, %mul3A_2262 : vector<16xf32>
        %swap3A_2264 = arith.constant 1 : i32
        %swap3A_2265 = arith.index_cast %swap3A_2264 : i32 to index
        %swap3A_2266 = arith.index_cast %scan3A_1764 : i32 to index
        %swap3A_2267 = arith.constant 16 : index
        %swap3A_2268 = tpu.vector_load %arg14[%swap3A_2265, %swap3A_2266, %swap3A_2267] {strides = array<i32>} : memref<2x40x128xf32, #tpu.memory_space<vmem>>, vector<1x1x16xf32>,
        %swap3A_2269 = vector.shape_cast %swap3A_2268 : vector<1x1x16xf32> to vector<16xf32>
        %swap3A_2270 = vector.shape_cast %add3A_2263 : vector<16xf32> to vector<1x1x16xf32>
        tpu.vector_store %arg14[%swap3A_2265, %swap3A_2266, %swap3A_2267], %swap3A_2270 {strides = array<i32>} : memref<2x40x128xf32, #tpu.memory_space<vmem>>, vector<1x1x16xf32>,
        %get3A_2271 = arith.constant 1 : i32
        %get3A_2272 = arith.index_cast %get3A_2271 : i32 to index
        %get3A_2273 = arith.index_cast %scan3A_1764 : i32 to index
        %get3A_2274 = arith.constant 32 : index
        %get3A_2275 = tpu.vector_load %arg12[%get3A_2272, %get3A_2273, %get3A_2274] {strides = array<i32>} : memref<2x160x128xf32, #tpu.memory_space<vmem>>, vector<1x1x16xf32>,
        %get3A_2276 = vector.shape_cast %get3A_2275 : vector<1x1x16xf32> to vector<16xf32>
        %mul3A_2277 = vector.broadcast %squeeze3A : f32 to vector<16xf32>
        %mul3A_2278 = arith.mulf %mul3A_2277, %get3A_2276 : vector<16xf32>
        %add3A_2279 = arith.constant 40 : i32
        %add3A_2280 = arith.addi %add3A_2279, %scan3A_1764 : i32
        %get3A_2281 = arith.constant 1 : i32
        %get3A_2282 = arith.index_cast %get3A_2281 : i32 to index
        %get3A_2283 = arith.index_cast %add3A_2280 : i32 to index
        %get3A_2284 = arith.constant 32 : index
        %get3A_2285 = tpu.vector_load %arg12[%get3A_2282, %get3A_2283, %get3A_2284] {strides = array<i32>} : memref<2x160x128xf32, #tpu.memory_space<vmem>>, vector<1x1x16xf32>,
        %get3A_2286 = vector.shape_cast %get3A_2285 : vector<1x1x16xf32> to vector<16xf32>
        %mul3A_2287 = vector.broadcast %squeeze3A_1776 : f32 to vector<16xf32>
        %mul3A_2288 = arith.mulf %mul3A_2287, %get3A_2286 : vector<16xf32>
        %add3A_2289 = arith.addf %mul3A_2278, %mul3A_2288 : vector<16xf32>
        %add3A_2290 = arith.constant 80 : i32
        %add3A_2291 = arith.addi %add3A_2290, %scan3A_1764 : i32
        %get3A_2292 = arith.constant 1 : i32
        %get3A_2293 = arith.index_cast %get3A_2292 : i32 to index
        %get3A_2294 = arith.index_cast %add3A_2291 : i32 to index
        %get3A_2295 = arith.constant 32 : index
        %get3A_2296 = tpu.vector_load %arg12[%get3A_2293, %get3A_2294, %get3A_2295] {strides = array<i32>} : memref<2x160x128xf32, #tpu.memory_space<vmem>>, vector<1x1x16xf32>,
        %get3A_2297 = vector.shape_cast %get3A_2296 : vector<1x1x16xf32> to vector<16xf32>
        %mul3A_2298 = vector.broadcast %squeeze3A_1783 : f32 to vector<16xf32>
        %mul3A_2299 = arith.mulf %mul3A_2298, %get3A_2297 : vector<16xf32>
        %add3A_2300 = arith.addf %add3A_2289, %mul3A_2299 : vector<16xf32>
        %add3A_2301 = arith.constant 120 : i32
        %add3A_2302 = arith.addi %add3A_2301, %scan3A_1764 : i32
        %get3A_2303 = arith.constant 1 : i32
        %get3A_2304 = arith.index_cast %get3A_2303 : i32 to index
        %get3A_2305 = arith.index_cast %add3A_2302 : i32 to index
        %get3A_2306 = arith.constant 32 : index
        %get3A_2307 = tpu.vector_load %arg12[%get3A_2304, %get3A_2305, %get3A_2306] {strides = array<i32>} : memref<2x160x128xf32, #tpu.memory_space<vmem>>, vector<1x1x16xf32>,
        %get3A_2308 = vector.shape_cast %get3A_2307 : vector<1x1x16xf32> to vector<16xf32>
        %mul3A_2309 = vector.broadcast %squeeze3A_1790 : f32 to vector<16xf32>
        %mul3A_2310 = arith.mulf %mul3A_2309, %get3A_2308 : vector<16xf32>
        %add3A_2311 = arith.addf %add3A_2300, %mul3A_2310 : vector<16xf32>
        %swap3A_2312 = arith.constant 1 : i32
        %swap3A_2313 = arith.index_cast %swap3A_2312 : i32 to index
        %swap3A_2314 = arith.index_cast %scan3A_1764 : i32 to index
        %swap3A_2315 = arith.constant 32 : index
        %swap3A_2316 = tpu.vector_load %arg14[%swap3A_2313, %swap3A_2314, %swap3A_2315] {strides = array<i32>} : memref<2x40x128xf32, #tpu.memory_space<vmem>>, vector<1x1x16xf32>,
        %swap3A_2317 = vector.shape_cast %swap3A_2316 : vector<1x1x16xf32> to vector<16xf32>
        %swap3A_2318 = vector.shape_cast %add3A_2311 : vector<16xf32> to vector<1x1x16xf32>
        tpu.vector_store %arg14[%swap3A_2313, %swap3A_2314, %swap3A_2315], %swap3A_2318 {strides = array<i32>} : memref<2x40x128xf32, #tpu.memory_space<vmem>>, vector<1x1x16xf32>,
        %get3A_2319 = arith.constant 1 : i32
        %get3A_2320 = arith.index_cast %get3A_2319 : i32 to index
        %get3A_2321 = arith.index_cast %scan3A_1764 : i32 to index
        %get3A_2322 = arith.constant 48 : index
        %get3A_2323 = tpu.vector_load %arg12[%get3A_2320, %get3A_2321, %get3A_2322] {strides = array<i32>} : memref<2x160x128xf32, #tpu.memory_space<vmem>>, vector<1x1x16xf32>,
        %get3A_2324 = vector.shape_cast %get3A_2323 : vector<1x1x16xf32> to vector<16xf32>
        %mul3A_2325 = vector.broadcast %squeeze3A : f32 to vector<16xf32>
        %mul3A_2326 = arith.mulf %mul3A_2325, %get3A_2324 : vector<16xf32>
        %add3A_2327 = arith.constant 40 : i32
        %add3A_2328 = arith.addi %add3A_2327, %scan3A_1764 : i32
        %get3A_2329 = arith.constant 1 : i32
        %get3A_2330 = arith.index_cast %get3A_2329 : i32 to index
        %get3A_2331 = arith.index_cast %add3A_2328 : i32 to index
        %get3A_2332 = arith.constant 48 : index
        %get3A_2333 = tpu.vector_load %arg12[%get3A_2330, %get3A_2331, %get3A_2332] {strides = array<i32>} : memref<2x160x128xf32, #tpu.memory_space<vmem>>, vector<1x1x16xf32>,
        %get3A_2334 = vector.shape_cast %get3A_2333 : vector<1x1x16xf32> to vector<16xf32>
        %mul3A_2335 = vector.broadcast %squeeze3A_1776 : f32 to vector<16xf32>
        %mul3A_2336 = arith.mulf %mul3A_2335, %get3A_2334 : vector<16xf32>
        %add3A_2337 = arith.addf %mul3A_2326, %mul3A_2336 : vector<16xf32>
        %add3A_2338 = arith.constant 80 : i32
        %add3A_2339 = arith.addi %add3A_2338, %scan3A_1764 : i32
        %get3A_2340 = arith.constant 1 : i32
        %get3A_2341 = arith.index_cast %get3A_2340 : i32 to index
        %get3A_2342 = arith.index_cast %add3A_2339 : i32 to index
        %get3A_2343 = arith.constant 48 : index
        %get3A_2344 = tpu.vector_load %arg12[%get3A_2341, %get3A_2342, %get3A_2343] {strides = array<i32>} : memref<2x160x128xf32, #tpu.memory_space<vmem>>, vector<1x1x16xf32>,
        %get3A_2345 = vector.shape_cast %get3A_2344 : vector<1x1x16xf32> to vector<16xf32>
        %mul3A_2346 = vector.broadcast %squeeze3A_1783 : f32 to vector<16xf32>
        %mul3A_2347 = arith.mulf %mul3A_2346, %get3A_2345 : vector<16xf32>
        %add3A_2348 = arith.addf %add3A_2337, %mul3A_2347 : vector<16xf32>
        %add3A_2349 = arith.constant 120 : i32
        %add3A_2350 = arith.addi %add3A_2349, %scan3A_1764 : i32
        %get3A_2351 = arith.constant 1 : i32
        %get3A_2352 = arith.index_cast %get3A_2351 : i32 to index
        %get3A_2353 = arith.index_cast %add3A_2350 : i32 to index
        %get3A_2354 = arith.constant 48 : index
        %get3A_2355 = tpu.vector_load %arg12[%get3A_2352, %get3A_2353, %get3A_2354] {strides = array<i32>} : memref<2x160x128xf32, #tpu.memory_space<vmem>>, vector<1x1x16xf32>,
        %get3A_2356 = vector.shape_cast %get3A_2355 : vector<1x1x16xf32> to vector<16xf32>
        %mul3A_2357 = vector.broadcast %squeeze3A_1790 : f32 to vector<16xf32>
        %mul3A_2358 = arith.mulf %mul3A_2357, %get3A_2356 : vector<16xf32>
        %add3A_2359 = arith.addf %add3A_2348, %mul3A_2358 : vector<16xf32>
        %swap3A_2360 = arith.constant 1 : i32
        %swap3A_2361 = arith.index_cast %swap3A_2360 : i32 to index
        %swap3A_2362 = arith.index_cast %scan3A_1764 : i32 to index
        %swap3A_2363 = arith.constant 48 : index
        %swap3A_2364 = tpu.vector_load %arg14[%swap3A_2361, %swap3A_2362, %swap3A_2363] {strides = array<i32>} : memref<2x40x128xf32, #tpu.memory_space<vmem>>, vector<1x1x16xf32>,
        %swap3A_2365 = vector.shape_cast %swap3A_2364 : vector<1x1x16xf32> to vector<16xf32>
        %swap3A_2366 = vector.shape_cast %add3A_2359 : vector<16xf32> to vector<1x1x16xf32>
        tpu.vector_store %arg14[%swap3A_2361, %swap3A_2362, %swap3A_2363], %swap3A_2366 {strides = array<i32>} : memref<2x40x128xf32, #tpu.memory_space<vmem>>, vector<1x1x16xf32>,
        %get3A_2367 = arith.constant 1 : i32
        %get3A_2368 = arith.index_cast %get3A_2367 : i32 to index
        %get3A_2369 = arith.index_cast %scan3A_1764 : i32 to index
        %get3A_2370 = arith.constant 64 : index
        %get3A_2371 = tpu.vector_load %arg12[%get3A_2368, %get3A_2369, %get3A_2370] {strides = array<i32>} : memref<2x160x128xf32, #tpu.memory_space<vmem>>, vector<1x1x16xf32>,
        %get3A_2372 = vector.shape_cast %get3A_2371 : vector<1x1x16xf32> to vector<16xf32>
        %mul3A_2373 = vector.broadcast %squeeze3A : f32 to vector<16xf32>
        %mul3A_2374 = arith.mulf %mul3A_2373, %get3A_2372 : vector<16xf32>
        %add3A_2375 = arith.constant 40 : i32
        %add3A_2376 = arith.addi %add3A_2375, %scan3A_1764 : i32
        %get3A_2377 = arith.constant 1 : i32
        %get3A_2378 = arith.index_cast %get3A_2377 : i32 to index
        %get3A_2379 = arith.index_cast %add3A_2376 : i32 to index
        %get3A_2380 = arith.constant 64 : index
        %get3A_2381 = tpu.vector_load %arg12[%get3A_2378, %get3A_2379, %get3A_2380] {strides = array<i32>} : memref<2x160x128xf32, #tpu.memory_space<vmem>>, vector<1x1x16xf32>,
        %get3A_2382 = vector.shape_cast %get3A_2381 : vector<1x1x16xf32> to vector<16xf32>
        %mul3A_2383 = vector.broadcast %squeeze3A_1776 : f32 to vector<16xf32>
        %mul3A_2384 = arith.mulf %mul3A_2383, %get3A_2382 : vector<16xf32>
        %add3A_2385 = arith.addf %mul3A_2374, %mul3A_2384 : vector<16xf32>
        %add3A_2386 = arith.constant 80 : i32
        %add3A_2387 = arith.addi %add3A_2386, %scan3A_1764 : i32
        %get3A_2388 = arith.constant 1 : i32
        %get3A_2389 = arith.index_cast %get3A_2388 : i32 to index
        %get3A_2390 = arith.index_cast %add3A_2387 : i32 to index
        %get3A_2391 = arith.constant 64 : index
        %get3A_2392 = tpu.vector_load %arg12[%get3A_2389, %get3A_2390, %get3A_2391] {strides = array<i32>} : memref<2x160x128xf32, #tpu.memory_space<vmem>>, vector<1x1x16xf32>,
        %get3A_2393 = vector.shape_cast %get3A_2392 : vector<1x1x16xf32> to vector<16xf32>
        %mul3A_2394 = vector.broadcast %squeeze3A_1783 : f32 to vector<16xf32>
        %mul3A_2395 = arith.mulf %mul3A_2394, %get3A_2393 : vector<16xf32>
        %add3A_2396 = arith.addf %add3A_2385, %mul3A_2395 : vector<16xf32>
        %add3A_2397 = arith.constant 120 : i32
        %add3A_2398 = arith.addi %add3A_2397, %scan3A_1764 : i32
        %get3A_2399 = arith.constant 1 : i32
        %get3A_2400 = arith.index_cast %get3A_2399 : i32 to index
        %get3A_2401 = arith.index_cast %add3A_2398 : i32 to index
        %get3A_2402 = arith.constant 64 : index
        %get3A_2403 = tpu.vector_load %arg12[%get3A_2400, %get3A_2401, %get3A_2402] {strides = array<i32>} : memref<2x160x128xf32, #tpu.memory_space<vmem>>, vector<1x1x16xf32>,
        %get3A_2404 = vector.shape_cast %get3A_2403 : vector<1x1x16xf32> to vector<16xf32>
        %mul3A_2405 = vector.broadcast %squeeze3A_1790 : f32 to vector<16xf32>
        %mul3A_2406 = arith.mulf %mul3A_2405, %get3A_2404 : vector<16xf32>
        %add3A_2407 = arith.addf %add3A_2396, %mul3A_2406 : vector<16xf32>
        %swap3A_2408 = arith.constant 1 : i32
        %swap3A_2409 = arith.index_cast %swap3A_2408 : i32 to index
        %swap3A_2410 = arith.index_cast %scan3A_1764 : i32 to index
        %swap3A_2411 = arith.constant 64 : index
        %swap3A_2412 = tpu.vector_load %arg14[%swap3A_2409, %swap3A_2410, %swap3A_2411] {strides = array<i32>} : memref<2x40x128xf32, #tpu.memory_space<vmem>>, vector<1x1x16xf32>,
        %swap3A_2413 = vector.shape_cast %swap3A_2412 : vector<1x1x16xf32> to vector<16xf32>
        %swap3A_2414 = vector.shape_cast %add3A_2407 : vector<16xf32> to vector<1x1x16xf32>
        tpu.vector_store %arg14[%swap3A_2409, %swap3A_2410, %swap3A_2411], %swap3A_2414 {strides = array<i32>} : memref<2x40x128xf32, #tpu.memory_space<vmem>>, vector<1x1x16xf32>,
        %get3A_2415 = arith.constant 1 : i32
        %get3A_2416 = arith.index_cast %get3A_2415 : i32 to index
        %get3A_2417 = arith.index_cast %scan3A_1764 : i32 to index
        %get3A_2418 = arith.constant 80 : index
        %get3A_2419 = tpu.vector_load %arg12[%get3A_2416, %get3A_2417, %get3A_2418] {strides = array<i32>} : memref<2x160x128xf32, #tpu.memory_space<vmem>>, vector<1x1x16xf32>,
        %get3A_2420 = vector.shape_cast %get3A_2419 : vector<1x1x16xf32> to vector<16xf32>
        %mul3A_2421 = vector.broadcast %squeeze3A : f32 to vector<16xf32>
        %mul3A_2422 = arith.mulf %mul3A_2421, %get3A_2420 : vector<16xf32>
        %add3A_2423 = arith.constant 40 : i32
        %add3A_2424 = arith.addi %add3A_2423, %scan3A_1764 : i32
        %get3A_2425 = arith.constant 1 : i32
        %get3A_2426 = arith.index_cast %get3A_2425 : i32 to index
        %get3A_2427 = arith.index_cast %add3A_2424 : i32 to index
        %get3A_2428 = arith.constant 80 : index
        %get3A_2429 = tpu.vector_load %arg12[%get3A_2426, %get3A_2427, %get3A_2428] {strides = array<i32>} : memref<2x160x128xf32, #tpu.memory_space<vmem>>, vector<1x1x16xf32>,
        %get3A_2430 = vector.shape_cast %get3A_2429 : vector<1x1x16xf32> to vector<16xf32>
        %mul3A_2431 = vector.broadcast %squeeze3A_1776 : f32 to vector<16xf32>
        %mul3A_2432 = arith.mulf %mul3A_2431, %get3A_2430 : vector<16xf32>
        %add3A_2433 = arith.addf %mul3A_2422, %mul3A_2432 : vector<16xf32>
        %add3A_2434 = arith.constant 80 : i32
        %add3A_2435 = arith.addi %add3A_2434, %scan3A_1764 : i32
        %get3A_2436 = arith.constant 1 : i32
        %get3A_2437 = arith.index_cast %get3A_2436 : i32 to index
        %get3A_2438 = arith.index_cast %add3A_2435 : i32 to index
        %get3A_2439 = arith.constant 80 : index
        %get3A_2440 = tpu.vector_load %arg12[%get3A_2437, %get3A_2438, %get3A_2439] {strides = array<i32>} : memref<2x160x128xf32, #tpu.memory_space<vmem>>, vector<1x1x16xf32>,
        %get3A_2441 = vector.shape_cast %get3A_2440 : vector<1x1x16xf32> to vector<16xf32>
        %mul3A_2442 = vector.broadcast %squeeze3A_1783 : f32 to vector<16xf32>
        %mul3A_2443 = arith.mulf %mul3A_2442, %get3A_2441 : vector<16xf32>
        %add3A_2444 = arith.addf %add3A_2433, %mul3A_2443 : vector<16xf32>
        %add3A_2445 = arith.constant 120 : i32
        %add3A_2446 = arith.addi %add3A_2445, %scan3A_1764 : i32
        %get3A_2447 = arith.constant 1 : i32
        %get3A_2448 = arith.index_cast %get3A_2447 : i32 to index
        %get3A_2449 = arith.index_cast %add3A_2446 : i32 to index
        %get3A_2450 = arith.constant 80 : index
        %get3A_2451 = tpu.vector_load %arg12[%get3A_2448, %get3A_2449, %get3A_2450] {strides = array<i32>} : memref<2x160x128xf32, #tpu.memory_space<vmem>>, vector<1x1x16xf32>,
        %get3A_2452 = vector.shape_cast %get3A_2451 : vector<1x1x16xf32> to vector<16xf32>
        %mul3A_2453 = vector.broadcast %squeeze3A_1790 : f32 to vector<16xf32>
        %mul3A_2454 = arith.mulf %mul3A_2453, %get3A_2452 : vector<16xf32>
        %add3A_2455 = arith.addf %add3A_2444, %mul3A_2454 : vector<16xf32>
        %swap3A_2456 = arith.constant 1 : i32
        %swap3A_2457 = arith.index_cast %swap3A_2456 : i32 to index
        %swap3A_2458 = arith.index_cast %scan3A_1764 : i32 to index
        %swap3A_2459 = arith.constant 80 : index
        %swap3A_2460 = tpu.vector_load %arg14[%swap3A_2457, %swap3A_2458, %swap3A_2459] {strides = array<i32>} : memref<2x40x128xf32, #tpu.memory_space<vmem>>, vector<1x1x16xf32>,
        %swap3A_2461 = vector.shape_cast %swap3A_2460 : vector<1x1x16xf32> to vector<16xf32>
        %swap3A_2462 = vector.shape_cast %add3A_2455 : vector<16xf32> to vector<1x1x16xf32>
        tpu.vector_store %arg14[%swap3A_2457, %swap3A_2458, %swap3A_2459], %swap3A_2462 {strides = array<i32>} : memref<2x40x128xf32, #tpu.memory_space<vmem>>, vector<1x1x16xf32>,
        %get3A_2463 = arith.constant 1 : i32
        %get3A_2464 = arith.index_cast %get3A_2463 : i32 to index
        %get3A_2465 = arith.index_cast %scan3A_1764 : i32 to index
        %get3A_2466 = arith.constant 96 : index
        %get3A_2467 = tpu.vector_load %arg12[%get3A_2464, %get3A_2465, %get3A_2466] {strides = array<i32>} : memref<2x160x128xf32, #tpu.memory_space<vmem>>, vector<1x1x16xf32>,
        %get3A_2468 = vector.shape_cast %get3A_2467 : vector<1x1x16xf32> to vector<16xf32>
        %mul3A_2469 = vector.broadcast %squeeze3A : f32 to vector<16xf32>
        %mul3A_2470 = arith.mulf %mul3A_2469, %get3A_2468 : vector<16xf32>
        %add3A_2471 = arith.constant 40 : i32
        %add3A_2472 = arith.addi %add3A_2471, %scan3A_1764 : i32
        %get3A_2473 = arith.constant 1 : i32
        %get3A_2474 = arith.index_cast %get3A_2473 : i32 to index
        %get3A_2475 = arith.index_cast %add3A_2472 : i32 to index
        %get3A_2476 = arith.constant 96 : index
        %get3A_2477 = tpu.vector_load %arg12[%get3A_2474, %get3A_2475, %get3A_2476] {strides = array<i32>} : memref<2x160x128xf32, #tpu.memory_space<vmem>>, vector<1x1x16xf32>,
        %get3A_2478 = vector.shape_cast %get3A_2477 : vector<1x1x16xf32> to vector<16xf32>
        %mul3A_2479 = vector.broadcast %squeeze3A_1776 : f32 to vector<16xf32>
        %mul3A_2480 = arith.mulf %mul3A_2479, %get3A_2478 : vector<16xf32>
        %add3A_2481 = arith.addf %mul3A_2470, %mul3A_2480 : vector<16xf32>
        %add3A_2482 = arith.constant 80 : i32
        %add3A_2483 = arith.addi %add3A_2482, %scan3A_1764 : i32
        %get3A_2484 = arith.constant 1 : i32
        %get3A_2485 = arith.index_cast %get3A_2484 : i32 to index
        %get3A_2486 = arith.index_cast %add3A_2483 : i32 to index
        %get3A_2487 = arith.constant 96 : index
        %get3A_2488 = tpu.vector_load %arg12[%get3A_2485, %get3A_2486, %get3A_2487] {strides = array<i32>} : memref<2x160x128xf32, #tpu.memory_space<vmem>>, vector<1x1x16xf32>,
        %get3A_2489 = vector.shape_cast %get3A_2488 : vector<1x1x16xf32> to vector<16xf32>
        %mul3A_2490 = vector.broadcast %squeeze3A_1783 : f32 to vector<16xf32>
        %mul3A_2491 = arith.mulf %mul3A_2490, %get3A_2489 : vector<16xf32>
        %add3A_2492 = arith.addf %add3A_2481, %mul3A_2491 : vector<16xf32>
        %add3A_2493 = arith.constant 120 : i32
        %add3A_2494 = arith.addi %add3A_2493, %scan3A_1764 : i32
        %get3A_2495 = arith.constant 1 : i32
        %get3A_2496 = arith.index_cast %get3A_2495 : i32 to index
        %get3A_2497 = arith.index_cast %add3A_2494 : i32 to index
        %get3A_2498 = arith.constant 96 : index
        %get3A_2499 = tpu.vector_load %arg12[%get3A_2496, %get3A_2497, %get3A_2498] {strides = array<i32>} : memref<2x160x128xf32, #tpu.memory_space<vmem>>, vector<1x1x16xf32>,
        %get3A_2500 = vector.shape_cast %get3A_2499 : vector<1x1x16xf32> to vector<16xf32>
        %mul3A_2501 = vector.broadcast %squeeze3A_1790 : f32 to vector<16xf32>
        %mul3A_2502 = arith.mulf %mul3A_2501, %get3A_2500 : vector<16xf32>
        %add3A_2503 = arith.addf %add3A_2492, %mul3A_2502 : vector<16xf32>
        %swap3A_2504 = arith.constant 1 : i32
        %swap3A_2505 = arith.index_cast %swap3A_2504 : i32 to index
        %swap3A_2506 = arith.index_cast %scan3A_1764 : i32 to index
        %swap3A_2507 = arith.constant 96 : index
        %swap3A_2508 = tpu.vector_load %arg14[%swap3A_2505, %swap3A_2506, %swap3A_2507] {strides = array<i32>} : memref<2x40x128xf32, #tpu.memory_space<vmem>>, vector<1x1x16xf32>,
        %swap3A_2509 = vector.shape_cast %swap3A_2508 : vector<1x1x16xf32> to vector<16xf32>
        %swap3A_2510 = vector.shape_cast %add3A_2503 : vector<16xf32> to vector<1x1x16xf32>
        tpu.vector_store %arg14[%swap3A_2505, %swap3A_2506, %swap3A_2507], %swap3A_2510 {strides = array<i32>} : memref<2x40x128xf32, #tpu.memory_space<vmem>>, vector<1x1x16xf32>,
        %get3A_2511 = arith.constant 1 : i32
        %get3A_2512 = arith.index_cast %get3A_2511 : i32 to index
        %get3A_2513 = arith.index_cast %scan3A_1764 : i32 to index
        %get3A_2514 = arith.constant 112 : index
        %get3A_2515 = tpu.vector_load %arg12[%get3A_2512, %get3A_2513, %get3A_2514] {strides = array<i32>} : memref<2x160x128xf32, #tpu.memory_space<vmem>>, vector<1x1x16xf32>,
        %get3A_2516 = vector.shape_cast %get3A_2515 : vector<1x1x16xf32> to vector<16xf32>
        %mul3A_2517 = vector.broadcast %squeeze3A : f32 to vector<16xf32>
        %mul3A_2518 = arith.mulf %mul3A_2517, %get3A_2516 : vector<16xf32>
        %add3A_2519 = arith.constant 40 : i32
        %add3A_2520 = arith.addi %add3A_2519, %scan3A_1764 : i32
        %get3A_2521 = arith.constant 1 : i32
        %get3A_2522 = arith.index_cast %get3A_2521 : i32 to index
        %get3A_2523 = arith.index_cast %add3A_2520 : i32 to index
        %get3A_2524 = arith.constant 112 : index
        %get3A_2525 = tpu.vector_load %arg12[%get3A_2522, %get3A_2523, %get3A_2524] {strides = array<i32>} : memref<2x160x128xf32, #tpu.memory_space<vmem>>, vector<1x1x16xf32>,
        %get3A_2526 = vector.shape_cast %get3A_2525 : vector<1x1x16xf32> to vector<16xf32>
        %mul3A_2527 = vector.broadcast %squeeze3A_1776 : f32 to vector<16xf32>
        %mul3A_2528 = arith.mulf %mul3A_2527, %get3A_2526 : vector<16xf32>
        %add3A_2529 = arith.addf %mul3A_2518, %mul3A_2528 : vector<16xf32>
        %add3A_2530 = arith.constant 80 : i32
        %add3A_2531 = arith.addi %add3A_2530, %scan3A_1764 : i32
        %get3A_2532 = arith.constant 1 : i32
        %get3A_2533 = arith.index_cast %get3A_2532 : i32 to index
        %get3A_2534 = arith.index_cast %add3A_2531 : i32 to index
        %get3A_2535 = arith.constant 112 : index
        %get3A_2536 = tpu.vector_load %arg12[%get3A_2533, %get3A_2534, %get3A_2535] {strides = array<i32>} : memref<2x160x128xf32, #tpu.memory_space<vmem>>, vector<1x1x16xf32>,
        %get3A_2537 = vector.shape_cast %get3A_2536 : vector<1x1x16xf32> to vector<16xf32>
        %mul3A_2538 = vector.broadcast %squeeze3A_1783 : f32 to vector<16xf32>
        %mul3A_2539 = arith.mulf %mul3A_2538, %get3A_2537 : vector<16xf32>
        %add3A_2540 = arith.addf %add3A_2529, %mul3A_2539 : vector<16xf32>
        %add3A_2541 = arith.constant 120 : i32
        %add3A_2542 = arith.addi %add3A_2541, %scan3A_1764 : i32
        %get3A_2543 = arith.constant 1 : i32
        %get3A_2544 = arith.index_cast %get3A_2543 : i32 to index
        %get3A_2545 = arith.index_cast %add3A_2542 : i32 to index
        %get3A_2546 = arith.constant 112 : index
        %get3A_2547 = tpu.vector_load %arg12[%get3A_2544, %get3A_2545, %get3A_2546] {strides = array<i32>} : memref<2x160x128xf32, #tpu.memory_space<vmem>>, vector<1x1x16xf32>,
        %get3A_2548 = vector.shape_cast %get3A_2547 : vector<1x1x16xf32> to vector<16xf32>
        %mul3A_2549 = vector.broadcast %squeeze3A_1790 : f32 to vector<16xf32>
        %mul3A_2550 = arith.mulf %mul3A_2549, %get3A_2548 : vector<16xf32>
        %add3A_2551 = arith.addf %add3A_2540, %mul3A_2550 : vector<16xf32>
        %swap3A_2552 = arith.constant 1 : i32
        %swap3A_2553 = arith.index_cast %swap3A_2552 : i32 to index
        %swap3A_2554 = arith.index_cast %scan3A_1764 : i32 to index
        %swap3A_2555 = arith.constant 112 : index
        %swap3A_2556 = tpu.vector_load %arg14[%swap3A_2553, %swap3A_2554, %swap3A_2555] {strides = array<i32>} : memref<2x40x128xf32, #tpu.memory_space<vmem>>, vector<1x1x16xf32>,
        %swap3A_2557 = vector.shape_cast %swap3A_2556 : vector<1x1x16xf32> to vector<16xf32>
        %swap3A_2558 = vector.shape_cast %add3A_2551 : vector<16xf32> to vector<1x1x16xf32>
        tpu.vector_store %arg14[%swap3A_2553, %swap3A_2554, %swap3A_2555], %swap3A_2558 {strides = array<i32>} : memref<2x40x128xf32, #tpu.memory_space<vmem>>, vector<1x1x16xf32>,
      }
      %scan3A_1109 = arith.constant 40 : i32
      %mul3A_1110 = arith.constant 40 : i32
      %mul3A_1111 = arith.muli %min3A_522, %mul3A_1110 : i32
      %mul3A_1112 = arith.constant 40 : i32
      %mul3A_1113 = arith.muli %min3A_522, %mul3A_1112 : i32
      %dma_start3A_1114 = arith.constant 0 : i32
      %dma_start3A_1115 = arith.constant 0 : i32
      %dma_start3A_1116 = arith.constant 0 : i32
      %dma_start3A_1117 = arith.constant 0 : i32
      %dma_start3A_1118 = tpu.memref_slice %arg14[%dma_start3A_1114, %dma_start3A_1116, %dma_start3A_1117] : memref<2x40x128xf32, #tpu.memory_space<vmem>> -> memref<1x40x128xf32, #tpu.memory_space<vmem>>
      %dma_start3A_1119 = tpu.memref_squeeze %dma_start3A_1118 : memref<1x40x128xf32, #tpu.memory_space<vmem>> -> memref<40x128xf32, #tpu.memory_space<vmem>>
      %dma_start3A_1120 = arith.constant 0 : i32
      %dma_start3A_1121 = tpu.memref_slice %arg5[%dma_start3A_1115, %mul3A_1111, %dma_start3A_1120] : memref<2x50000x128xf32, #tpu.memory_space<hbm>> -> memref<1x40x128xf32, #tpu.memory_space<hbm>>
      %dma_start3A_1122 = tpu.memref_squeeze %dma_start3A_1121 : memref<1x40x128xf32, #tpu.memory_space<hbm>> -> memref<40x128xf32, #tpu.memory_space<hbm>>
      %dma_start3A_1123 = arith.constant 0 : i32
      %dma_start3A_1124 = tpu.memref_slice %arg5[%dma_start3A_1115, %mul3A_1111, %dma_start3A_1123] : memref<2x50000x128xf32, #tpu.memory_space<hbm>> -> memref<1x40x128xf32, #tpu.memory_space<hbm>>
      %dma_start3A_1125 = tpu.memref_squeeze %dma_start3A_1124 : memref<1x40x128xf32, #tpu.memory_space<hbm>> -> memref<40x128xf32, #tpu.memory_space<hbm>>
      %dma_start3A_1126 = arith.constant 0 : i32
      %dma_start3A_1127 = arith.constant 0 : i32
      %dma_start3A_1128 = tpu.memref_slice %arg14[%dma_start3A_1114, %dma_start3A_1126, %dma_start3A_1127] : memref<2x40x128xf32, #tpu.memory_space<vmem>> -> memref<1x40x128xf32, #tpu.memory_space<vmem>>
      %dma_start3A_1129 = tpu.memref_squeeze %dma_start3A_1128 : memref<1x40x128xf32, #tpu.memory_space<vmem>> -> memref<40x128xf32, #tpu.memory_space<vmem>>
      tpu.enqueue_dma source(%dma_start3A_1129 : memref<40x128xf32, #tpu.memory_space<vmem>>) target(%dma_start3A_1125 : memref<40x128xf32, #tpu.memory_space<hbm>>) target_semaphore(%arg18 : memref<!tpu.dma_semaphore, #tpu.memory_space<semaphore_mem>>)
      %dma_start3A_1130 = arith.constant 1 : i32
      %dma_start3A_1131 = arith.constant 1 : i32
      %dma_start3A_1132 = arith.constant 0 : i32
      %dma_start3A_1133 = arith.constant 0 : i32
      %dma_start3A_1134 = tpu.memref_slice %arg14[%dma_start3A_1130, %dma_start3A_1132, %dma_start3A_1133] : memref<2x40x128xf32, #tpu.memory_space<vmem>> -> memref<1x40x128xf32, #tpu.memory_space<vmem>>
      %dma_start3A_1135 = tpu.memref_squeeze %dma_start3A_1134 : memref<1x40x128xf32, #tpu.memory_space<vmem>> -> memref<40x128xf32, #tpu.memory_space<vmem>>
      %dma_start3A_1136 = arith.constant 0 : i32
      %dma_start3A_1137 = tpu.memref_slice %arg5[%dma_start3A_1131, %mul3A_1113, %dma_start3A_1136] : memref<2x50000x128xf32, #tpu.memory_space<hbm>> -> memref<1x40x128xf32, #tpu.memory_space<hbm>>
      %dma_start3A_1138 = tpu.memref_squeeze %dma_start3A_1137 : memref<1x40x128xf32, #tpu.memory_space<hbm>> -> memref<40x128xf32, #tpu.memory_space<hbm>>
      %dma_start3A_1139 = arith.constant 0 : i32
      %dma_start3A_1140 = tpu.memref_slice %arg5[%dma_start3A_1131, %mul3A_1113, %dma_start3A_1139] : memref<2x50000x128xf32, #tpu.memory_space<hbm>> -> memref<1x40x128xf32, #tpu.memory_space<hbm>>
      %dma_start3A_1141 = tpu.memref_squeeze %dma_start3A_1140 : memref<1x40x128xf32, #tpu.memory_space<hbm>> -> memref<40x128xf32, #tpu.memory_space<hbm>>
      %dma_start3A_1142 = arith.constant 0 : i32
      %dma_start3A_1143 = arith.constant 0 : i32
      %dma_start3A_1144 = tpu.memref_slice %arg14[%dma_start3A_1130, %dma_start3A_1142, %dma_start3A_1143] : memref<2x40x128xf32, #tpu.memory_space<vmem>> -> memref<1x40x128xf32, #tpu.memory_space<vmem>>
      %dma_start3A_1145 = tpu.memref_squeeze %dma_start3A_1144 : memref<1x40x128xf32, #tpu.memory_space<vmem>> -> memref<40x128xf32, #tpu.memory_space<vmem>>
      tpu.enqueue_dma source(%dma_start3A_1145 : memref<40x128xf32, #tpu.memory_space<vmem>>) target(%dma_start3A_1141 : memref<40x128xf32, #tpu.memory_space<hbm>>) target_semaphore(%arg18 : memref<!tpu.dma_semaphore, #tpu.memory_space<semaphore_mem>>)
      %mul3A_1146 = arith.constant 40 : i32
      %mul3A_1147 = arith.muli %min3A_536, %mul3A_1146 : i32
      %add3A_1148 = arith.constant 0 : i32
      %add3A_1149 = arith.addi %add3A_1148, %mul3A_1147 : i32
      %mul3A_1150 = arith.constant 40 : i32
      %mul3A_1151 = arith.muli %min3A_536, %mul3A_1150 : i32
      %add3A_1152 = arith.constant 50000 : i32
      %add3A_1153 = arith.addi %add3A_1152, %mul3A_1151 : i32
      %mul3A_1154 = arith.constant 40 : i32
      %mul3A_1155 = arith.muli %min3A_536, %mul3A_1154 : i32
      %add3A_1156 = arith.constant 100000 : i32
      %add3A_1157 = arith.addi %add3A_1156, %mul3A_1155 : i32
      %mul3A_1158 = arith.constant 40 : i32
      %mul3A_1159 = arith.muli %min3A_536, %mul3A_1158 : i32
      %add3A_1160 = arith.constant 150000 : i32
      %add3A_1161 = arith.addi %add3A_1160, %mul3A_1159 : i32
      %dma_start3A_1162 = arith.constant 0 : i32
      %dma_start3A_1163 = arith.constant 0 : i32
      %dma_start3A_1164 = tpu.memref_slice %arg6[%dma_start3A_1162, %dma_start3A_1163] : memref<4x40xi32, #tpu.memory_space<vmem>> -> memref<1x40xi32, #tpu.memory_space<vmem>>
      %dma_start3A_1165 = tpu.memref_squeeze %dma_start3A_1164 : memref<1x40xi32, #tpu.memory_space<vmem>> -> memref<40xi32, #tpu.memory_space<vmem>>
      %dma_start3A_1166 = tpu.memref_slice %arg3[%add3A_1149] : memref<200000xi32, #tpu.memory_space<hbm>> -> memref<40xi32, #tpu.memory_space<hbm>>
      %dma_start3A_1167 = arith.constant 0 : i32
      %dma_start3A_1168 = tpu.memref_slice %arg6[%dma_start3A_1162, %dma_start3A_1167] : memref<4x40xi32, #tpu.memory_space<vmem>> -> memref<1x40xi32, #tpu.memory_space<vmem>>
      %dma_start3A_1169 = tpu.memref_squeeze %dma_start3A_1168 : memref<1x40xi32, #tpu.memory_space<vmem>> -> memref<40xi32, #tpu.memory_space<vmem>>
      %dma_start3A_1170 = tpu.memref_slice %arg3[%add3A_1149] : memref<200000xi32, #tpu.memory_space<hbm>> -> memref<40xi32, #tpu.memory_space<hbm>>
      tpu.enqueue_dma source(%dma_start3A_1170 : memref<40xi32, #tpu.memory_space<hbm>>) target(%dma_start3A_1169 : memref<40xi32, #tpu.memory_space<vmem>>) target_semaphore(%arg16 : memref<!tpu.dma_semaphore, #tpu.memory_space<semaphore_mem>>)
      %dma_start3A_1171 = arith.constant 1 : i32
      %dma_start3A_1172 = arith.constant 0 : i32
      %dma_start3A_1173 = tpu.memref_slice %arg6[%dma_start3A_1171, %dma_start3A_1172] : memref<4x40xi32, #tpu.memory_space<vmem>> -> memref<1x40xi32, #tpu.memory_space<vmem>>
      %dma_start3A_1174 = tpu.memref_squeeze %dma_start3A_1173 : memref<1x40xi32, #tpu.memory_space<vmem>> -> memref<40xi32, #tpu.memory_space<vmem>>
      %dma_start3A_1175 = tpu.memref_slice %arg3[%add3A_1153] : memref<200000xi32, #tpu.memory_space<hbm>> -> memref<40xi32, #tpu.memory_space<hbm>>
      %dma_start3A_1176 = arith.constant 0 : i32
      %dma_start3A_1177 = tpu.memref_slice %arg6[%dma_start3A_1171, %dma_start3A_1176] : memref<4x40xi32, #tpu.memory_space<vmem>> -> memref<1x40xi32, #tpu.memory_space<vmem>>
      %dma_start3A_1178 = tpu.memref_squeeze %dma_start3A_1177 : memref<1x40xi32, #tpu.memory_space<vmem>> -> memref<40xi32, #tpu.memory_space<vmem>>
      %dma_start3A_1179 = tpu.memref_slice %arg3[%add3A_1153] : memref<200000xi32, #tpu.memory_space<hbm>> -> memref<40xi32, #tpu.memory_space<hbm>>
      tpu.enqueue_dma source(%dma_start3A_1179 : memref<40xi32, #tpu.memory_space<hbm>>) target(%dma_start3A_1178 : memref<40xi32, #tpu.memory_space<vmem>>) target_semaphore(%arg16 : memref<!tpu.dma_semaphore, #tpu.memory_space<semaphore_mem>>)
      %dma_start3A_1180 = arith.constant 2 : i32
      %dma_start3A_1181 = arith.constant 0 : i32
      %dma_start3A_1182 = tpu.memref_slice %arg6[%dma_start3A_1180, %dma_start3A_1181] : memref<4x40xi32, #tpu.memory_space<vmem>> -> memref<1x40xi32, #tpu.memory_space<vmem>>
      %dma_start3A_1183 = tpu.memref_squeeze %dma_start3A_1182 : memref<1x40xi32, #tpu.memory_space<vmem>> -> memref<40xi32, #tpu.memory_space<vmem>>
      %dma_start3A_1184 = tpu.memref_slice %arg3[%add3A_1157] : memref<200000xi32, #tpu.memory_space<hbm>> -> memref<40xi32, #tpu.memory_space<hbm>>
      %dma_start3A_1185 = arith.constant 0 : i32
      %dma_start3A_1186 = tpu.memref_slice %arg6[%dma_start3A_1180, %dma_start3A_1185] : memref<4x40xi32, #tpu.memory_space<vmem>> -> memref<1x40xi32, #tpu.memory_space<vmem>>
      %dma_start3A_1187 = tpu.memref_squeeze %dma_start3A_1186 : memref<1x40xi32, #tpu.memory_space<vmem>> -> memref<40xi32, #tpu.memory_space<vmem>>
      %dma_start3A_1188 = tpu.memref_slice %arg3[%add3A_1157] : memref<200000xi32, #tpu.memory_space<hbm>> -> memref<40xi32, #tpu.memory_space<hbm>>
      tpu.enqueue_dma source(%dma_start3A_1188 : memref<40xi32, #tpu.memory_space<hbm>>) target(%dma_start3A_1187 : memref<40xi32, #tpu.memory_space<vmem>>) target_semaphore(%arg16 : memref<!tpu.dma_semaphore, #tpu.memory_space<semaphore_mem>>)
      %dma_start3A_1189 = arith.constant 3 : i32
      %dma_start3A_1190 = arith.constant 0 : i32
      %dma_start3A_1191 = tpu.memref_slice %arg6[%dma_start3A_1189, %dma_start3A_1190] : memref<4x40xi32, #tpu.memory_space<vmem>> -> memref<1x40xi32, #tpu.memory_space<vmem>>
      %dma_start3A_1192 = tpu.memref_squeeze %dma_start3A_1191 : memref<1x40xi32, #tpu.memory_space<vmem>> -> memref<40xi32, #tpu.memory_space<vmem>>
      %dma_start3A_1193 = tpu.memref_slice %arg3[%add3A_1161] : memref<200000xi32, #tpu.memory_space<hbm>> -> memref<40xi32, #tpu.memory_space<hbm>>
      %dma_start3A_1194 = arith.constant 0 : i32
      %dma_start3A_1195 = tpu.memref_slice %arg6[%dma_start3A_1189, %dma_start3A_1194] : memref<4x40xi32, #tpu.memory_space<vmem>> -> memref<1x40xi32, #tpu.memory_space<vmem>>
      %dma_start3A_1196 = tpu.memref_squeeze %dma_start3A_1195 : memref<1x40xi32, #tpu.memory_space<vmem>> -> memref<40xi32, #tpu.memory_space<vmem>>
      %dma_start3A_1197 = tpu.memref_slice %arg3[%add3A_1161] : memref<200000xi32, #tpu.memory_space<hbm>> -> memref<40xi32, #tpu.memory_space<hbm>>
      tpu.enqueue_dma source(%dma_start3A_1197 : memref<40xi32, #tpu.memory_space<hbm>>) target(%dma_start3A_1196 : memref<40xi32, #tpu.memory_space<vmem>>) target_semaphore(%arg16 : memref<!tpu.dma_semaphore, #tpu.memory_space<semaphore_mem>>)
      %dma_wait3A_1198 = arith.constant 0 : i32
      %dma_wait3A_1199 = arith.constant 0 : i32
      %dma_wait3A_1200 = tpu.memref_slice %arg6[%dma_wait3A_1198, %dma_wait3A_1199] : memref<4x40xi32, #tpu.memory_space<vmem>> -> memref<1x40xi32, #tpu.memory_space<vmem>>
      %dma_wait3A_1201 = tpu.memref_squeeze %dma_wait3A_1200 : memref<1x40xi32, #tpu.memory_space<vmem>> -> memref<40xi32, #tpu.memory_space<vmem>>
      %dma_wait3A_1202 = tpu.memref_slice %arg3[%add3A_1149] : memref<200000xi32, #tpu.memory_space<hbm>> -> memref<40xi32, #tpu.memory_space<hbm>>
      %dma_wait3A_1203 = arith.constant 0 : i32
      %dma_wait3A_1204 = tpu.memref_slice %arg6[%dma_wait3A_1198, %dma_wait3A_1203] : memref<4x40xi32, #tpu.memory_space<vmem>> -> memref<1x40xi32, #tpu.memory_space<vmem>>
      %dma_wait3A_1205 = tpu.memref_squeeze %dma_wait3A_1204 : memref<1x40xi32, #tpu.memory_space<vmem>> -> memref<40xi32, #tpu.memory_space<vmem>>
      %dma_wait3A_1206 = tpu.memref_slice %arg3[%add3A_1149] : memref<200000xi32, #tpu.memory_space<hbm>> -> memref<40xi32, #tpu.memory_space<hbm>>
      tpu.wait_dma2 semaphore(%arg16 : memref<!tpu.dma_semaphore, #tpu.memory_space<semaphore_mem>>) src(%dma_wait3A_1206 : memref<40xi32, #tpu.memory_space<hbm>>) dst(%dma_wait3A_1205 : memref<40xi32, #tpu.memory_space<vmem>>)
      %dma_wait3A_1207 = arith.constant 1 : i32
      %dma_wait3A_1208 = arith.constant 0 : i32
      %dma_wait3A_1209 = tpu.memref_slice %arg6[%dma_wait3A_1207, %dma_wait3A_1208] : memref<4x40xi32, #tpu.memory_space<vmem>> -> memref<1x40xi32, #tpu.memory_space<vmem>>
      %dma_wait3A_1210 = tpu.memref_squeeze %dma_wait3A_1209 : memref<1x40xi32, #tpu.memory_space<vmem>> -> memref<40xi32, #tpu.memory_space<vmem>>
      %dma_wait3A_1211 = tpu.memref_slice %arg3[%add3A_1153] : memref<200000xi32, #tpu.memory_space<hbm>> -> memref<40xi32, #tpu.memory_space<hbm>>
      %dma_wait3A_1212 = arith.constant 0 : i32
      %dma_wait3A_1213 = tpu.memref_slice %arg6[%dma_wait3A_1207, %dma_wait3A_1212] : memref<4x40xi32, #tpu.memory_space<vmem>> -> memref<1x40xi32, #tpu.memory_space<vmem>>
      %dma_wait3A_1214 = tpu.memref_squeeze %dma_wait3A_1213 : memref<1x40xi32, #tpu.memory_space<vmem>> -> memref<40xi32, #tpu.memory_space<vmem>>
      %dma_wait3A_1215 = tpu.memref_slice %arg3[%add3A_1153] : memref<200000xi32, #tpu.memory_space<hbm>> -> memref<40xi32, #tpu.memory_space<hbm>>
      tpu.wait_dma2 semaphore(%arg16 : memref<!tpu.dma_semaphore, #tpu.memory_space<semaphore_mem>>) src(%dma_wait3A_1215 : memref<40xi32, #tpu.memory_space<hbm>>) dst(%dma_wait3A_1214 : memref<40xi32, #tpu.memory_space<vmem>>)
      %dma_wait3A_1216 = arith.constant 2 : i32
      %dma_wait3A_1217 = arith.constant 0 : i32
      %dma_wait3A_1218 = tpu.memref_slice %arg6[%dma_wait3A_1216, %dma_wait3A_1217] : memref<4x40xi32, #tpu.memory_space<vmem>> -> memref<1x40xi32, #tpu.memory_space<vmem>>
      %dma_wait3A_1219 = tpu.memref_squeeze %dma_wait3A_1218 : memref<1x40xi32, #tpu.memory_space<vmem>> -> memref<40xi32, #tpu.memory_space<vmem>>
      %dma_wait3A_1220 = tpu.memref_slice %arg3[%add3A_1157] : memref<200000xi32, #tpu.memory_space<hbm>> -> memref<40xi32, #tpu.memory_space<hbm>>
      %dma_wait3A_1221 = arith.constant 0 : i32
      %dma_wait3A_1222 = tpu.memref_slice %arg6[%dma_wait3A_1216, %dma_wait3A_1221] : memref<4x40xi32, #tpu.memory_space<vmem>> -> memref<1x40xi32, #tpu.memory_space<vmem>>
      %dma_wait3A_1223 = tpu.memref_squeeze %dma_wait3A_1222 : memref<1x40xi32, #tpu.memory_space<vmem>> -> memref<40xi32, #tpu.memory_space<vmem>>
      %dma_wait3A_1224 = tpu.memref_slice %arg3[%add3A_1157] : memref<200000xi32, #tpu.memory_space<hbm>> -> memref<40xi32, #tpu.memory_space<hbm>>
      tpu.wait_dma2 semaphore(%arg16 : memref<!tpu.dma_semaphore, #tpu.memory_space<semaphore_mem>>) src(%dma_wait3A_1224 : memref<40xi32, #tpu.memory_space<hbm>>) dst(%dma_wait3A_1223 : memref<40xi32, #tpu.memory_space<vmem>>)
      %dma_wait3A_1225 = arith.constant 3 : i32
      %dma_wait3A_1226 = arith.constant 0 : i32
      %dma_wait3A_1227 = tpu.memref_slice %arg6[%dma_wait3A_1225, %dma_wait3A_1226] : memref<4x40xi32, #tpu.memory_space<vmem>> -> memref<1x40xi32, #tpu.memory_space<vmem>>
      %dma_wait3A_1228 = tpu.memref_squeeze %dma_wait3A_1227 : memref<1x40xi32, #tpu.memory_space<vmem>> -> memref<40xi32, #tpu.memory_space<vmem>>
      %dma_wait3A_1229 = tpu.memref_slice %arg3[%add3A_1161] : memref<200000xi32, #tpu.memory_space<hbm>> -> memref<40xi32, #tpu.memory_space<hbm>>
      %dma_wait3A_1230 = arith.constant 0 : i32
      %dma_wait3A_1231 = tpu.memref_slice %arg6[%dma_wait3A_1225, %dma_wait3A_1230] : memref<4x40xi32, #tpu.memory_space<vmem>> -> memref<1x40xi32, #tpu.memory_space<vmem>>
      %dma_wait3A_1232 = tpu.memref_squeeze %dma_wait3A_1231 : memref<1x40xi32, #tpu.memory_space<vmem>> -> memref<40xi32, #tpu.memory_space<vmem>>
      %dma_wait3A_1233 = tpu.memref_slice %arg3[%add3A_1161] : memref<200000xi32, #tpu.memory_space<hbm>> -> memref<40xi32, #tpu.memory_space<hbm>>
      tpu.wait_dma2 semaphore(%arg16 : memref<!tpu.dma_semaphore, #tpu.memory_space<semaphore_mem>>) src(%dma_wait3A_1233 : memref<40xi32, #tpu.memory_space<hbm>>) dst(%dma_wait3A_1232 : memref<40xi32, #tpu.memory_space<vmem>>)
      %dma_start3A_1234 = arith.constant 0 : i32
      %dma_start3A_1235 = arith.constant 0 : i32
      %dma_start3A_1236 = tpu.memref_slice %arg8[%dma_start3A_1235] : memref<192xf32, #tpu.memory_space<vmem>> -> memref<40xf32, #tpu.memory_space<vmem>>
      %dma_start3A_1237 = arith.constant 0 : i32
      %dma_start3A_1238 = tpu.memref_slice %arg6[%dma_start3A_1234, %dma_start3A_1237] : memref<4x40xi32, #tpu.memory_space<vmem>> -> memref<1x40xi32, #tpu.memory_space<vmem>>
      %dma_start3A_1239 = tpu.memref_squeeze %dma_start3A_1238 : memref<1x40xi32, #tpu.memory_space<vmem>> -> memref<40xi32, #tpu.memory_space<vmem>>
      %dma_start3A_1240 = arith.constant 0 : i32
      %dma_start3A_1241 = tpu.memref_slice %arg4[%dma_start3A_1240] : memref<50000xf32, #tpu.memory_space<hbm>> -> memref<50000xf32, #tpu.memory_space<hbm>>
      tpu.enqueue_indirect_dma source(%dma_start3A_1241 : memref<50000xf32, #tpu.memory_space<hbm>>) target(%dma_start3A_1236 : memref<40xf32, #tpu.memory_space<vmem>>) offsets(%dma_start3A_1239 : memref<40xi32, #tpu.memory_space<vmem>>) semaphore(%arg16 : memref<!tpu.dma_semaphore, #tpu.memory_space<semaphore_mem>>)
      %dma_start3A_1242 = arith.constant 0 : i32
      %dma_start3A_1243 = arith.constant 0 : i32
      %dma_start3A_1244 = arith.constant 0 : i32
      %dma_start3A_1245 = arith.constant 0 : i32
      %dma_start3A_1246 = arith.constant 0 : i32
      %dma_start3A_1247 = tpu.memref_slice %arg12[%dma_start3A_1244, %dma_start3A_1245, %dma_start3A_1246] : memref<2x160x128xf32, #tpu.memory_space<vmem>> -> memref<1x40x128xf32, #tpu.memory_space<vmem>>
      %dma_start3A_1248 = tpu.memref_squeeze %dma_start3A_1247 : memref<1x40x128xf32, #tpu.memory_space<vmem>> -> memref<40x128xf32, #tpu.memory_space<vmem>>
      %dma_start3A_1249 = arith.constant 0 : i32
      %dma_start3A_1250 = tpu.memref_slice %arg6[%dma_start3A_1243, %dma_start3A_1249] : memref<4x40xi32, #tpu.memory_space<vmem>> -> memref<1x40xi32, #tpu.memory_space<vmem>>
      %dma_start3A_1251 = tpu.memref_squeeze %dma_start3A_1250 : memref<1x40xi32, #tpu.memory_space<vmem>> -> memref<40xi32, #tpu.memory_space<vmem>>
      %dma_start3A_1252 = arith.constant 0 : i32
      %dma_start3A_1253 = arith.constant 0 : i32
      %dma_start3A_1254 = tpu.memref_slice %arg2[%dma_start3A_1242, %dma_start3A_1252, %dma_start3A_1253] : memref<2x50000x128xf32, #tpu.memory_space<hbm>> -> memref<1x50000x128xf32, #tpu.memory_space<hbm>>
      %dma_start3A_1255 = tpu.memref_squeeze %dma_start3A_1254 : memref<1x50000x128xf32, #tpu.memory_space<hbm>> -> memref<50000x128xf32, #tpu.memory_space<hbm>>
      %dma_start3A_1256 = arith.constant 0 : i32
      %dma_start3A_1257 = arith.constant 0 : i32
      %dma_start3A_1258 = tpu.memref_slice %dma_start3A_1255[%dma_start3A_1256, %dma_start3A_1257] : memref<50000x128xf32, #tpu.memory_space<hbm>> -> memref<50000x128xf32, #tpu.memory_space<hbm>>
      tpu.enqueue_indirect_dma source(%dma_start3A_1258 : memref<50000x128xf32, #tpu.memory_space<hbm>>) target(%dma_start3A_1248 : memref<40x128xf32, #tpu.memory_space<vmem>>) offsets(%dma_start3A_1251 : memref<40xi32, #tpu.memory_space<vmem>>) semaphore(%arg16 : memref<!tpu.dma_semaphore, #tpu.memory_space<semaphore_mem>>)
      %dma_start3A_1259 = arith.constant 1 : i32
      %dma_start3A_1260 = arith.constant 0 : i32
      %dma_start3A_1261 = arith.constant 1 : i32
      %dma_start3A_1262 = arith.constant 0 : i32
      %dma_start3A_1263 = arith.constant 0 : i32
      %dma_start3A_1264 = tpu.memref_slice %arg12[%dma_start3A_1261, %dma_start3A_1262, %dma_start3A_1263] : memref<2x160x128xf32, #tpu.memory_space<vmem>> -> memref<1x40x128xf32, #tpu.memory_space<vmem>>
      %dma_start3A_1265 = tpu.memref_squeeze %dma_start3A_1264 : memref<1x40x128xf32, #tpu.memory_space<vmem>> -> memref<40x128xf32, #tpu.memory_space<vmem>>
      %dma_start3A_1266 = arith.constant 0 : i32
      %dma_start3A_1267 = tpu.memref_slice %arg6[%dma_start3A_1260, %dma_start3A_1266] : memref<4x40xi32, #tpu.memory_space<vmem>> -> memref<1x40xi32, #tpu.memory_space<vmem>>
      %dma_start3A_1268 = tpu.memref_squeeze %dma_start3A_1267 : memref<1x40xi32, #tpu.memory_space<vmem>> -> memref<40xi32, #tpu.memory_space<vmem>>
      %dma_start3A_1269 = arith.constant 0 : i32
      %dma_start3A_1270 = arith.constant 0 : i32
      %dma_start3A_1271 = tpu.memref_slice %arg2[%dma_start3A_1259, %dma_start3A_1269, %dma_start3A_1270] : memref<2x50000x128xf32, #tpu.memory_space<hbm>> -> memref<1x50000x128xf32, #tpu.memory_space<hbm>>
      %dma_start3A_1272 = tpu.memref_squeeze %dma_start3A_1271 : memref<1x50000x128xf32, #tpu.memory_space<hbm>> -> memref<50000x128xf32, #tpu.memory_space<hbm>>
      %dma_start3A_1273 = arith.constant 0 : i32
      %dma_start3A_1274 = arith.constant 0 : i32
      %dma_start3A_1275 = tpu.memref_slice %dma_start3A_1272[%dma_start3A_1273, %dma_start3A_1274] : memref<50000x128xf32, #tpu.memory_space<hbm>> -> memref<50000x128xf32, #tpu.memory_space<hbm>>
      tpu.enqueue_indirect_dma source(%dma_start3A_1275 : memref<50000x128xf32, #tpu.memory_space<hbm>>) target(%dma_start3A_1265 : memref<40x128xf32, #tpu.memory_space<vmem>>) offsets(%dma_start3A_1268 : memref<40xi32, #tpu.memory_space<vmem>>) semaphore(%arg16 : memref<!tpu.dma_semaphore, #tpu.memory_space<semaphore_mem>>)
      %dma_start3A_1276 = arith.constant 1 : i32
      %dma_start3A_1277 = arith.constant 48 : i32
      %dma_start3A_1278 = tpu.memref_slice %arg8[%dma_start3A_1277] : memref<192xf32, #tpu.memory_space<vmem>> -> memref<40xf32, #tpu.memory_space<vmem>>
      %dma_start3A_1279 = arith.constant 0 : i32
      %dma_start3A_1280 = tpu.memref_slice %arg6[%dma_start3A_1276, %dma_start3A_1279] : memref<4x40xi32, #tpu.memory_space<vmem>> -> memref<1x40xi32, #tpu.memory_space<vmem>>
      %dma_start3A_1281 = tpu.memref_squeeze %dma_start3A_1280 : memref<1x40xi32, #tpu.memory_space<vmem>> -> memref<40xi32, #tpu.memory_space<vmem>>
      %dma_start3A_1282 = arith.constant 0 : i32
      %dma_start3A_1283 = tpu.memref_slice %arg4[%dma_start3A_1282] : memref<50000xf32, #tpu.memory_space<hbm>> -> memref<50000xf32, #tpu.memory_space<hbm>>
      tpu.enqueue_indirect_dma source(%dma_start3A_1283 : memref<50000xf32, #tpu.memory_space<hbm>>) target(%dma_start3A_1278 : memref<40xf32, #tpu.memory_space<vmem>>) offsets(%dma_start3A_1281 : memref<40xi32, #tpu.memory_space<vmem>>) semaphore(%arg16 : memref<!tpu.dma_semaphore, #tpu.memory_space<semaphore_mem>>)
      %dma_start3A_1284 = arith.constant 0 : i32
      %dma_start3A_1285 = arith.constant 1 : i32
      %dma_start3A_1286 = arith.constant 0 : i32
      %dma_start3A_1287 = arith.constant 40 : i32
      %dma_start3A_1288 = arith.constant 0 : i32
      %dma_start3A_1289 = tpu.memref_slice %arg12[%dma_start3A_1286, %dma_start3A_1287, %dma_start3A_1288] : memref<2x160x128xf32, #tpu.memory_space<vmem>> -> memref<1x40x128xf32, #tpu.memory_space<vmem>>
      %dma_start3A_1290 = tpu.memref_squeeze %dma_start3A_1289 : memref<1x40x128xf32, #tpu.memory_space<vmem>> -> memref<40x128xf32, #tpu.memory_space<vmem>>
      %dma_start3A_1291 = arith.constant 0 : i32
      %dma_start3A_1292 = tpu.memref_slice %arg6[%dma_start3A_1285, %dma_start3A_1291] : memref<4x40xi32, #tpu.memory_space<vmem>> -> memref<1x40xi32, #tpu.memory_space<vmem>>
      %dma_start3A_1293 = tpu.memref_squeeze %dma_start3A_1292 : memref<1x40xi32, #tpu.memory_space<vmem>> -> memref<40xi32, #tpu.memory_space<vmem>>
      %dma_start3A_1294 = arith.constant 0 : i32
      %dma_start3A_1295 = arith.constant 0 : i32
      %dma_start3A_1296 = tpu.memref_slice %arg2[%dma_start3A_1284, %dma_start3A_1294, %dma_start3A_1295] : memref<2x50000x128xf32, #tpu.memory_space<hbm>> -> memref<1x50000x128xf32, #tpu.memory_space<hbm>>
      %dma_start3A_1297 = tpu.memref_squeeze %dma_start3A_1296 : memref<1x50000x128xf32, #tpu.memory_space<hbm>> -> memref<50000x128xf32, #tpu.memory_space<hbm>>
      %dma_start3A_1298 = arith.constant 0 : i32
      %dma_start3A_1299 = arith.constant 0 : i32
      %dma_start3A_1300 = tpu.memref_slice %dma_start3A_1297[%dma_start3A_1298, %dma_start3A_1299] : memref<50000x128xf32, #tpu.memory_space<hbm>> -> memref<50000x128xf32, #tpu.memory_space<hbm>>
      tpu.enqueue_indirect_dma source(%dma_start3A_1300 : memref<50000x128xf32, #tpu.memory_space<hbm>>) target(%dma_start3A_1290 : memref<40x128xf32, #tpu.memory_space<vmem>>) offsets(%dma_start3A_1293 : memref<40xi32, #tpu.memory_space<vmem>>) semaphore(%arg16 : memref<!tpu.dma_semaphore, #tpu.memory_space<semaphore_mem>>)
      %dma_start3A_1301 = arith.constant 1 : i32
      %dma_start3A_1302 = arith.constant 1 : i32
      %dma_start3A_1303 = arith.constant 1 : i32
      %dma_start3A_1304 = arith.constant 40 : i32
      %dma_start3A_1305 = arith.constant 0 : i32
      %dma_start3A_1306 = tpu.memref_slice %arg12[%dma_start3A_1303, %dma_start3A_1304, %dma_start3A_1305] : memref<2x160x128xf32, #tpu.memory_space<vmem>> -> memref<1x40x128xf32, #tpu.memory_space<vmem>>
      %dma_start3A_1307 = tpu.memref_squeeze %dma_start3A_1306 : memref<1x40x128xf32, #tpu.memory_space<vmem>> -> memref<40x128xf32, #tpu.memory_space<vmem>>
      %dma_start3A_1308 = arith.constant 0 : i32
      %dma_start3A_1309 = tpu.memref_slice %arg6[%dma_start3A_1302, %dma_start3A_1308] : memref<4x40xi32, #tpu.memory_space<vmem>> -> memref<1x40xi32, #tpu.memory_space<vmem>>
      %dma_start3A_1310 = tpu.memref_squeeze %dma_start3A_1309 : memref<1x40xi32, #tpu.memory_space<vmem>> -> memref<40xi32, #tpu.memory_space<vmem>>
      %dma_start3A_1311 = arith.constant 0 : i32
      %dma_start3A_1312 = arith.constant 0 : i32
      %dma_start3A_1313 = tpu.memref_slice %arg2[%dma_start3A_1301, %dma_start3A_1311, %dma_start3A_1312] : memref<2x50000x128xf32, #tpu.memory_space<hbm>> -> memref<1x50000x128xf32, #tpu.memory_space<hbm>>
      %dma_start3A_1314 = tpu.memref_squeeze %dma_start3A_1313 : memref<1x50000x128xf32, #tpu.memory_space<hbm>> -> memref<50000x128xf32, #tpu.memory_space<hbm>>
      %dma_start3A_1315 = arith.constant 0 : i32
      %dma_start3A_1316 = arith.constant 0 : i32
      %dma_start3A_1317 = tpu.memref_slice %dma_start3A_1314[%dma_start3A_1315, %dma_start3A_1316] : memref<50000x128xf32, #tpu.memory_space<hbm>> -> memref<50000x128xf32, #tpu.memory_space<hbm>>
      tpu.enqueue_indirect_dma source(%dma_start3A_1317 : memref<50000x128xf32, #tpu.memory_space<hbm>>) target(%dma_start3A_1307 : memref<40x128xf32, #tpu.memory_space<vmem>>) offsets(%dma_start3A_1310 : memref<40xi32, #tpu.memory_space<vmem>>) semaphore(%arg16 : memref<!tpu.dma_semaphore, #tpu.memory_space<semaphore_mem>>)
      %dma_start3A_1318 = arith.constant 2 : i32
      %dma_start3A_1319 = arith.constant 96 : i32
      %dma_start3A_1320 = tpu.memref_slice %arg8[%dma_start3A_1319] : memref<192xf32, #tpu.memory_space<vmem>> -> memref<40xf32, #tpu.memory_space<vmem>>
      %dma_start3A_1321 = arith.constant 0 : i32
      %dma_start3A_1322 = tpu.memref_slice %arg6[%dma_start3A_1318, %dma_start3A_1321] : memref<4x40xi32, #tpu.memory_space<vmem>> -> memref<1x40xi32, #tpu.memory_space<vmem>>
      %dma_start3A_1323 = tpu.memref_squeeze %dma_start3A_1322 : memref<1x40xi32, #tpu.memory_space<vmem>> -> memref<40xi32, #tpu.memory_space<vmem>>
      %dma_start3A_1324 = arith.constant 0 : i32
      %dma_start3A_1325 = tpu.memref_slice %arg4[%dma_start3A_1324] : memref<50000xf32, #tpu.memory_space<hbm>> -> memref<50000xf32, #tpu.memory_space<hbm>>
      tpu.enqueue_indirect_dma source(%dma_start3A_1325 : memref<50000xf32, #tpu.memory_space<hbm>>) target(%dma_start3A_1320 : memref<40xf32, #tpu.memory_space<vmem>>) offsets(%dma_start3A_1323 : memref<40xi32, #tpu.memory_space<vmem>>) semaphore(%arg16 : memref<!tpu.dma_semaphore, #tpu.memory_space<semaphore_mem>>)
      %dma_start3A_1326 = arith.constant 0 : i32
      %dma_start3A_1327 = arith.constant 2 : i32
      %dma_start3A_1328 = arith.constant 0 : i32
      %dma_start3A_1329 = arith.constant 80 : i32
      %dma_start3A_1330 = arith.constant 0 : i32
      %dma_start3A_1331 = tpu.memref_slice %arg12[%dma_start3A_1328, %dma_start3A_1329, %dma_start3A_1330] : memref<2x160x128xf32, #tpu.memory_space<vmem>> -> memref<1x40x128xf32, #tpu.memory_space<vmem>>
      %dma_start3A_1332 = tpu.memref_squeeze %dma_start3A_1331 : memref<1x40x128xf32, #tpu.memory_space<vmem>> -> memref<40x128xf32, #tpu.memory_space<vmem>>
      %dma_start3A_1333 = arith.constant 0 : i32
      %dma_start3A_1334 = tpu.memref_slice %arg6[%dma_start3A_1327, %dma_start3A_1333] : memref<4x40xi32, #tpu.memory_space<vmem>> -> memref<1x40xi32, #tpu.memory_space<vmem>>
      %dma_start3A_1335 = tpu.memref_squeeze %dma_start3A_1334 : memref<1x40xi32, #tpu.memory_space<vmem>> -> memref<40xi32, #tpu.memory_space<vmem>>
      %dma_start3A_1336 = arith.constant 0 : i32
      %dma_start3A_1337 = arith.constant 0 : i32
      %dma_start3A_1338 = tpu.memref_slice %arg2[%dma_start3A_1326, %dma_start3A_1336, %dma_start3A_1337] : memref<2x50000x128xf32, #tpu.memory_space<hbm>> -> memref<1x50000x128xf32, #tpu.memory_space<hbm>>
      %dma_start3A_1339 = tpu.memref_squeeze %dma_start3A_1338 : memref<1x50000x128xf32, #tpu.memory_space<hbm>> -> memref<50000x128xf32, #tpu.memory_space<hbm>>
      %dma_start3A_1340 = arith.constant 0 : i32
      %dma_start3A_1341 = arith.constant 0 : i32
      %dma_start3A_1342 = tpu.memref_slice %dma_start3A_1339[%dma_start3A_1340, %dma_start3A_1341] : memref<50000x128xf32, #tpu.memory_space<hbm>> -> memref<50000x128xf32, #tpu.memory_space<hbm>>
      tpu.enqueue_indirect_dma source(%dma_start3A_1342 : memref<50000x128xf32, #tpu.memory_space<hbm>>) target(%dma_start3A_1332 : memref<40x128xf32, #tpu.memory_space<vmem>>) offsets(%dma_start3A_1335 : memref<40xi32, #tpu.memory_space<vmem>>) semaphore(%arg16 : memref<!tpu.dma_semaphore, #tpu.memory_space<semaphore_mem>>)
      %dma_start3A_1343 = arith.constant 1 : i32
      %dma_start3A_1344 = arith.constant 2 : i32
      %dma_start3A_1345 = arith.constant 1 : i32
      %dma_start3A_1346 = arith.constant 80 : i32
      %dma_start3A_1347 = arith.constant 0 : i32
      %dma_start3A_1348 = tpu.memref_slice %arg12[%dma_start3A_1345, %dma_start3A_1346, %dma_start3A_1347] : memref<2x160x128xf32, #tpu.memory_space<vmem>> -> memref<1x40x128xf32, #tpu.memory_space<vmem>>
      %dma_start3A_1349 = tpu.memref_squeeze %dma_start3A_1348 : memref<1x40x128xf32, #tpu.memory_space<vmem>> -> memref<40x128xf32, #tpu.memory_space<vmem>>
      %dma_start3A_1350 = arith.constant 0 : i32
      %dma_start3A_1351 = tpu.memref_slice %arg6[%dma_start3A_1344, %dma_start3A_1350] : memref<4x40xi32, #tpu.memory_space<vmem>> -> memref<1x40xi32, #tpu.memory_space<vmem>>
      %dma_start3A_1352 = tpu.memref_squeeze %dma_start3A_1351 : memref<1x40xi32, #tpu.memory_space<vmem>> -> memref<40xi32, #tpu.memory_space<vmem>>
      %dma_start3A_1353 = arith.constant 0 : i32
      %dma_start3A_1354 = arith.constant 0 : i32
      %dma_start3A_1355 = tpu.memref_slice %arg2[%dma_start3A_1343, %dma_start3A_1353, %dma_start3A_1354] : memref<2x50000x128xf32, #tpu.memory_space<hbm>> -> memref<1x50000x128xf32, #tpu.memory_space<hbm>>
      %dma_start3A_1356 = tpu.memref_squeeze %dma_start3A_1355 : memref<1x50000x128xf32, #tpu.memory_space<hbm>> -> memref<50000x128xf32, #tpu.memory_space<hbm>>
      %dma_start3A_1357 = arith.constant 0 : i32
      %dma_start3A_1358 = arith.constant 0 : i32
      %dma_start3A_1359 = tpu.memref_slice %dma_start3A_1356[%dma_start3A_1357, %dma_start3A_1358] : memref<50000x128xf32, #tpu.memory_space<hbm>> -> memref<50000x128xf32, #tpu.memory_space<hbm>>
      tpu.enqueue_indirect_dma source(%dma_start3A_1359 : memref<50000x128xf32, #tpu.memory_space<hbm>>) target(%dma_start3A_1349 : memref<40x128xf32, #tpu.memory_space<vmem>>) offsets(%dma_start3A_1352 : memref<40xi32, #tpu.memory_space<vmem>>) semaphore(%arg16 : memref<!tpu.dma_semaphore, #tpu.memory_space<semaphore_mem>>)
      %dma_start3A_1360 = arith.constant 3 : i32
      %dma_start3A_1361 = arith.constant 144 : i32
      %dma_start3A_1362 = tpu.memref_slice %arg8[%dma_start3A_1361] : memref<192xf32, #tpu.memory_space<vmem>> -> memref<40xf32, #tpu.memory_space<vmem>>
      %dma_start3A_1363 = arith.constant 0 : i32
      %dma_start3A_1364 = tpu.memref_slice %arg6[%dma_start3A_1360, %dma_start3A_1363] : memref<4x40xi32, #tpu.memory_space<vmem>> -> memref<1x40xi32, #tpu.memory_space<vmem>>
      %dma_start3A_1365 = tpu.memref_squeeze %dma_start3A_1364 : memref<1x40xi32, #tpu.memory_space<vmem>> -> memref<40xi32, #tpu.memory_space<vmem>>
      %dma_start3A_1366 = arith.constant 0 : i32
      %dma_start3A_1367 = tpu.memref_slice %arg4[%dma_start3A_1366] : memref<50000xf32, #tpu.memory_space<hbm>> -> memref<50000xf32, #tpu.memory_space<hbm>>
      tpu.enqueue_indirect_dma source(%dma_start3A_1367 : memref<50000xf32, #tpu.memory_space<hbm>>) target(%dma_start3A_1362 : memref<40xf32, #tpu.memory_space<vmem>>) offsets(%dma_start3A_1365 : memref<40xi32, #tpu.memory_space<vmem>>) semaphore(%arg16 : memref<!tpu.dma_semaphore, #tpu.memory_space<semaphore_mem>>)
      %dma_start3A_1368 = arith.constant 0 : i32
      %dma_start3A_1369 = arith.constant 3 : i32
      %dma_start3A_1370 = arith.constant 0 : i32
      %dma_start3A_1371 = arith.constant 120 : i32
      %dma_start3A_1372 = arith.constant 0 : i32
      %dma_start3A_1373 = tpu.memref_slice %arg12[%dma_start3A_1370, %dma_start3A_1371, %dma_start3A_1372] : memref<2x160x128xf32, #tpu.memory_space<vmem>> -> memref<1x40x128xf32, #tpu.memory_space<vmem>>
      %dma_start3A_1374 = tpu.memref_squeeze %dma_start3A_1373 : memref<1x40x128xf32, #tpu.memory_space<vmem>> -> memref<40x128xf32, #tpu.memory_space<vmem>>
      %dma_start3A_1375 = arith.constant 0 : i32
      %dma_start3A_1376 = tpu.memref_slice %arg6[%dma_start3A_1369, %dma_start3A_1375] : memref<4x40xi32, #tpu.memory_space<vmem>> -> memref<1x40xi32, #tpu.memory_space<vmem>>
      %dma_start3A_1377 = tpu.memref_squeeze %dma_start3A_1376 : memref<1x40xi32, #tpu.memory_space<vmem>> -> memref<40xi32, #tpu.memory_space<vmem>>
      %dma_start3A_1378 = arith.constant 0 : i32
      %dma_start3A_1379 = arith.constant 0 : i32
      %dma_start3A_1380 = tpu.memref_slice %arg2[%dma_start3A_1368, %dma_start3A_1378, %dma_start3A_1379] : memref<2x50000x128xf32, #tpu.memory_space<hbm>> -> memref<1x50000x128xf32, #tpu.memory_space<hbm>>
      %dma_start3A_1381 = tpu.memref_squeeze %dma_start3A_1380 : memref<1x50000x128xf32, #tpu.memory_space<hbm>> -> memref<50000x128xf32, #tpu.memory_space<hbm>>
      %dma_start3A_1382 = arith.constant 0 : i32
      %dma_start3A_1383 = arith.constant 0 : i32
      %dma_start3A_1384 = tpu.memref_slice %dma_start3A_1381[%dma_start3A_1382, %dma_start3A_1383] : memref<50000x128xf32, #tpu.memory_space<hbm>> -> memref<50000x128xf32, #tpu.memory_space<hbm>>
      tpu.enqueue_indirect_dma source(%dma_start3A_1384 : memref<50000x128xf32, #tpu.memory_space<hbm>>) target(%dma_start3A_1374 : memref<40x128xf32, #tpu.memory_space<vmem>>) offsets(%dma_start3A_1377 : memref<40xi32, #tpu.memory_space<vmem>>) semaphore(%arg16 : memref<!tpu.dma_semaphore, #tpu.memory_space<semaphore_mem>>)
      %dma_start3A_1385 = arith.constant 1 : i32
      %dma_start3A_1386 = arith.constant 3 : i32
      %dma_start3A_1387 = arith.constant 1 : i32
      %dma_start3A_1388 = arith.constant 120 : i32
      %dma_start3A_1389 = arith.constant 0 : i32
      %dma_start3A_1390 = tpu.memref_slice %arg12[%dma_start3A_1387, %dma_start3A_1388, %dma_start3A_1389] : memref<2x160x128xf32, #tpu.memory_space<vmem>> -> memref<1x40x128xf32, #tpu.memory_space<vmem>>
      %dma_start3A_1391 = tpu.memref_squeeze %dma_start3A_1390 : memref<1x40x128xf32, #tpu.memory_space<vmem>> -> memref<40x128xf32, #tpu.memory_space<vmem>>
      %dma_start3A_1392 = arith.constant 0 : i32
      %dma_start3A_1393 = tpu.memref_slice %arg6[%dma_start3A_1386, %dma_start3A_1392] : memref<4x40xi32, #tpu.memory_space<vmem>> -> memref<1x40xi32, #tpu.memory_space<vmem>>
      %dma_start3A_1394 = tpu.memref_squeeze %dma_start3A_1393 : memref<1x40xi32, #tpu.memory_space<vmem>> -> memref<40xi32, #tpu.memory_space<vmem>>
      %dma_start3A_1395 = arith.constant 0 : i32
      %dma_start3A_1396 = arith.constant 0 : i32
      %dma_start3A_1397 = tpu.memref_slice %arg2[%dma_start3A_1385, %dma_start3A_1395, %dma_start3A_1396] : memref<2x50000x128xf32, #tpu.memory_space<hbm>> -> memref<1x50000x128xf32, #tpu.memory_space<hbm>>
      %dma_start3A_1398 = tpu.memref_squeeze %dma_start3A_1397 : memref<1x50000x128xf32, #tpu.memory_space<hbm>> -> memref<50000x128xf32, #tpu.memory_space<hbm>>
      %dma_start3A_1399 = arith.constant 0 : i32
      %dma_start3A_1400 = arith.constant 0 : i32
      %dma_start3A_1401 = tpu.memref_slice %dma_start3A_1398[%dma_start3A_1399, %dma_start3A_1400] : memref<50000x128xf32, #tpu.memory_space<hbm>> -> memref<50000x128xf32, #tpu.memory_space<hbm>>
      tpu.enqueue_indirect_dma source(%dma_start3A_1401 : memref<50000x128xf32, #tpu.memory_space<hbm>>) target(%dma_start3A_1391 : memref<40x128xf32, #tpu.memory_space<vmem>>) offsets(%dma_start3A_1394 : memref<40xi32, #tpu.memory_space<vmem>>) semaphore(%arg16 : memref<!tpu.dma_semaphore, #tpu.memory_space<semaphore_mem>>)
      %dma_wait3A_1402 = arith.constant 0 : i32
      %dma_wait3A_1403 = arith.constant 0 : i32
      %dma_wait3A_1404 = tpu.memref_slice %arg9[%dma_wait3A_1403] : memref<192xf32, #tpu.memory_space<vmem>> -> memref<40xf32, #tpu.memory_space<vmem>>
      %dma_wait3A_1405 = arith.constant 0 : i32
      %dma_wait3A_1406 = tpu.memref_slice %arg7[%dma_wait3A_1402, %dma_wait3A_1405] : memref<4x40xi32, #tpu.memory_space<vmem>> -> memref<1x40xi32, #tpu.memory_space<vmem>>
      %dma_wait3A_1407 = tpu.memref_squeeze %dma_wait3A_1406 : memref<1x40xi32, #tpu.memory_space<vmem>> -> memref<40xi32, #tpu.memory_space<vmem>>
      %dma_wait3A_1408 = arith.constant 0 : i32
      %dma_wait3A_1409 = tpu.memref_slice %arg4[%dma_wait3A_1408] : memref<50000xf32, #tpu.memory_space<hbm>> -> memref<50000xf32, #tpu.memory_space<hbm>>
      tpu.wait_indirect_dma semaphore(%arg17 : memref<!tpu.dma_semaphore, #tpu.memory_space<semaphore_mem>>) src(%dma_wait3A_1409 : memref<50000xf32, #tpu.memory_space<hbm>>) dst(%dma_wait3A_1404 : memref<40xf32, #tpu.memory_space<vmem>>)
      %dma_wait3A_1410 = arith.constant 0 : i32
      %dma_wait3A_1411 = arith.constant 0 : i32
      %dma_wait3A_1412 = arith.constant 0 : i32
      %dma_wait3A_1413 = arith.constant 0 : i32
      %dma_wait3A_1414 = arith.constant 0 : i32
      %dma_wait3A_1415 = tpu.memref_slice %arg13[%dma_wait3A_1412, %dma_wait3A_1413, %dma_wait3A_1414] : memref<2x160x128xf32, #tpu.memory_space<vmem>> -> memref<1x40x128xf32, #tpu.memory_space<vmem>>
      %dma_wait3A_1416 = tpu.memref_squeeze %dma_wait3A_1415 : memref<1x40x128xf32, #tpu.memory_space<vmem>> -> memref<40x128xf32, #tpu.memory_space<vmem>>
      %dma_wait3A_1417 = arith.constant 0 : i32
      %dma_wait3A_1418 = tpu.memref_slice %arg7[%dma_wait3A_1411, %dma_wait3A_1417] : memref<4x40xi32, #tpu.memory_space<vmem>> -> memref<1x40xi32, #tpu.memory_space<vmem>>
      %dma_wait3A_1419 = tpu.memref_squeeze %dma_wait3A_1418 : memref<1x40xi32, #tpu.memory_space<vmem>> -> memref<40xi32, #tpu.memory_space<vmem>>
      %dma_wait3A_1420 = arith.constant 0 : i32
      %dma_wait3A_1421 = arith.constant 0 : i32
      %dma_wait3A_1422 = tpu.memref_slice %arg2[%dma_wait3A_1410, %dma_wait3A_1420, %dma_wait3A_1421] : memref<2x50000x128xf32, #tpu.memory_space<hbm>> -> memref<1x50000x128xf32, #tpu.memory_space<hbm>>
      %dma_wait3A_1423 = tpu.memref_squeeze %dma_wait3A_1422 : memref<1x50000x128xf32, #tpu.memory_space<hbm>> -> memref<50000x128xf32, #tpu.memory_space<hbm>>
      %dma_wait3A_1424 = arith.constant 0 : i32
      %dma_wait3A_1425 = arith.constant 0 : i32
      %dma_wait3A_1426 = tpu.memref_slice %dma_wait3A_1423[%dma_wait3A_1424, %dma_wait3A_1425] : memref<50000x128xf32, #tpu.memory_space<hbm>> -> memref<50000x128xf32, #tpu.memory_space<hbm>>
      tpu.wait_indirect_dma semaphore(%arg17 : memref<!tpu.dma_semaphore, #tpu.memory_space<semaphore_mem>>) src(%dma_wait3A_1426 : memref<50000x128xf32, #tpu.memory_space<hbm>>) dst(%dma_wait3A_1416 : memref<40x128xf32, #tpu.memory_space<vmem>>)
      %dma_wait3A_1427 = arith.constant 1 : i32
      %dma_wait3A_1428 = arith.constant 0 : i32
      %dma_wait3A_1429 = arith.constant 1 : i32
      %dma_wait3A_1430 = arith.constant 0 : i32
      %dma_wait3A_1431 = arith.constant 0 : i32
      %dma_wait3A_1432 = tpu.memref_slice %arg13[%dma_wait3A_1429, %dma_wait3A_1430, %dma_wait3A_1431] : memref<2x160x128xf32, #tpu.memory_space<vmem>> -> memref<1x40x128xf32, #tpu.memory_space<vmem>>
      %dma_wait3A_1433 = tpu.memref_squeeze %dma_wait3A_1432 : memref<1x40x128xf32, #tpu.memory_space<vmem>> -> memref<40x128xf32, #tpu.memory_space<vmem>>
      %dma_wait3A_1434 = arith.constant 0 : i32
      %dma_wait3A_1435 = tpu.memref_slice %arg7[%dma_wait3A_1428, %dma_wait3A_1434] : memref<4x40xi32, #tpu.memory_space<vmem>> -> memref<1x40xi32, #tpu.memory_space<vmem>>
      %dma_wait3A_1436 = tpu.memref_squeeze %dma_wait3A_1435 : memref<1x40xi32, #tpu.memory_space<vmem>> -> memref<40xi32, #tpu.memory_space<vmem>>
      %dma_wait3A_1437 = arith.constant 0 : i32
      %dma_wait3A_1438 = arith.constant 0 : i32
      %dma_wait3A_1439 = tpu.memref_slice %arg2[%dma_wait3A_1427, %dma_wait3A_1437, %dma_wait3A_1438] : memref<2x50000x128xf32, #tpu.memory_space<hbm>> -> memref<1x50000x128xf32, #tpu.memory_space<hbm>>
      %dma_wait3A_1440 = tpu.memref_squeeze %dma_wait3A_1439 : memref<1x50000x128xf32, #tpu.memory_space<hbm>> -> memref<50000x128xf32, #tpu.memory_space<hbm>>
      %dma_wait3A_1441 = arith.constant 0 : i32
      %dma_wait3A_1442 = arith.constant 0 : i32
      %dma_wait3A_1443 = tpu.memref_slice %dma_wait3A_1440[%dma_wait3A_1441, %dma_wait3A_1442] : memref<50000x128xf32, #tpu.memory_space<hbm>> -> memref<50000x128xf32, #tpu.memory_space<hbm>>
      tpu.wait_indirect_dma semaphore(%arg17 : memref<!tpu.dma_semaphore, #tpu.memory_space<semaphore_mem>>) src(%dma_wait3A_1443 : memref<50000x128xf32, #tpu.memory_space<hbm>>) dst(%dma_wait3A_1433 : memref<40x128xf32, #tpu.memory_space<vmem>>)
      %dma_wait3A_1444 = arith.constant 1 : i32
      %dma_wait3A_1445 = arith.constant 48 : i32
      %dma_wait3A_1446 = tpu.memref_slice %arg9[%dma_wait3A_1445] : memref<192xf32, #tpu.memory_space<vmem>> -> memref<40xf32, #tpu.memory_space<vmem>>
      %dma_wait3A_1447 = arith.constant 0 : i32
      %dma_wait3A_1448 = tpu.memref_slice %arg7[%dma_wait3A_1444, %dma_wait3A_1447] : memref<4x40xi32, #tpu.memory_space<vmem>> -> memref<1x40xi32, #tpu.memory_space<vmem>>
      %dma_wait3A_1449 = tpu.memref_squeeze %dma_wait3A_1448 : memref<1x40xi32, #tpu.memory_space<vmem>> -> memref<40xi32, #tpu.memory_space<vmem>>
      %dma_wait3A_1450 = arith.constant 0 : i32
      %dma_wait3A_1451 = tpu.memref_slice %arg4[%dma_wait3A_1450] : memref<50000xf32, #tpu.memory_space<hbm>> -> memref<50000xf32, #tpu.memory_space<hbm>>
      tpu.wait_indirect_dma semaphore(%arg17 : memref<!tpu.dma_semaphore, #tpu.memory_space<semaphore_mem>>) src(%dma_wait3A_1451 : memref<50000xf32, #tpu.memory_space<hbm>>) dst(%dma_wait3A_1446 : memref<40xf32, #tpu.memory_space<vmem>>)
      %dma_wait3A_1452 = arith.constant 0 : i32
      %dma_wait3A_1453 = arith.constant 1 : i32
      %dma_wait3A_1454 = arith.constant 0 : i32
      %dma_wait3A_1455 = arith.constant 40 : i32
      %dma_wait3A_1456 = arith.constant 0 : i32
      %dma_wait3A_1457 = tpu.memref_slice %arg13[%dma_wait3A_1454, %dma_wait3A_1455, %dma_wait3A_1456] : memref<2x160x128xf32, #tpu.memory_space<vmem>> -> memref<1x40x128xf32, #tpu.memory_space<vmem>>
      %dma_wait3A_1458 = tpu.memref_squeeze %dma_wait3A_1457 : memref<1x40x128xf32, #tpu.memory_space<vmem>> -> memref<40x128xf32, #tpu.memory_space<vmem>>
      %dma_wait3A_1459 = arith.constant 0 : i32
      %dma_wait3A_1460 = tpu.memref_slice %arg7[%dma_wait3A_1453, %dma_wait3A_1459] : memref<4x40xi32, #tpu.memory_space<vmem>> -> memref<1x40xi32, #tpu.memory_space<vmem>>
      %dma_wait3A_1461 = tpu.memref_squeeze %dma_wait3A_1460 : memref<1x40xi32, #tpu.memory_space<vmem>> -> memref<40xi32, #tpu.memory_space<vmem>>
      %dma_wait3A_1462 = arith.constant 0 : i32
      %dma_wait3A_1463 = arith.constant 0 : i32
      %dma_wait3A_1464 = tpu.memref_slice %arg2[%dma_wait3A_1452, %dma_wait3A_1462, %dma_wait3A_1463] : memref<2x50000x128xf32, #tpu.memory_space<hbm>> -> memref<1x50000x128xf32, #tpu.memory_space<hbm>>
      %dma_wait3A_1465 = tpu.memref_squeeze %dma_wait3A_1464 : memref<1x50000x128xf32, #tpu.memory_space<hbm>> -> memref<50000x128xf32, #tpu.memory_space<hbm>>
      %dma_wait3A_1466 = arith.constant 0 : i32
      %dma_wait3A_1467 = arith.constant 0 : i32
      %dma_wait3A_1468 = tpu.memref_slice %dma_wait3A_1465[%dma_wait3A_1466, %dma_wait3A_1467] : memref<50000x128xf32, #tpu.memory_space<hbm>> -> memref<50000x128xf32, #tpu.memory_space<hbm>>
      tpu.wait_indirect_dma semaphore(%arg17 : memref<!tpu.dma_semaphore, #tpu.memory_space<semaphore_mem>>) src(%dma_wait3A_1468 : memref<50000x128xf32, #tpu.memory_space<hbm>>) dst(%dma_wait3A_1458 : memref<40x128xf32, #tpu.memory_space<vmem>>)
      %dma_wait3A_1469 = arith.constant 1 : i32
      %dma_wait3A_1470 = arith.constant 1 : i32
      %dma_wait3A_1471 = arith.constant 1 : i32
      %dma_wait3A_1472 = arith.constant 40 : i32
      %dma_wait3A_1473 = arith.constant 0 : i32
      %dma_wait3A_1474 = tpu.memref_slice %arg13[%dma_wait3A_1471, %dma_wait3A_1472, %dma_wait3A_1473] : memref<2x160x128xf32, #tpu.memory_space<vmem>> -> memref<1x40x128xf32, #tpu.memory_space<vmem>>
      %dma_wait3A_1475 = tpu.memref_squeeze %dma_wait3A_1474 : memref<1x40x128xf32, #tpu.memory_space<vmem>> -> memref<40x128xf32, #tpu.memory_space<vmem>>
      %dma_wait3A_1476 = arith.constant 0 : i32
      %dma_wait3A_1477 = tpu.memref_slice %arg7[%dma_wait3A_1470, %dma_wait3A_1476] : memref<4x40xi32, #tpu.memory_space<vmem>> -> memref<1x40xi32, #tpu.memory_space<vmem>>
      %dma_wait3A_1478 = tpu.memref_squeeze %dma_wait3A_1477 : memref<1x40xi32, #tpu.memory_space<vmem>> -> memref<40xi32, #tpu.memory_space<vmem>>
      %dma_wait3A_1479 = arith.constant 0 : i32
      %dma_wait3A_1480 = arith.constant 0 : i32
      %dma_wait3A_1481 = tpu.memref_slice %arg2[%dma_wait3A_1469, %dma_wait3A_1479, %dma_wait3A_1480] : memref<2x50000x128xf32, #tpu.memory_space<hbm>> -> memref<1x50000x128xf32, #tpu.memory_space<hbm>>
      %dma_wait3A_1482 = tpu.memref_squeeze %dma_wait3A_1481 : memref<1x50000x128xf32, #tpu.memory_space<hbm>> -> memref<50000x128xf32, #tpu.memory_space<hbm>>
      %dma_wait3A_1483 = arith.constant 0 : i32
      %dma_wait3A_1484 = arith.constant 0 : i32
      %dma_wait3A_1485 = tpu.memref_slice %dma_wait3A_1482[%dma_wait3A_1483, %dma_wait3A_1484] : memref<50000x128xf32, #tpu.memory_space<hbm>> -> memref<50000x128xf32, #tpu.memory_space<hbm>>
      tpu.wait_indirect_dma semaphore(%arg17 : memref<!tpu.dma_semaphore, #tpu.memory_space<semaphore_mem>>) src(%dma_wait3A_1485 : memref<50000x128xf32, #tpu.memory_space<hbm>>) dst(%dma_wait3A_1475 : memref<40x128xf32, #tpu.memory_space<vmem>>)
      %dma_wait3A_1486 = arith.constant 2 : i32
      %dma_wait3A_1487 = arith.constant 96 : i32
      %dma_wait3A_1488 = tpu.memref_slice %arg9[%dma_wait3A_1487] : memref<192xf32, #tpu.memory_space<vmem>> -> memref<40xf32, #tpu.memory_space<vmem>>
      %dma_wait3A_1489 = arith.constant 0 : i32
      %dma_wait3A_1490 = tpu.memref_slice %arg7[%dma_wait3A_1486, %dma_wait3A_1489] : memref<4x40xi32, #tpu.memory_space<vmem>> -> memref<1x40xi32, #tpu.memory_space<vmem>>
      %dma_wait3A_1491 = tpu.memref_squeeze %dma_wait3A_1490 : memref<1x40xi32, #tpu.memory_space<vmem>> -> memref<40xi32, #tpu.memory_space<vmem>>
      %dma_wait3A_1492 = arith.constant 0 : i32
      %dma_wait3A_1493 = tpu.memref_slice %arg4[%dma_wait3A_1492] : memref<50000xf32, #tpu.memory_space<hbm>> -> memref<50000xf32, #tpu.memory_space<hbm>>
      tpu.wait_indirect_dma semaphore(%arg17 : memref<!tpu.dma_semaphore, #tpu.memory_space<semaphore_mem>>) src(%dma_wait3A_1493 : memref<50000xf32, #tpu.memory_space<hbm>>) dst(%dma_wait3A_1488 : memref<40xf32, #tpu.memory_space<vmem>>)
      %dma_wait3A_1494 = arith.constant 0 : i32
      %dma_wait3A_1495 = arith.constant 2 : i32
      %dma_wait3A_1496 = arith.constant 0 : i32
      %dma_wait3A_1497 = arith.constant 80 : i32
      %dma_wait3A_1498 = arith.constant 0 : i32
      %dma_wait3A_1499 = tpu.memref_slice %arg13[%dma_wait3A_1496, %dma_wait3A_1497, %dma_wait3A_1498] : memref<2x160x128xf32, #tpu.memory_space<vmem>> -> memref<1x40x128xf32, #tpu.memory_space<vmem>>
      %dma_wait3A_1500 = tpu.memref_squeeze %dma_wait3A_1499 : memref<1x40x128xf32, #tpu.memory_space<vmem>> -> memref<40x128xf32, #tpu.memory_space<vmem>>
      %dma_wait3A_1501 = arith.constant 0 : i32
      %dma_wait3A_1502 = tpu.memref_slice %arg7[%dma_wait3A_1495, %dma_wait3A_1501] : memref<4x40xi32, #tpu.memory_space<vmem>> -> memref<1x40xi32, #tpu.memory_space<vmem>>
      %dma_wait3A_1503 = tpu.memref_squeeze %dma_wait3A_1502 : memref<1x40xi32, #tpu.memory_space<vmem>> -> memref<40xi32, #tpu.memory_space<vmem>>
      %dma_wait3A_1504 = arith.constant 0 : i32
      %dma_wait3A_1505 = arith.constant 0 : i32
      %dma_wait3A_1506 = tpu.memref_slice %arg2[%dma_wait3A_1494, %dma_wait3A_1504, %dma_wait3A_1505] : memref<2x50000x128xf32, #tpu.memory_space<hbm>> -> memref<1x50000x128xf32, #tpu.memory_space<hbm>>
      %dma_wait3A_1507 = tpu.memref_squeeze %dma_wait3A_1506 : memref<1x50000x128xf32, #tpu.memory_space<hbm>> -> memref<50000x128xf32, #tpu.memory_space<hbm>>
      %dma_wait3A_1508 = arith.constant 0 : i32
      %dma_wait3A_1509 = arith.constant 0 : i32
      %dma_wait3A_1510 = tpu.memref_slice %dma_wait3A_1507[%dma_wait3A_1508, %dma_wait3A_1509] : memref<50000x128xf32, #tpu.memory_space<hbm>> -> memref<50000x128xf32, #tpu.memory_space<hbm>>
      tpu.wait_indirect_dma semaphore(%arg17 : memref<!tpu.dma_semaphore, #tpu.memory_space<semaphore_mem>>) src(%dma_wait3A_1510 : memref<50000x128xf32, #tpu.memory_space<hbm>>) dst(%dma_wait3A_1500 : memref<40x128xf32, #tpu.memory_space<vmem>>)
      %dma_wait3A_1511 = arith.constant 1 : i32
      %dma_wait3A_1512 = arith.constant 2 : i32
      %dma_wait3A_1513 = arith.constant 1 : i32
      %dma_wait3A_1514 = arith.constant 80 : i32
      %dma_wait3A_1515 = arith.constant 0 : i32
      %dma_wait3A_1516 = tpu.memref_slice %arg13[%dma_wait3A_1513, %dma_wait3A_1514, %dma_wait3A_1515] : memref<2x160x128xf32, #tpu.memory_space<vmem>> -> memref<1x40x128xf32, #tpu.memory_space<vmem>>
      %dma_wait3A_1517 = tpu.memref_squeeze %dma_wait3A_1516 : memref<1x40x128xf32, #tpu.memory_space<vmem>> -> memref<40x128xf32, #tpu.memory_space<vmem>>
      %dma_wait3A_1518 = arith.constant 0 : i32
      %dma_wait3A_1519 = tpu.memref_slice %arg7[%dma_wait3A_1512, %dma_wait3A_1518] : memref<4x40xi32, #tpu.memory_space<vmem>> -> memref<1x40xi32, #tpu.memory_space<vmem>>
      %dma_wait3A_1520 = tpu.memref_squeeze %dma_wait3A_1519 : memref<1x40xi32, #tpu.memory_space<vmem>> -> memref<40xi32, #tpu.memory_space<vmem>>
      %dma_wait3A_1521 = arith.constant 0 : i32
      %dma_wait3A_1522 = arith.constant 0 : i32
      %dma_wait3A_1523 = tpu.memref_slice %arg2[%dma_wait3A_1511, %dma_wait3A_1521, %dma_wait3A_1522] : memref<2x50000x128xf32, #tpu.memory_space<hbm>> -> memref<1x50000x128xf32, #tpu.memory_space<hbm>>
      %dma_wait3A_1524 = tpu.memref_squeeze %dma_wait3A_1523 : memref<1x50000x128xf32, #tpu.memory_space<hbm>> -> memref<50000x128xf32, #tpu.memory_space<hbm>>
      %dma_wait3A_1525 = arith.constant 0 : i32
      %dma_wait3A_1526 = arith.constant 0 : i32
      %dma_wait3A_1527 = tpu.memref_slice %dma_wait3A_1524[%dma_wait3A_1525, %dma_wait3A_1526] : memref<50000x128xf32, #tpu.memory_space<hbm>> -> memref<50000x128xf32, #tpu.memory_space<hbm>>
      tpu.wait_indirect_dma semaphore(%arg17 : memref<!tpu.dma_semaphore, #tpu.memory_space<semaphore_mem>>) src(%dma_wait3A_1527 : memref<50000x128xf32, #tpu.memory_space<hbm>>) dst(%dma_wait3A_1517 : memref<40x128xf32, #tpu.memory_space<vmem>>)
      %dma_wait3A_1528 = arith.constant 3 : i32
      %dma_wait3A_1529 = arith.constant 144 : i32
      %dma_wait3A_1530 = tpu.memref_slice %arg9[%dma_wait3A_1529] : memref<192xf32, #tpu.memory_space<vmem>> -> memref<40xf32, #tpu.memory_space<vmem>>
      %dma_wait3A_1531 = arith.constant 0 : i32
      %dma_wait3A_1532 = tpu.memref_slice %arg7[%dma_wait3A_1528, %dma_wait3A_1531] : memref<4x40xi32, #tpu.memory_space<vmem>> -> memref<1x40xi32, #tpu.memory_space<vmem>>
      %dma_wait3A_1533 = tpu.memref_squeeze %dma_wait3A_1532 : memref<1x40xi32, #tpu.memory_space<vmem>> -> memref<40xi32, #tpu.memory_space<vmem>>
      %dma_wait3A_1534 = arith.constant 0 : i32
      %dma_wait3A_1535 = tpu.memref_slice %arg4[%dma_wait3A_1534] : memref<50000xf32, #tpu.memory_space<hbm>> -> memref<50000xf32, #tpu.memory_space<hbm>>
      tpu.wait_indirect_dma semaphore(%arg17 : memref<!tpu.dma_semaphore, #tpu.memory_space<semaphore_mem>>) src(%dma_wait3A_1535 : memref<50000xf32, #tpu.memory_space<hbm>>) dst(%dma_wait3A_1530 : memref<40xf32, #tpu.memory_space<vmem>>)
      %dma_wait3A_1536 = arith.constant 0 : i32
      %dma_wait3A_1537 = arith.constant 3 : i32
      %dma_wait3A_1538 = arith.constant 0 : i32
      %dma_wait3A_1539 = arith.constant 120 : i32
      %dma_wait3A_1540 = arith.constant 0 : i32
      %dma_wait3A_1541 = tpu.memref_slice %arg13[%dma_wait3A_1538, %dma_wait3A_1539, %dma_wait3A_1540] : memref<2x160x128xf32, #tpu.memory_space<vmem>> -> memref<1x40x128xf32, #tpu.memory_space<vmem>>
      %dma_wait3A_1542 = tpu.memref_squeeze %dma_wait3A_1541 : memref<1x40x128xf32, #tpu.memory_space<vmem>> -> memref<40x128xf32, #tpu.memory_space<vmem>>
      %dma_wait3A_1543 = arith.constant 0 : i32
      %dma_wait3A_1544 = tpu.memref_slice %arg7[%dma_wait3A_1537, %dma_wait3A_1543] : memref<4x40xi32, #tpu.memory_space<vmem>> -> memref<1x40xi32, #tpu.memory_space<vmem>>
      %dma_wait3A_1545 = tpu.memref_squeeze %dma_wait3A_1544 : memref<1x40xi32, #tpu.memory_space<vmem>> -> memref<40xi32, #tpu.memory_space<vmem>>
      %dma_wait3A_1546 = arith.constant 0 : i32
      %dma_wait3A_1547 = arith.constant 0 : i32
      %dma_wait3A_1548 = tpu.memref_slice %arg2[%dma_wait3A_1536, %dma_wait3A_1546, %dma_wait3A_1547] : memref<2x50000x128xf32, #tpu.memory_space<hbm>> -> memref<1x50000x128xf32, #tpu.memory_space<hbm>>
      %dma_wait3A_1549 = tpu.memref_squeeze %dma_wait3A_1548 : memref<1x50000x128xf32, #tpu.memory_space<hbm>> -> memref<50000x128xf32, #tpu.memory_space<hbm>>
      %dma_wait3A_1550 = arith.constant 0 : i32
      %dma_wait3A_1551 = arith.constant 0 : i32
      %dma_wait3A_1552 = tpu.memref_slice %dma_wait3A_1549[%dma_wait3A_1550, %dma_wait3A_1551] : memref<50000x128xf32, #tpu.memory_space<hbm>> -> memref<50000x128xf32, #tpu.memory_space<hbm>>
      tpu.wait_indirect_dma semaphore(%arg17 : memref<!tpu.dma_semaphore, #tpu.memory_space<semaphore_mem>>) src(%dma_wait3A_1552 : memref<50000x128xf32, #tpu.memory_space<hbm>>) dst(%dma_wait3A_1542 : memref<40x128xf32, #tpu.memory_space<vmem>>)
      %dma_wait3A_1553 = arith.constant 1 : i32
      %dma_wait3A_1554 = arith.constant 3 : i32
      %dma_wait3A_1555 = arith.constant 1 : i32
      %dma_wait3A_1556 = arith.constant 120 : i32
      %dma_wait3A_1557 = arith.constant 0 : i32
      %dma_wait3A_1558 = tpu.memref_slice %arg13[%dma_wait3A_1555, %dma_wait3A_1556, %dma_wait3A_1557] : memref<2x160x128xf32, #tpu.memory_space<vmem>> -> memref<1x40x128xf32, #tpu.memory_space<vmem>>
      %dma_wait3A_1559 = tpu.memref_squeeze %dma_wait3A_1558 : memref<1x40x128xf32, #tpu.memory_space<vmem>> -> memref<40x128xf32, #tpu.memory_space<vmem>>
      %dma_wait3A_1560 = arith.constant 0 : i32
      %dma_wait3A_1561 = tpu.memref_slice %arg7[%dma_wait3A_1554, %dma_wait3A_1560] : memref<4x40xi32, #tpu.memory_space<vmem>> -> memref<1x40xi32, #tpu.memory_space<vmem>>
      %dma_wait3A_1562 = tpu.memref_squeeze %dma_wait3A_1561 : memref<1x40xi32, #tpu.memory_space<vmem>> -> memref<40xi32, #tpu.memory_space<vmem>>
      %dma_wait3A_1563 = arith.constant 0 : i32
      %dma_wait3A_1564 = arith.constant 0 : i32
      %dma_wait3A_1565 = tpu.memref_slice %arg2[%dma_wait3A_1553, %dma_wait3A_1563, %dma_wait3A_1564] : memref<2x50000x128xf32, #tpu.memory_space<hbm>> -> memref<1x50000x128xf32, #tpu.memory_space<hbm>>
      %dma_wait3A_1566 = tpu.memref_squeeze %dma_wait3A_1565 : memref<1x50000x128xf32, #tpu.memory_space<hbm>> -> memref<50000x128xf32, #tpu.memory_space<hbm>>
      %dma_wait3A_1567 = arith.constant 0 : i32
      %dma_wait3A_1568 = arith.constant 0 : i32
      %dma_wait3A_1569 = tpu.memref_slice %dma_wait3A_1566[%dma_wait3A_1567, %dma_wait3A_1568] : memref<50000x128xf32, #tpu.memory_space<hbm>> -> memref<50000x128xf32, #tpu.memory_space<hbm>>
      tpu.wait_indirect_dma semaphore(%arg17 : memref<!tpu.dma_semaphore, #tpu.memory_space<semaphore_mem>>) src(%dma_wait3A_1569 : memref<50000x128xf32, #tpu.memory_space<hbm>>) dst(%dma_wait3A_1559 : memref<40x128xf32, #tpu.memory_space<vmem>>)
      %gt3A_1570 = arith.constant 0 : i32
      %gt3A_1571 = arith.cmpi sgt, %scan3A_517, %gt3A_1570 : i32
      %convert_element_type3A_1572 = arith.extui %gt3A_1571 : i1 to i32
      %cond3A_1573 = arith.constant 0 : i32
      %cond3A_1574 = arith.cmpi ne, %convert_element_type3A_1572, %cond3A_1573 : i32
      scf.if %cond3A_1574 {
        %mul3A_1764 = arith.constant 40 : i32
        %mul3A_1765 = arith.muli %min3A_529, %mul3A_1764 : i32
        %mul3A_1766 = arith.constant 40 : i32
        %mul3A_1767 = arith.muli %min3A_529, %mul3A_1766 : i32
        %dma_wait3A_1768 = arith.constant 0 : i32
        %dma_wait3A_1769 = arith.constant 0 : i32
        %dma_wait3A_1770 = arith.constant 0 : i32
        %dma_wait3A_1771 = arith.constant 0 : i32
        %dma_wait3A_1772 = tpu.memref_slice %arg15[%dma_wait3A_1768, %dma_wait3A_1770, %dma_wait3A_1771] : memref<2x40x128xf32, #tpu.memory_space<vmem>> -> memref<1x40x128xf32, #tpu.memory_space<vmem>>
        %dma_wait3A_1773 = tpu.memref_squeeze %dma_wait3A_1772 : memref<1x40x128xf32, #tpu.memory_space<vmem>> -> memref<40x128xf32, #tpu.memory_space<vmem>>
        %dma_wait3A_1774 = arith.constant 0 : i32
        %dma_wait3A_1775 = tpu.memref_slice %arg5[%dma_wait3A_1769, %mul3A_1765, %dma_wait3A_1774] : memref<2x50000x128xf32, #tpu.memory_space<hbm>> -> memref<1x40x128xf32, #tpu.memory_space<hbm>>
        %dma_wait3A_1776 = tpu.memref_squeeze %dma_wait3A_1775 : memref<1x40x128xf32, #tpu.memory_space<hbm>> -> memref<40x128xf32, #tpu.memory_space<hbm>>
        %dma_wait3A_1777 = arith.constant 0 : i32
        %dma_wait3A_1778 = tpu.memref_slice %arg5[%dma_wait3A_1769, %mul3A_1765, %dma_wait3A_1777] : memref<2x50000x128xf32, #tpu.memory_space<hbm>> -> memref<1x40x128xf32, #tpu.memory_space<hbm>>
        %dma_wait3A_1779 = tpu.memref_squeeze %dma_wait3A_1778 : memref<1x40x128xf32, #tpu.memory_space<hbm>> -> memref<40x128xf32, #tpu.memory_space<hbm>>
        %dma_wait3A_1780 = arith.constant 0 : i32
        %dma_wait3A_1781 = arith.constant 0 : i32
        %dma_wait3A_1782 = tpu.memref_slice %arg15[%dma_wait3A_1768, %dma_wait3A_1780, %dma_wait3A_1781] : memref<2x40x128xf32, #tpu.memory_space<vmem>> -> memref<1x40x128xf32, #tpu.memory_space<vmem>>
        %dma_wait3A_1783 = tpu.memref_squeeze %dma_wait3A_1782 : memref<1x40x128xf32, #tpu.memory_space<vmem>> -> memref<40x128xf32, #tpu.memory_space<vmem>>
        tpu.wait_dma2 semaphore(%arg19 : memref<!tpu.dma_semaphore, #tpu.memory_space<semaphore_mem>>) src(%dma_wait3A_1783 : memref<40x128xf32, #tpu.memory_space<vmem>>) dst(%dma_wait3A_1779 : memref<40x128xf32, #tpu.memory_space<hbm>>)
        %dma_wait3A_1784 = arith.constant 1 : i32
        %dma_wait3A_1785 = arith.constant 1 : i32
        %dma_wait3A_1786 = arith.constant 0 : i32
        %dma_wait3A_1787 = arith.constant 0 : i32
        %dma_wait3A_1788 = tpu.memref_slice %arg15[%dma_wait3A_1784, %dma_wait3A_1786, %dma_wait3A_1787] : memref<2x40x128xf32, #tpu.memory_space<vmem>> -> memref<1x40x128xf32, #tpu.memory_space<vmem>>
        %dma_wait3A_1789 = tpu.memref_squeeze %dma_wait3A_1788 : memref<1x40x128xf32, #tpu.memory_space<vmem>> -> memref<40x128xf32, #tpu.memory_space<vmem>>
        %dma_wait3A_1790 = arith.constant 0 : i32
        %dma_wait3A_1791 = tpu.memref_slice %arg5[%dma_wait3A_1785, %mul3A_1767, %dma_wait3A_1790] : memref<2x50000x128xf32, #tpu.memory_space<hbm>> -> memref<1x40x128xf32, #tpu.memory_space<hbm>>
        %dma_wait3A_1792 = tpu.memref_squeeze %dma_wait3A_1791 : memref<1x40x128xf32, #tpu.memory_space<hbm>> -> memref<40x128xf32, #tpu.memory_space<hbm>>
        %dma_wait3A_1793 = arith.constant 0 : i32
        %dma_wait3A_1794 = tpu.memref_slice %arg5[%dma_wait3A_1785, %mul3A_1767, %dma_wait3A_1793] : memref<2x50000x128xf32, #tpu.memory_space<hbm>> -> memref<1x40x128xf32, #tpu.memory_space<hbm>>
        %dma_wait3A_1795 = tpu.memref_squeeze %dma_wait3A_1794 : memref<1x40x128xf32, #tpu.memory_space<hbm>> -> memref<40x128xf32, #tpu.memory_space<hbm>>
        %dma_wait3A_1796 = arith.constant 0 : i32
        %dma_wait3A_1797 = arith.constant 0 : i32
        %dma_wait3A_1798 = tpu.memref_slice %arg15[%dma_wait3A_1784, %dma_wait3A_1796, %dma_wait3A_1797] : memref<2x40x128xf32, #tpu.memory_space<vmem>> -> memref<1x40x128xf32, #tpu.memory_space<vmem>>
        %dma_wait3A_1799 = tpu.memref_squeeze %dma_wait3A_1798 : memref<1x40x128xf32, #tpu.memory_space<vmem>> -> memref<40x128xf32, #tpu.memory_space<vmem>>
        tpu.wait_dma2 semaphore(%arg19 : memref<!tpu.dma_semaphore, #tpu.memory_space<semaphore_mem>>) src(%dma_wait3A_1799 : memref<40x128xf32, #tpu.memory_space<vmem>>) dst(%dma_wait3A_1795 : memref<40x128xf32, #tpu.memory_space<hbm>>)
      } else {
      }
      %get3A_1575 = arith.constant 0 : index
      %get3A_1576 = tpu.vector_load %arg9[%get3A_1575] {strides = array<i32>} : memref<192xf32, #tpu.memory_space<vmem>>, vector<16xf32>,
      %get3A_1577 = vector.shape_cast %get3A_1576 : vector<16xf32> to vector<16xf32>
      %get3A_1578 = arith.constant 48 : index
      %get3A_1579 = tpu.vector_load %arg9[%get3A_1578] {strides = array<i32>} : memref<192xf32, #tpu.memory_space<vmem>>, vector<16xf32>,
      %get3A_1580 = vector.shape_cast %get3A_1579 : vector<16xf32> to vector<16xf32>
      %get3A_1581 = arith.constant 96 : index
      %get3A_1582 = tpu.vector_load %arg9[%get3A_1581] {strides = array<i32>} : memref<192xf32, #tpu.memory_space<vmem>>, vector<16xf32>,
      %get3A_1583 = vector.shape_cast %get3A_1582 : vector<16xf32> to vector<16xf32>
      %get3A_1584 = arith.constant 144 : index
      %get3A_1585 = tpu.vector_load %arg9[%get3A_1584] {strides = array<i32>} : memref<192xf32, #tpu.memory_space<vmem>>, vector<16xf32>,
      %get3A_1586 = vector.shape_cast %get3A_1585 : vector<16xf32> to vector<16xf32>
      %max3A_1587 = arith.maximumf %get3A_1577, %get3A_1580 : vector<16xf32>
      %max3A_1588 = arith.maximumf %get3A_1583, %get3A_1586 : vector<16xf32>
      %max3A_1589 = arith.maximumf %max3A_1587, %max3A_1588 : vector<16xf32>
      %sub3A_1590 = arith.subf %get3A_1577, %max3A_1589 : vector<16xf32>
      %exp3A_1591 = math.exp %sub3A_1590 : vector<16xf32>
      %sub3A_1592 = arith.subf %get3A_1580, %max3A_1589 : vector<16xf32>
      %exp3A_1593 = math.exp %sub3A_1592 : vector<16xf32>
      %sub3A_1594 = arith.subf %get3A_1583, %max3A_1589 : vector<16xf32>
      %exp3A_1595 = math.exp %sub3A_1594 : vector<16xf32>
      %sub3A_1596 = arith.subf %get3A_1586, %max3A_1589 : vector<16xf32>
      %exp3A_1597 = math.exp %sub3A_1596 : vector<16xf32>
      %add3A_1598 = arith.addf %exp3A_1591, %exp3A_1593 : vector<16xf32>
      %add3A_1599 = arith.addf %add3A_1598, %exp3A_1595 : vector<16xf32>
      %add3A_1600 = arith.addf %add3A_1599, %exp3A_1597 : vector<16xf32>
      %div3A_1601 = arith.constant 1.000000e+00 : f32
      %div3A_1602 = vector.broadcast %div3A_1601 : f32 to vector<16xf32>
      %div3A_1603 = arith.divf %div3A_1602, %add3A_1600 : vector<16xf32>
      %mul3A_1604 = arith.mulf %exp3A_1591, %div3A_1603 : vector<16xf32>
      %swap3A_1605 = arith.constant 0 : index
      %swap3A_1606 = tpu.vector_load %arg11[%swap3A_1605] {strides = array<i32>} : memref<208xf32, #tpu.memory_space<vmem>>, vector<16xf32>,
      %swap3A_1607 = vector.shape_cast %swap3A_1606 : vector<16xf32> to vector<16xf32>
      %swap3A_1608 = vector.shape_cast %mul3A_1604 : vector<16xf32> to vector<16xf32>
      tpu.vector_store %arg11[%swap3A_1605], %swap3A_1608 {strides = array<i32>} : memref<208xf32, #tpu.memory_space<vmem>>, vector<16xf32>,
      %mul3A_1609 = arith.mulf %exp3A_1593, %div3A_1603 : vector<16xf32>
      %swap3A_1610 = arith.constant 48 : index
      %swap3A_1611 = tpu.vector_load %arg11[%swap3A_1610] {strides = array<i32>} : memref<208xf32, #tpu.memory_space<vmem>>, vector<16xf32>,
      %swap3A_1612 = vector.shape_cast %swap3A_1611 : vector<16xf32> to vector<16xf32>
      %swap3A_1613 = vector.shape_cast %mul3A_1609 : vector<16xf32> to vector<16xf32>
      tpu.vector_store %arg11[%swap3A_1610], %swap3A_1613 {strides = array<i32>} : memref<208xf32, #tpu.memory_space<vmem>>, vector<16xf32>,
      %mul3A_1614 = arith.mulf %exp3A_1595, %div3A_1603 : vector<16xf32>
      %swap3A_1615 = arith.constant 96 : index
      %swap3A_1616 = tpu.vector_load %arg11[%swap3A_1615] {strides = array<i32>} : memref<208xf32, #tpu.memory_space<vmem>>, vector<16xf32>,
      %swap3A_1617 = vector.shape_cast %swap3A_1616 : vector<16xf32> to vector<16xf32>
      %swap3A_1618 = vector.shape_cast %mul3A_1614 : vector<16xf32> to vector<16xf32>
      tpu.vector_store %arg11[%swap3A_1615], %swap3A_1618 {strides = array<i32>} : memref<208xf32, #tpu.memory_space<vmem>>, vector<16xf32>,
      %mul3A_1619 = arith.mulf %exp3A_1597, %div3A_1603 : vector<16xf32>
      %swap3A_1620 = arith.constant 144 : index
      %swap3A_1621 = tpu.vector_load %arg11[%swap3A_1620] {strides = array<i32>} : memref<208xf32, #tpu.memory_space<vmem>>, vector<16xf32>,
      %swap3A_1622 = vector.shape_cast %swap3A_1621 : vector<16xf32> to vector<16xf32>
      %swap3A_1623 = vector.shape_cast %mul3A_1619 : vector<16xf32> to vector<16xf32>
      tpu.vector_store %arg11[%swap3A_1620], %swap3A_1623 {strides = array<i32>} : memref<208xf32, #tpu.memory_space<vmem>>, vector<16xf32>,
      %get3A_1624 = arith.constant 16 : index
      %get3A_1625 = tpu.vector_load %arg9[%get3A_1624] {strides = array<i32>} : memref<192xf32, #tpu.memory_space<vmem>>, vector<16xf32>,
      %get3A_1626 = vector.shape_cast %get3A_1625 : vector<16xf32> to vector<16xf32>
      %get3A_1627 = arith.constant 64 : index
      %get3A_1628 = tpu.vector_load %arg9[%get3A_1627] {strides = array<i32>} : memref<192xf32, #tpu.memory_space<vmem>>, vector<16xf32>,
      %get3A_1629 = vector.shape_cast %get3A_1628 : vector<16xf32> to vector<16xf32>
      %get3A_1630 = arith.constant 112 : index
      %get3A_1631 = tpu.vector_load %arg9[%get3A_1630] {strides = array<i32>} : memref<192xf32, #tpu.memory_space<vmem>>, vector<16xf32>,
      %get3A_1632 = vector.shape_cast %get3A_1631 : vector<16xf32> to vector<16xf32>
      %get3A_1633 = arith.constant 160 : index
      %get3A_1634 = tpu.vector_load %arg9[%get3A_1633] {strides = array<i32>} : memref<192xf32, #tpu.memory_space<vmem>>, vector<16xf32>,
      %get3A_1635 = vector.shape_cast %get3A_1634 : vector<16xf32> to vector<16xf32>
      %max3A_1636 = arith.maximumf %get3A_1626, %get3A_1629 : vector<16xf32>
      %max3A_1637 = arith.maximumf %get3A_1632, %get3A_1635 : vector<16xf32>
      %max3A_1638 = arith.maximumf %max3A_1636, %max3A_1637 : vector<16xf32>
      %sub3A_1639 = arith.subf %get3A_1626, %max3A_1638 : vector<16xf32>
      %exp3A_1640 = math.exp %sub3A_1639 : vector<16xf32>
      %sub3A_1641 = arith.subf %get3A_1629, %max3A_1638 : vector<16xf32>
      %exp3A_1642 = math.exp %sub3A_1641 : vector<16xf32>
      %sub3A_1643 = arith.subf %get3A_1632, %max3A_1638 : vector<16xf32>
      %exp3A_1644 = math.exp %sub3A_1643 : vector<16xf32>
      %sub3A_1645 = arith.subf %get3A_1635, %max3A_1638 : vector<16xf32>
      %exp3A_1646 = math.exp %sub3A_1645 : vector<16xf32>
      %add3A_1647 = arith.addf %exp3A_1640, %exp3A_1642 : vector<16xf32>
      %add3A_1648 = arith.addf %add3A_1647, %exp3A_1644 : vector<16xf32>
      %add3A_1649 = arith.addf %add3A_1648, %exp3A_1646 : vector<16xf32>
      %div3A_1650 = arith.constant 1.000000e+00 : f32
      %div3A_1651 = vector.broadcast %div3A_1650 : f32 to vector<16xf32>
      %div3A_1652 = arith.divf %div3A_1651, %add3A_1649 : vector<16xf32>
      %mul3A_1653 = arith.mulf %exp3A_1640, %div3A_1652 : vector<16xf32>
      %swap3A_1654 = arith.constant 16 : index
      %swap3A_1655 = tpu.vector_load %arg11[%swap3A_1654] {strides = array<i32>} : memref<208xf32, #tpu.memory_space<vmem>>, vector<16xf32>,
      %swap3A_1656 = vector.shape_cast %swap3A_1655 : vector<16xf32> to vector<16xf32>
      %swap3A_1657 = vector.shape_cast %mul3A_1653 : vector<16xf32> to vector<16xf32>
      tpu.vector_store %arg11[%swap3A_1654], %swap3A_1657 {strides = array<i32>} : memref<208xf32, #tpu.memory_space<vmem>>, vector<16xf32>,
      %mul3A_1658 = arith.mulf %exp3A_1642, %div3A_1652 : vector<16xf32>
      %swap3A_1659 = arith.constant 64 : index
      %swap3A_1660 = tpu.vector_load %arg11[%swap3A_1659] {strides = array<i32>} : memref<208xf32, #tpu.memory_space<vmem>>, vector<16xf32>,
      %swap3A_1661 = vector.shape_cast %swap3A_1660 : vector<16xf32> to vector<16xf32>
      %swap3A_1662 = vector.shape_cast %mul3A_1658 : vector<16xf32> to vector<16xf32>
      tpu.vector_store %arg11[%swap3A_1659], %swap3A_1662 {strides = array<i32>} : memref<208xf32, #tpu.memory_space<vmem>>, vector<16xf32>,
      %mul3A_1663 = arith.mulf %exp3A_1644, %div3A_1652 : vector<16xf32>
      %swap3A_1664 = arith.constant 112 : index
      %swap3A_1665 = tpu.vector_load %arg11[%swap3A_1664] {strides = array<i32>} : memref<208xf32, #tpu.memory_space<vmem>>, vector<16xf32>,
      %swap3A_1666 = vector.shape_cast %swap3A_1665 : vector<16xf32> to vector<16xf32>
      %swap3A_1667 = vector.shape_cast %mul3A_1663 : vector<16xf32> to vector<16xf32>
      tpu.vector_store %arg11[%swap3A_1664], %swap3A_1667 {strides = array<i32>} : memref<208xf32, #tpu.memory_space<vmem>>, vector<16xf32>,
      %mul3A_1668 = arith.mulf %exp3A_1646, %div3A_1652 : vector<16xf32>
      %swap3A_1669 = arith.constant 160 : index
      %swap3A_1670 = tpu.vector_load %arg11[%swap3A_1669] {strides = array<i32>} : memref<208xf32, #tpu.memory_space<vmem>>, vector<16xf32>,
      %swap3A_1671 = vector.shape_cast %swap3A_1670 : vector<16xf32> to vector<16xf32>
      %swap3A_1672 = vector.shape_cast %mul3A_1668 : vector<16xf32> to vector<16xf32>
      tpu.vector_store %arg11[%swap3A_1669], %swap3A_1672 {strides = array<i32>} : memref<208xf32, #tpu.memory_space<vmem>>, vector<16xf32>,
      %get3A_1673 = arith.constant 32 : index
      %get3A_1674 = tpu.vector_load %arg9[%get3A_1673] {strides = array<i32>} : memref<192xf32, #tpu.memory_space<vmem>>, vector<16xf32>,
      %get3A_1675 = vector.shape_cast %get3A_1674 : vector<16xf32> to vector<16xf32>
      %get3A_1676 = arith.constant 80 : index
      %get3A_1677 = tpu.vector_load %arg9[%get3A_1676] {strides = array<i32>} : memref<192xf32, #tpu.memory_space<vmem>>, vector<16xf32>,
      %get3A_1678 = vector.shape_cast %get3A_1677 : vector<16xf32> to vector<16xf32>
      %get3A_1679 = arith.constant 128 : index
      %get3A_1680 = tpu.vector_load %arg9[%get3A_1679] {strides = array<i32>} : memref<192xf32, #tpu.memory_space<vmem>>, vector<16xf32>,
      %get3A_1681 = vector.shape_cast %get3A_1680 : vector<16xf32> to vector<16xf32>
      %get3A_1682 = arith.constant 176 : index
      %get3A_1683 = tpu.vector_load %arg9[%get3A_1682] {strides = array<i32>} : memref<192xf32, #tpu.memory_space<vmem>>, vector<16xf32>,
      %get3A_1684 = vector.shape_cast %get3A_1683 : vector<16xf32> to vector<16xf32>
      %max3A_1685 = arith.maximumf %get3A_1675, %get3A_1678 : vector<16xf32>
      %max3A_1686 = arith.maximumf %get3A_1681, %get3A_1684 : vector<16xf32>
      %max3A_1687 = arith.maximumf %max3A_1685, %max3A_1686 : vector<16xf32>
      %sub3A_1688 = arith.subf %get3A_1675, %max3A_1687 : vector<16xf32>
      %exp3A_1689 = math.exp %sub3A_1688 : vector<16xf32>
      %sub3A_1690 = arith.subf %get3A_1678, %max3A_1687 : vector<16xf32>
      %exp3A_1691 = math.exp %sub3A_1690 : vector<16xf32>
      %sub3A_1692 = arith.subf %get3A_1681, %max3A_1687 : vector<16xf32>
      %exp3A_1693 = math.exp %sub3A_1692 : vector<16xf32>
      %sub3A_1694 = arith.subf %get3A_1684, %max3A_1687 : vector<16xf32>
      %exp3A_1695 = math.exp %sub3A_1694 : vector<16xf32>
      %add3A_1696 = arith.addf %exp3A_1689, %exp3A_1691 : vector<16xf32>
      %add3A_1697 = arith.addf %add3A_1696, %exp3A_1693 : vector<16xf32>
      %add3A_1698 = arith.addf %add3A_1697, %exp3A_1695 : vector<16xf32>
      %div3A_1699 = arith.constant 1.000000e+00 : f32
      %div3A_1700 = vector.broadcast %div3A_1699 : f32 to vector<16xf32>
      %div3A_1701 = arith.divf %div3A_1700, %add3A_1698 : vector<16xf32>
      %mul3A_1702 = arith.mulf %exp3A_1689, %div3A_1701 : vector<16xf32>
      %swap3A_1703 = arith.constant 32 : index
      %swap3A_1704 = tpu.vector_load %arg11[%swap3A_1703] {strides = array<i32>} : memref<208xf32, #tpu.memory_space<vmem>>, vector<16xf32>,
      %swap3A_1705 = vector.shape_cast %swap3A_1704 : vector<16xf32> to vector<16xf32>
      %swap3A_1706 = vector.shape_cast %mul3A_1702 : vector<16xf32> to vector<16xf32>
      tpu.vector_store %arg11[%swap3A_1703], %swap3A_1706 {strides = array<i32>} : memref<208xf32, #tpu.memory_space<vmem>>, vector<16xf32>,
      %mul3A_1707 = arith.mulf %exp3A_1691, %div3A_1701 : vector<16xf32>
      %swap3A_1708 = arith.constant 80 : index
      %swap3A_1709 = tpu.vector_load %arg11[%swap3A_1708] {strides = array<i32>} : memref<208xf32, #tpu.memory_space<vmem>>, vector<16xf32>,
      %swap3A_1710 = vector.shape_cast %swap3A_1709 : vector<16xf32> to vector<16xf32>
      %swap3A_1711 = vector.shape_cast %mul3A_1707 : vector<16xf32> to vector<16xf32>
      tpu.vector_store %arg11[%swap3A_1708], %swap3A_1711 {strides = array<i32>} : memref<208xf32, #tpu.memory_space<vmem>>, vector<16xf32>,
      %mul3A_1712 = arith.mulf %exp3A_1693, %div3A_1701 : vector<16xf32>
      %swap3A_1713 = arith.constant 128 : index
      %swap3A_1714 = tpu.vector_load %arg11[%swap3A_1713] {strides = array<i32>} : memref<208xf32, #tpu.memory_space<vmem>>, vector<16xf32>,
      %swap3A_1715 = vector.shape_cast %swap3A_1714 : vector<16xf32> to vector<16xf32>
      %swap3A_1716 = vector.shape_cast %mul3A_1712 : vector<16xf32> to vector<16xf32>
      tpu.vector_store %arg11[%swap3A_1713], %swap3A_1716 {strides = array<i32>} : memref<208xf32, #tpu.memory_space<vmem>>, vector<16xf32>,
      %mul3A_1717 = arith.mulf %exp3A_1695, %div3A_1701 : vector<16xf32>
      %swap3A_1718 = arith.constant 176 : index
      %swap3A_1719 = tpu.vector_load %arg11[%swap3A_1718] {strides = array<i32>} : memref<208xf32, #tpu.memory_space<vmem>>, vector<16xf32>,
      %swap3A_1720 = vector.shape_cast %swap3A_1719 : vector<16xf32> to vector<16xf32>
      %swap3A_1721 = vector.shape_cast %mul3A_1717 : vector<16xf32> to vector<16xf32>
      tpu.vector_store %arg11[%swap3A_1718], %swap3A_1721 {strides = array<i32>} : memref<208xf32, #tpu.memory_space<vmem>>, vector<16xf32>,
      %scan3A_1722 = arith.constant 0 : i32
      %scan3A_1723 = arith.constant 0 : i32
      %scan3A_1724 = arith.constant 40 : i32
      %scan3A_1725 = arith.addi %scan3A_1723, %scan3A_1724 : i32
      %scan3A_1726 = arith.constant 1 : i32
      scf.for %scan3A_1764 = %scan3A_1723 to %scan3A_1725 step %scan3A_1726  : i32 {
        %add3A_1765 = arith.constant 0 : i32
        %add3A_1766 = arith.addi %add3A_1765, %scan3A_1764 : i32
        %get3A_1767 = arith.index_cast %add3A_1766 : i32 to index
        %get3A_1768 = tpu.vector_load %arg11[%get3A_1767] {strides = array<i32>} : memref<208xf32, #tpu.memory_space<vmem>>, vector<16xf32>,
        %get3A_1769 = vector.shape_cast %get3A_1768 : vector<16xf32> to vector<16xf32>
        %slice3A = vector.extract_strided_slice %get3A_1769 {offsets = [0], sizes = [1], strides = [1]} : vector<16xf32> to vector<1xf32>
        %squeeze3A = vector.extract %slice3A[0] : f32 from vector<1xf32>
        %add3A_1770 = arith.constant 48 : i32
        %add3A_1771 = arith.addi %add3A_1770, %scan3A_1764 : i32
        %get3A_1772 = arith.index_cast %add3A_1771 : i32 to index
        %get3A_1773 = tpu.vector_load %arg11[%get3A_1772] {strides = array<i32>} : memref<208xf32, #tpu.memory_space<vmem>>, vector<16xf32>,
        %get3A_1774 = vector.shape_cast %get3A_1773 : vector<16xf32> to vector<16xf32>
        %slice3A_1775 = vector.extract_strided_slice %get3A_1774 {offsets = [0], sizes = [1], strides = [1]} : vector<16xf32> to vector<1xf32>
        %squeeze3A_1776 = vector.extract %slice3A_1775[0] : f32 from vector<1xf32>
        %add3A_1777 = arith.constant 96 : i32
        %add3A_1778 = arith.addi %add3A_1777, %scan3A_1764 : i32
        %get3A_1779 = arith.index_cast %add3A_1778 : i32 to index
        %get3A_1780 = tpu.vector_load %arg11[%get3A_1779] {strides = array<i32>} : memref<208xf32, #tpu.memory_space<vmem>>, vector<16xf32>,
        %get3A_1781 = vector.shape_cast %get3A_1780 : vector<16xf32> to vector<16xf32>
        %slice3A_1782 = vector.extract_strided_slice %get3A_1781 {offsets = [0], sizes = [1], strides = [1]} : vector<16xf32> to vector<1xf32>
        %squeeze3A_1783 = vector.extract %slice3A_1782[0] : f32 from vector<1xf32>
        %add3A_1784 = arith.constant 144 : i32
        %add3A_1785 = arith.addi %add3A_1784, %scan3A_1764 : i32
        %get3A_1786 = arith.index_cast %add3A_1785 : i32 to index
        %get3A_1787 = tpu.vector_load %arg11[%get3A_1786] {strides = array<i32>} : memref<208xf32, #tpu.memory_space<vmem>>, vector<16xf32>,
        %get3A_1788 = vector.shape_cast %get3A_1787 : vector<16xf32> to vector<16xf32>
        %slice3A_1789 = vector.extract_strided_slice %get3A_1788 {offsets = [0], sizes = [1], strides = [1]} : vector<16xf32> to vector<1xf32>
        %squeeze3A_1790 = vector.extract %slice3A_1789[0] : f32 from vector<1xf32>
        %get3A_1791 = arith.constant 0 : i32
        %get3A_1792 = arith.index_cast %get3A_1791 : i32 to index
        %get3A_1793 = arith.index_cast %scan3A_1764 : i32 to index
        %get3A_1794 = arith.constant 0 : index
        %get3A_1795 = tpu.vector_load %arg13[%get3A_1792, %get3A_1793, %get3A_1794] {strides = array<i32>} : memref<2x160x128xf32, #tpu.memory_space<vmem>>, vector<1x1x16xf32>,
        %get3A_1796 = vector.shape_cast %get3A_1795 : vector<1x1x16xf32> to vector<16xf32>
        %mul3A_1797 = vector.broadcast %squeeze3A : f32 to vector<16xf32>
        %mul3A_1798 = arith.mulf %mul3A_1797, %get3A_1796 : vector<16xf32>
        %add3A_1799 = arith.constant 40 : i32
        %add3A_1800 = arith.addi %add3A_1799, %scan3A_1764 : i32
        %get3A_1801 = arith.constant 0 : i32
        %get3A_1802 = arith.index_cast %get3A_1801 : i32 to index
        %get3A_1803 = arith.index_cast %add3A_1800 : i32 to index
        %get3A_1804 = arith.constant 0 : index
        %get3A_1805 = tpu.vector_load %arg13[%get3A_1802, %get3A_1803, %get3A_1804] {strides = array<i32>} : memref<2x160x128xf32, #tpu.memory_space<vmem>>, vector<1x1x16xf32>,
        %get3A_1806 = vector.shape_cast %get3A_1805 : vector<1x1x16xf32> to vector<16xf32>
        %mul3A_1807 = vector.broadcast %squeeze3A_1776 : f32 to vector<16xf32>
        %mul3A_1808 = arith.mulf %mul3A_1807, %get3A_1806 : vector<16xf32>
        %add3A_1809 = arith.addf %mul3A_1798, %mul3A_1808 : vector<16xf32>
        %add3A_1810 = arith.constant 80 : i32
        %add3A_1811 = arith.addi %add3A_1810, %scan3A_1764 : i32
        %get3A_1812 = arith.constant 0 : i32
        %get3A_1813 = arith.index_cast %get3A_1812 : i32 to index
        %get3A_1814 = arith.index_cast %add3A_1811 : i32 to index
        %get3A_1815 = arith.constant 0 : index
        %get3A_1816 = tpu.vector_load %arg13[%get3A_1813, %get3A_1814, %get3A_1815] {strides = array<i32>} : memref<2x160x128xf32, #tpu.memory_space<vmem>>, vector<1x1x16xf32>,
        %get3A_1817 = vector.shape_cast %get3A_1816 : vector<1x1x16xf32> to vector<16xf32>
        %mul3A_1818 = vector.broadcast %squeeze3A_1783 : f32 to vector<16xf32>
        %mul3A_1819 = arith.mulf %mul3A_1818, %get3A_1817 : vector<16xf32>
        %add3A_1820 = arith.addf %add3A_1809, %mul3A_1819 : vector<16xf32>
        %add3A_1821 = arith.constant 120 : i32
        %add3A_1822 = arith.addi %add3A_1821, %scan3A_1764 : i32
        %get3A_1823 = arith.constant 0 : i32
        %get3A_1824 = arith.index_cast %get3A_1823 : i32 to index
        %get3A_1825 = arith.index_cast %add3A_1822 : i32 to index
        %get3A_1826 = arith.constant 0 : index
        %get3A_1827 = tpu.vector_load %arg13[%get3A_1824, %get3A_1825, %get3A_1826] {strides = array<i32>} : memref<2x160x128xf32, #tpu.memory_space<vmem>>, vector<1x1x16xf32>,
        %get3A_1828 = vector.shape_cast %get3A_1827 : vector<1x1x16xf32> to vector<16xf32>
        %mul3A_1829 = vector.broadcast %squeeze3A_1790 : f32 to vector<16xf32>
        %mul3A_1830 = arith.mulf %mul3A_1829, %get3A_1828 : vector<16xf32>
        %add3A_1831 = arith.addf %add3A_1820, %mul3A_1830 : vector<16xf32>
        %swap3A_1832 = arith.constant 0 : i32
        %swap3A_1833 = arith.index_cast %swap3A_1832 : i32 to index
        %swap3A_1834 = arith.index_cast %scan3A_1764 : i32 to index
        %swap3A_1835 = arith.constant 0 : index
        %swap3A_1836 = tpu.vector_load %arg15[%swap3A_1833, %swap3A_1834, %swap3A_1835] {strides = array<i32>} : memref<2x40x128xf32, #tpu.memory_space<vmem>>, vector<1x1x16xf32>,
        %swap3A_1837 = vector.shape_cast %swap3A_1836 : vector<1x1x16xf32> to vector<16xf32>
        %swap3A_1838 = vector.shape_cast %add3A_1831 : vector<16xf32> to vector<1x1x16xf32>
        tpu.vector_store %arg15[%swap3A_1833, %swap3A_1834, %swap3A_1835], %swap3A_1838 {strides = array<i32>} : memref<2x40x128xf32, #tpu.memory_space<vmem>>, vector<1x1x16xf32>,
        %get3A_1839 = arith.constant 0 : i32
        %get3A_1840 = arith.index_cast %get3A_1839 : i32 to index
        %get3A_1841 = arith.index_cast %scan3A_1764 : i32 to index
        %get3A_1842 = arith.constant 16 : index
        %get3A_1843 = tpu.vector_load %arg13[%get3A_1840, %get3A_1841, %get3A_1842] {strides = array<i32>} : memref<2x160x128xf32, #tpu.memory_space<vmem>>, vector<1x1x16xf32>,
        %get3A_1844 = vector.shape_cast %get3A_1843 : vector<1x1x16xf32> to vector<16xf32>
        %mul3A_1845 = vector.broadcast %squeeze3A : f32 to vector<16xf32>
        %mul3A_1846 = arith.mulf %mul3A_1845, %get3A_1844 : vector<16xf32>
        %add3A_1847 = arith.constant 40 : i32
        %add3A_1848 = arith.addi %add3A_1847, %scan3A_1764 : i32
        %get3A_1849 = arith.constant 0 : i32
        %get3A_1850 = arith.index_cast %get3A_1849 : i32 to index
        %get3A_1851 = arith.index_cast %add3A_1848 : i32 to index
        %get3A_1852 = arith.constant 16 : index
        %get3A_1853 = tpu.vector_load %arg13[%get3A_1850, %get3A_1851, %get3A_1852] {strides = array<i32>} : memref<2x160x128xf32, #tpu.memory_space<vmem>>, vector<1x1x16xf32>,
        %get3A_1854 = vector.shape_cast %get3A_1853 : vector<1x1x16xf32> to vector<16xf32>
        %mul3A_1855 = vector.broadcast %squeeze3A_1776 : f32 to vector<16xf32>
        %mul3A_1856 = arith.mulf %mul3A_1855, %get3A_1854 : vector<16xf32>
        %add3A_1857 = arith.addf %mul3A_1846, %mul3A_1856 : vector<16xf32>
        %add3A_1858 = arith.constant 80 : i32
        %add3A_1859 = arith.addi %add3A_1858, %scan3A_1764 : i32
        %get3A_1860 = arith.constant 0 : i32
        %get3A_1861 = arith.index_cast %get3A_1860 : i32 to index
        %get3A_1862 = arith.index_cast %add3A_1859 : i32 to index
        %get3A_1863 = arith.constant 16 : index
        %get3A_1864 = tpu.vector_load %arg13[%get3A_1861, %get3A_1862, %get3A_1863] {strides = array<i32>} : memref<2x160x128xf32, #tpu.memory_space<vmem>>, vector<1x1x16xf32>,
        %get3A_1865 = vector.shape_cast %get3A_1864 : vector<1x1x16xf32> to vector<16xf32>
        %mul3A_1866 = vector.broadcast %squeeze3A_1783 : f32 to vector<16xf32>
        %mul3A_1867 = arith.mulf %mul3A_1866, %get3A_1865 : vector<16xf32>
        %add3A_1868 = arith.addf %add3A_1857, %mul3A_1867 : vector<16xf32>
        %add3A_1869 = arith.constant 120 : i32
        %add3A_1870 = arith.addi %add3A_1869, %scan3A_1764 : i32
        %get3A_1871 = arith.constant 0 : i32
        %get3A_1872 = arith.index_cast %get3A_1871 : i32 to index
        %get3A_1873 = arith.index_cast %add3A_1870 : i32 to index
        %get3A_1874 = arith.constant 16 : index
        %get3A_1875 = tpu.vector_load %arg13[%get3A_1872, %get3A_1873, %get3A_1874] {strides = array<i32>} : memref<2x160x128xf32, #tpu.memory_space<vmem>>, vector<1x1x16xf32>,
        %get3A_1876 = vector.shape_cast %get3A_1875 : vector<1x1x16xf32> to vector<16xf32>
        %mul3A_1877 = vector.broadcast %squeeze3A_1790 : f32 to vector<16xf32>
        %mul3A_1878 = arith.mulf %mul3A_1877, %get3A_1876 : vector<16xf32>
        %add3A_1879 = arith.addf %add3A_1868, %mul3A_1878 : vector<16xf32>
        %swap3A_1880 = arith.constant 0 : i32
        %swap3A_1881 = arith.index_cast %swap3A_1880 : i32 to index
        %swap3A_1882 = arith.index_cast %scan3A_1764 : i32 to index
        %swap3A_1883 = arith.constant 16 : index
        %swap3A_1884 = tpu.vector_load %arg15[%swap3A_1881, %swap3A_1882, %swap3A_1883] {strides = array<i32>} : memref<2x40x128xf32, #tpu.memory_space<vmem>>, vector<1x1x16xf32>,
        %swap3A_1885 = vector.shape_cast %swap3A_1884 : vector<1x1x16xf32> to vector<16xf32>
        %swap3A_1886 = vector.shape_cast %add3A_1879 : vector<16xf32> to vector<1x1x16xf32>
        tpu.vector_store %arg15[%swap3A_1881, %swap3A_1882, %swap3A_1883], %swap3A_1886 {strides = array<i32>} : memref<2x40x128xf32, #tpu.memory_space<vmem>>, vector<1x1x16xf32>,
        %get3A_1887 = arith.constant 0 : i32
        %get3A_1888 = arith.index_cast %get3A_1887 : i32 to index
        %get3A_1889 = arith.index_cast %scan3A_1764 : i32 to index
        %get3A_1890 = arith.constant 32 : index
        %get3A_1891 = tpu.vector_load %arg13[%get3A_1888, %get3A_1889, %get3A_1890] {strides = array<i32>} : memref<2x160x128xf32, #tpu.memory_space<vmem>>, vector<1x1x16xf32>,
        %get3A_1892 = vector.shape_cast %get3A_1891 : vector<1x1x16xf32> to vector<16xf32>
        %mul3A_1893 = vector.broadcast %squeeze3A : f32 to vector<16xf32>
        %mul3A_1894 = arith.mulf %mul3A_1893, %get3A_1892 : vector<16xf32>
        %add3A_1895 = arith.constant 40 : i32
        %add3A_1896 = arith.addi %add3A_1895, %scan3A_1764 : i32
        %get3A_1897 = arith.constant 0 : i32
        %get3A_1898 = arith.index_cast %get3A_1897 : i32 to index
        %get3A_1899 = arith.index_cast %add3A_1896 : i32 to index
        %get3A_1900 = arith.constant 32 : index
        %get3A_1901 = tpu.vector_load %arg13[%get3A_1898, %get3A_1899, %get3A_1900] {strides = array<i32>} : memref<2x160x128xf32, #tpu.memory_space<vmem>>, vector<1x1x16xf32>,
        %get3A_1902 = vector.shape_cast %get3A_1901 : vector<1x1x16xf32> to vector<16xf32>
        %mul3A_1903 = vector.broadcast %squeeze3A_1776 : f32 to vector<16xf32>
        %mul3A_1904 = arith.mulf %mul3A_1903, %get3A_1902 : vector<16xf32>
        %add3A_1905 = arith.addf %mul3A_1894, %mul3A_1904 : vector<16xf32>
        %add3A_1906 = arith.constant 80 : i32
        %add3A_1907 = arith.addi %add3A_1906, %scan3A_1764 : i32
        %get3A_1908 = arith.constant 0 : i32
        %get3A_1909 = arith.index_cast %get3A_1908 : i32 to index
        %get3A_1910 = arith.index_cast %add3A_1907 : i32 to index
        %get3A_1911 = arith.constant 32 : index
        %get3A_1912 = tpu.vector_load %arg13[%get3A_1909, %get3A_1910, %get3A_1911] {strides = array<i32>} : memref<2x160x128xf32, #tpu.memory_space<vmem>>, vector<1x1x16xf32>,
        %get3A_1913 = vector.shape_cast %get3A_1912 : vector<1x1x16xf32> to vector<16xf32>
        %mul3A_1914 = vector.broadcast %squeeze3A_1783 : f32 to vector<16xf32>
        %mul3A_1915 = arith.mulf %mul3A_1914, %get3A_1913 : vector<16xf32>
        %add3A_1916 = arith.addf %add3A_1905, %mul3A_1915 : vector<16xf32>
        %add3A_1917 = arith.constant 120 : i32
        %add3A_1918 = arith.addi %add3A_1917, %scan3A_1764 : i32
        %get3A_1919 = arith.constant 0 : i32
        %get3A_1920 = arith.index_cast %get3A_1919 : i32 to index
        %get3A_1921 = arith.index_cast %add3A_1918 : i32 to index
        %get3A_1922 = arith.constant 32 : index
        %get3A_1923 = tpu.vector_load %arg13[%get3A_1920, %get3A_1921, %get3A_1922] {strides = array<i32>} : memref<2x160x128xf32, #tpu.memory_space<vmem>>, vector<1x1x16xf32>,
        %get3A_1924 = vector.shape_cast %get3A_1923 : vector<1x1x16xf32> to vector<16xf32>
        %mul3A_1925 = vector.broadcast %squeeze3A_1790 : f32 to vector<16xf32>
        %mul3A_1926 = arith.mulf %mul3A_1925, %get3A_1924 : vector<16xf32>
        %add3A_1927 = arith.addf %add3A_1916, %mul3A_1926 : vector<16xf32>
        %swap3A_1928 = arith.constant 0 : i32
        %swap3A_1929 = arith.index_cast %swap3A_1928 : i32 to index
        %swap3A_1930 = arith.index_cast %scan3A_1764 : i32 to index
        %swap3A_1931 = arith.constant 32 : index
        %swap3A_1932 = tpu.vector_load %arg15[%swap3A_1929, %swap3A_1930, %swap3A_1931] {strides = array<i32>} : memref<2x40x128xf32, #tpu.memory_space<vmem>>, vector<1x1x16xf32>,
        %swap3A_1933 = vector.shape_cast %swap3A_1932 : vector<1x1x16xf32> to vector<16xf32>
        %swap3A_1934 = vector.shape_cast %add3A_1927 : vector<16xf32> to vector<1x1x16xf32>
        tpu.vector_store %arg15[%swap3A_1929, %swap3A_1930, %swap3A_1931], %swap3A_1934 {strides = array<i32>} : memref<2x40x128xf32, #tpu.memory_space<vmem>>, vector<1x1x16xf32>,
        %get3A_1935 = arith.constant 0 : i32
        %get3A_1936 = arith.index_cast %get3A_1935 : i32 to index
        %get3A_1937 = arith.index_cast %scan3A_1764 : i32 to index
        %get3A_1938 = arith.constant 48 : index
        %get3A_1939 = tpu.vector_load %arg13[%get3A_1936, %get3A_1937, %get3A_1938] {strides = array<i32>} : memref<2x160x128xf32, #tpu.memory_space<vmem>>, vector<1x1x16xf32>,
        %get3A_1940 = vector.shape_cast %get3A_1939 : vector<1x1x16xf32> to vector<16xf32>
        %mul3A_1941 = vector.broadcast %squeeze3A : f32 to vector<16xf32>
        %mul3A_1942 = arith.mulf %mul3A_1941, %get3A_1940 : vector<16xf32>
        %add3A_1943 = arith.constant 40 : i32
        %add3A_1944 = arith.addi %add3A_1943, %scan3A_1764 : i32
        %get3A_1945 = arith.constant 0 : i32
        %get3A_1946 = arith.index_cast %get3A_1945 : i32 to index
        %get3A_1947 = arith.index_cast %add3A_1944 : i32 to index
        %get3A_1948 = arith.constant 48 : index
        %get3A_1949 = tpu.vector_load %arg13[%get3A_1946, %get3A_1947, %get3A_1948] {strides = array<i32>} : memref<2x160x128xf32, #tpu.memory_space<vmem>>, vector<1x1x16xf32>,
        %get3A_1950 = vector.shape_cast %get3A_1949 : vector<1x1x16xf32> to vector<16xf32>
        %mul3A_1951 = vector.broadcast %squeeze3A_1776 : f32 to vector<16xf32>
        %mul3A_1952 = arith.mulf %mul3A_1951, %get3A_1950 : vector<16xf32>
        %add3A_1953 = arith.addf %mul3A_1942, %mul3A_1952 : vector<16xf32>
        %add3A_1954 = arith.constant 80 : i32
        %add3A_1955 = arith.addi %add3A_1954, %scan3A_1764 : i32
        %get3A_1956 = arith.constant 0 : i32
        %get3A_1957 = arith.index_cast %get3A_1956 : i32 to index
        %get3A_1958 = arith.index_cast %add3A_1955 : i32 to index
        %get3A_1959 = arith.constant 48 : index
        %get3A_1960 = tpu.vector_load %arg13[%get3A_1957, %get3A_1958, %get3A_1959] {strides = array<i32>} : memref<2x160x128xf32, #tpu.memory_space<vmem>>, vector<1x1x16xf32>,
        %get3A_1961 = vector.shape_cast %get3A_1960 : vector<1x1x16xf32> to vector<16xf32>
        %mul3A_1962 = vector.broadcast %squeeze3A_1783 : f32 to vector<16xf32>
        %mul3A_1963 = arith.mulf %mul3A_1962, %get3A_1961 : vector<16xf32>
        %add3A_1964 = arith.addf %add3A_1953, %mul3A_1963 : vector<16xf32>
        %add3A_1965 = arith.constant 120 : i32
        %add3A_1966 = arith.addi %add3A_1965, %scan3A_1764 : i32
        %get3A_1967 = arith.constant 0 : i32
        %get3A_1968 = arith.index_cast %get3A_1967 : i32 to index
        %get3A_1969 = arith.index_cast %add3A_1966 : i32 to index
        %get3A_1970 = arith.constant 48 : index
        %get3A_1971 = tpu.vector_load %arg13[%get3A_1968, %get3A_1969, %get3A_1970] {strides = array<i32>} : memref<2x160x128xf32, #tpu.memory_space<vmem>>, vector<1x1x16xf32>,
        %get3A_1972 = vector.shape_cast %get3A_1971 : vector<1x1x16xf32> to vector<16xf32>
        %mul3A_1973 = vector.broadcast %squeeze3A_1790 : f32 to vector<16xf32>
        %mul3A_1974 = arith.mulf %mul3A_1973, %get3A_1972 : vector<16xf32>
        %add3A_1975 = arith.addf %add3A_1964, %mul3A_1974 : vector<16xf32>
        %swap3A_1976 = arith.constant 0 : i32
        %swap3A_1977 = arith.index_cast %swap3A_1976 : i32 to index
        %swap3A_1978 = arith.index_cast %scan3A_1764 : i32 to index
        %swap3A_1979 = arith.constant 48 : index
        %swap3A_1980 = tpu.vector_load %arg15[%swap3A_1977, %swap3A_1978, %swap3A_1979] {strides = array<i32>} : memref<2x40x128xf32, #tpu.memory_space<vmem>>, vector<1x1x16xf32>,
        %swap3A_1981 = vector.shape_cast %swap3A_1980 : vector<1x1x16xf32> to vector<16xf32>
        %swap3A_1982 = vector.shape_cast %add3A_1975 : vector<16xf32> to vector<1x1x16xf32>
        tpu.vector_store %arg15[%swap3A_1977, %swap3A_1978, %swap3A_1979], %swap3A_1982 {strides = array<i32>} : memref<2x40x128xf32, #tpu.memory_space<vmem>>, vector<1x1x16xf32>,
        %get3A_1983 = arith.constant 0 : i32
        %get3A_1984 = arith.index_cast %get3A_1983 : i32 to index
        %get3A_1985 = arith.index_cast %scan3A_1764 : i32 to index
        %get3A_1986 = arith.constant 64 : index
        %get3A_1987 = tpu.vector_load %arg13[%get3A_1984, %get3A_1985, %get3A_1986] {strides = array<i32>} : memref<2x160x128xf32, #tpu.memory_space<vmem>>, vector<1x1x16xf32>,
        %get3A_1988 = vector.shape_cast %get3A_1987 : vector<1x1x16xf32> to vector<16xf32>
        %mul3A_1989 = vector.broadcast %squeeze3A : f32 to vector<16xf32>
        %mul3A_1990 = arith.mulf %mul3A_1989, %get3A_1988 : vector<16xf32>
        %add3A_1991 = arith.constant 40 : i32
        %add3A_1992 = arith.addi %add3A_1991, %scan3A_1764 : i32
        %get3A_1993 = arith.constant 0 : i32
        %get3A_1994 = arith.index_cast %get3A_1993 : i32 to index
        %get3A_1995 = arith.index_cast %add3A_1992 : i32 to index
        %get3A_1996 = arith.constant 64 : index
        %get3A_1997 = tpu.vector_load %arg13[%get3A_1994, %get3A_1995, %get3A_1996] {strides = array<i32>} : memref<2x160x128xf32, #tpu.memory_space<vmem>>, vector<1x1x16xf32>,
        %get3A_1998 = vector.shape_cast %get3A_1997 : vector<1x1x16xf32> to vector<16xf32>
        %mul3A_1999 = vector.broadcast %squeeze3A_1776 : f32 to vector<16xf32>
        %mul3A_2000 = arith.mulf %mul3A_1999, %get3A_1998 : vector<16xf32>
        %add3A_2001 = arith.addf %mul3A_1990, %mul3A_2000 : vector<16xf32>
        %add3A_2002 = arith.constant 80 : i32
        %add3A_2003 = arith.addi %add3A_2002, %scan3A_1764 : i32
        %get3A_2004 = arith.constant 0 : i32
        %get3A_2005 = arith.index_cast %get3A_2004 : i32 to index
        %get3A_2006 = arith.index_cast %add3A_2003 : i32 to index
        %get3A_2007 = arith.constant 64 : index
        %get3A_2008 = tpu.vector_load %arg13[%get3A_2005, %get3A_2006, %get3A_2007] {strides = array<i32>} : memref<2x160x128xf32, #tpu.memory_space<vmem>>, vector<1x1x16xf32>,
        %get3A_2009 = vector.shape_cast %get3A_2008 : vector<1x1x16xf32> to vector<16xf32>
        %mul3A_2010 = vector.broadcast %squeeze3A_1783 : f32 to vector<16xf32>
        %mul3A_2011 = arith.mulf %mul3A_2010, %get3A_2009 : vector<16xf32>
        %add3A_2012 = arith.addf %add3A_2001, %mul3A_2011 : vector<16xf32>
        %add3A_2013 = arith.constant 120 : i32
        %add3A_2014 = arith.addi %add3A_2013, %scan3A_1764 : i32
        %get3A_2015 = arith.constant 0 : i32
        %get3A_2016 = arith.index_cast %get3A_2015 : i32 to index
        %get3A_2017 = arith.index_cast %add3A_2014 : i32 to index
        %get3A_2018 = arith.constant 64 : index
        %get3A_2019 = tpu.vector_load %arg13[%get3A_2016, %get3A_2017, %get3A_2018] {strides = array<i32>} : memref<2x160x128xf32, #tpu.memory_space<vmem>>, vector<1x1x16xf32>,
        %get3A_2020 = vector.shape_cast %get3A_2019 : vector<1x1x16xf32> to vector<16xf32>
        %mul3A_2021 = vector.broadcast %squeeze3A_1790 : f32 to vector<16xf32>
        %mul3A_2022 = arith.mulf %mul3A_2021, %get3A_2020 : vector<16xf32>
        %add3A_2023 = arith.addf %add3A_2012, %mul3A_2022 : vector<16xf32>
        %swap3A_2024 = arith.constant 0 : i32
        %swap3A_2025 = arith.index_cast %swap3A_2024 : i32 to index
        %swap3A_2026 = arith.index_cast %scan3A_1764 : i32 to index
        %swap3A_2027 = arith.constant 64 : index
        %swap3A_2028 = tpu.vector_load %arg15[%swap3A_2025, %swap3A_2026, %swap3A_2027] {strides = array<i32>} : memref<2x40x128xf32, #tpu.memory_space<vmem>>, vector<1x1x16xf32>,
        %swap3A_2029 = vector.shape_cast %swap3A_2028 : vector<1x1x16xf32> to vector<16xf32>
        %swap3A_2030 = vector.shape_cast %add3A_2023 : vector<16xf32> to vector<1x1x16xf32>
        tpu.vector_store %arg15[%swap3A_2025, %swap3A_2026, %swap3A_2027], %swap3A_2030 {strides = array<i32>} : memref<2x40x128xf32, #tpu.memory_space<vmem>>, vector<1x1x16xf32>,
        %get3A_2031 = arith.constant 0 : i32
        %get3A_2032 = arith.index_cast %get3A_2031 : i32 to index
        %get3A_2033 = arith.index_cast %scan3A_1764 : i32 to index
        %get3A_2034 = arith.constant 80 : index
        %get3A_2035 = tpu.vector_load %arg13[%get3A_2032, %get3A_2033, %get3A_2034] {strides = array<i32>} : memref<2x160x128xf32, #tpu.memory_space<vmem>>, vector<1x1x16xf32>,
        %get3A_2036 = vector.shape_cast %get3A_2035 : vector<1x1x16xf32> to vector<16xf32>
        %mul3A_2037 = vector.broadcast %squeeze3A : f32 to vector<16xf32>
        %mul3A_2038 = arith.mulf %mul3A_2037, %get3A_2036 : vector<16xf32>
        %add3A_2039 = arith.constant 40 : i32
        %add3A_2040 = arith.addi %add3A_2039, %scan3A_1764 : i32
        %get3A_2041 = arith.constant 0 : i32
        %get3A_2042 = arith.index_cast %get3A_2041 : i32 to index
        %get3A_2043 = arith.index_cast %add3A_2040 : i32 to index
        %get3A_2044 = arith.constant 80 : index
        %get3A_2045 = tpu.vector_load %arg13[%get3A_2042, %get3A_2043, %get3A_2044] {strides = array<i32>} : memref<2x160x128xf32, #tpu.memory_space<vmem>>, vector<1x1x16xf32>,
        %get3A_2046 = vector.shape_cast %get3A_2045 : vector<1x1x16xf32> to vector<16xf32>
        %mul3A_2047 = vector.broadcast %squeeze3A_1776 : f32 to vector<16xf32>
        %mul3A_2048 = arith.mulf %mul3A_2047, %get3A_2046 : vector<16xf32>
        %add3A_2049 = arith.addf %mul3A_2038, %mul3A_2048 : vector<16xf32>
        %add3A_2050 = arith.constant 80 : i32
        %add3A_2051 = arith.addi %add3A_2050, %scan3A_1764 : i32
        %get3A_2052 = arith.constant 0 : i32
        %get3A_2053 = arith.index_cast %get3A_2052 : i32 to index
        %get3A_2054 = arith.index_cast %add3A_2051 : i32 to index
        %get3A_2055 = arith.constant 80 : index
        %get3A_2056 = tpu.vector_load %arg13[%get3A_2053, %get3A_2054, %get3A_2055] {strides = array<i32>} : memref<2x160x128xf32, #tpu.memory_space<vmem>>, vector<1x1x16xf32>,
        %get3A_2057 = vector.shape_cast %get3A_2056 : vector<1x1x16xf32> to vector<16xf32>
        %mul3A_2058 = vector.broadcast %squeeze3A_1783 : f32 to vector<16xf32>
        %mul3A_2059 = arith.mulf %mul3A_2058, %get3A_2057 : vector<16xf32>
        %add3A_2060 = arith.addf %add3A_2049, %mul3A_2059 : vector<16xf32>
        %add3A_2061 = arith.constant 120 : i32
        %add3A_2062 = arith.addi %add3A_2061, %scan3A_1764 : i32
        %get3A_2063 = arith.constant 0 : i32
        %get3A_2064 = arith.index_cast %get3A_2063 : i32 to index
        %get3A_2065 = arith.index_cast %add3A_2062 : i32 to index
        %get3A_2066 = arith.constant 80 : index
        %get3A_2067 = tpu.vector_load %arg13[%get3A_2064, %get3A_2065, %get3A_2066] {strides = array<i32>} : memref<2x160x128xf32, #tpu.memory_space<vmem>>, vector<1x1x16xf32>,
        %get3A_2068 = vector.shape_cast %get3A_2067 : vector<1x1x16xf32> to vector<16xf32>
        %mul3A_2069 = vector.broadcast %squeeze3A_1790 : f32 to vector<16xf32>
        %mul3A_2070 = arith.mulf %mul3A_2069, %get3A_2068 : vector<16xf32>
        %add3A_2071 = arith.addf %add3A_2060, %mul3A_2070 : vector<16xf32>
        %swap3A_2072 = arith.constant 0 : i32
        %swap3A_2073 = arith.index_cast %swap3A_2072 : i32 to index
        %swap3A_2074 = arith.index_cast %scan3A_1764 : i32 to index
        %swap3A_2075 = arith.constant 80 : index
        %swap3A_2076 = tpu.vector_load %arg15[%swap3A_2073, %swap3A_2074, %swap3A_2075] {strides = array<i32>} : memref<2x40x128xf32, #tpu.memory_space<vmem>>, vector<1x1x16xf32>,
        %swap3A_2077 = vector.shape_cast %swap3A_2076 : vector<1x1x16xf32> to vector<16xf32>
        %swap3A_2078 = vector.shape_cast %add3A_2071 : vector<16xf32> to vector<1x1x16xf32>
        tpu.vector_store %arg15[%swap3A_2073, %swap3A_2074, %swap3A_2075], %swap3A_2078 {strides = array<i32>} : memref<2x40x128xf32, #tpu.memory_space<vmem>>, vector<1x1x16xf32>,
        %get3A_2079 = arith.constant 0 : i32
        %get3A_2080 = arith.index_cast %get3A_2079 : i32 to index
        %get3A_2081 = arith.index_cast %scan3A_1764 : i32 to index
        %get3A_2082 = arith.constant 96 : index
        %get3A_2083 = tpu.vector_load %arg13[%get3A_2080, %get3A_2081, %get3A_2082] {strides = array<i32>} : memref<2x160x128xf32, #tpu.memory_space<vmem>>, vector<1x1x16xf32>,
        %get3A_2084 = vector.shape_cast %get3A_2083 : vector<1x1x16xf32> to vector<16xf32>
        %mul3A_2085 = vector.broadcast %squeeze3A : f32 to vector<16xf32>
        %mul3A_2086 = arith.mulf %mul3A_2085, %get3A_2084 : vector<16xf32>
        %add3A_2087 = arith.constant 40 : i32
        %add3A_2088 = arith.addi %add3A_2087, %scan3A_1764 : i32
        %get3A_2089 = arith.constant 0 : i32
        %get3A_2090 = arith.index_cast %get3A_2089 : i32 to index
        %get3A_2091 = arith.index_cast %add3A_2088 : i32 to index
        %get3A_2092 = arith.constant 96 : index
        %get3A_2093 = tpu.vector_load %arg13[%get3A_2090, %get3A_2091, %get3A_2092] {strides = array<i32>} : memref<2x160x128xf32, #tpu.memory_space<vmem>>, vector<1x1x16xf32>,
        %get3A_2094 = vector.shape_cast %get3A_2093 : vector<1x1x16xf32> to vector<16xf32>
        %mul3A_2095 = vector.broadcast %squeeze3A_1776 : f32 to vector<16xf32>
        %mul3A_2096 = arith.mulf %mul3A_2095, %get3A_2094 : vector<16xf32>
        %add3A_2097 = arith.addf %mul3A_2086, %mul3A_2096 : vector<16xf32>
        %add3A_2098 = arith.constant 80 : i32
        %add3A_2099 = arith.addi %add3A_2098, %scan3A_1764 : i32
        %get3A_2100 = arith.constant 0 : i32
        %get3A_2101 = arith.index_cast %get3A_2100 : i32 to index
        %get3A_2102 = arith.index_cast %add3A_2099 : i32 to index
        %get3A_2103 = arith.constant 96 : index
        %get3A_2104 = tpu.vector_load %arg13[%get3A_2101, %get3A_2102, %get3A_2103] {strides = array<i32>} : memref<2x160x128xf32, #tpu.memory_space<vmem>>, vector<1x1x16xf32>,
        %get3A_2105 = vector.shape_cast %get3A_2104 : vector<1x1x16xf32> to vector<16xf32>
        %mul3A_2106 = vector.broadcast %squeeze3A_1783 : f32 to vector<16xf32>
        %mul3A_2107 = arith.mulf %mul3A_2106, %get3A_2105 : vector<16xf32>
        %add3A_2108 = arith.addf %add3A_2097, %mul3A_2107 : vector<16xf32>
        %add3A_2109 = arith.constant 120 : i32
        %add3A_2110 = arith.addi %add3A_2109, %scan3A_1764 : i32
        %get3A_2111 = arith.constant 0 : i32
        %get3A_2112 = arith.index_cast %get3A_2111 : i32 to index
        %get3A_2113 = arith.index_cast %add3A_2110 : i32 to index
        %get3A_2114 = arith.constant 96 : index
        %get3A_2115 = tpu.vector_load %arg13[%get3A_2112, %get3A_2113, %get3A_2114] {strides = array<i32>} : memref<2x160x128xf32, #tpu.memory_space<vmem>>, vector<1x1x16xf32>,
        %get3A_2116 = vector.shape_cast %get3A_2115 : vector<1x1x16xf32> to vector<16xf32>
        %mul3A_2117 = vector.broadcast %squeeze3A_1790 : f32 to vector<16xf32>
        %mul3A_2118 = arith.mulf %mul3A_2117, %get3A_2116 : vector<16xf32>
        %add3A_2119 = arith.addf %add3A_2108, %mul3A_2118 : vector<16xf32>
        %swap3A_2120 = arith.constant 0 : i32
        %swap3A_2121 = arith.index_cast %swap3A_2120 : i32 to index
        %swap3A_2122 = arith.index_cast %scan3A_1764 : i32 to index
        %swap3A_2123 = arith.constant 96 : index
        %swap3A_2124 = tpu.vector_load %arg15[%swap3A_2121, %swap3A_2122, %swap3A_2123] {strides = array<i32>} : memref<2x40x128xf32, #tpu.memory_space<vmem>>, vector<1x1x16xf32>,
        %swap3A_2125 = vector.shape_cast %swap3A_2124 : vector<1x1x16xf32> to vector<16xf32>
        %swap3A_2126 = vector.shape_cast %add3A_2119 : vector<16xf32> to vector<1x1x16xf32>
        tpu.vector_store %arg15[%swap3A_2121, %swap3A_2122, %swap3A_2123], %swap3A_2126 {strides = array<i32>} : memref<2x40x128xf32, #tpu.memory_space<vmem>>, vector<1x1x16xf32>,
        %get3A_2127 = arith.constant 0 : i32
        %get3A_2128 = arith.index_cast %get3A_2127 : i32 to index
        %get3A_2129 = arith.index_cast %scan3A_1764 : i32 to index
        %get3A_2130 = arith.constant 112 : index
        %get3A_2131 = tpu.vector_load %arg13[%get3A_2128, %get3A_2129, %get3A_2130] {strides = array<i32>} : memref<2x160x128xf32, #tpu.memory_space<vmem>>, vector<1x1x16xf32>,
        %get3A_2132 = vector.shape_cast %get3A_2131 : vector<1x1x16xf32> to vector<16xf32>
        %mul3A_2133 = vector.broadcast %squeeze3A : f32 to vector<16xf32>
        %mul3A_2134 = arith.mulf %mul3A_2133, %get3A_2132 : vector<16xf32>
        %add3A_2135 = arith.constant 40 : i32
        %add3A_2136 = arith.addi %add3A_2135, %scan3A_1764 : i32
        %get3A_2137 = arith.constant 0 : i32
        %get3A_2138 = arith.index_cast %get3A_2137 : i32 to index
        %get3A_2139 = arith.index_cast %add3A_2136 : i32 to index
        %get3A_2140 = arith.constant 112 : index
        %get3A_2141 = tpu.vector_load %arg13[%get3A_2138, %get3A_2139, %get3A_2140] {strides = array<i32>} : memref<2x160x128xf32, #tpu.memory_space<vmem>>, vector<1x1x16xf32>,
        %get3A_2142 = vector.shape_cast %get3A_2141 : vector<1x1x16xf32> to vector<16xf32>
        %mul3A_2143 = vector.broadcast %squeeze3A_1776 : f32 to vector<16xf32>
        %mul3A_2144 = arith.mulf %mul3A_2143, %get3A_2142 : vector<16xf32>
        %add3A_2145 = arith.addf %mul3A_2134, %mul3A_2144 : vector<16xf32>
        %add3A_2146 = arith.constant 80 : i32
        %add3A_2147 = arith.addi %add3A_2146, %scan3A_1764 : i32
        %get3A_2148 = arith.constant 0 : i32
        %get3A_2149 = arith.index_cast %get3A_2148 : i32 to index
        %get3A_2150 = arith.index_cast %add3A_2147 : i32 to index
        %get3A_2151 = arith.constant 112 : index
        %get3A_2152 = tpu.vector_load %arg13[%get3A_2149, %get3A_2150, %get3A_2151] {strides = array<i32>} : memref<2x160x128xf32, #tpu.memory_space<vmem>>, vector<1x1x16xf32>,
        %get3A_2153 = vector.shape_cast %get3A_2152 : vector<1x1x16xf32> to vector<16xf32>
        %mul3A_2154 = vector.broadcast %squeeze3A_1783 : f32 to vector<16xf32>
        %mul3A_2155 = arith.mulf %mul3A_2154, %get3A_2153 : vector<16xf32>
        %add3A_2156 = arith.addf %add3A_2145, %mul3A_2155 : vector<16xf32>
        %add3A_2157 = arith.constant 120 : i32
        %add3A_2158 = arith.addi %add3A_2157, %scan3A_1764 : i32
        %get3A_2159 = arith.constant 0 : i32
        %get3A_2160 = arith.index_cast %get3A_2159 : i32 to index
        %get3A_2161 = arith.index_cast %add3A_2158 : i32 to index
        %get3A_2162 = arith.constant 112 : index
        %get3A_2163 = tpu.vector_load %arg13[%get3A_2160, %get3A_2161, %get3A_2162] {strides = array<i32>} : memref<2x160x128xf32, #tpu.memory_space<vmem>>, vector<1x1x16xf32>,
        %get3A_2164 = vector.shape_cast %get3A_2163 : vector<1x1x16xf32> to vector<16xf32>
        %mul3A_2165 = vector.broadcast %squeeze3A_1790 : f32 to vector<16xf32>
        %mul3A_2166 = arith.mulf %mul3A_2165, %get3A_2164 : vector<16xf32>
        %add3A_2167 = arith.addf %add3A_2156, %mul3A_2166 : vector<16xf32>
        %swap3A_2168 = arith.constant 0 : i32
        %swap3A_2169 = arith.index_cast %swap3A_2168 : i32 to index
        %swap3A_2170 = arith.index_cast %scan3A_1764 : i32 to index
        %swap3A_2171 = arith.constant 112 : index
        %swap3A_2172 = tpu.vector_load %arg15[%swap3A_2169, %swap3A_2170, %swap3A_2171] {strides = array<i32>} : memref<2x40x128xf32, #tpu.memory_space<vmem>>, vector<1x1x16xf32>,
        %swap3A_2173 = vector.shape_cast %swap3A_2172 : vector<1x1x16xf32> to vector<16xf32>
        %swap3A_2174 = vector.shape_cast %add3A_2167 : vector<16xf32> to vector<1x1x16xf32>
        tpu.vector_store %arg15[%swap3A_2169, %swap3A_2170, %swap3A_2171], %swap3A_2174 {strides = array<i32>} : memref<2x40x128xf32, #tpu.memory_space<vmem>>, vector<1x1x16xf32>,
        %get3A_2175 = arith.constant 1 : i32
        %get3A_2176 = arith.index_cast %get3A_2175 : i32 to index
        %get3A_2177 = arith.index_cast %scan3A_1764 : i32 to index
        %get3A_2178 = arith.constant 0 : index
        %get3A_2179 = tpu.vector_load %arg13[%get3A_2176, %get3A_2177, %get3A_2178] {strides = array<i32>} : memref<2x160x128xf32, #tpu.memory_space<vmem>>, vector<1x1x16xf32>,
        %get3A_2180 = vector.shape_cast %get3A_2179 : vector<1x1x16xf32> to vector<16xf32>
        %mul3A_2181 = vector.broadcast %squeeze3A : f32 to vector<16xf32>
        %mul3A_2182 = arith.mulf %mul3A_2181, %get3A_2180 : vector<16xf32>
        %add3A_2183 = arith.constant 40 : i32
        %add3A_2184 = arith.addi %add3A_2183, %scan3A_1764 : i32
        %get3A_2185 = arith.constant 1 : i32
        %get3A_2186 = arith.index_cast %get3A_2185 : i32 to index
        %get3A_2187 = arith.index_cast %add3A_2184 : i32 to index
        %get3A_2188 = arith.constant 0 : index
        %get3A_2189 = tpu.vector_load %arg13[%get3A_2186, %get3A_2187, %get3A_2188] {strides = array<i32>} : memref<2x160x128xf32, #tpu.memory_space<vmem>>, vector<1x1x16xf32>,
        %get3A_2190 = vector.shape_cast %get3A_2189 : vector<1x1x16xf32> to vector<16xf32>
        %mul3A_2191 = vector.broadcast %squeeze3A_1776 : f32 to vector<16xf32>
        %mul3A_2192 = arith.mulf %mul3A_2191, %get3A_2190 : vector<16xf32>
        %add3A_2193 = arith.addf %mul3A_2182, %mul3A_2192 : vector<16xf32>
        %add3A_2194 = arith.constant 80 : i32
        %add3A_2195 = arith.addi %add3A_2194, %scan3A_1764 : i32
        %get3A_2196 = arith.constant 1 : i32
        %get3A_2197 = arith.index_cast %get3A_2196 : i32 to index
        %get3A_2198 = arith.index_cast %add3A_2195 : i32 to index
        %get3A_2199 = arith.constant 0 : index
        %get3A_2200 = tpu.vector_load %arg13[%get3A_2197, %get3A_2198, %get3A_2199] {strides = array<i32>} : memref<2x160x128xf32, #tpu.memory_space<vmem>>, vector<1x1x16xf32>,
        %get3A_2201 = vector.shape_cast %get3A_2200 : vector<1x1x16xf32> to vector<16xf32>
        %mul3A_2202 = vector.broadcast %squeeze3A_1783 : f32 to vector<16xf32>
        %mul3A_2203 = arith.mulf %mul3A_2202, %get3A_2201 : vector<16xf32>
        %add3A_2204 = arith.addf %add3A_2193, %mul3A_2203 : vector<16xf32>
        %add3A_2205 = arith.constant 120 : i32
        %add3A_2206 = arith.addi %add3A_2205, %scan3A_1764 : i32
        %get3A_2207 = arith.constant 1 : i32
        %get3A_2208 = arith.index_cast %get3A_2207 : i32 to index
        %get3A_2209 = arith.index_cast %add3A_2206 : i32 to index
        %get3A_2210 = arith.constant 0 : index
        %get3A_2211 = tpu.vector_load %arg13[%get3A_2208, %get3A_2209, %get3A_2210] {strides = array<i32>} : memref<2x160x128xf32, #tpu.memory_space<vmem>>, vector<1x1x16xf32>,
        %get3A_2212 = vector.shape_cast %get3A_2211 : vector<1x1x16xf32> to vector<16xf32>
        %mul3A_2213 = vector.broadcast %squeeze3A_1790 : f32 to vector<16xf32>
        %mul3A_2214 = arith.mulf %mul3A_2213, %get3A_2212 : vector<16xf32>
        %add3A_2215 = arith.addf %add3A_2204, %mul3A_2214 : vector<16xf32>
        %swap3A_2216 = arith.constant 1 : i32
        %swap3A_2217 = arith.index_cast %swap3A_2216 : i32 to index
        %swap3A_2218 = arith.index_cast %scan3A_1764 : i32 to index
        %swap3A_2219 = arith.constant 0 : index
        %swap3A_2220 = tpu.vector_load %arg15[%swap3A_2217, %swap3A_2218, %swap3A_2219] {strides = array<i32>} : memref<2x40x128xf32, #tpu.memory_space<vmem>>, vector<1x1x16xf32>,
        %swap3A_2221 = vector.shape_cast %swap3A_2220 : vector<1x1x16xf32> to vector<16xf32>
        %swap3A_2222 = vector.shape_cast %add3A_2215 : vector<16xf32> to vector<1x1x16xf32>
        tpu.vector_store %arg15[%swap3A_2217, %swap3A_2218, %swap3A_2219], %swap3A_2222 {strides = array<i32>} : memref<2x40x128xf32, #tpu.memory_space<vmem>>, vector<1x1x16xf32>,
        %get3A_2223 = arith.constant 1 : i32
        %get3A_2224 = arith.index_cast %get3A_2223 : i32 to index
        %get3A_2225 = arith.index_cast %scan3A_1764 : i32 to index
        %get3A_2226 = arith.constant 16 : index
        %get3A_2227 = tpu.vector_load %arg13[%get3A_2224, %get3A_2225, %get3A_2226] {strides = array<i32>} : memref<2x160x128xf32, #tpu.memory_space<vmem>>, vector<1x1x16xf32>,
        %get3A_2228 = vector.shape_cast %get3A_2227 : vector<1x1x16xf32> to vector<16xf32>
        %mul3A_2229 = vector.broadcast %squeeze3A : f32 to vector<16xf32>
        %mul3A_2230 = arith.mulf %mul3A_2229, %get3A_2228 : vector<16xf32>
        %add3A_2231 = arith.constant 40 : i32
        %add3A_2232 = arith.addi %add3A_2231, %scan3A_1764 : i32
        %get3A_2233 = arith.constant 1 : i32
        %get3A_2234 = arith.index_cast %get3A_2233 : i32 to index
        %get3A_2235 = arith.index_cast %add3A_2232 : i32 to index
        %get3A_2236 = arith.constant 16 : index
        %get3A_2237 = tpu.vector_load %arg13[%get3A_2234, %get3A_2235, %get3A_2236] {strides = array<i32>} : memref<2x160x128xf32, #tpu.memory_space<vmem>>, vector<1x1x16xf32>,
        %get3A_2238 = vector.shape_cast %get3A_2237 : vector<1x1x16xf32> to vector<16xf32>
        %mul3A_2239 = vector.broadcast %squeeze3A_1776 : f32 to vector<16xf32>
        %mul3A_2240 = arith.mulf %mul3A_2239, %get3A_2238 : vector<16xf32>
        %add3A_2241 = arith.addf %mul3A_2230, %mul3A_2240 : vector<16xf32>
        %add3A_2242 = arith.constant 80 : i32
        %add3A_2243 = arith.addi %add3A_2242, %scan3A_1764 : i32
        %get3A_2244 = arith.constant 1 : i32
        %get3A_2245 = arith.index_cast %get3A_2244 : i32 to index
        %get3A_2246 = arith.index_cast %add3A_2243 : i32 to index
        %get3A_2247 = arith.constant 16 : index
        %get3A_2248 = tpu.vector_load %arg13[%get3A_2245, %get3A_2246, %get3A_2247] {strides = array<i32>} : memref<2x160x128xf32, #tpu.memory_space<vmem>>, vector<1x1x16xf32>,
        %get3A_2249 = vector.shape_cast %get3A_2248 : vector<1x1x16xf32> to vector<16xf32>
        %mul3A_2250 = vector.broadcast %squeeze3A_1783 : f32 to vector<16xf32>
        %mul3A_2251 = arith.mulf %mul3A_2250, %get3A_2249 : vector<16xf32>
        %add3A_2252 = arith.addf %add3A_2241, %mul3A_2251 : vector<16xf32>
        %add3A_2253 = arith.constant 120 : i32
        %add3A_2254 = arith.addi %add3A_2253, %scan3A_1764 : i32
        %get3A_2255 = arith.constant 1 : i32
        %get3A_2256 = arith.index_cast %get3A_2255 : i32 to index
        %get3A_2257 = arith.index_cast %add3A_2254 : i32 to index
        %get3A_2258 = arith.constant 16 : index
        %get3A_2259 = tpu.vector_load %arg13[%get3A_2256, %get3A_2257, %get3A_2258] {strides = array<i32>} : memref<2x160x128xf32, #tpu.memory_space<vmem>>, vector<1x1x16xf32>,
        %get3A_2260 = vector.shape_cast %get3A_2259 : vector<1x1x16xf32> to vector<16xf32>
        %mul3A_2261 = vector.broadcast %squeeze3A_1790 : f32 to vector<16xf32>
        %mul3A_2262 = arith.mulf %mul3A_2261, %get3A_2260 : vector<16xf32>
        %add3A_2263 = arith.addf %add3A_2252, %mul3A_2262 : vector<16xf32>
        %swap3A_2264 = arith.constant 1 : i32
        %swap3A_2265 = arith.index_cast %swap3A_2264 : i32 to index
        %swap3A_2266 = arith.index_cast %scan3A_1764 : i32 to index
        %swap3A_2267 = arith.constant 16 : index
        %swap3A_2268 = tpu.vector_load %arg15[%swap3A_2265, %swap3A_2266, %swap3A_2267] {strides = array<i32>} : memref<2x40x128xf32, #tpu.memory_space<vmem>>, vector<1x1x16xf32>,
        %swap3A_2269 = vector.shape_cast %swap3A_2268 : vector<1x1x16xf32> to vector<16xf32>
        %swap3A_2270 = vector.shape_cast %add3A_2263 : vector<16xf32> to vector<1x1x16xf32>
        tpu.vector_store %arg15[%swap3A_2265, %swap3A_2266, %swap3A_2267], %swap3A_2270 {strides = array<i32>} : memref<2x40x128xf32, #tpu.memory_space<vmem>>, vector<1x1x16xf32>,
        %get3A_2271 = arith.constant 1 : i32
        %get3A_2272 = arith.index_cast %get3A_2271 : i32 to index
        %get3A_2273 = arith.index_cast %scan3A_1764 : i32 to index
        %get3A_2274 = arith.constant 32 : index
        %get3A_2275 = tpu.vector_load %arg13[%get3A_2272, %get3A_2273, %get3A_2274] {strides = array<i32>} : memref<2x160x128xf32, #tpu.memory_space<vmem>>, vector<1x1x16xf32>,
        %get3A_2276 = vector.shape_cast %get3A_2275 : vector<1x1x16xf32> to vector<16xf32>
        %mul3A_2277 = vector.broadcast %squeeze3A : f32 to vector<16xf32>
        %mul3A_2278 = arith.mulf %mul3A_2277, %get3A_2276 : vector<16xf32>
        %add3A_2279 = arith.constant 40 : i32
        %add3A_2280 = arith.addi %add3A_2279, %scan3A_1764 : i32
        %get3A_2281 = arith.constant 1 : i32
        %get3A_2282 = arith.index_cast %get3A_2281 : i32 to index
        %get3A_2283 = arith.index_cast %add3A_2280 : i32 to index
        %get3A_2284 = arith.constant 32 : index
        %get3A_2285 = tpu.vector_load %arg13[%get3A_2282, %get3A_2283, %get3A_2284] {strides = array<i32>} : memref<2x160x128xf32, #tpu.memory_space<vmem>>, vector<1x1x16xf32>,
        %get3A_2286 = vector.shape_cast %get3A_2285 : vector<1x1x16xf32> to vector<16xf32>
        %mul3A_2287 = vector.broadcast %squeeze3A_1776 : f32 to vector<16xf32>
        %mul3A_2288 = arith.mulf %mul3A_2287, %get3A_2286 : vector<16xf32>
        %add3A_2289 = arith.addf %mul3A_2278, %mul3A_2288 : vector<16xf32>
        %add3A_2290 = arith.constant 80 : i32
        %add3A_2291 = arith.addi %add3A_2290, %scan3A_1764 : i32
        %get3A_2292 = arith.constant 1 : i32
        %get3A_2293 = arith.index_cast %get3A_2292 : i32 to index
        %get3A_2294 = arith.index_cast %add3A_2291 : i32 to index
        %get3A_2295 = arith.constant 32 : index
        %get3A_2296 = tpu.vector_load %arg13[%get3A_2293, %get3A_2294, %get3A_2295] {strides = array<i32>} : memref<2x160x128xf32, #tpu.memory_space<vmem>>, vector<1x1x16xf32>,
        %get3A_2297 = vector.shape_cast %get3A_2296 : vector<1x1x16xf32> to vector<16xf32>
        %mul3A_2298 = vector.broadcast %squeeze3A_1783 : f32 to vector<16xf32>
        %mul3A_2299 = arith.mulf %mul3A_2298, %get3A_2297 : vector<16xf32>
        %add3A_2300 = arith.addf %add3A_2289, %mul3A_2299 : vector<16xf32>
        %add3A_2301 = arith.constant 120 : i32
        %add3A_2302 = arith.addi %add3A_2301, %scan3A_1764 : i32
        %get3A_2303 = arith.constant 1 : i32
        %get3A_2304 = arith.index_cast %get3A_2303 : i32 to index
        %get3A_2305 = arith.index_cast %add3A_2302 : i32 to index
        %get3A_2306 = arith.constant 32 : index
        %get3A_2307 = tpu.vector_load %arg13[%get3A_2304, %get3A_2305, %get3A_2306] {strides = array<i32>} : memref<2x160x128xf32, #tpu.memory_space<vmem>>, vector<1x1x16xf32>,
        %get3A_2308 = vector.shape_cast %get3A_2307 : vector<1x1x16xf32> to vector<16xf32>
        %mul3A_2309 = vector.broadcast %squeeze3A_1790 : f32 to vector<16xf32>
        %mul3A_2310 = arith.mulf %mul3A_2309, %get3A_2308 : vector<16xf32>
        %add3A_2311 = arith.addf %add3A_2300, %mul3A_2310 : vector<16xf32>
        %swap3A_2312 = arith.constant 1 : i32
        %swap3A_2313 = arith.index_cast %swap3A_2312 : i32 to index
        %swap3A_2314 = arith.index_cast %scan3A_1764 : i32 to index
        %swap3A_2315 = arith.constant 32 : index
        %swap3A_2316 = tpu.vector_load %arg15[%swap3A_2313, %swap3A_2314, %swap3A_2315] {strides = array<i32>} : memref<2x40x128xf32, #tpu.memory_space<vmem>>, vector<1x1x16xf32>,
        %swap3A_2317 = vector.shape_cast %swap3A_2316 : vector<1x1x16xf32> to vector<16xf32>
        %swap3A_2318 = vector.shape_cast %add3A_2311 : vector<16xf32> to vector<1x1x16xf32>
        tpu.vector_store %arg15[%swap3A_2313, %swap3A_2314, %swap3A_2315], %swap3A_2318 {strides = array<i32>} : memref<2x40x128xf32, #tpu.memory_space<vmem>>, vector<1x1x16xf32>,
        %get3A_2319 = arith.constant 1 : i32
        %get3A_2320 = arith.index_cast %get3A_2319 : i32 to index
        %get3A_2321 = arith.index_cast %scan3A_1764 : i32 to index
        %get3A_2322 = arith.constant 48 : index
        %get3A_2323 = tpu.vector_load %arg13[%get3A_2320, %get3A_2321, %get3A_2322] {strides = array<i32>} : memref<2x160x128xf32, #tpu.memory_space<vmem>>, vector<1x1x16xf32>,
        %get3A_2324 = vector.shape_cast %get3A_2323 : vector<1x1x16xf32> to vector<16xf32>
        %mul3A_2325 = vector.broadcast %squeeze3A : f32 to vector<16xf32>
        %mul3A_2326 = arith.mulf %mul3A_2325, %get3A_2324 : vector<16xf32>
        %add3A_2327 = arith.constant 40 : i32
        %add3A_2328 = arith.addi %add3A_2327, %scan3A_1764 : i32
        %get3A_2329 = arith.constant 1 : i32
        %get3A_2330 = arith.index_cast %get3A_2329 : i32 to index
        %get3A_2331 = arith.index_cast %add3A_2328 : i32 to index
        %get3A_2332 = arith.constant 48 : index
        %get3A_2333 = tpu.vector_load %arg13[%get3A_2330, %get3A_2331, %get3A_2332] {strides = array<i32>} : memref<2x160x128xf32, #tpu.memory_space<vmem>>, vector<1x1x16xf32>,
        %get3A_2334 = vector.shape_cast %get3A_2333 : vector<1x1x16xf32> to vector<16xf32>
        %mul3A_2335 = vector.broadcast %squeeze3A_1776 : f32 to vector<16xf32>
        %mul3A_2336 = arith.mulf %mul3A_2335, %get3A_2334 : vector<16xf32>
        %add3A_2337 = arith.addf %mul3A_2326, %mul3A_2336 : vector<16xf32>
        %add3A_2338 = arith.constant 80 : i32
        %add3A_2339 = arith.addi %add3A_2338, %scan3A_1764 : i32
        %get3A_2340 = arith.constant 1 : i32
        %get3A_2341 = arith.index_cast %get3A_2340 : i32 to index
        %get3A_2342 = arith.index_cast %add3A_2339 : i32 to index
        %get3A_2343 = arith.constant 48 : index
        %get3A_2344 = tpu.vector_load %arg13[%get3A_2341, %get3A_2342, %get3A_2343] {strides = array<i32>} : memref<2x160x128xf32, #tpu.memory_space<vmem>>, vector<1x1x16xf32>,
        %get3A_2345 = vector.shape_cast %get3A_2344 : vector<1x1x16xf32> to vector<16xf32>
        %mul3A_2346 = vector.broadcast %squeeze3A_1783 : f32 to vector<16xf32>
        %mul3A_2347 = arith.mulf %mul3A_2346, %get3A_2345 : vector<16xf32>
        %add3A_2348 = arith.addf %add3A_2337, %mul3A_2347 : vector<16xf32>
        %add3A_2349 = arith.constant 120 : i32
        %add3A_2350 = arith.addi %add3A_2349, %scan3A_1764 : i32
        %get3A_2351 = arith.constant 1 : i32
        %get3A_2352 = arith.index_cast %get3A_2351 : i32 to index
        %get3A_2353 = arith.index_cast %add3A_2350 : i32 to index
        %get3A_2354 = arith.constant 48 : index
        %get3A_2355 = tpu.vector_load %arg13[%get3A_2352, %get3A_2353, %get3A_2354] {strides = array<i32>} : memref<2x160x128xf32, #tpu.memory_space<vmem>>, vector<1x1x16xf32>,
        %get3A_2356 = vector.shape_cast %get3A_2355 : vector<1x1x16xf32> to vector<16xf32>
        %mul3A_2357 = vector.broadcast %squeeze3A_1790 : f32 to vector<16xf32>
        %mul3A_2358 = arith.mulf %mul3A_2357, %get3A_2356 : vector<16xf32>
        %add3A_2359 = arith.addf %add3A_2348, %mul3A_2358 : vector<16xf32>
        %swap3A_2360 = arith.constant 1 : i32
        %swap3A_2361 = arith.index_cast %swap3A_2360 : i32 to index
        %swap3A_2362 = arith.index_cast %scan3A_1764 : i32 to index
        %swap3A_2363 = arith.constant 48 : index
        %swap3A_2364 = tpu.vector_load %arg15[%swap3A_2361, %swap3A_2362, %swap3A_2363] {strides = array<i32>} : memref<2x40x128xf32, #tpu.memory_space<vmem>>, vector<1x1x16xf32>,
        %swap3A_2365 = vector.shape_cast %swap3A_2364 : vector<1x1x16xf32> to vector<16xf32>
        %swap3A_2366 = vector.shape_cast %add3A_2359 : vector<16xf32> to vector<1x1x16xf32>
        tpu.vector_store %arg15[%swap3A_2361, %swap3A_2362, %swap3A_2363], %swap3A_2366 {strides = array<i32>} : memref<2x40x128xf32, #tpu.memory_space<vmem>>, vector<1x1x16xf32>,
        %get3A_2367 = arith.constant 1 : i32
        %get3A_2368 = arith.index_cast %get3A_2367 : i32 to index
        %get3A_2369 = arith.index_cast %scan3A_1764 : i32 to index
        %get3A_2370 = arith.constant 64 : index
        %get3A_2371 = tpu.vector_load %arg13[%get3A_2368, %get3A_2369, %get3A_2370] {strides = array<i32>} : memref<2x160x128xf32, #tpu.memory_space<vmem>>, vector<1x1x16xf32>,
        %get3A_2372 = vector.shape_cast %get3A_2371 : vector<1x1x16xf32> to vector<16xf32>
        %mul3A_2373 = vector.broadcast %squeeze3A : f32 to vector<16xf32>
        %mul3A_2374 = arith.mulf %mul3A_2373, %get3A_2372 : vector<16xf32>
        %add3A_2375 = arith.constant 40 : i32
        %add3A_2376 = arith.addi %add3A_2375, %scan3A_1764 : i32
        %get3A_2377 = arith.constant 1 : i32
        %get3A_2378 = arith.index_cast %get3A_2377 : i32 to index
        %get3A_2379 = arith.index_cast %add3A_2376 : i32 to index
        %get3A_2380 = arith.constant 64 : index
        %get3A_2381 = tpu.vector_load %arg13[%get3A_2378, %get3A_2379, %get3A_2380] {strides = array<i32>} : memref<2x160x128xf32, #tpu.memory_space<vmem>>, vector<1x1x16xf32>,
        %get3A_2382 = vector.shape_cast %get3A_2381 : vector<1x1x16xf32> to vector<16xf32>
        %mul3A_2383 = vector.broadcast %squeeze3A_1776 : f32 to vector<16xf32>
        %mul3A_2384 = arith.mulf %mul3A_2383, %get3A_2382 : vector<16xf32>
        %add3A_2385 = arith.addf %mul3A_2374, %mul3A_2384 : vector<16xf32>
        %add3A_2386 = arith.constant 80 : i32
        %add3A_2387 = arith.addi %add3A_2386, %scan3A_1764 : i32
        %get3A_2388 = arith.constant 1 : i32
        %get3A_2389 = arith.index_cast %get3A_2388 : i32 to index
        %get3A_2390 = arith.index_cast %add3A_2387 : i32 to index
        %get3A_2391 = arith.constant 64 : index
        %get3A_2392 = tpu.vector_load %arg13[%get3A_2389, %get3A_2390, %get3A_2391] {strides = array<i32>} : memref<2x160x128xf32, #tpu.memory_space<vmem>>, vector<1x1x16xf32>,
        %get3A_2393 = vector.shape_cast %get3A_2392 : vector<1x1x16xf32> to vector<16xf32>
        %mul3A_2394 = vector.broadcast %squeeze3A_1783 : f32 to vector<16xf32>
        %mul3A_2395 = arith.mulf %mul3A_2394, %get3A_2393 : vector<16xf32>
        %add3A_2396 = arith.addf %add3A_2385, %mul3A_2395 : vector<16xf32>
        %add3A_2397 = arith.constant 120 : i32
        %add3A_2398 = arith.addi %add3A_2397, %scan3A_1764 : i32
        %get3A_2399 = arith.constant 1 : i32
        %get3A_2400 = arith.index_cast %get3A_2399 : i32 to index
        %get3A_2401 = arith.index_cast %add3A_2398 : i32 to index
        %get3A_2402 = arith.constant 64 : index
        %get3A_2403 = tpu.vector_load %arg13[%get3A_2400, %get3A_2401, %get3A_2402] {strides = array<i32>} : memref<2x160x128xf32, #tpu.memory_space<vmem>>, vector<1x1x16xf32>,
        %get3A_2404 = vector.shape_cast %get3A_2403 : vector<1x1x16xf32> to vector<16xf32>
        %mul3A_2405 = vector.broadcast %squeeze3A_1790 : f32 to vector<16xf32>
        %mul3A_2406 = arith.mulf %mul3A_2405, %get3A_2404 : vector<16xf32>
        %add3A_2407 = arith.addf %add3A_2396, %mul3A_2406 : vector<16xf32>
        %swap3A_2408 = arith.constant 1 : i32
        %swap3A_2409 = arith.index_cast %swap3A_2408 : i32 to index
        %swap3A_2410 = arith.index_cast %scan3A_1764 : i32 to index
        %swap3A_2411 = arith.constant 64 : index
        %swap3A_2412 = tpu.vector_load %arg15[%swap3A_2409, %swap3A_2410, %swap3A_2411] {strides = array<i32>} : memref<2x40x128xf32, #tpu.memory_space<vmem>>, vector<1x1x16xf32>,
        %swap3A_2413 = vector.shape_cast %swap3A_2412 : vector<1x1x16xf32> to vector<16xf32>
        %swap3A_2414 = vector.shape_cast %add3A_2407 : vector<16xf32> to vector<1x1x16xf32>
        tpu.vector_store %arg15[%swap3A_2409, %swap3A_2410, %swap3A_2411], %swap3A_2414 {strides = array<i32>} : memref<2x40x128xf32, #tpu.memory_space<vmem>>, vector<1x1x16xf32>,
        %get3A_2415 = arith.constant 1 : i32
        %get3A_2416 = arith.index_cast %get3A_2415 : i32 to index
        %get3A_2417 = arith.index_cast %scan3A_1764 : i32 to index
        %get3A_2418 = arith.constant 80 : index
        %get3A_2419 = tpu.vector_load %arg13[%get3A_2416, %get3A_2417, %get3A_2418] {strides = array<i32>} : memref<2x160x128xf32, #tpu.memory_space<vmem>>, vector<1x1x16xf32>,
        %get3A_2420 = vector.shape_cast %get3A_2419 : vector<1x1x16xf32> to vector<16xf32>
        %mul3A_2421 = vector.broadcast %squeeze3A : f32 to vector<16xf32>
        %mul3A_2422 = arith.mulf %mul3A_2421, %get3A_2420 : vector<16xf32>
        %add3A_2423 = arith.constant 40 : i32
        %add3A_2424 = arith.addi %add3A_2423, %scan3A_1764 : i32
        %get3A_2425 = arith.constant 1 : i32
        %get3A_2426 = arith.index_cast %get3A_2425 : i32 to index
        %get3A_2427 = arith.index_cast %add3A_2424 : i32 to index
        %get3A_2428 = arith.constant 80 : index
        %get3A_2429 = tpu.vector_load %arg13[%get3A_2426, %get3A_2427, %get3A_2428] {strides = array<i32>} : memref<2x160x128xf32, #tpu.memory_space<vmem>>, vector<1x1x16xf32>,
        %get3A_2430 = vector.shape_cast %get3A_2429 : vector<1x1x16xf32> to vector<16xf32>
        %mul3A_2431 = vector.broadcast %squeeze3A_1776 : f32 to vector<16xf32>
        %mul3A_2432 = arith.mulf %mul3A_2431, %get3A_2430 : vector<16xf32>
        %add3A_2433 = arith.addf %mul3A_2422, %mul3A_2432 : vector<16xf32>
        %add3A_2434 = arith.constant 80 : i32
        %add3A_2435 = arith.addi %add3A_2434, %scan3A_1764 : i32
        %get3A_2436 = arith.constant 1 : i32
        %get3A_2437 = arith.index_cast %get3A_2436 : i32 to index
        %get3A_2438 = arith.index_cast %add3A_2435 : i32 to index
        %get3A_2439 = arith.constant 80 : index
        %get3A_2440 = tpu.vector_load %arg13[%get3A_2437, %get3A_2438, %get3A_2439] {strides = array<i32>} : memref<2x160x128xf32, #tpu.memory_space<vmem>>, vector<1x1x16xf32>,
        %get3A_2441 = vector.shape_cast %get3A_2440 : vector<1x1x16xf32> to vector<16xf32>
        %mul3A_2442 = vector.broadcast %squeeze3A_1783 : f32 to vector<16xf32>
        %mul3A_2443 = arith.mulf %mul3A_2442, %get3A_2441 : vector<16xf32>
        %add3A_2444 = arith.addf %add3A_2433, %mul3A_2443 : vector<16xf32>
        %add3A_2445 = arith.constant 120 : i32
        %add3A_2446 = arith.addi %add3A_2445, %scan3A_1764 : i32
        %get3A_2447 = arith.constant 1 : i32
        %get3A_2448 = arith.index_cast %get3A_2447 : i32 to index
        %get3A_2449 = arith.index_cast %add3A_2446 : i32 to index
        %get3A_2450 = arith.constant 80 : index
        %get3A_2451 = tpu.vector_load %arg13[%get3A_2448, %get3A_2449, %get3A_2450] {strides = array<i32>} : memref<2x160x128xf32, #tpu.memory_space<vmem>>, vector<1x1x16xf32>,
        %get3A_2452 = vector.shape_cast %get3A_2451 : vector<1x1x16xf32> to vector<16xf32>
        %mul3A_2453 = vector.broadcast %squeeze3A_1790 : f32 to vector<16xf32>
        %mul3A_2454 = arith.mulf %mul3A_2453, %get3A_2452 : vector<16xf32>
        %add3A_2455 = arith.addf %add3A_2444, %mul3A_2454 : vector<16xf32>
        %swap3A_2456 = arith.constant 1 : i32
        %swap3A_2457 = arith.index_cast %swap3A_2456 : i32 to index
        %swap3A_2458 = arith.index_cast %scan3A_1764 : i32 to index
        %swap3A_2459 = arith.constant 80 : index
        %swap3A_2460 = tpu.vector_load %arg15[%swap3A_2457, %swap3A_2458, %swap3A_2459] {strides = array<i32>} : memref<2x40x128xf32, #tpu.memory_space<vmem>>, vector<1x1x16xf32>,
        %swap3A_2461 = vector.shape_cast %swap3A_2460 : vector<1x1x16xf32> to vector<16xf32>
        %swap3A_2462 = vector.shape_cast %add3A_2455 : vector<16xf32> to vector<1x1x16xf32>
        tpu.vector_store %arg15[%swap3A_2457, %swap3A_2458, %swap3A_2459], %swap3A_2462 {strides = array<i32>} : memref<2x40x128xf32, #tpu.memory_space<vmem>>, vector<1x1x16xf32>,
        %get3A_2463 = arith.constant 1 : i32
        %get3A_2464 = arith.index_cast %get3A_2463 : i32 to index
        %get3A_2465 = arith.index_cast %scan3A_1764 : i32 to index
        %get3A_2466 = arith.constant 96 : index
        %get3A_2467 = tpu.vector_load %arg13[%get3A_2464, %get3A_2465, %get3A_2466] {strides = array<i32>} : memref<2x160x128xf32, #tpu.memory_space<vmem>>, vector<1x1x16xf32>,
        %get3A_2468 = vector.shape_cast %get3A_2467 : vector<1x1x16xf32> to vector<16xf32>
        %mul3A_2469 = vector.broadcast %squeeze3A : f32 to vector<16xf32>
        %mul3A_2470 = arith.mulf %mul3A_2469, %get3A_2468 : vector<16xf32>
        %add3A_2471 = arith.constant 40 : i32
        %add3A_2472 = arith.addi %add3A_2471, %scan3A_1764 : i32
        %get3A_2473 = arith.constant 1 : i32
        %get3A_2474 = arith.index_cast %get3A_2473 : i32 to index
        %get3A_2475 = arith.index_cast %add3A_2472 : i32 to index
        %get3A_2476 = arith.constant 96 : index
        %get3A_2477 = tpu.vector_load %arg13[%get3A_2474, %get3A_2475, %get3A_2476] {strides = array<i32>} : memref<2x160x128xf32, #tpu.memory_space<vmem>>, vector<1x1x16xf32>,
        %get3A_2478 = vector.shape_cast %get3A_2477 : vector<1x1x16xf32> to vector<16xf32>
        %mul3A_2479 = vector.broadcast %squeeze3A_1776 : f32 to vector<16xf32>
        %mul3A_2480 = arith.mulf %mul3A_2479, %get3A_2478 : vector<16xf32>
        %add3A_2481 = arith.addf %mul3A_2470, %mul3A_2480 : vector<16xf32>
        %add3A_2482 = arith.constant 80 : i32
        %add3A_2483 = arith.addi %add3A_2482, %scan3A_1764 : i32
        %get3A_2484 = arith.constant 1 : i32
        %get3A_2485 = arith.index_cast %get3A_2484 : i32 to index
        %get3A_2486 = arith.index_cast %add3A_2483 : i32 to index
        %get3A_2487 = arith.constant 96 : index
        %get3A_2488 = tpu.vector_load %arg13[%get3A_2485, %get3A_2486, %get3A_2487] {strides = array<i32>} : memref<2x160x128xf32, #tpu.memory_space<vmem>>, vector<1x1x16xf32>,
        %get3A_2489 = vector.shape_cast %get3A_2488 : vector<1x1x16xf32> to vector<16xf32>
        %mul3A_2490 = vector.broadcast %squeeze3A_1783 : f32 to vector<16xf32>
        %mul3A_2491 = arith.mulf %mul3A_2490, %get3A_2489 : vector<16xf32>
        %add3A_2492 = arith.addf %add3A_2481, %mul3A_2491 : vector<16xf32>
        %add3A_2493 = arith.constant 120 : i32
        %add3A_2494 = arith.addi %add3A_2493, %scan3A_1764 : i32
        %get3A_2495 = arith.constant 1 : i32
        %get3A_2496 = arith.index_cast %get3A_2495 : i32 to index
        %get3A_2497 = arith.index_cast %add3A_2494 : i32 to index
        %get3A_2498 = arith.constant 96 : index
        %get3A_2499 = tpu.vector_load %arg13[%get3A_2496, %get3A_2497, %get3A_2498] {strides = array<i32>} : memref<2x160x128xf32, #tpu.memory_space<vmem>>, vector<1x1x16xf32>,
        %get3A_2500 = vector.shape_cast %get3A_2499 : vector<1x1x16xf32> to vector<16xf32>
        %mul3A_2501 = vector.broadcast %squeeze3A_1790 : f32 to vector<16xf32>
        %mul3A_2502 = arith.mulf %mul3A_2501, %get3A_2500 : vector<16xf32>
        %add3A_2503 = arith.addf %add3A_2492, %mul3A_2502 : vector<16xf32>
        %swap3A_2504 = arith.constant 1 : i32
        %swap3A_2505 = arith.index_cast %swap3A_2504 : i32 to index
        %swap3A_2506 = arith.index_cast %scan3A_1764 : i32 to index
        %swap3A_2507 = arith.constant 96 : index
        %swap3A_2508 = tpu.vector_load %arg15[%swap3A_2505, %swap3A_2506, %swap3A_2507] {strides = array<i32>} : memref<2x40x128xf32, #tpu.memory_space<vmem>>, vector<1x1x16xf32>,
        %swap3A_2509 = vector.shape_cast %swap3A_2508 : vector<1x1x16xf32> to vector<16xf32>
        %swap3A_2510 = vector.shape_cast %add3A_2503 : vector<16xf32> to vector<1x1x16xf32>
        tpu.vector_store %arg15[%swap3A_2505, %swap3A_2506, %swap3A_2507], %swap3A_2510 {strides = array<i32>} : memref<2x40x128xf32, #tpu.memory_space<vmem>>, vector<1x1x16xf32>,
        %get3A_2511 = arith.constant 1 : i32
        %get3A_2512 = arith.index_cast %get3A_2511 : i32 to index
        %get3A_2513 = arith.index_cast %scan3A_1764 : i32 to index
        %get3A_2514 = arith.constant 112 : index
        %get3A_2515 = tpu.vector_load %arg13[%get3A_2512, %get3A_2513, %get3A_2514] {strides = array<i32>} : memref<2x160x128xf32, #tpu.memory_space<vmem>>, vector<1x1x16xf32>,
        %get3A_2516 = vector.shape_cast %get3A_2515 : vector<1x1x16xf32> to vector<16xf32>
        %mul3A_2517 = vector.broadcast %squeeze3A : f32 to vector<16xf32>
        %mul3A_2518 = arith.mulf %mul3A_2517, %get3A_2516 : vector<16xf32>
        %add3A_2519 = arith.constant 40 : i32
        %add3A_2520 = arith.addi %add3A_2519, %scan3A_1764 : i32
        %get3A_2521 = arith.constant 1 : i32
        %get3A_2522 = arith.index_cast %get3A_2521 : i32 to index
        %get3A_2523 = arith.index_cast %add3A_2520 : i32 to index
        %get3A_2524 = arith.constant 112 : index
        %get3A_2525 = tpu.vector_load %arg13[%get3A_2522, %get3A_2523, %get3A_2524] {strides = array<i32>} : memref<2x160x128xf32, #tpu.memory_space<vmem>>, vector<1x1x16xf32>,
        %get3A_2526 = vector.shape_cast %get3A_2525 : vector<1x1x16xf32> to vector<16xf32>
        %mul3A_2527 = vector.broadcast %squeeze3A_1776 : f32 to vector<16xf32>
        %mul3A_2528 = arith.mulf %mul3A_2527, %get3A_2526 : vector<16xf32>
        %add3A_2529 = arith.addf %mul3A_2518, %mul3A_2528 : vector<16xf32>
        %add3A_2530 = arith.constant 80 : i32
        %add3A_2531 = arith.addi %add3A_2530, %scan3A_1764 : i32
        %get3A_2532 = arith.constant 1 : i32
        %get3A_2533 = arith.index_cast %get3A_2532 : i32 to index
        %get3A_2534 = arith.index_cast %add3A_2531 : i32 to index
        %get3A_2535 = arith.constant 112 : index
        %get3A_2536 = tpu.vector_load %arg13[%get3A_2533, %get3A_2534, %get3A_2535] {strides = array<i32>} : memref<2x160x128xf32, #tpu.memory_space<vmem>>, vector<1x1x16xf32>,
        %get3A_2537 = vector.shape_cast %get3A_2536 : vector<1x1x16xf32> to vector<16xf32>
        %mul3A_2538 = vector.broadcast %squeeze3A_1783 : f32 to vector<16xf32>
        %mul3A_2539 = arith.mulf %mul3A_2538, %get3A_2537 : vector<16xf32>
        %add3A_2540 = arith.addf %add3A_2529, %mul3A_2539 : vector<16xf32>
        %add3A_2541 = arith.constant 120 : i32
        %add3A_2542 = arith.addi %add3A_2541, %scan3A_1764 : i32
        %get3A_2543 = arith.constant 1 : i32
        %get3A_2544 = arith.index_cast %get3A_2543 : i32 to index
        %get3A_2545 = arith.index_cast %add3A_2542 : i32 to index
        %get3A_2546 = arith.constant 112 : index
        %get3A_2547 = tpu.vector_load %arg13[%get3A_2544, %get3A_2545, %get3A_2546] {strides = array<i32>} : memref<2x160x128xf32, #tpu.memory_space<vmem>>, vector<1x1x16xf32>,
        %get3A_2548 = vector.shape_cast %get3A_2547 : vector<1x1x16xf32> to vector<16xf32>
        %mul3A_2549 = vector.broadcast %squeeze3A_1790 : f32 to vector<16xf32>
        %mul3A_2550 = arith.mulf %mul3A_2549, %get3A_2548 : vector<16xf32>
        %add3A_2551 = arith.addf %add3A_2540, %mul3A_2550 : vector<16xf32>
        %swap3A_2552 = arith.constant 1 : i32
        %swap3A_2553 = arith.index_cast %swap3A_2552 : i32 to index
        %swap3A_2554 = arith.index_cast %scan3A_1764 : i32 to index
        %swap3A_2555 = arith.constant 112 : index
        %swap3A_2556 = tpu.vector_load %arg15[%swap3A_2553, %swap3A_2554, %swap3A_2555] {strides = array<i32>} : memref<2x40x128xf32, #tpu.memory_space<vmem>>, vector<1x1x16xf32>,
        %swap3A_2557 = vector.shape_cast %swap3A_2556 : vector<1x1x16xf32> to vector<16xf32>
        %swap3A_2558 = vector.shape_cast %add3A_2551 : vector<16xf32> to vector<1x1x16xf32>
        tpu.vector_store %arg15[%swap3A_2553, %swap3A_2554, %swap3A_2555], %swap3A_2558 {strides = array<i32>} : memref<2x40x128xf32, #tpu.memory_space<vmem>>, vector<1x1x16xf32>,
      }
      %scan3A_1727 = arith.constant 40 : i32
      %mul3A_1728 = arith.constant 40 : i32
      %mul3A_1729 = arith.muli %min3A_529, %mul3A_1728 : i32
      %mul3A_1730 = arith.constant 40 : i32
      %mul3A_1731 = arith.muli %min3A_529, %mul3A_1730 : i32
      %dma_start3A_1732 = arith.constant 0 : i32
      %dma_start3A_1733 = arith.constant 0 : i32
      %dma_start3A_1734 = arith.constant 0 : i32
      %dma_start3A_1735 = arith.constant 0 : i32
      %dma_start3A_1736 = tpu.memref_slice %arg15[%dma_start3A_1732, %dma_start3A_1734, %dma_start3A_1735] : memref<2x40x128xf32, #tpu.memory_space<vmem>> -> memref<1x40x128xf32, #tpu.memory_space<vmem>>
      %dma_start3A_1737 = tpu.memref_squeeze %dma_start3A_1736 : memref<1x40x128xf32, #tpu.memory_space<vmem>> -> memref<40x128xf32, #tpu.memory_space<vmem>>
      %dma_start3A_1738 = arith.constant 0 : i32
      %dma_start3A_1739 = tpu.memref_slice %arg5[%dma_start3A_1733, %mul3A_1729, %dma_start3A_1738] : memref<2x50000x128xf32, #tpu.memory_space<hbm>> -> memref<1x40x128xf32, #tpu.memory_space<hbm>>
      %dma_start3A_1740 = tpu.memref_squeeze %dma_start3A_1739 : memref<1x40x128xf32, #tpu.memory_space<hbm>> -> memref<40x128xf32, #tpu.memory_space<hbm>>
      %dma_start3A_1741 = arith.constant 0 : i32
      %dma_start3A_1742 = tpu.memref_slice %arg5[%dma_start3A_1733, %mul3A_1729, %dma_start3A_1741] : memref<2x50000x128xf32, #tpu.memory_space<hbm>> -> memref<1x40x128xf32, #tpu.memory_space<hbm>>
      %dma_start3A_1743 = tpu.memref_squeeze %dma_start3A_1742 : memref<1x40x128xf32, #tpu.memory_space<hbm>> -> memref<40x128xf32, #tpu.memory_space<hbm>>
      %dma_start3A_1744 = arith.constant 0 : i32
      %dma_start3A_1745 = arith.constant 0 : i32
      %dma_start3A_1746 = tpu.memref_slice %arg15[%dma_start3A_1732, %dma_start3A_1744, %dma_start3A_1745] : memref<2x40x128xf32, #tpu.memory_space<vmem>> -> memref<1x40x128xf32, #tpu.memory_space<vmem>>
      %dma_start3A_1747 = tpu.memref_squeeze %dma_start3A_1746 : memref<1x40x128xf32, #tpu.memory_space<vmem>> -> memref<40x128xf32, #tpu.memory_space<vmem>>
      tpu.enqueue_dma source(%dma_start3A_1747 : memref<40x128xf32, #tpu.memory_space<vmem>>) target(%dma_start3A_1743 : memref<40x128xf32, #tpu.memory_space<hbm>>) target_semaphore(%arg19 : memref<!tpu.dma_semaphore, #tpu.memory_space<semaphore_mem>>)
      %dma_start3A_1748 = arith.constant 1 : i32
      %dma_start3A_1749 = arith.constant 1 : i32
      %dma_start3A_1750 = arith.constant 0 : i32
      %dma_start3A_1751 = arith.constant 0 : i32
      %dma_start3A_1752 = tpu.memref_slice %arg15[%dma_start3A_1748, %dma_start3A_1750, %dma_start3A_1751] : memref<2x40x128xf32, #tpu.memory_space<vmem>> -> memref<1x40x128xf32, #tpu.memory_space<vmem>>
      %dma_start3A_1753 = tpu.memref_squeeze %dma_start3A_1752 : memref<1x40x128xf32, #tpu.memory_space<vmem>> -> memref<40x128xf32, #tpu.memory_space<vmem>>
      %dma_start3A_1754 = arith.constant 0 : i32
      %dma_start3A_1755 = tpu.memref_slice %arg5[%dma_start3A_1749, %mul3A_1731, %dma_start3A_1754] : memref<2x50000x128xf32, #tpu.memory_space<hbm>> -> memref<1x40x128xf32, #tpu.memory_space<hbm>>
      %dma_start3A_1756 = tpu.memref_squeeze %dma_start3A_1755 : memref<1x40x128xf32, #tpu.memory_space<hbm>> -> memref<40x128xf32, #tpu.memory_space<hbm>>
      %dma_start3A_1757 = arith.constant 0 : i32
      %dma_start3A_1758 = tpu.memref_slice %arg5[%dma_start3A_1749, %mul3A_1731, %dma_start3A_1757] : memref<2x50000x128xf32, #tpu.memory_space<hbm>> -> memref<1x40x128xf32, #tpu.memory_space<hbm>>
      %dma_start3A_1759 = tpu.memref_squeeze %dma_start3A_1758 : memref<1x40x128xf32, #tpu.memory_space<hbm>> -> memref<40x128xf32, #tpu.memory_space<hbm>>
      %dma_start3A_1760 = arith.constant 0 : i32
      %dma_start3A_1761 = arith.constant 0 : i32
      %dma_start3A_1762 = tpu.memref_slice %arg15[%dma_start3A_1748, %dma_start3A_1760, %dma_start3A_1761] : memref<2x40x128xf32, #tpu.memory_space<vmem>> -> memref<1x40x128xf32, #tpu.memory_space<vmem>>
      %dma_start3A_1763 = tpu.memref_squeeze %dma_start3A_1762 : memref<1x40x128xf32, #tpu.memory_space<vmem>> -> memref<40x128xf32, #tpu.memory_space<vmem>>
      tpu.enqueue_dma source(%dma_start3A_1763 : memref<40x128xf32, #tpu.memory_space<vmem>>) target(%dma_start3A_1759 : memref<40x128xf32, #tpu.memory_space<hbm>>) target_semaphore(%arg19 : memref<!tpu.dma_semaphore, #tpu.memory_space<semaphore_mem>>)
    }
    %scan3A_264 = arith.constant 20 : i32
    %add3A_265 = arith.constant 0 : i32
    %add3A_266 = arith.addi %mul3A_2, %add3A_265 : i32
    %min3A_267 = arith.constant 1249 : i32
    %min3A_268 = arith.minsi %add3A_266, %min3A_267 : i32
    %dma_wait3A_269 = arith.constant 0 : i32
    %dma_wait3A_270 = arith.constant 0 : i32
    %dma_wait3A_271 = tpu.memref_slice %arg8[%dma_wait3A_270] : memref<192xf32, #tpu.memory_space<vmem>> -> memref<40xf32, #tpu.memory_space<vmem>>
    %dma_wait3A_272 = arith.constant 0 : i32
    %dma_wait3A_273 = tpu.memref_slice %arg6[%dma_wait3A_269, %dma_wait3A_272] : memref<4x40xi32, #tpu.memory_space<vmem>> -> memref<1x40xi32, #tpu.memory_space<vmem>>
    %dma_wait3A_274 = tpu.memref_squeeze %dma_wait3A_273 : memref<1x40xi32, #tpu.memory_space<vmem>> -> memref<40xi32, #tpu.memory_space<vmem>>
    %dma_wait3A_275 = arith.constant 0 : i32
    %dma_wait3A_276 = tpu.memref_slice %arg4[%dma_wait3A_275] : memref<50000xf32, #tpu.memory_space<hbm>> -> memref<50000xf32, #tpu.memory_space<hbm>>
    tpu.wait_indirect_dma semaphore(%arg16 : memref<!tpu.dma_semaphore, #tpu.memory_space<semaphore_mem>>) src(%dma_wait3A_276 : memref<50000xf32, #tpu.memory_space<hbm>>) dst(%dma_wait3A_271 : memref<40xf32, #tpu.memory_space<vmem>>)
    %dma_wait3A_277 = arith.constant 0 : i32
    %dma_wait3A_278 = arith.constant 0 : i32
    %dma_wait3A_279 = arith.constant 0 : i32
    %dma_wait3A_280 = arith.constant 0 : i32
    %dma_wait3A_281 = arith.constant 0 : i32
    %dma_wait3A_282 = tpu.memref_slice %arg12[%dma_wait3A_279, %dma_wait3A_280, %dma_wait3A_281] : memref<2x160x128xf32, #tpu.memory_space<vmem>> -> memref<1x40x128xf32, #tpu.memory_space<vmem>>
    %dma_wait3A_283 = tpu.memref_squeeze %dma_wait3A_282 : memref<1x40x128xf32, #tpu.memory_space<vmem>> -> memref<40x128xf32, #tpu.memory_space<vmem>>
    %dma_wait3A_284 = arith.constant 0 : i32
    %dma_wait3A_285 = tpu.memref_slice %arg6[%dma_wait3A_278, %dma_wait3A_284] : memref<4x40xi32, #tpu.memory_space<vmem>> -> memref<1x40xi32, #tpu.memory_space<vmem>>
    %dma_wait3A_286 = tpu.memref_squeeze %dma_wait3A_285 : memref<1x40xi32, #tpu.memory_space<vmem>> -> memref<40xi32, #tpu.memory_space<vmem>>
    %dma_wait3A_287 = arith.constant 0 : i32
    %dma_wait3A_288 = arith.constant 0 : i32
    %dma_wait3A_289 = tpu.memref_slice %arg2[%dma_wait3A_277, %dma_wait3A_287, %dma_wait3A_288] : memref<2x50000x128xf32, #tpu.memory_space<hbm>> -> memref<1x50000x128xf32, #tpu.memory_space<hbm>>
    %dma_wait3A_290 = tpu.memref_squeeze %dma_wait3A_289 : memref<1x50000x128xf32, #tpu.memory_space<hbm>> -> memref<50000x128xf32, #tpu.memory_space<hbm>>
    %dma_wait3A_291 = arith.constant 0 : i32
    %dma_wait3A_292 = arith.constant 0 : i32
    %dma_wait3A_293 = tpu.memref_slice %dma_wait3A_290[%dma_wait3A_291, %dma_wait3A_292] : memref<50000x128xf32, #tpu.memory_space<hbm>> -> memref<50000x128xf32, #tpu.memory_space<hbm>>
    tpu.wait_indirect_dma semaphore(%arg16 : memref<!tpu.dma_semaphore, #tpu.memory_space<semaphore_mem>>) src(%dma_wait3A_293 : memref<50000x128xf32, #tpu.memory_space<hbm>>) dst(%dma_wait3A_283 : memref<40x128xf32, #tpu.memory_space<vmem>>)
    %dma_wait3A_294 = arith.constant 1 : i32
    %dma_wait3A_295 = arith.constant 0 : i32
    %dma_wait3A_296 = arith.constant 1 : i32
    %dma_wait3A_297 = arith.constant 0 : i32
    %dma_wait3A_298 = arith.constant 0 : i32
    %dma_wait3A_299 = tpu.memref_slice %arg12[%dma_wait3A_296, %dma_wait3A_297, %dma_wait3A_298] : memref<2x160x128xf32, #tpu.memory_space<vmem>> -> memref<1x40x128xf32, #tpu.memory_space<vmem>>
    %dma_wait3A_300 = tpu.memref_squeeze %dma_wait3A_299 : memref<1x40x128xf32, #tpu.memory_space<vmem>> -> memref<40x128xf32, #tpu.memory_space<vmem>>
    %dma_wait3A_301 = arith.constant 0 : i32
    %dma_wait3A_302 = tpu.memref_slice %arg6[%dma_wait3A_295, %dma_wait3A_301] : memref<4x40xi32, #tpu.memory_space<vmem>> -> memref<1x40xi32, #tpu.memory_space<vmem>>
    %dma_wait3A_303 = tpu.memref_squeeze %dma_wait3A_302 : memref<1x40xi32, #tpu.memory_space<vmem>> -> memref<40xi32, #tpu.memory_space<vmem>>
    %dma_wait3A_304 = arith.constant 0 : i32
    %dma_wait3A_305 = arith.constant 0 : i32
    %dma_wait3A_306 = tpu.memref_slice %arg2[%dma_wait3A_294, %dma_wait3A_304, %dma_wait3A_305] : memref<2x50000x128xf32, #tpu.memory_space<hbm>> -> memref<1x50000x128xf32, #tpu.memory_space<hbm>>
    %dma_wait3A_307 = tpu.memref_squeeze %dma_wait3A_306 : memref<1x50000x128xf32, #tpu.memory_space<hbm>> -> memref<50000x128xf32, #tpu.memory_space<hbm>>
    %dma_wait3A_308 = arith.constant 0 : i32
    %dma_wait3A_309 = arith.constant 0 : i32
    %dma_wait3A_310 = tpu.memref_slice %dma_wait3A_307[%dma_wait3A_308, %dma_wait3A_309] : memref<50000x128xf32, #tpu.memory_space<hbm>> -> memref<50000x128xf32, #tpu.memory_space<hbm>>
    tpu.wait_indirect_dma semaphore(%arg16 : memref<!tpu.dma_semaphore, #tpu.memory_space<semaphore_mem>>) src(%dma_wait3A_310 : memref<50000x128xf32, #tpu.memory_space<hbm>>) dst(%dma_wait3A_300 : memref<40x128xf32, #tpu.memory_space<vmem>>)
    %dma_wait3A_311 = arith.constant 1 : i32
    %dma_wait3A_312 = arith.constant 48 : i32
    %dma_wait3A_313 = tpu.memref_slice %arg8[%dma_wait3A_312] : memref<192xf32, #tpu.memory_space<vmem>> -> memref<40xf32, #tpu.memory_space<vmem>>
    %dma_wait3A_314 = arith.constant 0 : i32
    %dma_wait3A_315 = tpu.memref_slice %arg6[%dma_wait3A_311, %dma_wait3A_314] : memref<4x40xi32, #tpu.memory_space<vmem>> -> memref<1x40xi32, #tpu.memory_space<vmem>>
    %dma_wait3A_316 = tpu.memref_squeeze %dma_wait3A_315 : memref<1x40xi32, #tpu.memory_space<vmem>> -> memref<40xi32, #tpu.memory_space<vmem>>
    %dma_wait3A_317 = arith.constant 0 : i32
    %dma_wait3A_318 = tpu.memref_slice %arg4[%dma_wait3A_317] : memref<50000xf32, #tpu.memory_space<hbm>> -> memref<50000xf32, #tpu.memory_space<hbm>>
    tpu.wait_indirect_dma semaphore(%arg16 : memref<!tpu.dma_semaphore, #tpu.memory_space<semaphore_mem>>) src(%dma_wait3A_318 : memref<50000xf32, #tpu.memory_space<hbm>>) dst(%dma_wait3A_313 : memref<40xf32, #tpu.memory_space<vmem>>)
    %dma_wait3A_319 = arith.constant 0 : i32
    %dma_wait3A_320 = arith.constant 1 : i32
    %dma_wait3A_321 = arith.constant 0 : i32
    %dma_wait3A_322 = arith.constant 40 : i32
    %dma_wait3A_323 = arith.constant 0 : i32
    %dma_wait3A_324 = tpu.memref_slice %arg12[%dma_wait3A_321, %dma_wait3A_322, %dma_wait3A_323] : memref<2x160x128xf32, #tpu.memory_space<vmem>> -> memref<1x40x128xf32, #tpu.memory_space<vmem>>
    %dma_wait3A_325 = tpu.memref_squeeze %dma_wait3A_324 : memref<1x40x128xf32, #tpu.memory_space<vmem>> -> memref<40x128xf32, #tpu.memory_space<vmem>>
    %dma_wait3A_326 = arith.constant 0 : i32
    %dma_wait3A_327 = tpu.memref_slice %arg6[%dma_wait3A_320, %dma_wait3A_326] : memref<4x40xi32, #tpu.memory_space<vmem>> -> memref<1x40xi32, #tpu.memory_space<vmem>>
    %dma_wait3A_328 = tpu.memref_squeeze %dma_wait3A_327 : memref<1x40xi32, #tpu.memory_space<vmem>> -> memref<40xi32, #tpu.memory_space<vmem>>
    %dma_wait3A_329 = arith.constant 0 : i32
    %dma_wait3A_330 = arith.constant 0 : i32
    %dma_wait3A_331 = tpu.memref_slice %arg2[%dma_wait3A_319, %dma_wait3A_329, %dma_wait3A_330] : memref<2x50000x128xf32, #tpu.memory_space<hbm>> -> memref<1x50000x128xf32, #tpu.memory_space<hbm>>
    %dma_wait3A_332 = tpu.memref_squeeze %dma_wait3A_331 : memref<1x50000x128xf32, #tpu.memory_space<hbm>> -> memref<50000x128xf32, #tpu.memory_space<hbm>>
    %dma_wait3A_333 = arith.constant 0 : i32
    %dma_wait3A_334 = arith.constant 0 : i32
    %dma_wait3A_335 = tpu.memref_slice %dma_wait3A_332[%dma_wait3A_333, %dma_wait3A_334] : memref<50000x128xf32, #tpu.memory_space<hbm>> -> memref<50000x128xf32, #tpu.memory_space<hbm>>
    tpu.wait_indirect_dma semaphore(%arg16 : memref<!tpu.dma_semaphore, #tpu.memory_space<semaphore_mem>>) src(%dma_wait3A_335 : memref<50000x128xf32, #tpu.memory_space<hbm>>) dst(%dma_wait3A_325 : memref<40x128xf32, #tpu.memory_space<vmem>>)
    %dma_wait3A_336 = arith.constant 1 : i32
    %dma_wait3A_337 = arith.constant 1 : i32
    %dma_wait3A_338 = arith.constant 1 : i32
    %dma_wait3A_339 = arith.constant 40 : i32
    %dma_wait3A_340 = arith.constant 0 : i32
    %dma_wait3A_341 = tpu.memref_slice %arg12[%dma_wait3A_338, %dma_wait3A_339, %dma_wait3A_340] : memref<2x160x128xf32, #tpu.memory_space<vmem>> -> memref<1x40x128xf32, #tpu.memory_space<vmem>>
    %dma_wait3A_342 = tpu.memref_squeeze %dma_wait3A_341 : memref<1x40x128xf32, #tpu.memory_space<vmem>> -> memref<40x128xf32, #tpu.memory_space<vmem>>
    %dma_wait3A_343 = arith.constant 0 : i32
    %dma_wait3A_344 = tpu.memref_slice %arg6[%dma_wait3A_337, %dma_wait3A_343] : memref<4x40xi32, #tpu.memory_space<vmem>> -> memref<1x40xi32, #tpu.memory_space<vmem>>
    %dma_wait3A_345 = tpu.memref_squeeze %dma_wait3A_344 : memref<1x40xi32, #tpu.memory_space<vmem>> -> memref<40xi32, #tpu.memory_space<vmem>>
    %dma_wait3A_346 = arith.constant 0 : i32
    %dma_wait3A_347 = arith.constant 0 : i32
    %dma_wait3A_348 = tpu.memref_slice %arg2[%dma_wait3A_336, %dma_wait3A_346, %dma_wait3A_347] : memref<2x50000x128xf32, #tpu.memory_space<hbm>> -> memref<1x50000x128xf32, #tpu.memory_space<hbm>>
    %dma_wait3A_349 = tpu.memref_squeeze %dma_wait3A_348 : memref<1x50000x128xf32, #tpu.memory_space<hbm>> -> memref<50000x128xf32, #tpu.memory_space<hbm>>
    %dma_wait3A_350 = arith.constant 0 : i32
    %dma_wait3A_351 = arith.constant 0 : i32
    %dma_wait3A_352 = tpu.memref_slice %dma_wait3A_349[%dma_wait3A_350, %dma_wait3A_351] : memref<50000x128xf32, #tpu.memory_space<hbm>> -> memref<50000x128xf32, #tpu.memory_space<hbm>>
    tpu.wait_indirect_dma semaphore(%arg16 : memref<!tpu.dma_semaphore, #tpu.memory_space<semaphore_mem>>) src(%dma_wait3A_352 : memref<50000x128xf32, #tpu.memory_space<hbm>>) dst(%dma_wait3A_342 : memref<40x128xf32, #tpu.memory_space<vmem>>)
    %dma_wait3A_353 = arith.constant 2 : i32
    %dma_wait3A_354 = arith.constant 96 : i32
    %dma_wait3A_355 = tpu.memref_slice %arg8[%dma_wait3A_354] : memref<192xf32, #tpu.memory_space<vmem>> -> memref<40xf32, #tpu.memory_space<vmem>>
    %dma_wait3A_356 = arith.constant 0 : i32
    %dma_wait3A_357 = tpu.memref_slice %arg6[%dma_wait3A_353, %dma_wait3A_356] : memref<4x40xi32, #tpu.memory_space<vmem>> -> memref<1x40xi32, #tpu.memory_space<vmem>>
    %dma_wait3A_358 = tpu.memref_squeeze %dma_wait3A_357 : memref<1x40xi32, #tpu.memory_space<vmem>> -> memref<40xi32, #tpu.memory_space<vmem>>
    %dma_wait3A_359 = arith.constant 0 : i32
    %dma_wait3A_360 = tpu.memref_slice %arg4[%dma_wait3A_359] : memref<50000xf32, #tpu.memory_space<hbm>> -> memref<50000xf32, #tpu.memory_space<hbm>>
    tpu.wait_indirect_dma semaphore(%arg16 : memref<!tpu.dma_semaphore, #tpu.memory_space<semaphore_mem>>) src(%dma_wait3A_360 : memref<50000xf32, #tpu.memory_space<hbm>>) dst(%dma_wait3A_355 : memref<40xf32, #tpu.memory_space<vmem>>)
    %dma_wait3A_361 = arith.constant 0 : i32
    %dma_wait3A_362 = arith.constant 2 : i32
    %dma_wait3A_363 = arith.constant 0 : i32
    %dma_wait3A_364 = arith.constant 80 : i32
    %dma_wait3A_365 = arith.constant 0 : i32
    %dma_wait3A_366 = tpu.memref_slice %arg12[%dma_wait3A_363, %dma_wait3A_364, %dma_wait3A_365] : memref<2x160x128xf32, #tpu.memory_space<vmem>> -> memref<1x40x128xf32, #tpu.memory_space<vmem>>
    %dma_wait3A_367 = tpu.memref_squeeze %dma_wait3A_366 : memref<1x40x128xf32, #tpu.memory_space<vmem>> -> memref<40x128xf32, #tpu.memory_space<vmem>>
    %dma_wait3A_368 = arith.constant 0 : i32
    %dma_wait3A_369 = tpu.memref_slice %arg6[%dma_wait3A_362, %dma_wait3A_368] : memref<4x40xi32, #tpu.memory_space<vmem>> -> memref<1x40xi32, #tpu.memory_space<vmem>>
    %dma_wait3A_370 = tpu.memref_squeeze %dma_wait3A_369 : memref<1x40xi32, #tpu.memory_space<vmem>> -> memref<40xi32, #tpu.memory_space<vmem>>
    %dma_wait3A_371 = arith.constant 0 : i32
    %dma_wait3A_372 = arith.constant 0 : i32
    %dma_wait3A_373 = tpu.memref_slice %arg2[%dma_wait3A_361, %dma_wait3A_371, %dma_wait3A_372] : memref<2x50000x128xf32, #tpu.memory_space<hbm>> -> memref<1x50000x128xf32, #tpu.memory_space<hbm>>
    %dma_wait3A_374 = tpu.memref_squeeze %dma_wait3A_373 : memref<1x50000x128xf32, #tpu.memory_space<hbm>> -> memref<50000x128xf32, #tpu.memory_space<hbm>>
    %dma_wait3A_375 = arith.constant 0 : i32
    %dma_wait3A_376 = arith.constant 0 : i32
    %dma_wait3A_377 = tpu.memref_slice %dma_wait3A_374[%dma_wait3A_375, %dma_wait3A_376] : memref<50000x128xf32, #tpu.memory_space<hbm>> -> memref<50000x128xf32, #tpu.memory_space<hbm>>
    tpu.wait_indirect_dma semaphore(%arg16 : memref<!tpu.dma_semaphore, #tpu.memory_space<semaphore_mem>>) src(%dma_wait3A_377 : memref<50000x128xf32, #tpu.memory_space<hbm>>) dst(%dma_wait3A_367 : memref<40x128xf32, #tpu.memory_space<vmem>>)
    %dma_wait3A_378 = arith.constant 1 : i32
    %dma_wait3A_379 = arith.constant 2 : i32
    %dma_wait3A_380 = arith.constant 1 : i32
    %dma_wait3A_381 = arith.constant 80 : i32
    %dma_wait3A_382 = arith.constant 0 : i32
    %dma_wait3A_383 = tpu.memref_slice %arg12[%dma_wait3A_380, %dma_wait3A_381, %dma_wait3A_382] : memref<2x160x128xf32, #tpu.memory_space<vmem>> -> memref<1x40x128xf32, #tpu.memory_space<vmem>>
    %dma_wait3A_384 = tpu.memref_squeeze %dma_wait3A_383 : memref<1x40x128xf32, #tpu.memory_space<vmem>> -> memref<40x128xf32, #tpu.memory_space<vmem>>
    %dma_wait3A_385 = arith.constant 0 : i32
    %dma_wait3A_386 = tpu.memref_slice %arg6[%dma_wait3A_379, %dma_wait3A_385] : memref<4x40xi32, #tpu.memory_space<vmem>> -> memref<1x40xi32, #tpu.memory_space<vmem>>
    %dma_wait3A_387 = tpu.memref_squeeze %dma_wait3A_386 : memref<1x40xi32, #tpu.memory_space<vmem>> -> memref<40xi32, #tpu.memory_space<vmem>>
    %dma_wait3A_388 = arith.constant 0 : i32
    %dma_wait3A_389 = arith.constant 0 : i32
    %dma_wait3A_390 = tpu.memref_slice %arg2[%dma_wait3A_378, %dma_wait3A_388, %dma_wait3A_389] : memref<2x50000x128xf32, #tpu.memory_space<hbm>> -> memref<1x50000x128xf32, #tpu.memory_space<hbm>>
    %dma_wait3A_391 = tpu.memref_squeeze %dma_wait3A_390 : memref<1x50000x128xf32, #tpu.memory_space<hbm>> -> memref<50000x128xf32, #tpu.memory_space<hbm>>
    %dma_wait3A_392 = arith.constant 0 : i32
    %dma_wait3A_393 = arith.constant 0 : i32
    %dma_wait3A_394 = tpu.memref_slice %dma_wait3A_391[%dma_wait3A_392, %dma_wait3A_393] : memref<50000x128xf32, #tpu.memory_space<hbm>> -> memref<50000x128xf32, #tpu.memory_space<hbm>>
    tpu.wait_indirect_dma semaphore(%arg16 : memref<!tpu.dma_semaphore, #tpu.memory_space<semaphore_mem>>) src(%dma_wait3A_394 : memref<50000x128xf32, #tpu.memory_space<hbm>>) dst(%dma_wait3A_384 : memref<40x128xf32, #tpu.memory_space<vmem>>)
    %dma_wait3A_395 = arith.constant 3 : i32
    %dma_wait3A_396 = arith.constant 144 : i32
    %dma_wait3A_397 = tpu.memref_slice %arg8[%dma_wait3A_396] : memref<192xf32, #tpu.memory_space<vmem>> -> memref<40xf32, #tpu.memory_space<vmem>>
    %dma_wait3A_398 = arith.constant 0 : i32
    %dma_wait3A_399 = tpu.memref_slice %arg6[%dma_wait3A_395, %dma_wait3A_398] : memref<4x40xi32, #tpu.memory_space<vmem>> -> memref<1x40xi32, #tpu.memory_space<vmem>>
    %dma_wait3A_400 = tpu.memref_squeeze %dma_wait3A_399 : memref<1x40xi32, #tpu.memory_space<vmem>> -> memref<40xi32, #tpu.memory_space<vmem>>
    %dma_wait3A_401 = arith.constant 0 : i32
    %dma_wait3A_402 = tpu.memref_slice %arg4[%dma_wait3A_401] : memref<50000xf32, #tpu.memory_space<hbm>> -> memref<50000xf32, #tpu.memory_space<hbm>>
    tpu.wait_indirect_dma semaphore(%arg16 : memref<!tpu.dma_semaphore, #tpu.memory_space<semaphore_mem>>) src(%dma_wait3A_402 : memref<50000xf32, #tpu.memory_space<hbm>>) dst(%dma_wait3A_397 : memref<40xf32, #tpu.memory_space<vmem>>)
    %dma_wait3A_403 = arith.constant 0 : i32
    %dma_wait3A_404 = arith.constant 3 : i32
    %dma_wait3A_405 = arith.constant 0 : i32
    %dma_wait3A_406 = arith.constant 120 : i32
    %dma_wait3A_407 = arith.constant 0 : i32
    %dma_wait3A_408 = tpu.memref_slice %arg12[%dma_wait3A_405, %dma_wait3A_406, %dma_wait3A_407] : memref<2x160x128xf32, #tpu.memory_space<vmem>> -> memref<1x40x128xf32, #tpu.memory_space<vmem>>
    %dma_wait3A_409 = tpu.memref_squeeze %dma_wait3A_408 : memref<1x40x128xf32, #tpu.memory_space<vmem>> -> memref<40x128xf32, #tpu.memory_space<vmem>>
    %dma_wait3A_410 = arith.constant 0 : i32
    %dma_wait3A_411 = tpu.memref_slice %arg6[%dma_wait3A_404, %dma_wait3A_410] : memref<4x40xi32, #tpu.memory_space<vmem>> -> memref<1x40xi32, #tpu.memory_space<vmem>>
    %dma_wait3A_412 = tpu.memref_squeeze %dma_wait3A_411 : memref<1x40xi32, #tpu.memory_space<vmem>> -> memref<40xi32, #tpu.memory_space<vmem>>
    %dma_wait3A_413 = arith.constant 0 : i32
    %dma_wait3A_414 = arith.constant 0 : i32
    %dma_wait3A_415 = tpu.memref_slice %arg2[%dma_wait3A_403, %dma_wait3A_413, %dma_wait3A_414] : memref<2x50000x128xf32, #tpu.memory_space<hbm>> -> memref<1x50000x128xf32, #tpu.memory_space<hbm>>
    %dma_wait3A_416 = tpu.memref_squeeze %dma_wait3A_415 : memref<1x50000x128xf32, #tpu.memory_space<hbm>> -> memref<50000x128xf32, #tpu.memory_space<hbm>>
    %dma_wait3A_417 = arith.constant 0 : i32
    %dma_wait3A_418 = arith.constant 0 : i32
    %dma_wait3A_419 = tpu.memref_slice %dma_wait3A_416[%dma_wait3A_417, %dma_wait3A_418] : memref<50000x128xf32, #tpu.memory_space<hbm>> -> memref<50000x128xf32, #tpu.memory_space<hbm>>
    tpu.wait_indirect_dma semaphore(%arg16 : memref<!tpu.dma_semaphore, #tpu.memory_space<semaphore_mem>>) src(%dma_wait3A_419 : memref<50000x128xf32, #tpu.memory_space<hbm>>) dst(%dma_wait3A_409 : memref<40x128xf32, #tpu.memory_space<vmem>>)
    %dma_wait3A_420 = arith.constant 1 : i32
    %dma_wait3A_421 = arith.constant 3 : i32
    %dma_wait3A_422 = arith.constant 1 : i32
    %dma_wait3A_423 = arith.constant 120 : i32
    %dma_wait3A_424 = arith.constant 0 : i32
    %dma_wait3A_425 = tpu.memref_slice %arg12[%dma_wait3A_422, %dma_wait3A_423, %dma_wait3A_424] : memref<2x160x128xf32, #tpu.memory_space<vmem>> -> memref<1x40x128xf32, #tpu.memory_space<vmem>>
    %dma_wait3A_426 = tpu.memref_squeeze %dma_wait3A_425 : memref<1x40x128xf32, #tpu.memory_space<vmem>> -> memref<40x128xf32, #tpu.memory_space<vmem>>
    %dma_wait3A_427 = arith.constant 0 : i32
    %dma_wait3A_428 = tpu.memref_slice %arg6[%dma_wait3A_421, %dma_wait3A_427] : memref<4x40xi32, #tpu.memory_space<vmem>> -> memref<1x40xi32, #tpu.memory_space<vmem>>
    %dma_wait3A_429 = tpu.memref_squeeze %dma_wait3A_428 : memref<1x40xi32, #tpu.memory_space<vmem>> -> memref<40xi32, #tpu.memory_space<vmem>>
    %dma_wait3A_430 = arith.constant 0 : i32
    %dma_wait3A_431 = arith.constant 0 : i32
    %dma_wait3A_432 = tpu.memref_slice %arg2[%dma_wait3A_420, %dma_wait3A_430, %dma_wait3A_431] : memref<2x50000x128xf32, #tpu.memory_space<hbm>> -> memref<1x50000x128xf32, #tpu.memory_space<hbm>>
    %dma_wait3A_433 = tpu.memref_squeeze %dma_wait3A_432 : memref<1x50000x128xf32, #tpu.memory_space<hbm>> -> memref<50000x128xf32, #tpu.memory_space<hbm>>
    %dma_wait3A_434 = arith.constant 0 : i32
    %dma_wait3A_435 = arith.constant 0 : i32
    %dma_wait3A_436 = tpu.memref_slice %dma_wait3A_433[%dma_wait3A_434, %dma_wait3A_435] : memref<50000x128xf32, #tpu.memory_space<hbm>> -> memref<50000x128xf32, #tpu.memory_space<hbm>>
    tpu.wait_indirect_dma semaphore(%arg16 : memref<!tpu.dma_semaphore, #tpu.memory_space<semaphore_mem>>) src(%dma_wait3A_436 : memref<50000x128xf32, #tpu.memory_space<hbm>>) dst(%dma_wait3A_426 : memref<40x128xf32, #tpu.memory_space<vmem>>)
    %add3A_437 = arith.constant 0 : i32
    %add3A_438 = arith.addi %mul3A_2, %add3A_437 : i32
    %min3A_439 = arith.constant 1249 : i32
    %min3A_440 = arith.minsi %add3A_438, %min3A_439 : i32
    %mul3A_441 = arith.constant 40 : i32
    %mul3A_442 = arith.muli %min3A_440, %mul3A_441 : i32
    %mul3A_443 = arith.constant 40 : i32
    %mul3A_444 = arith.muli %min3A_440, %mul3A_443 : i32
    %dma_wait3A_445 = arith.constant 0 : i32
    %dma_wait3A_446 = arith.constant 0 : i32
    %dma_wait3A_447 = arith.constant 0 : i32
    %dma_wait3A_448 = arith.constant 0 : i32
    %dma_wait3A_449 = tpu.memref_slice %arg14[%dma_wait3A_445, %dma_wait3A_447, %dma_wait3A_448] : memref<2x40x128xf32, #tpu.memory_space<vmem>> -> memref<1x40x128xf32, #tpu.memory_space<vmem>>
    %dma_wait3A_450 = tpu.memref_squeeze %dma_wait3A_449 : memref<1x40x128xf32, #tpu.memory_space<vmem>> -> memref<40x128xf32, #tpu.memory_space<vmem>>
    %dma_wait3A_451 = arith.constant 0 : i32
    %dma_wait3A_452 = tpu.memref_slice %arg5[%dma_wait3A_446, %mul3A_442, %dma_wait3A_451] : memref<2x50000x128xf32, #tpu.memory_space<hbm>> -> memref<1x40x128xf32, #tpu.memory_space<hbm>>
    %dma_wait3A_453 = tpu.memref_squeeze %dma_wait3A_452 : memref<1x40x128xf32, #tpu.memory_space<hbm>> -> memref<40x128xf32, #tpu.memory_space<hbm>>
    %dma_wait3A_454 = arith.constant 0 : i32
    %dma_wait3A_455 = tpu.memref_slice %arg5[%dma_wait3A_446, %mul3A_442, %dma_wait3A_454] : memref<2x50000x128xf32, #tpu.memory_space<hbm>> -> memref<1x40x128xf32, #tpu.memory_space<hbm>>
    %dma_wait3A_456 = tpu.memref_squeeze %dma_wait3A_455 : memref<1x40x128xf32, #tpu.memory_space<hbm>> -> memref<40x128xf32, #tpu.memory_space<hbm>>
    %dma_wait3A_457 = arith.constant 0 : i32
    %dma_wait3A_458 = arith.constant 0 : i32
    %dma_wait3A_459 = tpu.memref_slice %arg14[%dma_wait3A_445, %dma_wait3A_457, %dma_wait3A_458] : memref<2x40x128xf32, #tpu.memory_space<vmem>> -> memref<1x40x128xf32, #tpu.memory_space<vmem>>
    %dma_wait3A_460 = tpu.memref_squeeze %dma_wait3A_459 : memref<1x40x128xf32, #tpu.memory_space<vmem>> -> memref<40x128xf32, #tpu.memory_space<vmem>>
    tpu.wait_dma2 semaphore(%arg18 : memref<!tpu.dma_semaphore, #tpu.memory_space<semaphore_mem>>) src(%dma_wait3A_460 : memref<40x128xf32, #tpu.memory_space<vmem>>) dst(%dma_wait3A_456 : memref<40x128xf32, #tpu.memory_space<hbm>>)
    %dma_wait3A_461 = arith.constant 1 : i32
    %dma_wait3A_462 = arith.constant 1 : i32
    %dma_wait3A_463 = arith.constant 0 : i32
    %dma_wait3A_464 = arith.constant 0 : i32
    %dma_wait3A_465 = tpu.memref_slice %arg14[%dma_wait3A_461, %dma_wait3A_463, %dma_wait3A_464] : memref<2x40x128xf32, #tpu.memory_space<vmem>> -> memref<1x40x128xf32, #tpu.memory_space<vmem>>
    %dma_wait3A_466 = tpu.memref_squeeze %dma_wait3A_465 : memref<1x40x128xf32, #tpu.memory_space<vmem>> -> memref<40x128xf32, #tpu.memory_space<vmem>>
    %dma_wait3A_467 = arith.constant 0 : i32
    %dma_wait3A_468 = tpu.memref_slice %arg5[%dma_wait3A_462, %mul3A_444, %dma_wait3A_467] : memref<2x50000x128xf32, #tpu.memory_space<hbm>> -> memref<1x40x128xf32, #tpu.memory_space<hbm>>
    %dma_wait3A_469 = tpu.memref_squeeze %dma_wait3A_468 : memref<1x40x128xf32, #tpu.memory_space<hbm>> -> memref<40x128xf32, #tpu.memory_space<hbm>>
    %dma_wait3A_470 = arith.constant 0 : i32
    %dma_wait3A_471 = tpu.memref_slice %arg5[%dma_wait3A_462, %mul3A_444, %dma_wait3A_470] : memref<2x50000x128xf32, #tpu.memory_space<hbm>> -> memref<1x40x128xf32, #tpu.memory_space<hbm>>
    %dma_wait3A_472 = tpu.memref_squeeze %dma_wait3A_471 : memref<1x40x128xf32, #tpu.memory_space<hbm>> -> memref<40x128xf32, #tpu.memory_space<hbm>>
    %dma_wait3A_473 = arith.constant 0 : i32
    %dma_wait3A_474 = arith.constant 0 : i32
    %dma_wait3A_475 = tpu.memref_slice %arg14[%dma_wait3A_461, %dma_wait3A_473, %dma_wait3A_474] : memref<2x40x128xf32, #tpu.memory_space<vmem>> -> memref<1x40x128xf32, #tpu.memory_space<vmem>>
    %dma_wait3A_476 = tpu.memref_squeeze %dma_wait3A_475 : memref<1x40x128xf32, #tpu.memory_space<vmem>> -> memref<40x128xf32, #tpu.memory_space<vmem>>
    tpu.wait_dma2 semaphore(%arg18 : memref<!tpu.dma_semaphore, #tpu.memory_space<semaphore_mem>>) src(%dma_wait3A_476 : memref<40x128xf32, #tpu.memory_space<vmem>>) dst(%dma_wait3A_472 : memref<40x128xf32, #tpu.memory_space<hbm>>)
    %add3A_477 = arith.constant 0 : i32
    %add3A_478 = arith.addi %mul3A_2, %add3A_477 : i32
    %min3A_479 = arith.constant 1249 : i32
    %min3A_480 = arith.minsi %add3A_478, %min3A_479 : i32
    %mul3A_481 = arith.constant 40 : i32
    %mul3A_482 = arith.muli %min3A_480, %mul3A_481 : i32
    %mul3A_483 = arith.constant 40 : i32
    %mul3A_484 = arith.muli %min3A_480, %mul3A_483 : i32
    %dma_wait3A_485 = arith.constant 0 : i32
    %dma_wait3A_486 = arith.constant 0 : i32
    %dma_wait3A_487 = arith.constant 0 : i32
    %dma_wait3A_488 = arith.constant 0 : i32
    %dma_wait3A_489 = tpu.memref_slice %arg15[%dma_wait3A_485, %dma_wait3A_487, %dma_wait3A_488] : memref<2x40x128xf32, #tpu.memory_space<vmem>> -> memref<1x40x128xf32, #tpu.memory_space<vmem>>
    %dma_wait3A_490 = tpu.memref_squeeze %dma_wait3A_489 : memref<1x40x128xf32, #tpu.memory_space<vmem>> -> memref<40x128xf32, #tpu.memory_space<vmem>>
    %dma_wait3A_491 = arith.constant 0 : i32
    %dma_wait3A_492 = tpu.memref_slice %arg5[%dma_wait3A_486, %mul3A_482, %dma_wait3A_491] : memref<2x50000x128xf32, #tpu.memory_space<hbm>> -> memref<1x40x128xf32, #tpu.memory_space<hbm>>
    %dma_wait3A_493 = tpu.memref_squeeze %dma_wait3A_492 : memref<1x40x128xf32, #tpu.memory_space<hbm>> -> memref<40x128xf32, #tpu.memory_space<hbm>>
    %dma_wait3A_494 = arith.constant 0 : i32
    %dma_wait3A_495 = tpu.memref_slice %arg5[%dma_wait3A_486, %mul3A_482, %dma_wait3A_494] : memref<2x50000x128xf32, #tpu.memory_space<hbm>> -> memref<1x40x128xf32, #tpu.memory_space<hbm>>
    %dma_wait3A_496 = tpu.memref_squeeze %dma_wait3A_495 : memref<1x40x128xf32, #tpu.memory_space<hbm>> -> memref<40x128xf32, #tpu.memory_space<hbm>>
    %dma_wait3A_497 = arith.constant 0 : i32
    %dma_wait3A_498 = arith.constant 0 : i32
    %dma_wait3A_499 = tpu.memref_slice %arg15[%dma_wait3A_485, %dma_wait3A_497, %dma_wait3A_498] : memref<2x40x128xf32, #tpu.memory_space<vmem>> -> memref<1x40x128xf32, #tpu.memory_space<vmem>>
    %dma_wait3A_500 = tpu.memref_squeeze %dma_wait3A_499 : memref<1x40x128xf32, #tpu.memory_space<vmem>> -> memref<40x128xf32, #tpu.memory_space<vmem>>
    tpu.wait_dma2 semaphore(%arg19 : memref<!tpu.dma_semaphore, #tpu.memory_space<semaphore_mem>>) src(%dma_wait3A_500 : memref<40x128xf32, #tpu.memory_space<vmem>>) dst(%dma_wait3A_496 : memref<40x128xf32, #tpu.memory_space<hbm>>)
    %dma_wait3A_501 = arith.constant 1 : i32
    %dma_wait3A_502 = arith.constant 1 : i32
    %dma_wait3A_503 = arith.constant 0 : i32
    %dma_wait3A_504 = arith.constant 0 : i32
    %dma_wait3A_505 = tpu.memref_slice %arg15[%dma_wait3A_501, %dma_wait3A_503, %dma_wait3A_504] : memref<2x40x128xf32, #tpu.memory_space<vmem>> -> memref<1x40x128xf32, #tpu.memory_space<vmem>>
    %dma_wait3A_506 = tpu.memref_squeeze %dma_wait3A_505 : memref<1x40x128xf32, #tpu.memory_space<vmem>> -> memref<40x128xf32, #tpu.memory_space<vmem>>
    %dma_wait3A_507 = arith.constant 0 : i32
    %dma_wait3A_508 = tpu.memref_slice %arg5[%dma_wait3A_502, %mul3A_484, %dma_wait3A_507] : memref<2x50000x128xf32, #tpu.memory_space<hbm>> -> memref<1x40x128xf32, #tpu.memory_space<hbm>>
    %dma_wait3A_509 = tpu.memref_squeeze %dma_wait3A_508 : memref<1x40x128xf32, #tpu.memory_space<hbm>> -> memref<40x128xf32, #tpu.memory_space<hbm>>
    %dma_wait3A_510 = arith.constant 0 : i32
    %dma_wait3A_511 = tpu.memref_slice %arg5[%dma_wait3A_502, %mul3A_484, %dma_wait3A_510] : memref<2x50000x128xf32, #tpu.memory_space<hbm>> -> memref<1x40x128xf32, #tpu.memory_space<hbm>>
    %dma_wait3A_512 = tpu.memref_squeeze %dma_wait3A_511 : memref<1x40x128xf32, #tpu.memory_space<hbm>> -> memref<40x128xf32, #tpu.memory_space<hbm>>
    %dma_wait3A_513 = arith.constant 0 : i32
    %dma_wait3A_514 = arith.constant 0 : i32
    %dma_wait3A_515 = tpu.memref_slice %arg15[%dma_wait3A_501, %dma_wait3A_513, %dma_wait3A_514] : memref<2x40x128xf32, #tpu.memory_space<vmem>> -> memref<1x40x128xf32, #tpu.memory_space<vmem>>
    %dma_wait3A_516 = tpu.memref_squeeze %dma_wait3A_515 : memref<1x40x128xf32, #tpu.memory_space<vmem>> -> memref<40x128xf32, #tpu.memory_space<vmem>>
    tpu.wait_dma2 semaphore(%arg19 : memref<!tpu.dma_semaphore, #tpu.memory_space<semaphore_mem>>) src(%dma_wait3A_516 : memref<40x128xf32, #tpu.memory_space<vmem>>) dst(%dma_wait3A_512 : memref<40x128xf32, #tpu.memory_space<hbm>>)
    return
  }
}

module attributes {stable_mosaic.version = 14 : i64} {
  func.func @_linear_body(%arg0: i32, %arg1: memref<2x4096x128xf32, #tpu.memory_space<vmem>>, %arg2: memref<4x128x128xf32, #tpu.memory_space<vmem>>, %arg3: memref<128xf32, #tpu.memory_space<vmem>>, %arg4: memref<2x4096x128xf32, #tpu.memory_space<vmem>>) attributes {dimension_semantics = [#tpu.dimension_semantics<arbitrary>], iteration_bounds = array<i64: 13>, scalar_prefetch = 0 : i64, scratch_operands = 0 : i64, tpu.core_type = #tpu.core_type<tc>, window_params = [{transform_indices = @transform_0, window_bounds = array<i64: 2, 4096, 128>}, {pipeline_mode = #tpu.pipeline_mode<synchronous>, transform_indices = @transform_1, window_bounds = array<i64: 4, 128, 128>}, {pipeline_mode = #tpu.pipeline_mode<synchronous>, transform_indices = @transform_2, window_bounds = array<i64: 128>}, {transform_indices = @transform_3, window_bounds = array<i64: 2, 4096, 128>}]} {
    %get3A = arith.constant 0 : index
    %get3A_0 = arith.constant 0 : index
    %get3A_1 = arith.constant 0 : index
    %get3A_2 = vector.load %arg1[%get3A, %get3A_0, %get3A_1] : memref<2x4096x128xf32, #tpu.memory_space<vmem>>, vector<2x4096x128xf32>
    %get3A_3 = arith.constant 0 : index
    %get3A_4 = arith.constant 0 : index
    %get3A_5 = arith.constant 0 : index
    %get3A_6 = vector.load %arg2[%get3A_3, %get3A_4, %get3A_5] : memref<4x128x128xf32, #tpu.memory_space<vmem>>, vector<4x128x128xf32>
    %get3A_7 = arith.constant 0 : index
    %get3A_8 = vector.load %arg3[%get3A_7] : memref<128xf32, #tpu.memory_space<vmem>>, vector<128xf32>
    %iota3A = tpu.iota {dimensions = array<i32: 0>} : vector<4096x128xi32>
    %jit3A = arith.constant 4 : i32
    %eq3A = arith.constant 0 : i32
    %eq3A_9 = arith.cmpi eq, %jit3A, %eq3A : i32
    %jit3A_10 = arith.constant 1 : i32
    %select_n3A = arith.select %eq3A_9, %jit3A_10, %jit3A : i32
    %rem3A = vector.broadcast %select_n3A : i32 to vector<4096x128xi32>
    %rem3A_11 = arith.remsi %iota3A, %rem3A : vector<4096x128xi32>
    %ne3A = arith.constant 0 : i32
    %ne3A_12 = vector.broadcast %ne3A : i32 to vector<4096x128xi32>
    %ne3A_13 = arith.cmpi ne, %rem3A_11, %ne3A_12 : vector<4096x128xi32>
    %lt3A = arith.constant 0 : i32
    %lt3A_14 = vector.broadcast %lt3A : i32 to vector<4096x128xi32>
    %lt3A_15 = arith.cmpi slt, %rem3A_11, %lt3A_14 : vector<4096x128xi32>
    %lt3A_16 = arith.constant 0 : i32
    %lt3A_17 = arith.cmpi slt, %select_n3A, %lt3A_16 : i32
    %ne3A_18 = vector.broadcast %lt3A_17 : i1 to vector<4096x128xi1>
    %ne3A_19 = vector.broadcast %ne3A_18 : vector<4096x128xi1> to vector<4096x128xi1>
    %ne3A_20 = arith.xori %lt3A_15, %ne3A_19 : vector<4096x128xi1>
    %and3A = arith.andi %ne3A_20, %ne3A_13 : vector<4096x128xi1>
    %add3A = vector.broadcast %select_n3A : i32 to vector<4096x128xi32>
    %add3A_21 = arith.addi %rem3A_11, %add3A : vector<4096x128xi32>
    %select_n3A_22 = arith.select %and3A, %add3A_21, %rem3A_11 : vector<4096x128xi1>, vector<4096x128xi32>
    %eq3A_23 = arith.constant 0 : i32
    %eq3A_24 = vector.broadcast %eq3A_23 : i32 to vector<4096x128xi32>
    %eq3A_25 = arith.cmpi eq, %select_n3A_22, %eq3A_24 : vector<4096x128xi32>
    %eq3A_26 = arith.constant 1 : i32
    %eq3A_27 = vector.broadcast %eq3A_26 : i32 to vector<4096x128xi32>
    %eq3A_28 = arith.cmpi eq, %select_n3A_22, %eq3A_27 : vector<4096x128xi32>
    %eq3A_29 = arith.constant 2 : i32
    %eq3A_30 = vector.broadcast %eq3A_29 : i32 to vector<4096x128xi32>
    %eq3A_31 = arith.cmpi eq, %select_n3A_22, %eq3A_30 : vector<4096x128xi32>
    %eq3A_32 = arith.constant 3 : i32
    %eq3A_33 = vector.broadcast %eq3A_32 : i32 to vector<4096x128xi32>
    %eq3A_34 = arith.cmpi eq, %select_n3A_22, %eq3A_33 : vector<4096x128xi32>
    %slice3A = vector.extract_strided_slice %get3A_6 {offsets = [0, 0, 0], sizes = [1, 128, 128], strides = [1, 1, 1]} : vector<4x128x128xf32> to vector<1x128x128xf32>
    %squeeze3A = vector.shape_cast %slice3A : vector<1x128x128xf32> to vector<128x128xf32>
    %convert_element_type3A = arith.truncf %squeeze3A : vector<128x128xf32> to vector<128x128xbf16>
    %slice3A_35 = vector.extract_strided_slice %get3A_6 {offsets = [1, 0, 0], sizes = [1, 128, 128], strides = [1, 1, 1]} : vector<4x128x128xf32> to vector<1x128x128xf32>
    %squeeze3A_36 = vector.shape_cast %slice3A_35 : vector<1x128x128xf32> to vector<128x128xf32>
    %convert_element_type3A_37 = arith.truncf %squeeze3A_36 : vector<128x128xf32> to vector<128x128xbf16>
    %slice3A_38 = vector.extract_strided_slice %get3A_6 {offsets = [2, 0, 0], sizes = [1, 128, 128], strides = [1, 1, 1]} : vector<4x128x128xf32> to vector<1x128x128xf32>
    %squeeze3A_39 = vector.shape_cast %slice3A_38 : vector<1x128x128xf32> to vector<128x128xf32>
    %convert_element_type3A_40 = arith.truncf %squeeze3A_39 : vector<128x128xf32> to vector<128x128xbf16>
    %slice3A_41 = vector.extract_strided_slice %get3A_6 {offsets = [3, 0, 0], sizes = [1, 128, 128], strides = [1, 1, 1]} : vector<4x128x128xf32> to vector<1x128x128xf32>
    %squeeze3A_42 = vector.shape_cast %slice3A_41 : vector<1x128x128xf32> to vector<128x128xf32>
    %convert_element_type3A_43 = arith.truncf %squeeze3A_42 : vector<128x128xf32> to vector<128x128xbf16>
    %slice3A_44 = vector.extract_strided_slice %get3A_2 {offsets = [0, 0, 0], sizes = [1, 4096, 128], strides = [1, 1, 1]} : vector<2x4096x128xf32> to vector<1x4096x128xf32>
    %squeeze3A_45 = vector.shape_cast %slice3A_44 : vector<1x4096x128xf32> to vector<4096x128xf32>
    %convert_element_type3A_46 = arith.truncf %squeeze3A_45 : vector<4096x128xf32> to vector<4096x128xbf16>
    %jit3A_47 = arith.constant 0.000000e+00 : bf16
    %broadcast_in_dim3A = vector.broadcast %jit3A_47 : bf16 to vector<4096x128xbf16>
    %select_n3A_48 = arith.select %eq3A_25, %convert_element_type3A_46, %broadcast_in_dim3A : vector<4096x128xi1>, vector<4096x128xbf16>
    %dot_general3A = arith.constant dense<0.000000e+00> : vector<4096x128xf32>
    %dot_general3A_49 = tpu.matmul %select_n3A_48, %convert_element_type3A, %dot_general3A {dimension_numbers = #tpu.dot_dimension_numbers<[1], [0], [0], [1], [0, 0, 1, 1], [], []>, transpose_lhs_hint = false} : vector<4096x128xbf16>, vector<128x128xbf16>, vector<4096x128xf32> -> vector<4096x128xf32>
    %jit3A_50 = arith.constant 0.000000e+00 : bf16
    %broadcast_in_dim3A_51 = vector.broadcast %jit3A_50 : bf16 to vector<4096x128xbf16>
    %select_n3A_52 = arith.select %eq3A_28, %convert_element_type3A_46, %broadcast_in_dim3A_51 : vector<4096x128xi1>, vector<4096x128xbf16>
    %dot_general3A_53 = arith.constant dense<0.000000e+00> : vector<4096x128xf32>
    %dot_general3A_54 = tpu.matmul %select_n3A_52, %convert_element_type3A_37, %dot_general3A_53 {dimension_numbers = #tpu.dot_dimension_numbers<[1], [0], [0], [1], [0, 0, 1, 1], [], []>, transpose_lhs_hint = false} : vector<4096x128xbf16>, vector<128x128xbf16>, vector<4096x128xf32> -> vector<4096x128xf32>
    %add3A_55 = arith.addf %dot_general3A_49, %dot_general3A_54 : vector<4096x128xf32>
    %jit3A_56 = arith.constant 0.000000e+00 : bf16
    %broadcast_in_dim3A_57 = vector.broadcast %jit3A_56 : bf16 to vector<4096x128xbf16>
    %select_n3A_58 = arith.select %eq3A_31, %convert_element_type3A_46, %broadcast_in_dim3A_57 : vector<4096x128xi1>, vector<4096x128xbf16>
    %dot_general3A_59 = arith.constant dense<0.000000e+00> : vector<4096x128xf32>
    %dot_general3A_60 = tpu.matmul %select_n3A_58, %convert_element_type3A_40, %dot_general3A_59 {dimension_numbers = #tpu.dot_dimension_numbers<[1], [0], [0], [1], [0, 0, 1, 1], [], []>, transpose_lhs_hint = false} : vector<4096x128xbf16>, vector<128x128xbf16>, vector<4096x128xf32> -> vector<4096x128xf32>
    %add3A_61 = arith.addf %add3A_55, %dot_general3A_60 : vector<4096x128xf32>
    %jit3A_62 = arith.constant 0.000000e+00 : bf16
    %broadcast_in_dim3A_63 = vector.broadcast %jit3A_62 : bf16 to vector<4096x128xbf16>
    %select_n3A_64 = arith.select %eq3A_34, %convert_element_type3A_46, %broadcast_in_dim3A_63 : vector<4096x128xi1>, vector<4096x128xbf16>
    %dot_general3A_65 = arith.constant dense<0.000000e+00> : vector<4096x128xf32>
    %dot_general3A_66 = tpu.matmul %select_n3A_64, %convert_element_type3A_43, %dot_general3A_65 {dimension_numbers = #tpu.dot_dimension_numbers<[1], [0], [0], [1], [0, 0, 1, 1], [], []>, transpose_lhs_hint = false} : vector<4096x128xbf16>, vector<128x128xbf16>, vector<4096x128xf32> -> vector<4096x128xf32>
    %add3A_67 = arith.addf %add3A_61, %dot_general3A_66 : vector<4096x128xf32>
    %broadcast_in_dim3A_68 = vector.shape_cast %get3A_8 : vector<128xf32> to vector<1x128xf32>
    %add3A_69 = vector.broadcast %broadcast_in_dim3A_68 : vector<1x128xf32> to vector<4096x128xf32>
    %add3A_70 = arith.addf %add3A_67, %add3A_69 : vector<4096x128xf32>
    %slice3A_71 = vector.extract_strided_slice %get3A_2 {offsets = [1, 0, 0], sizes = [1, 4096, 128], strides = [1, 1, 1]} : vector<2x4096x128xf32> to vector<1x4096x128xf32>
    %squeeze3A_72 = vector.shape_cast %slice3A_71 : vector<1x4096x128xf32> to vector<4096x128xf32>
    %convert_element_type3A_73 = arith.truncf %squeeze3A_72 : vector<4096x128xf32> to vector<4096x128xbf16>
    %jit3A_74 = arith.constant 0.000000e+00 : bf16
    %broadcast_in_dim3A_75 = vector.broadcast %jit3A_74 : bf16 to vector<4096x128xbf16>
    %select_n3A_76 = arith.select %eq3A_25, %convert_element_type3A_73, %broadcast_in_dim3A_75 : vector<4096x128xi1>, vector<4096x128xbf16>
    %dot_general3A_77 = arith.constant dense<0.000000e+00> : vector<4096x128xf32>
    %dot_general3A_78 = tpu.matmul %select_n3A_76, %convert_element_type3A, %dot_general3A_77 {dimension_numbers = #tpu.dot_dimension_numbers<[1], [0], [0], [1], [0, 0, 1, 1], [], []>, transpose_lhs_hint = false} : vector<4096x128xbf16>, vector<128x128xbf16>, vector<4096x128xf32> -> vector<4096x128xf32>
    %jit3A_79 = arith.constant 0.000000e+00 : bf16
    %broadcast_in_dim3A_80 = vector.broadcast %jit3A_79 : bf16 to vector<4096x128xbf16>
    %select_n3A_81 = arith.select %eq3A_28, %convert_element_type3A_73, %broadcast_in_dim3A_80 : vector<4096x128xi1>, vector<4096x128xbf16>
    %dot_general3A_82 = arith.constant dense<0.000000e+00> : vector<4096x128xf32>
    %dot_general3A_83 = tpu.matmul %select_n3A_81, %convert_element_type3A_37, %dot_general3A_82 {dimension_numbers = #tpu.dot_dimension_numbers<[1], [0], [0], [1], [0, 0, 1, 1], [], []>, transpose_lhs_hint = false} : vector<4096x128xbf16>, vector<128x128xbf16>, vector<4096x128xf32> -> vector<4096x128xf32>
    %add3A_84 = arith.addf %dot_general3A_78, %dot_general3A_83 : vector<4096x128xf32>
    %jit3A_85 = arith.constant 0.000000e+00 : bf16
    %broadcast_in_dim3A_86 = vector.broadcast %jit3A_85 : bf16 to vector<4096x128xbf16>
    %select_n3A_87 = arith.select %eq3A_31, %convert_element_type3A_73, %broadcast_in_dim3A_86 : vector<4096x128xi1>, vector<4096x128xbf16>
    %dot_general3A_88 = arith.constant dense<0.000000e+00> : vector<4096x128xf32>
    %dot_general3A_89 = tpu.matmul %select_n3A_87, %convert_element_type3A_40, %dot_general3A_88 {dimension_numbers = #tpu.dot_dimension_numbers<[1], [0], [0], [1], [0, 0, 1, 1], [], []>, transpose_lhs_hint = false} : vector<4096x128xbf16>, vector<128x128xbf16>, vector<4096x128xf32> -> vector<4096x128xf32>
    %add3A_90 = arith.addf %add3A_84, %dot_general3A_89 : vector<4096x128xf32>
    %jit3A_91 = arith.constant 0.000000e+00 : bf16
    %broadcast_in_dim3A_92 = vector.broadcast %jit3A_91 : bf16 to vector<4096x128xbf16>
    %select_n3A_93 = arith.select %eq3A_34, %convert_element_type3A_73, %broadcast_in_dim3A_92 : vector<4096x128xi1>, vector<4096x128xbf16>
    %dot_general3A_94 = arith.constant dense<0.000000e+00> : vector<4096x128xf32>
    %dot_general3A_95 = tpu.matmul %select_n3A_93, %convert_element_type3A_43, %dot_general3A_94 {dimension_numbers = #tpu.dot_dimension_numbers<[1], [0], [0], [1], [0, 0, 1, 1], [], []>, transpose_lhs_hint = false} : vector<4096x128xbf16>, vector<128x128xbf16>, vector<4096x128xf32> -> vector<4096x128xf32>
    %add3A_96 = arith.addf %add3A_90, %dot_general3A_95 : vector<4096x128xf32>
    %broadcast_in_dim3A_97 = vector.shape_cast %get3A_8 : vector<128xf32> to vector<1x128xf32>
    %add3A_98 = vector.broadcast %broadcast_in_dim3A_97 : vector<1x128xf32> to vector<4096x128xf32>
    %add3A_99 = arith.addf %add3A_96, %add3A_98 : vector<4096x128xf32>
    %stack3A = vector.shape_cast %add3A_70 : vector<4096x128xf32> to vector<1x4096x128xf32>
    %stack3A_100 = vector.shape_cast %add3A_99 : vector<4096x128xf32> to vector<1x4096x128xf32>
    %stack3A_101 = tpu.concatenate %stack3A, %stack3A_100 in 0 : vector<1x4096x128xf32>, vector<1x4096x128xf32> -> vector<2x4096x128xf32>
    %swap3A = arith.constant 0 : index
    %swap3A_102 = arith.constant 0 : index
    %swap3A_103 = arith.constant 0 : index
    %swap3A_104 = vector.load %arg4[%swap3A, %swap3A_102, %swap3A_103] : memref<2x4096x128xf32, #tpu.memory_space<vmem>>, vector<2x4096x128xf32>
    tpu.vector_store %arg4[%swap3A, %swap3A_102, %swap3A_103], %stack3A_101 {strides = array<i32>} : memref<2x4096x128xf32, #tpu.memory_space<vmem>>, vector<2x4096x128xf32>,
    return
  }
  func.func @transform_0(%arg0: i32) -> (i32, i32, i32) {
    %c0_i32 = arith.constant 0 : i32
    %c0_i32_0 = arith.constant 0 : i32
    %c0_i32_1 = arith.constant 0 : i32
    return %c0_i32, %arg0, %c0_i32_0 : i32, i32, i32
  }
  func.func @transform_1(%arg0: i32) -> (i32, i32, i32) {
    %c0_i32 = arith.constant 0 : i32
    %c0_i32_0 = arith.constant 0 : i32
    %c0_i32_1 = arith.constant 0 : i32
    %c0_i32_2 = arith.constant 0 : i32
    return %c0_i32, %c0_i32_0, %c0_i32_1 : i32, i32, i32
  }
  func.func @transform_2(%arg0: i32) -> i32 {
    %c0_i32 = arith.constant 0 : i32
    %c0_i32_0 = arith.constant 0 : i32
    return %c0_i32 : i32
  }
  func.func @transform_3(%arg0: i32) -> (i32, i32, i32) {
    %c0_i32 = arith.constant 0 : i32
    %c0_i32_0 = arith.constant 0 : i32
    %c0_i32_1 = arith.constant 0 : i32
    return %c0_i32, %arg0, %c0_i32_0 : i32, i32, i32
  }
}

</mosaic_0001>

<sc_bundles>
// kernel: kernel.4.cloned.1.call-start
scs
__scs_entry_jumppad:
0x0: {  	(pc) =	sbr.rel $0x88, $3  }
0x1: {  	(tag) =	ssettag $0x0;
	lr =	simm.s32 $0x1  }
0x2: {  	[smem:$0x3F9C] =	sst lr;
	_ =	strace $0xD0000000  }
0x3: {  	_ = 	snop  }
0x4: {  	_ = 	snop  }
0x5: {  	_ = 	snop  }
0x6: {  	_ = 	snop  }
0x7: {  	_ = 	snop  }
__scs_overlays_trampoline_lowered:
0x8: {  	[smem:$0x3FAB] =	sst s0  }
0x9: {  	[smem:$0x3FAC] =	sst s1  }
0xa: {  	[smem:$0x3FAD] =	sst s2  }
0xb: {  	[smem:$0x3FAE] =	sst s3  }
0xc: {  	[smem:$0x3FAF] =	sst s4  }
0xd: {  	[smem:$0x3FB0] =	sst s5  }
0xe: {  	[smem:$0x3FB1] =	sst s6  }
0xf: {  	[smem:$0x3FB2] =	sst s7  }
0x10: {  	[smem:$0x3FB3] =	sst s8  }
0x11: {  	[smem:$0x3FB4] =	sst s9;
	s0 =	simm.s32 @!p0 $0x0  }
0x12: {  	s1 =	sld [smem:$0x3F9A];
	s0 =	simm.s32 @p0 $0x1  }
0x13: {  	[smem:$0x3FB5] =	sst s0;
	s0 =	simm.s32 @!p1 $0x0  }
0x14: {  	s2 =	sld [smem:$0x3F99];
	s0 =	simm.s32 @p1 $0x1  }
0x15: {  	[smem:$0x3FB6] =	sst s0;
	s0 =	simm.s32 @!p2 $0x0  }
0x16: {  	s3 =	sld [smem:$0x3FDB];
	s0 =	simm.s32 @p2 $0x1  }
0x17: {  	s4 =	simm.s32 $0x1BF5;
	[smem:$0x3FB8] =	sst s0  }
0x18: {  	s0 =	sld [smem:$0x3F9B];
	_ =	swait.ge [sflag:s4], $0x0  }
0x19: {  	s7 =	sld [smem:$0x3F9C]  }
0x1a: {  	s8 =	sadd.s32 $0xFFFFE003, lr  }
0x1b: {  	s9 =	sadd.s32 $0xFFFFFEF7, lr;
	s5 =	simm.s32 $0xFFFFFFFF;
	p2 =	slt.u32 s8, $0xFFFFF086  }
0x1c: {  	p1 =	slt.u32 s9, $0xF7A;
	s5 =	simm.s32 @!p2 $0x0  }
0x1d: {  	s5 =	simm.s32 @p1 $0x1;
	p0 =	seq.s32 s7, s2  }
0x1e: {  	s7 =	smul.u32 @!p0 $0xF7A, s2;
	p2 =	seq.s32 @!p0 s5, $0x0  }
0x1f: {  	s9 =	smul.u32 $0xF7A, s1;
	s8 =	simm.s32 @!p0 $0x1BF5;
	p2 =	por !p2, p0  }
0x20: {  	[sflag:s8] =	ssyncset.s32 @!p0 $0xFFFFF086;
	s6 =	sadd.s32 @!p0 s3, s7;
	s7 =	simm.s32 @!p0 $0x108  }
0x21: {  	s3 =	sadd.s32 s3, s9;
	s6 =	sadd.s32 @!p0 $0x88, s6;
	s7 =	simm.s32 @p2 $0x1082  }
0x22: {  	[simem:s7], [sflag:s8] =	dma.local @!p0 [hbm:s6], $0xF7A  }
0x23: {  	s9 =	sor.u32 $0xD0000000, s2;
	s6 =	simm.s32 $0x108;
	_ =	swait.ge @!p0 [sflag:s8], $0x0  }
0x24: {  	s3 =	sadd.s32 $0x88, s3;
	s6 =	simm.s32 @!p1 $0x1082;
	[sflag:s4] =	ssyncset.s32 $0xFFFFF086  }
0x25: {  	[simem:s6], [sflag:s4] =	dma.local [hbm:s3], $0xF7A  }
0x26: {  	[smem:$0x3F9C] =	sst s1;
	(tag) =	ssettag s2;
	_ =	strace s9  }
0x27: {  	s1 =	sld [smem:$0x3FAC]  }
0x28: {  	s2 =	sld [smem:$0x3FAD]  }
0x29: {  	s4 =	sld [smem:$0x3FAF]  }
0x2a: {  	p0 =	seq.s32 s5, $0x0;
	s5 =	sld [smem:$0x3FB0]  }
0x2b: {  	s6 =	sld [smem:$0x3FB1]  }
0x2c: {  	s7 =	sld [smem:$0x3FB2]  }
0x2d: {  	s3 =	simm.s32 $0x108;
	s8 =	sld [smem:$0x3FB3]  }
0x2e: {  	s3 =	simm.s32 @!p0 $0x1082;
	s9 =	sld [smem:$0x3FB4]  }
0x2f: {  	lr =	sadd.s32 s0, s3;
	s0 =	sld [smem:$0x3FAB]  }
0x30: {  	s3 =	sld [smem:$0x3FAE]  }
0x31: {  	[smem:$0x3FB7] =	sst s10  }
0x32: {  	s10 =	sld [smem:$0x3FB5];
	_ =	sdelay $0x3  }
0x33: {  	p0 =	seq.s32 s10, $0x1;
	s10 =	sld [smem:$0x3FB7];
	_ =	sdelay $0x3  }
0x34: {  	[smem:$0x3FB7] =	sst s10  }
0x35: {  	s10 =	sld [smem:$0x3FB6];
	_ =	sdelay $0x3  }
0x36: {  	p1 =	seq.s32 s10, $0x1;
	s10 =	sld [smem:$0x3FB7];
	_ =	sdelay $0x3  }
0x37: {  	[smem:$0x3FB7] =	sst s10  }
0x38: {  	s10 =	sld [smem:$0x3FB8]  }
0x39: {  	_ = 	snop;
	(pc) =	sbr.ind lr, $3  }
0x3a: {  	_ = 	snop  }
0x3b: {  	_ = 	snop  }
0x3c: {  	p2 =	seq.s32 s10, $0x1;
	s10 =	sld [smem:$0x3FB7]  }
0x3d: {  	_ =	shalt  }
0x3e: {  	_ =	shalt  }
0x3f: {  	_ =	shalt  }
0x40: {  	_ =	shalt  }
0x41: {  	_ =	shalt  }
0x42: {  	_ =	shalt  }
0x43: {  	_ =	shalt  }
0x44: {  	_ =	shalt  }
0x45: {  	_ =	shalt  }
0x46: {  	_ =	shalt  }
0x47: {  	_ =	shalt  }
0x48: {  	_ =	shalt  }
0x49: {  	_ =	shalt  }
0x4a: {  	_ =	shalt  }
0x4b: {  	_ =	shalt  }
0x4c: {  	_ =	shalt  }
0x4d: {  	_ =	shalt  }
0x4e: {  	_ =	shalt  }
0x4f: {  	_ =	shalt  }
0x50: {  	_ =	shalt  }
0x51: {  	_ =	shalt  }
0x52: {  	_ =	shalt  }
0x53: {  	_ =	shalt  }
0x54: {  	_ =	shalt  }
0x55: {  	_ =	shalt  }
0x56: {  	_ =	shalt  }
0x57: {  	_ =	shalt  }
0x58: {  	_ =	shalt  }
0x59: {  	_ =	shalt  }
0x5a: {  	_ =	shalt  }
0x5b: {  	_ =	shalt  }
0x5c: {  	_ =	shalt  }
0x5d: {  	_ =	shalt  }
0x5e: {  	_ =	shalt  }
0x5f: {  	_ =	shalt  }
0x60: {  	_ =	shalt  }
0x61: {  	_ =	shalt  }
0x62: {  	_ =	shalt  }
0x63: {  	_ =	shalt  }
0x64: {  	_ =	shalt  }
0x65: {  	_ =	shalt  }
0x66: {  	_ =	shalt  }
0x67: {  	_ =	shalt  }
0x68: {  	_ =	shalt  }
0x69: {  	_ =	shalt  }
0x6a: {  	_ =	shalt  }
0x6b: {  	_ =	shalt  }
0x6c: {  	_ =	shalt  }
0x6d: {  	_ =	shalt  }
0x6e: {  	_ =	shalt  }
0x6f: {  	_ =	shalt  }
0x70: {  	_ =	shalt  }
0x71: {  	_ =	shalt  }
0x72: {  	_ =	shalt  }
0x73: {  	_ =	shalt  }
0x74: {  	_ =	shalt  }
0x75: {  	_ =	shalt  }
0x76: {  	_ =	shalt  }
0x77: {  	_ =	shalt  }
0x78: {  	_ =	shalt  }
0x79: {  	_ =	shalt  }
0x7a: {  	_ =	shalt  }
0x7b: {  	_ =	shalt  }
0x7c: {  	_ =	shalt  }
0x7d: {  	_ =	shalt  }
0x7e: {  	_ =	shalt  }
0x7f: {  	_ =	shalt  }
0x80: {  	_ =	shalt  }
0x81: {  	_ =	shalt  }
0x82: {  	_ =	shalt  }
0x83: {  	_ =	shalt  }
0x84: {  	_ =	shalt  }
0x85: {  	_ =	shalt  }
0x86: {  	_ =	shalt  }
0x87: {  	_ =	shalt  }
.Lfunc_end0:
.L_simem_size_0:
called_computation_lowered:
.L_overlay_start_0:
0x88: {  	s2 =	sld [smem:$0x3FD9]  }
0x89: {  	s3 =	sld [smem:$0x3FFE];
	_ =	sdelay $0x1  }
0x8a: {  	s1 =	srdreg.scid  }
0x8b: {  	s0 =	sand.u32 $0x1, s1  }
0x8c: {  	s17 =	sshll.u32 s0, $0xA;
	s2 =	sadd.s32 s3, s2  }
0x8d: {  	s2 =	sadd.s32 s2, s17  }
0x8e: {  	[smem:$0x3FC3] =	sst s2  }
0x8f: {  	_ = 	snop  }
0x90: {  	s2 =	sld [smem:$0x3FC9]  }
0x91: {  	s18 =	sld [smem:$0x3FC5]  }
0x92: {  	s4 =	sld [smem:$0x3FD0];
	(tm) =	ssettm $0x1  }
0x93: {  	s5 =	sld [smem:$0x3FFB];
	_ =	sdelay $0x3  }
0x94: {  	_ =	strace s5  }
0x95: {  	s5 =	sld [smem:$0x3FFC];
	_ =	sdelay $0x3  }
0x96: {  	_ =	strace s5  }
0x97: {  	s5 =	sld [smem:$0x3FFD];
	_ =	sdelay $0x3  }
0x98: {  	_ =	strace s5  }
0x99: {  	_ =	strace $0x8FFFFFFF  }
0x9a: {  	s19 =	sld [smem:$0x3FDB];
	_ =	sdelay $0x1  }
0x9b: {  	s6 =	simm.s32 $_scs_section_size  }
0x9c: {  	s7 =	simm.s32 $_size__tile_overlayer_lowered;
	s8 =	simm.s32 $_tile_overlayer_lowered  }
0x9d: {  	s22 =	simm.s32 $0x1BFF;
	s21 =	sshll.u32 s8, $0x1;
	s5 =	sadd.s32 s6, s19  }
0x9e: {  	s9 =	simm.s32 $0x0;
	s20 =	sshll.u32 s7, $0x1;
	s7 =	sadd.s32 s21, s5  }
0x9f: {  	[timem:s9], [sflag:s22] =	dma.local [hbm:s7], s20  }
0xa0: {  	_ =	swait.ge [sflag:s22], s20  }
0xa1: {  	s6 =	ssub.s32 $0x0, s20;
	[sflag:s22] =	ssyncset.done $0x0  }
0xa2: {  	[sflag:s22] =	ssyncadd.s32 s6;
	_ =	sdelay $0x1  }
0xa3: {  	s23 =	simm.s32 $0x1B8B  }
0xa4: {  	_ =	swait.ge [sflag:s23], $0x1  }
0xa5: {  	[sflag:s23] =	ssyncset.done $0x0  }
0xa6: {  	s25 =	simm.s32 $0x1B8E;
	s24 =	sld [smem:$0x3FFE];
	[sflag:s23] =	ssyncadd.s32 $0xFFFFFFFF  }
0xa7: {  	s26 =	simm.s32 $execute0_lowered;
	[smem:$0x3FD2] =	sst s25  }
0xa8: {  	s7 =	sshll.u32 s26, $0x1;
	_ =	strace $0x80000046;
	[dreg:$0x1] =	wrdreg $0xFFFFFFFF  }
0xa9: {  	s28 =	simm.s32 $_size_execute0_lowered;
	s5 =	sadd.s32 s5, s7;
	[dreg:$0x0] =	wrdreg $0x0  }
0xaa: {  	s7 =	sshll.u32 s28, $0x1;
	[dreg:$0x2] =	wrdreg s5  }
0xab: {  	[dreg:$0x3] =	wrdreg s7  }
0xac: {  	[dreg:$0x4] =	wrdreg $0xC0  }
0xad: {  	_ =	task [dreg:s9], $0x5FFFF  }
0xae: {  	[dreg:$0x1] =	wrdreg $0xFFFFFFFF  }
0xaf: {  	[dreg:$0x0] =	wrdreg $0x60  }
0xb0: {  	[dreg:$0x2] =	wrdreg s2  }
0xb1: {  	[dreg:$0x3] =	wrdreg s4  }
0xb2: {  	[dreg:$0x4] =	wrdreg s18  }
0xb3: {  	[dreg:$0x5] =	wrdreg s24  }
0xb4: {  	[dreg:$0x6] =	wrdreg $0x9  }
0xb5: {  	_ =	task.clear_ibuf [dreg:s9], $0x7FFFF;
	_ =	strace $0x90000046  }
0xb6: {  	s29 =	simm.s32 $0x9;
	_ =	strace $0x80000048  }
0xb7: {  	_ =	swait.ge [sflag:s29], $0x1  }
0xb8: {  	[sflag:s29] =	ssyncadd.s32 $0xFFFFFFFF  }
0xb9: {  	_ =	strace $0x90000048  }
0xba: {  	_ =	sfence  }
0xbb: {  	s30 =	sld [smem:$0x0];
	_ =	sdelay $0x2  }
0xbc: {  	s31 =	sshll.u32 s1, $0xD;
	s1 =	sshrl.u32 s1, $0x2  }
0xbd: {  	s3 =	sand.u32 $0x4000, s31;
	s1 =	sadd.s32 s1, s30  }
0xbe: {  	s0 =	sor.u32 s3, s0;
	s1 =	sshll.u32 s1, $0x11  }
0xbf: {  	s0 =	sor.u32 s1, s0  }
0xc0: {  	s0 =	sadd.s32 $0x8F2B, s0  }
0xc1: {  	[sflag:s0] =	ssyncadd.remote.s32 $0x1  }
0xc2: {  	_ =	sfence.sel $0xFFFF  }
0xc3: {  	[dreg:$0x0] =	wrdreg $0xFFFFFFFF;
	(pc) =	sbr.abs _section_cstart, $3  }
0xc4: {  	[dreg:$0x1] =	wrdreg $0xFFFFFFFF  }
0xc5: {  	_ =	task.clear_ibuf [dreg:s9], $0x2FFFF;
	_ =	strace $0x9FFFFFFF  }
0xc6: {  	(tm) =	ssettm $0x7FFFFFFF  }
0xc7: {  	_ =	shalt  }
tec
execute0_lowered:
.L_overlay_start_1:
0x0: {  	(tag) =	ssettag $0x1  }
0x1: {  	s1 =	rddreg [dreg:$0x0]  }
0x2: {  	s2 =	rddreg [dreg:$0x1]  }
0x3: {  	s4 =	rddreg [dreg:$0x2]  }
0x4: {  	s0 =	srdreg.scid;
	s5 =	stileid.u32  }
0x5: {  	s3 =	rddreg [dreg:$0x3];
	s16 =	simm.s32 $0x80;
	s17 =	simm.s32 $0x100  }
0x6: {  	s18 =	simm.s32 $0x180;
	s19 =	simm.s32 $0x1;
	s20 =	simm.s32 $0x28  }
0x7: {  	s30 =	simm.s32 $0x8000;
	s31 =	simm.s32 $0x490;
	s9 =	simm.s32 $0x200  }
0x8: {  	s10 =	simm.s32 $0x280;
	s11 =	simm.s32 $0x300;
	s15 =	simm.s32 $0x380  }
0x9: {  	s23 =	simm.s32 $0x0;
	s0 =	sand.u32 $0x1, s0;
	s6 =	sshll.u32 s5, $0x1  }
0xa: {  	s5 =	simm.s32 $0x0;
	s7 =	sor.u32 s0, s6;
	s0 =	ssub.s32 $0x2, s0  }
0xb: {  	s12 =	sadd.s32 $0xC3500, s1;
	s8 =	smul.u32 $0x640, s7;
	s26 =	sshrl.u32 s0, $0x1  }
0xc: {  	[smem:$0x7FF] =	sst s5;
	s6 =	sadd.s32 $0x800, s3;
	s0 =	ssub.s32 s0, s26  }
0xd: {  	s7 =	smul.u32 $0x28, s7;
	s8 =	sshrl.u32 s8, $0x3;
	s0 =	smax.u32 s0, $0x1  }
0xe: {  	_ =	strace $0x80000047;
	s28 =	sadd.s32 s2, s8;
	[dreg:$0x9] =	wrdreg s0  }
0xf: {  	s13 =	sor.u32 $0x1, s7;
	s8 =	sadd.s32 $0x186A, s28;
	[dreg:$0x5] =	wrdreg s28  }
0x10: {  	s14 =	sor.u32 $0x2, s7;
	s29 =	sadd.s32 $0x30D4, s28;
	[dreg:$0x6] =	wrdreg s8  }
0x11: {  	s0 =	simm.s32 $0x9400;
	s3 =	sadd.s32 $0x493E, s28;
	[dreg:$0x7] =	wrdreg s29  }
0x12: {  	[dreg:$0x8] =	wrdreg s3;
	s3 =	simm.s32 $0x4400;
	s8 =	simm.s32 $0x2  }
.LBB2_1:
0x13: {  	[dreg:$0xa] =	wrdreg s23  }
0x14: {  	s21 =	rddreg [dreg:$0x5]  }
0x15: {  	[tilespmem:s5], [sflag:$0x1] =	stream.linear.gather [hbm4b:s21+s5], $0x28, $0x38;
	[tilespmem:$0x19800] =	vst v63  }
0x16: {  	s25 =	rddreg [dreg:$0x6]  }
0x17: {  	[tilespmem:s16], [sflag:$0x1] =	stream.linear.gather [hbm4b:s25+s5], $0x28, $0x38;
	[tilespmem:$0x19800] =	vst v63  }
0x18: {  	s26 =	rddreg [dreg:$0x7]  }
0x19: {  	[tilespmem:s17], [sflag:$0x1] =	stream.linear.gather [hbm4b:s26+s5], $0x28, $0x38;
	[tilespmem:$0x19800] =	vst v63  }
0x1a: {  	s28 =	rddreg [dreg:$0x8]  }
0x1b: {  	[tilespmem:s18], [sflag:$0x1] =	stream.linear.gather [hbm4b:s28+s5], $0x28, $0x38;
	[tilespmem:$0x19800] =	vst v63  }
0x1c: {  	_ =	swait.ge [sflag:s19], $0x28  }
0x1d: {  	[sflag:s19] =	ssyncset.done $0x0  }
0x1e: {  	[sflag:s19] =	ssyncadd.s32 $0xFFFFFFD8  }
0x1f: {  	_ =	swait.ge [sflag:s19], $0x28  }
0x20: {  	[sflag:s19] =	ssyncset.done $0x0  }
0x21: {  	[sflag:s19] =	ssyncadd.s32 $0xFFFFFFD8  }
0x22: {  	_ =	swait.ge [sflag:s19], $0x28  }
0x23: {  	[sflag:s19] =	ssyncset.done $0x0  }
0x24: {  	[sflag:s19] =	ssyncadd.s32 $0xFFFFFFD8  }
0x25: {  	_ =	swait.ge [sflag:s19], $0x28  }
0x26: {  	[sflag:s19] =	ssyncset.done $0x0  }
0x27: {  	s29 =	simm.s32 $0x400;
	[sflag:s19] =	ssyncadd.s32 $0xFFFFFFD8  }
0x28: {  	[tilespmem:s29], [sflag:$0x1] =	stream.indirect.gather [hbm4b:s4+s20], $0x1, s5, s20, $0xb8;
	[tilespmem:$0x19800] =	vst v63  }
0x29: {  	s22 =	simm.s32 $0x800  }
0x2a: {  	[tilespmem:s22], [sflag:$0x1] =	stream.indirect.gather [hbm4b:s1+s20], $0x80, s5, s20, $0xb8;
	[tilespmem:$0x19800] =	vst v63  }
0x2b: {  	s23 =	simm.s32 $0x5800  }
0x2c: {  	[tilespmem:s23], [sflag:$0x1] =	stream.indirect.gather [hbm4b:s12+s20], $0x80, s5, s20, $0xb8;
	[tilespmem:$0x19800] =	vst v63  }
0x2d: {  	s24 =	simm.s32 $0x430  }
0x2e: {  	[tilespmem:s24], [sflag:$0x1] =	stream.indirect.gather [hbm4b:s4+s20], $0x1, s16, s20, $0xb8;
	[tilespmem:$0x19800] =	vst v63  }
0x2f: {  	s25 =	simm.s32 $0x1C00  }
0x30: {  	[tilespmem:s25], [sflag:$0x1] =	stream.indirect.gather [hbm4b:s1+s20], $0x80, s16, s20, $0xb8;
	[tilespmem:$0x19800] =	vst v63  }
0x31: {  	s26 =	simm.s32 $0x6C00  }
0x32: {  	[tilespmem:s26], [sflag:$0x1] =	stream.indirect.gather [hbm4b:s12+s20], $0x80, s16, s20, $0xb8;
	[tilespmem:$0x19800] =	vst v63  }
0x33: {  	s28 =	simm.s32 $0x460  }
0x34: {  	[tilespmem:s28], [sflag:$0x1] =	stream.indirect.gather [hbm4b:s4+s20], $0x1, s17, s20, $0xb8;
	[tilespmem:$0x19800] =	vst v63  }
0x35: {  	s29 =	simm.s32 $0x3000  }
0x36: {  	[tilespmem:s29], [sflag:$0x1] =	stream.indirect.gather [hbm4b:s1+s20], $0x80, s17, s20, $0xb8;
	[tilespmem:$0x19800] =	vst v63  }
0x37: {  	_ = 	snop  }
0x38: {  	[tilespmem:s30], [sflag:$0x1] =	stream.indirect.gather [hbm4b:s12+s20], $0x80, s17, s20, $0xb8;
	[tilespmem:$0x19800] =	vst v63  }
0x39: {  	_ = 	snop  }
0x3a: {  	[tilespmem:s31], [sflag:$0x1] =	stream.indirect.gather [hbm4b:s4+s20], $0x1, s18, s20, $0xb8;
	[tilespmem:$0x19800] =	vst v63  }
0x3b: {  	_ = 	snop  }
0x3c: {  	[tilespmem:s3], [sflag:$0x1] =	stream.indirect.gather [hbm4b:s1+s20], $0x80, s18, s20, $0xb8;
	[tilespmem:$0x19800] =	vst v63  }
0x3d: {  	s21 =	simm.s32 $0x0  }
0x3e: {  	[tilespmem:s0], [sflag:$0x1] =	stream.indirect.gather [hbm4b:s12+s20], $0x80, s18, s20, $0xb8;
	[tilespmem:$0x19800] =	vst v63  }
.LBB2_2:
0x3f: {  	s24 =	sshll.u32 s21, $0x1  }
0x40: {  	s22 =	sadd.s32 s24, s13  }
0x41: {  	s22 =	smin.u32 s22, $0x4E1  }
0x42: {  	s23 =	smul.u32 $0x28, s22;
	_ =	sdelay $0x1  }
0x43: {  	s23 =	sshrl.u32 s23, $0x3  }
0x44: {  	s23 =	sadd.s32 s2, s23  }
0x45: {  	[tilespmem:s9], [sflag:$0x2] =	stream.linear.gather [hbm4b:s23+s5], $0x28, $0x38;
	[tilespmem:$0x19800] =	vst v63  }
0x46: {  	s25 =	sadd.s32 $0x186A, s23  }
0x47: {  	[tilespmem:s10], [sflag:$0x2] =	stream.linear.gather [hbm4b:s25+s5], $0x28, $0x38;
	[tilespmem:$0x19800] =	vst v63  }
0x48: {  	s26 =	sadd.s32 $0x30D4, s23  }
0x49: {  	[tilespmem:s11], [sflag:$0x2] =	stream.linear.gather [hbm4b:s26+s5], $0x28, $0x38;
	[tilespmem:$0x19800] =	vst v63  }
0x4a: {  	s23 =	sadd.s32 $0x493E, s23  }
0x4b: {  	[tilespmem:s15], [sflag:$0x2] =	stream.linear.gather [hbm4b:s23+s5], $0x28, $0x38;
	[tilespmem:$0x19800] =	vst v63  }
0x4c: {  	_ =	swait.ge [sflag:s8], $0x28  }
0x4d: {  	[sflag:s8] =	ssyncset.done $0x0  }
0x4e: {  	[sflag:s8] =	ssyncadd.s32 $0xFFFFFFD8  }
0x4f: {  	_ =	swait.ge [sflag:s8], $0x28  }
0x50: {  	[sflag:s8] =	ssyncset.done $0x0  }
0x51: {  	[sflag:s8] =	ssyncadd.s32 $0xFFFFFFD8  }
0x52: {  	_ =	swait.ge [sflag:s8], $0x28  }
0x53: {  	[sflag:s8] =	ssyncset.done $0x0  }
0x54: {  	[sflag:s8] =	ssyncadd.s32 $0xFFFFFFD8  }
0x55: {  	_ =	swait.ge [sflag:s8], $0x28  }
0x56: {  	[sflag:s8] =	ssyncset.done $0x0  }
0x57: {  	s29 =	simm.s32 $0x500;
	[sflag:s8] =	ssyncadd.s32 $0xFFFFFFD8  }
0x58: {  	[tilespmem:s29], [sflag:$0x2] =	stream.indirect.gather [hbm4b:s4+s20], $0x1, s9, s20, $0xb8;
	[tilespmem:$0x19800] =	vst v63  }
0x59: {  	s25 =	simm.s32 $0xA800  }
0x5a: {  	[tilespmem:s25], [sflag:$0x2] =	stream.indirect.gather [hbm4b:s1+s20], $0x80, s9, s20, $0xb8;
	[tilespmem:$0x19800] =	vst v63  }
0x5b: {  	s26 =	simm.s32 $0xF800  }
0x5c: {  	[tilespmem:s26], [sflag:$0x2] =	stream.indirect.gather [hbm4b:s12+s20], $0x80, s9, s20, $0xb8;
	[tilespmem:$0x19800] =	vst v63  }
0x5d: {  	s29 =	simm.s32 $0x530  }
0x5e: {  	[tilespmem:s29], [sflag:$0x2] =	stream.indirect.gather [hbm4b:s4+s20], $0x1, s10, s20, $0xb8;
	[tilespmem:$0x19800] =	vst v63  }
0x5f: {  	s25 =	simm.s32 $0xBC00  }
0x60: {  	[tilespmem:s25], [sflag:$0x2] =	stream.indirect.gather [hbm4b:s1+s20], $0x80, s10, s20, $0xb8;
	[tilespmem:$0x19800] =	vst v63  }
0x61: {  	s26 =	simm.s32 $0x10C00  }
0x62: {  	[tilespmem:s26], [sflag:$0x2] =	stream.indirect.gather [hbm4b:s12+s20], $0x80, s10, s20, $0xb8;
	[tilespmem:$0x19800] =	vst v63  }
0x63: {  	s29 =	simm.s32 $0x560  }
0x64: {  	[tilespmem:s29], [sflag:$0x2] =	stream.indirect.gather [hbm4b:s4+s20], $0x1, s11, s20, $0xb8;
	[tilespmem:$0x19800] =	vst v63  }
0x65: {  	s25 =	simm.s32 $0xD000  }
0x66: {  	[tilespmem:s25], [sflag:$0x2] =	stream.indirect.gather [hbm4b:s1+s20], $0x80, s11, s20, $0xb8;
	[tilespmem:$0x19800] =	vst v63  }
0x67: {  	s26 =	simm.s32 $0x12000  }
0x68: {  	[tilespmem:s26], [sflag:$0x2] =	stream.indirect.gather [hbm4b:s12+s20], $0x80, s11, s20, $0xb8;
	[tilespmem:$0x19800] =	vst v63  }
0x69: {  	s29 =	simm.s32 $0x590  }
0x6a: {  	[tilespmem:s29], [sflag:$0x2] =	stream.indirect.gather [hbm4b:s4+s20], $0x1, s15, s20, $0xb8;
	[tilespmem:$0x19800] =	vst v63  }
0x6b: {  	s25 =	simm.s32 $0xE400  }
0x6c: {  	[tilespmem:s25], [sflag:$0x2] =	stream.indirect.gather [hbm4b:s1+s20], $0x80, s15, s20, $0xb8;
	[tilespmem:$0x19800] =	vst v63  }
0x6d: {  	s26 =	simm.s32 $0x13400  }
0x6e: {  	[tilespmem:s26], [sflag:$0x2] =	stream.indirect.gather [hbm4b:s12+s20], $0x80, s15, s20, $0xb8;
	[tilespmem:$0x19800] =	vst v63  }
0x6f: {  	_ =	swait.ge [sflag:s19], $0x28  }
0x70: {  	[sflag:s19] =	ssyncset.done $0x0  }
0x71: {  	[sflag:s19] =	ssyncadd.s32 $0xFFFFFFD8  }
0x72: {  	_ =	swait.ge [sflag:s19], $0x1400  }
0x73: {  	[sflag:s19] =	ssyncset.done $0x0  }
0x74: {  	[sflag:s19] =	ssyncadd.s32 $0xFFFFEC00  }
0x75: {  	_ =	swait.ge [sflag:s19], $0x1400  }
0x76: {  	[sflag:s19] =	ssyncset.done $0x0  }
0x77: {  	[sflag:s19] =	ssyncadd.s32 $0xFFFFEC00  }
0x78: {  	_ =	swait.ge [sflag:s19], $0x28  }
0x79: {  	[sflag:s19] =	ssyncset.done $0x0  }
0x7a: {  	[sflag:s19] =	ssyncadd.s32 $0xFFFFFFD8  }
0x7b: {  	_ =	swait.ge [sflag:s19], $0x1400  }
0x7c: {  	[sflag:s19] =	ssyncset.done $0x0  }
0x7d: {  	[sflag:s19] =	ssyncadd.s32 $0xFFFFEC00  }
0x7e: {  	_ =	swait.ge [sflag:s19], $0x1400  }
0x7f: {  	[sflag:s19] =	ssyncset.done $0x0  }
0x80: {  	[sflag:s19] =	ssyncadd.s32 $0xFFFFEC00  }
0x81: {  	_ =	swait.ge [sflag:s19], $0x28  }
0x82: {  	[sflag:s19] =	ssyncset.done $0x0  }
0x83: {  	[sflag:s19] =	ssyncadd.s32 $0xFFFFFFD8  }
0x84: {  	_ =	swait.ge [sflag:s19], $0x1400  }
0x85: {  	[sflag:s19] =	ssyncset.done $0x0  }
0x86: {  	[sflag:s19] =	ssyncadd.s32 $0xFFFFEC00  }
0x87: {  	_ =	swait.ge [sflag:s19], $0x1400  }
0x88: {  	[sflag:s19] =	ssyncset.done $0x0  }
0x89: {  	[sflag:s19] =	ssyncadd.s32 $0xFFFFEC00  }
0x8a: {  	_ =	swait.ge [sflag:s19], $0x28  }
0x8b: {  	[sflag:s19] =	ssyncset.done $0x0  }
0x8c: {  	[sflag:s19] =	ssyncadd.s32 $0xFFFFFFD8  }
0x8d: {  	_ =	swait.ge [sflag:s19], $0x1400  }
0x8e: {  	[sflag:s19] =	ssyncset.done $0x0  }
0x8f: {  	[sflag:s19] =	ssyncadd.s32 $0xFFFFEC00  }
0x90: {  	_ =	swait.ge [sflag:s19], $0x1400  }
0x91: {  	p0 =	seq.s32 s21, $0x0;
	[sflag:s19] =	ssyncset.done $0x0  }
0x92: {  	s23 =	simm.s32 @!p0 $0x3;
	[sflag:s19] =	ssyncadd.s32 $0xFFFFEC00  }
0x93: {  	_ =	swait.ge @!p0 [sflag:s23], $0x1400  }
0x94: {  	[sflag:s23] =	ssyncset.done @!p0 $0x0  }
0x95: {  	[sflag:s23] =	ssyncadd.s32 @!p0 $0xFFFFEC00  }
0x96: {  	_ =	swait.ge @!p0 [sflag:s23], $0x1400  }
0x97: {  	[sflag:s23] =	ssyncset.done @!p0 $0x0  }
0x98: {  	[sflag:s23] =	ssyncadd.s32 @!p0 $0xFFFFEC00  }
0x99: {  	v0 =	vld [tilespmem:$0x400]  }
0x9a: {  	v1 =	vld [tilespmem:$0x430]  }
0x9b: {  	v2 =	vld [tilespmem:$0x460]  }
0x9c: {  	v3 =	vld [tilespmem:$0x490];
	_ =	sdelay $0x4  }
0x9d: {  	v4 =	vmax.f32 v0, v1;
	v5 =	vmax.f32 v2, v3  }
0x9e: {  	v4 =	vmax.f32 v4, v5  }
0x9f: {  	v0 =	vsub.f32 v0, v4  }
0xa0: {  	v1 =	vsub.f32 v1, v4  }
0xa1: {  	v0 =	vmul.f32 $1.442695020e+00, v0  }
0xa2: {  	v2 =	vsub.f32 v2, v4;
	v1 =	vmul.f32 $1.442695020e+00, v1  }
0xa3: {  	(erf) = vpow2.f32 v0  }
0xa4: {  	v0 =	vmul.f32 $1.442695020e+00, v2;
	(erf) = vpow2.f32 v1;
	v1 =	vsub.f32 v3, v4;
	_ =	sdelay $0x1  }
0xa5: {  	(erf) = vpow2.f32 v0;
	v0 =	vmul.f32 $1.442695020e+00, v1  }
0xa6: {  	v2 =	vld [tilespmem:$0x470]  }
0xa7: {  	v3 =	vld [tilespmem:$0x4A0];
	(erf) = vpow2.f32 v0  }
0xa8: {  	v1 =	vld [tilespmem:$0x410]  }
0xa9: {  	v0 =	vld [tilespmem:$0x440];
	_ =	sdelay $0x1  }
0xaa: {  	v4 =	vpop (erf)  }
0xab: {  	v5 =	vpop (erf)  }
0xac: {  	v9 =	vmax.f32 v2, v3;
	v6 =	vadd.f32 v5, v4  }
0xad: {  	v8 =	vmax.f32 v1, v0;
	v7 =	vpop (erf)  }
0xae: {  	v8 =	vmax.f32 v8, v9;
	v6 =	vadd.f32 v6, v7  }
0xaf: {  	v1 =	vsub.f32 v1, v8;
	v9 =	vpop (erf)  }
0xb0: {  	v0 =	vsub.f32 v0, v8;
	v6 =	vadd.f32 v6, v9  }
0xb1: {  	v1 =	vmul.f32 $1.442695020e+00, v1  }
0xb2: {  	v2 =	vsub.f32 v2, v8;
	v0 =	vmul.f32 $1.442695020e+00, v0;
	(erf) = vrcp.f32 v6  }
0xb3: {  	(erf) = vpow2.f32 v1  }
0xb4: {  	v1 =	vsub.f32 v3, v8;
	(erf) = vpow2.f32 v0;
	v0 =	vmul.f32 $1.442695020e+00, v2;
	_ =	sdelay $0x1  }
0xb5: {  	(erf) = vpow2.f32 v0;
	v0 =	vmul.f32 $1.442695020e+00, v1  }
0xb6: {  	v3 =	vld [tilespmem:$0x4B0]  }
0xb7: {  	v2 =	vld [tilespmem:$0x480];
	(erf) = vpow2.f32 v0  }
0xb8: {  	v1 =	vld [tilespmem:$0x420]  }
0xb9: {  	v0 =	vld [tilespmem:$0x450]  }
0xba: {  	v6 =	vpop (erf)  }
0xbb: {  	v8 =	vpop (erf)  }
0xbc: {  	v10 =	vpop (erf)  }
0xbd: {  	v14 =	vmax.f32 v2, v3;
	v11 =	vadd.f32 v10, v8  }
0xbe: {  	v13 =	vmax.f32 v1, v0;
	v12 =	vpop (erf)  }
0xbf: {  	v13 =	vmax.f32 v13, v14;
	v11 =	vadd.f32 v11, v12  }
0xc0: {  	v1 =	vsub.f32 v1, v13;
	v14 =	vpop (erf)  }
0xc1: {  	v0 =	vsub.f32 v0, v13;
	v11 =	vadd.f32 v11, v14  }
0xc2: {  	v1 =	vmul.f32 $1.442695020e+00, v1  }
0xc3: {  	v2 =	vsub.f32 v2, v13;
	v0 =	vmul.f32 $1.442695020e+00, v0;
	(erf) = vrcp.f32 v11  }
0xc4: {  	(erf) = vpow2.f32 v1  }
0xc5: {  	v1 =	vsub.f32 v3, v13;
	(erf) = vpow2.f32 v0;
	v0 =	vmul.f32 $1.442695020e+00, v2;
	_ =	sdelay $0x1  }
0xc6: {  	(erf) = vpow2.f32 v0;
	v0 =	vmul.f32 $1.442695020e+00, v1;
	_ =	sdelay $0x1  }
0xc7: {  	(erf) = vpow2.f32 v0;
	_ =	sdelay $0x2  }
0xc8: {  	v0 =	vpop (erf)  }
0xc9: {  	v1 =	vpop (erf)  }
0xca: {  	v2 =	vpop (erf)  }
0xcb: {  	v3 =	vadd.f32 v2, v1  }
0xcc: {  	v11 =	vpop (erf)  }
0xcd: {  	v3 =	vadd.f32 v3, v11  }
0xce: {  	v13 =	vpop (erf)  }
0xcf: {  	v3 =	vadd.f32 v3, v13;
	_ =	sdelay $0x1  }
0xd0: {  	(erf) = vrcp.f32 v3  }
0xd1: {  	v3 =	vmul.f32 v6, v4;
	v4 =	vmul.f32 v6, v5;
	_ =	sdelay $0x1  }
0xd2: {  	[tilespmem:$0x630] =	vst v4;
	v4 =	vmul.f32 v6, v9  }
0xd3: {  	[tilespmem:$0x600] =	vst v3;
	v3 =	vmul.f32 v6, v7  }
0xd4: {  	[tilespmem:$0x690] =	vst v4;
	v4 =	vmul.f32 v0, v10  }
0xd5: {  	[tilespmem:$0x660] =	vst v3;
	v3 =	vmul.f32 v0, v8;
	_ =	sdelay $0x1  }
0xd6: {  	[tilespmem:$0x610] =	vst v3;
	v3 =	vmul.f32 v0, v12  }
0xd7: {  	[tilespmem:$0x640] =	vst v4;
	v0 =	vmul.f32 v0, v14;
	v4 =	vpop (erf)  }
0xd8: {  	[tilespmem:$0x670] =	vst v3;
	v1 =	vmul.f32 v4, v1  }
0xd9: {  	[tilespmem:$0x6A0] =	vst v0;
	v0 =	vmul.f32 v4, v2  }
0xda: {  	[tilespmem:$0x620] =	vst v1;
	v1 =	vmul.f32 v4, v11  }
0xdb: {  	[tilespmem:$0x650] =	vst v0;
	v0 =	vmul.f32 v4, v13  }
0xdc: {  	[tilespmem:$0x680] =	vst v1  }
0xdd: {  	s23 =	simm.s32 $0x0;
	[tilespmem:$0x6B0] =	vst v0  }
0xde: {  	v17 =	vld [tilespmem:s23+$0x800]  }
0xdf: {  	v22 =	vld [tilespmem:s23+$0x1C00]  }
0xe0: {  	v8 =	vld [tilespmem:s23+$0x810]  }
0xe1: {  	v27 =	vld [tilespmem:s23+$0x1C10]  }
0xe2: {  	v28 =	vld [tilespmem:s23+$0x820]  }
0xe3: {  	v50 =	vld [tilespmem:s23+$0x1C20]  }
0xe4: {  	v31 =	vld [tilespmem:s23+$0x830]  }
0xe5: {  	v13 =	vld [tilespmem:s23+$0x1C30]  }
0xe6: {  	v18 =	vld [tilespmem:s23+$0x840]  }
0xe7: {  	v0 =	vld [tilespmem:s23+$0x4450]  }
0xe8: {  	v9 =	vld [tilespmem:s23+$0x8070]  }
0xe9: {  	v1 =	vld [tilespmem:s23+$0x9430]  }
0xea: {  	v2 =	vld [tilespmem:s23+$0x6C50]  }
0xeb: {  	v4 =	vld [tilespmem:s23+$0x3000]  }
0xec: {  	v6 =	vld [tilespmem:s23+$0x4470]  }
0xed: {  	v10 =	vld [tilespmem:s23+$0x4460]  }
0xee: {  	v12 =	vld [tilespmem:s23+$0x1C70]  }
0xef: {  	v15 =	vld [tilespmem:s23+$0x4410]  }
0xf0: {  	v16 =	vld [tilespmem:s23+$0x9420]  }
0xf1: {  	v20 =	vld [tilespmem:s23+$0x6C00]  }
0xf2: {  	v23 =	vld [tilespmem:s23+$0x5810]  }
0xf3: {  	v24 =	vld [tilespmem:s23+$0x3010]  }
0xf4: {  	v14 =	vld [tilespmem:s23+$0x9460]  }
0xf5: {  	v26 =	vld [tilespmem:s23+$0x6C30]  }
0xf6: {  	v29 =	vld [tilespmem:s23+$0x4440]  }
0xf7: {  	v19 =	vld [tilespmem:s23+$0x9400]  }
0xf8: {  	v32 =	vld [tilespmem:s23+$0x3070]  }
0xf9: {  	v36 =	vld [tilespmem:s23+$0x6C20]  }
0xfa: {  	v39 =	vld [tilespmem:s23+$0x1C60]  }
0xfb: {  	v43 =	vld [tilespmem:s23+$0x8020]  }
0xfc: {  	v44 =	vld [tilespmem:s23+$0x3050]  }
0xfd: {  	v45 =	vld [tilespmem:s23+$0x6C70]  }
0xfe: {  	v33 =	vld [tilespmem:s23+$0x8030]  }
0xff: {  	v54 =	vld [tilespmem:s23+$0x5840]  }
0x100: {  	v37 =	vld [tilespmem:s23+$0x8040]  }
0x101: {  	v3 =	vld [tilespmem:s23+$0x4420]  }
0x102: {  	v47 =	vld [tilespmem:s23+$0x8060]  }
0x103: {  	v38 =	vld [tilespmem:s23+$0x5830]  }
0x104: {  	v7 =	vld [tilespmem:s23+$0x3020]  }
0x105: {  	v40 =	vld [tilespmem:s23+$0x5860]  }
0x106: {  	v42 =	vld [tilespmem:s23+$0x8010]  }
0x107: {  	s26 =	simm.s32 $0x660;
	v30 =	vld [tilespmem:s23+$0x6C40]  }
0x108: {  	v25 =	vld.msk [tilespmem:s26+$0xFFFFFFD0 ss:$0x0], $0xffff  }
0x109: {  	v21 =	vld.msk [tilespmem:s26+$0xFFFFFFA0 ss:$0x0], $0xffff  }
0x10a: {  	v34 =	vld [tilespmem:s23+$0x1C50]  }
0x10b: {  	v11 =	vld.msk [tilespmem:s26+$0x0 ss:$0x0], $0xffff  }
0x10c: {  	v41 =	vld [tilespmem:s23+$0x6C10]  }
0x10d: {  	v5 =	vld.msk [tilespmem:s26+$0x30 ss:$0x0], $0xffff  }
0x10e: {  	v48 =	vld [tilespmem:s23+$0x5850];
	v55 =	vmul.f32 v22, v25;
	v51 =	vmul.f32 v30, v25  }
0x10f: {  	v57 =	vld [tilespmem:s23+$0x860];
	v56 =	vmul.f32 v17, v21;
	v46 =	vmul.f32 v27, v25  }
0x110: {  	v35 =	vmul.f32 v28, v21;
	v28 =	vld [tilespmem:s23+$0x850];
	v30 =	vmul.f32 v34, v25  }
0x111: {  	v52 =	vld [tilespmem:s23+$0x3060];
	v34 =	vmul.f32 v31, v21;
	v27 =	vmul.f32 v33, v11  }
0x112: {  	v53 =	vld [tilespmem:s23+$0x5820];
	v41 =	vmul.f32 v41, v25;
	v49 =	vmul.f32 v40, v21  }
0x113: {  	v22 =	vld [tilespmem:s23+$0x3030];
	v40 =	vmul.f32 v38, v21;
	v17 =	vmul.f32 v37, v11  }
0x114: {  	v33 =	vld [tilespmem:s23+$0x5800];
	v37 =	vmul.f32 v42, v11;
	v42 =	vmul.f32 v48, v21  }
0x115: {  	s29 =	sadd.s32 s7, s24;
	s24 =	sadd.s32 s24, s14;
	v38 =	vld [tilespmem:s23+$0x3040];
	v54 =	vmul.f32 v54, v21;
	v48 =	vmul.f32 v28, v21  }
0x116: {  	s28 =	simm.s32 $0x200;
	s24 =	smin.u32 s24, $0x4E1;
	s25 =	smin.u32 s29, $0x4E1;
	v31 =	vadd.f32 v55, v56;
	v55 =	vld [tilespmem:s23+$0x1C40];
	v28 =	vmul.f32 v50, v25;
	v50 =	vmul.f32 v57, v21  }
.LBB2_3:
0x117: {  	p1 =	sne.s32 s28, $0x4E00  }
0x118: {  	v18 =	vmul.f32 v18, v21;
	v48 =	vadd.f32 v30, v48;
	v56 =	vmul.f32 v47, v11;
	v57 =	vld [tilespmem:s23+$0x5870];
	s26 =	sadd.s32 $0x1, s26;
	s29 =	smov.u32 s28;
	s28 =	sadd.s32 $0x200, s28  }
0x119: {  	v58 =	vmul.f32 v8, v21;
	v13 =	vmul.f32 v13, v25;
	s29 =	sshra.s32 s29, $0x2;
	v59 =	vld [tilespmem:s23+$0x6C60]  }
0x11a: {  	v60 =	vmul.f32 v33, v21;
	v52 =	vmul.f32 v52, v11;
	v30 =	vld [tilespmem:s29+$0x800]  }
0x11b: {  	v47 =	vadd.f32 v51, v54;
	v61 =	vmul.f32 v38, v11;
	v33 =	vld [tilespmem:s29+$0x1C00];
	v53 =	vmul.f32 v53, v21  }
0x11c: {  	v54 =	vmul.f32 v45, v25;
	v51 =	vadd.f32 v13, v34;
	v8 =	vld [tilespmem:s29+$0x810];
	v13 =	vmul.f32 v55, v25  }
0x11d: {  	v62 =	vmul.f32 v9, v11;
	v45 =	vadd.f32 v28, v35;
	v55 =	vmul.f32 v0, v5;
	v34 =	vld [tilespmem:s29+$0x1C10]  }
0x11e: {  	v57 =	vmul.f32 v57, v21;
	v35 =	vld [tilespmem:s29+$0x820];
	v0 =	vadd.f32 v13, v18;
	v9 =	vmul.f32 v59, v25  }
0x11f: {  	v44 =	vmul.f32 v44, v11;
	v43 =	vmul.f32 v43, v11;
	v28 =	vld [tilespmem:s29+$0x1C20]  }
0x120: {  	v39 =	vmul.f32 v39, v25;
	v36 =	vmul.f32 v36, v25;
	v38 =	vld [tilespmem:s29+$0x830];
	v59 =	vadd.f32 v61, v0  }
0x121: {  	v32 =	vmul.f32 v32, v11;
	v19 =	vmul.f32 v19, v5;
	v49 =	vadd.f32 v9, v49;
	v13 =	vld [tilespmem:s29+$0x1C30]  }
0x122: {  	v29 =	vmul.f32 v29, v5;
	v26 =	vmul.f32 v26, v25;
	v46 =	vadd.f32 v46, v58;
	v18 =	vld [tilespmem:s29+$0x840]  }
0x123: {  	v14 =	vmul.f32 v14, v5;
	v36 =	vadd.f32 v36, v53;
	v53 =	vadd.f32 v54, v57;
	v0 =	vld [tilespmem:s29+$0x4450]  }
0x124: {  	v24 =	vmul.f32 v24, v11;
	v23 =	vmul.f32 v23, v21;
	v29 =	vadd.f32 v29, v59;
	v9 =	vld [tilespmem:s29+$0x8070]  }
0x125: {  	v20 =	vmul.f32 v20, v25;
	v16 =	vmul.f32 v16, v5;
	v39 =	vadd.f32 v39, v50;
	v50 =	vld [tilespmem:s23+$0x8000]  }
0x126: {  	v15 =	vmul.f32 v15, v5;
	v12 =	vmul.f32 v12, v25;
	v24 =	vadd.f32 v24, v46;
	v54 =	vld [tilespmem:s23+$0x4400]  }
0x127: {  	v10 =	vmul.f32 v10, v5;
	v36 =	vadd.f32 v43, v36;
	[tilespmem:s23+$0x14840] =	vst v29;
	v29 =	vadd.f32 v52, v39;
	v39 =	vld [tilespmem:s23+$0x9470]  }
0x128: {  	v15 =	vadd.f32 v15, v24;
	v24 =	vmul.f32 v6, v5;
	v43 =	vadd.f32 v56, v49;
	v6 =	vld [tilespmem:s23+$0x9410]  }
0x129: {  	v4 =	vmul.f32 v4, v11;
	v20 =	vadd.f32 v20, v60;
	v10 =	vadd.f32 v10, v29;
	v29 =	vld [tilespmem:s23+$0x870]  }
0x12a: {  	v2 =	vmul.f32 v2, v25;
	v49 =	vadd.f32 v62, v53;
	v46 =	vmul.f32 v50, v11;
	v25 =	vld [tilespmem:s23+$0x8050]  }
0x12b: {  	v31 =	vadd.f32 v4, v31;
	v4 =	vadd.f32 v41, v23;
	v50 =	vmul.f32 v54, v5;
	v23 =	vld [tilespmem:s23+$0x9440]  }
0x12c: {  	[tilespmem:s23+$0x14810] =	vst v15;
	v15 =	vadd.f32 v26, v40;
	v26 =	vadd.f32 v2, v42;
	v40 =	vld [tilespmem:s23+$0x9450];
	v39 =	vmul.f32 v39, v5  }
0x12d: {  	v4 =	vadd.f32 v37, v4;
	v42 =	vadd.f32 v46, v20;
	v41 =	vld [tilespmem:s23+$0x4430];
	[tilespmem:s23+$0x14860] =	vst v10;
	v6 =	vmul.f32 v6, v5  }
0x12e: {  	v20 =	vmul.f32 v1, v5;
	v10 =	vmul.f32 v29, v21;
	v15 =	vadd.f32 v27, v15;
	v1 =	vld [tilespmem:s29+$0x9430]  }
0x12f: {  	v27 =	vadd.f32 v39, v49;
	v2 =	vld [tilespmem:s29+$0x6C50];
	v21 =	vadd.f32 v6, v4;
	v25 =	vmul.f32 v25, v11  }
0x130: {  	v22 =	vmul.f32 v22, v11;
	v16 =	vadd.f32 v16, v36;
	v4 =	vld [tilespmem:s29+$0x3000];
	v15 =	vadd.f32 v20, v15  }
0x131: {  	v20 =	vadd.f32 v12, v10;
	v6 =	vld [tilespmem:s29+$0x4470];
	[tilespmem:s23+$0x15C10] =	vst v21;
	v21 =	vadd.f32 v25, v26;
	v25 =	vmul.f32 v40, v5  }
0x132: {  	v22 =	vadd.f32 v22, v51;
	v29 =	vadd.f32 v44, v48;
	v10 =	vld [tilespmem:s29+$0x4460];
	v26 =	vmul.f32 v41, v5;
	[tilespmem:s23+$0x15C70] =	vst v27  }
0x133: {  	v7 =	vmul.f32 v7, v11;
	v11 =	vadd.f32 v32, v20;
	v12 =	vld [tilespmem:s29+$0x1C70];
	[tilespmem:s23+$0x15C30] =	vst v15;
	v20 =	vadd.f32 v25, v21  }
0x134: {  	v3 =	vmul.f32 v3, v5;
	v15 =	vld [tilespmem:s29+$0x4410];
	v21 =	vadd.f32 v26, v22;
	v22 =	vadd.f32 v55, v29;
	[tilespmem:s23+$0x15C20] =	vst v16  }
0x135: {  	v14 =	vadd.f32 v14, v43;
	v11 =	vadd.f32 v24, v11;
	v16 =	vld [tilespmem:s29+$0x9420];
	[tilespmem:s23+$0x15C50] =	vst v20  }
0x136: {  	v17 =	vadd.f32 v17, v47;
	v7 =	vadd.f32 v7, v45;
	v5 =	vmul.f32 v23, v5;
	v20 =	vld [tilespmem:s29+$0x6C00];
	[tilespmem:s23+$0x14830] =	vst v21  }
0x137: {  	v21 =	vadd.f32 v50, v31;
	v23 =	vld [tilespmem:s29+$0x5810];
	[tilespmem:s23+$0x14870] =	vst v11;
	v11 =	vadd.f32 v19, v42  }
0x138: {  	v3 =	vadd.f32 v3, v7;
	v5 =	vadd.f32 v5, v17;
	v24 =	vld [tilespmem:s29+$0x3010];
	[tilespmem:s23+$0x15C60] =	vst v14  }
0x139: {  	v14 =	vld [tilespmem:s29+$0x9460];
	[tilespmem:s23+$0x15C00] =	vst v11  }
0x13a: {  	v26 =	vld [tilespmem:s29+$0x6C30];
	[tilespmem:s23+$0x14800] =	vst v21  }
0x13b: {  	v29 =	vld [tilespmem:s29+$0x4440];
	[tilespmem:s23+$0x15C40] =	vst v5  }
0x13c: {  	v19 =	vld [tilespmem:s29+$0x9400];
	[tilespmem:s23+$0x14820] =	vst v3  }
0x13d: {  	v32 =	vld [tilespmem:s29+$0x3070];
	[tilespmem:s23+$0x14850] =	vst v22;
	s23 =	smov.u32 s29  }
0x13e: {  	v36 =	vld [tilespmem:s23+$0x6C20]  }
0x13f: {  	v39 =	vld [tilespmem:s23+$0x1C60]  }
0x140: {  	v43 =	vld [tilespmem:s23+$0x8020]  }
0x141: {  	v44 =	vld [tilespmem:s23+$0x3050]  }
0x142: {  	v45 =	vld [tilespmem:s23+$0x6C70]  }
0x143: {  	v17 =	vld [tilespmem:s23+$0x8030]  }
0x144: {  	v50 =	vld [tilespmem:s23+$0x5840]  }
0x145: {  	v37 =	vld [tilespmem:s23+$0x8040]  }
0x146: {  	v3 =	vld [tilespmem:s23+$0x4420]  }
0x147: {  	v47 =	vld [tilespmem:s23+$0x8060]  }
0x148: {  	v40 =	vld [tilespmem:s23+$0x5830]  }
0x149: {  	v7 =	vld [tilespmem:s23+$0x3020]  }
0x14a: {  	v42 =	vld [tilespmem:s23+$0x5860]  }
0x14b: {  	v48 =	vld [tilespmem:s23+$0x8010]  }
0x14c: {  	v27 =	vld [tilespmem:s23+$0x6C40]  }
0x14d: {  	v25 =	vld.msk [tilespmem:s26+$0xFFFFFFD0 ss:$0x0], $0xffff  }
0x14e: {  	v21 =	vld.msk [tilespmem:s26+$0xFFFFFFA0 ss:$0x0], $0xffff  }
0x14f: {  	v31 =	vld [tilespmem:s23+$0x1C50]  }
0x150: {  	v11 =	vld.msk [tilespmem:s26+$0x0 ss:$0x0], $0xffff  }
0x151: {  	v41 =	vld [tilespmem:s23+$0x6C10]  }
0x152: {  	v5 =	vld.msk [tilespmem:s26+$0x30 ss:$0x0], $0xffff  }
0x153: {  	v33 =	vmul.f32 v33, v25;
	v51 =	vmul.f32 v27, v25;
	v22 =	vld [tilespmem:s23+$0x3030]  }
0x154: {  	v46 =	vmul.f32 v34, v25;
	v27 =	vmul.f32 v30, v21;
	v53 =	vld [tilespmem:s23+$0x5850]  }
0x155: {  	v35 =	vmul.f32 v35, v21;
	v30 =	vmul.f32 v31, v25;
	v54 =	vld [tilespmem:s23+$0x850]  }
0x156: {  	v34 =	vmul.f32 v38, v21;
	v31 =	vadd.f32 v33, v27;
	v27 =	vmul.f32 v17, v11;
	v56 =	vld [tilespmem:s23+$0x860]  }
.Ltmp0:
0x157: {  	v49 =	vmul.f32 v42, v21;
	v41 =	vmul.f32 v41, v25;
	v33 =	vld [tilespmem:s23+$0x5800];
	(pc) =	sbr.rel @p1 .LBB2_3-.Ltmp0, $4  }
0x158: {  	v40 =	vmul.f32 v40, v21;
	v17 =	vmul.f32 v37, v11;
	v52 =	vld [tilespmem:s23+$0x3060]  }
0x159: {  	v37 =	vmul.f32 v48, v11;
	v38 =	vld [tilespmem:s23+$0x3040];
	v42 =	vmul.f32 v53, v21  }
0x15a: {  	v48 =	vmul.f32 v54, v21;
	v53 =	vld [tilespmem:s23+$0x5820];
	v54 =	vmul.f32 v50, v21  }
0x15b: {  	v28 =	vmul.f32 v28, v25;
	v55 =	vld [tilespmem:s23+$0x1C40];
	v50 =	vmul.f32 v56, v21  }
0x15c: {  	v18 =	vmul.f32 v18, v21;
	v47 =	vmul.f32 v47, v11  }
0x15d: {  	v8 =	vmul.f32 v8, v21;
	v13 =	vmul.f32 v13, v25  }
0x15e: {  	v33 =	vmul.f32 v33, v21;
	v45 =	vmul.f32 v45, v25  }
0x15f: {  	v9 =	vmul.f32 v9, v11;
	v29 =	vmul.f32 v29, v5  }
0x160: {  	v58 =	vmul.f32 v43, v11;
	v39 =	vmul.f32 v39, v25  }
0x161: {  	v36 =	vmul.f32 v36, v25;
	v32 =	vmul.f32 v32, v11  }
0x162: {  	v26 =	vmul.f32 v26, v25;
	v24 =	vmul.f32 v24, v11  }
0x163: {  	v23 =	vmul.f32 v23, v21;
	v20 =	vmul.f32 v20, v25  }
0x164: {  	v30 =	vadd.f32 v30, v48;
	v15 =	vmul.f32 v15, v5;
	v16 =	vmul.f32 v16, v5  }
0x165: {  	v51 =	vadd.f32 v51, v54;
	v10 =	vmul.f32 v10, v5;
	v2 =	vmul.f32 v2, v25  }
0x166: {  	v4 =	vmul.f32 v4, v11;
	v28 =	vadd.f32 v28, v35;
	v13 =	vadd.f32 v13, v34  }
0x167: {  	v56 =	vld [tilespmem:s23+$0x6C60];
	v8 =	vadd.f32 v46, v8;
	v39 =	vadd.f32 v39, v50;
	v55 =	vmul.f32 v55, v25  }
0x168: {  	v57 =	vld [tilespmem:s23+$0x5870];
	v7 =	vmul.f32 v7, v11;
	v20 =	vadd.f32 v20, v33;
	v23 =	vadd.f32 v41, v23  }
0x169: {  	v38 =	vmul.f32 v38, v11;
	v2 =	vadd.f32 v2, v42;
	v18 =	vadd.f32 v55, v18  }
0x16a: {  	v52 =	vmul.f32 v52, v11;
	v4 =	vadd.f32 v4, v31;
	v7 =	vadd.f32 v7, v28  }
0x16b: {  	v60 =	vld [tilespmem:s23+$0x9470];
	v12 =	vmul.f32 v12, v25;
	v8 =	vadd.f32 v24, v8;
	v18 =	vadd.f32 v38, v18  }
0x16c: {  	v62 =	vmul.f32 v53, v21;
	v24 =	vld [tilespmem:s23+$0x9410];
	v39 =	vadd.f32 v52, v39;
	v23 =	vadd.f32 v37, v23  }
0x16d: {  	v63 =	vmul.f32 v56, v25;
	v56 =	vmul.f32 v57, v21;
	v25 =	vld [tilespmem:s23+$0x4430];
	v18 =	vadd.f32 v29, v18  }
0x16e: {  	v61 =	vld [tilespmem:s23+$0x870];
	v3 =	vmul.f32 v3, v5;
	v36 =	vadd.f32 v36, v62;
	v10 =	vadd.f32 v10, v39  }
0x16f: {  	v1 =	vmul.f32 v1, v5;
	v8 =	vadd.f32 v15, v8;
	v15 =	vld [tilespmem:s23+$0x8050];
	[tilespmem:s23+$0x14840] =	vst v18;
	v18 =	vadd.f32 v45, v56  }
0x170: {  	v3 =	vadd.f32 v3, v7;
	v36 =	vadd.f32 v58, v36;
	[tilespmem:s23+$0x14860] =	vst v10;
	v10 =	vmul.f32 v22, v11  }
0x171: {  	[tilespmem:s23+$0x14810] =	vst v8;
	v24 =	vmul.f32 v24, v5;
	v8 =	vadd.f32 v9, v18;
	v9 =	vadd.f32 v26, v40;
	v18 =	vld [tilespmem:s23+$0x9450]  }
0x172: {  	v29 =	vld [tilespmem:s23+$0x8000];
	v10 =	vadd.f32 v10, v13;
	v13 =	vmul.f32 v25, v5;
	v26 =	vmul.f32 v60, v5  }
0x173: {  	v21 =	vmul.f32 v61, v21;
	v23 =	vadd.f32 v24, v23;
	v9 =	vadd.f32 v27, v9  }
0x174: {  	[tilespmem:s23+$0x14820] =	vst v3;
	v15 =	vmul.f32 v15, v11;
	v10 =	vadd.f32 v13, v10;
	v8 =	vadd.f32 v26, v8  }
0x175: {  	v59 =	vld [tilespmem:s23+$0x4400];
	v6 =	vmul.f32 v6, v5;
	[tilespmem:s23+$0x15C10] =	vst v23;
	v1 =	vadd.f32 v1, v9;
	v9 =	vadd.f32 v12, v21  }
0x176: {  	v62 =	vld [tilespmem:s23+$0x9440];
	v34 =	vadd.f32 v63, v49;
	v2 =	vadd.f32 v15, v2;
	[tilespmem:s23+$0x14830] =	vst v10;
	v12 =	vmul.f32 v18, v5  }
0x177: {  	v15 =	vadd.f32 v16, v36;
	[tilespmem:s23+$0x15C70] =	vst v8;
	v8 =	vmul.f32 v29, v11;
	v9 =	vadd.f32 v32, v9  }
0x178: {  	v34 =	vadd.f32 v47, v34;
	[tilespmem:s23+$0x15C30] =	vst v1;
	v1 =	vadd.f32 v12, v2;
	v2 =	vmul.f32 v14, v5  }
0x179: {  	[tilespmem:s23+$0x15C20] =	vst v15;
	v8 =	vadd.f32 v8, v20;
	v12 =	vmul.f32 v19, v5;
	v6 =	vadd.f32 v6, v9  }
0x17a: {  	v57 =	vmul.f32 v44, v11;
	[tilespmem:s23+$0x15C50] =	vst v1;
	v1 =	vmul.f32 v59, v5;
	v2 =	vadd.f32 v2, v34  }
0x17b: {  	v10 =	vmul.f32 v62, v5;
	v9 =	vadd.f32 v17, v51;
	[tilespmem:s23+$0x14870] =	vst v6;
	v6 =	vadd.f32 v12, v8  }
0x17c: {  	v0 =	vmul.f32 v0, v5;
	v1 =	vadd.f32 v1, v4;
	[tilespmem:s23+$0x15C60] =	vst v2;
	v2 =	vadd.f32 v57, v30  }
0x17d: {  	s25 =	smul.u32 $0x1400, s25;
	v4 =	vadd.f32 v10, v9;
	[tilespmem:s23+$0x15C00] =	vst v6  }
0x17e: {  	[tilespmem:s23+$0x14800] =	vst v1;
	v0 =	vadd.f32 v0, v2  }
0x17f: {  	s25 =	sshrl.u32 s25, $0x3;
	[tilespmem:s23+$0x15C40] =	vst v4  }
0x180: {  	s29 =	simm.s32 $0x14800;
	s24 =	smul.u32 $0x28, s24;
	s28 =	sadd.s32 s6, s25;
	[tilespmem:s23+$0x14850] =	vst v0  }
0x181: {  	[hbm4b:s28+s5] =	stream.linear.scatter [tilespmem:s29], [sflag:$0x3], $0x1400, $0x38;
	[tilespmem:$0x19800] =	vst v63  }
0x182: {  	s26 =	simm.s32 $0x15C00;
	s23 =	sadd.s32 $0xC3500, s28;
	s28 =	sshrl.u32 s24, $0x3  }
0x183: {  	[hbm4b:s23+s5] =	stream.linear.scatter [tilespmem:s26], [sflag:$0x3], $0x1400, $0x38;
	[tilespmem:$0x19800] =	vst v63  }
0x184: {  	s23 =	sadd.s32 s2, s28  }
0x185: {  	[tilespmem:s5], [sflag:$0x1] =	stream.linear.gather [hbm4b:s23+s5], $0x28, $0x38;
	[tilespmem:$0x19800] =	vst v63  }
0x186: {  	s29 =	sadd.s32 $0x186A, s23  }
0x187: {  	[tilespmem:s16], [sflag:$0x1] =	stream.linear.gather [hbm4b:s29+s5], $0x28, $0x38;
	[tilespmem:$0x19800] =	vst v63  }
0x188: {  	s25 =	sadd.s32 $0x30D4, s23  }
0x189: {  	[tilespmem:s17], [sflag:$0x1] =	stream.linear.gather [hbm4b:s25+s5], $0x28, $0x38;
	[tilespmem:$0x19800] =	vst v63  }
0x18a: {  	s23 =	sadd.s32 $0x493E, s23  }
0x18b: {  	[tilespmem:s18], [sflag:$0x1] =	stream.linear.gather [hbm4b:s23+s5], $0x28, $0x38;
	[tilespmem:$0x19800] =	vst v63  }
0x18c: {  	_ =	swait.ge [sflag:s19], $0x28  }
0x18d: {  	[sflag:s19] =	ssyncset.done $0x0  }
0x18e: {  	[sflag:s19] =	ssyncadd.s32 $0xFFFFFFD8  }
0x18f: {  	_ =	swait.ge [sflag:s19], $0x28  }
0x190: {  	[sflag:s19] =	ssyncset.done $0x0  }
0x191: {  	[sflag:s19] =	ssyncadd.s32 $0xFFFFFFD8  }
0x192: {  	_ =	swait.ge [sflag:s19], $0x28  }
0x193: {  	[sflag:s19] =	ssyncset.done $0x0  }
0x194: {  	[sflag:s19] =	ssyncadd.s32 $0xFFFFFFD8  }
0x195: {  	_ =	swait.ge [sflag:s19], $0x28  }
0x196: {  	[sflag:s19] =	ssyncset.done $0x0  }
0x197: {  	s26 =	simm.s32 $0x400;
	[sflag:s19] =	ssyncadd.s32 $0xFFFFFFD8  }
0x198: {  	[tilespmem:s26], [sflag:$0x1] =	stream.indirect.gather [hbm4b:s4+s20], $0x1, s5, s20, $0xb8;
	[tilespmem:$0x19800] =	vst v63  }
0x199: {  	s28 =	simm.s32 $0x800  }
0x19a: {  	[tilespmem:s28], [sflag:$0x1] =	stream.indirect.gather [hbm4b:s1+s20], $0x80, s5, s20, $0xb8;
	[tilespmem:$0x19800] =	vst v63  }
0x19b: {  	s29 =	simm.s32 $0x5800  }
0x19c: {  	[tilespmem:s29], [sflag:$0x1] =	stream.indirect.gather [hbm4b:s12+s20], $0x80, s5, s20, $0xb8;
	[tilespmem:$0x19800] =	vst v63  }
0x19d: {  	s24 =	simm.s32 $0x430  }
0x19e: {  	[tilespmem:s24], [sflag:$0x1] =	stream.indirect.gather [hbm4b:s4+s20], $0x1, s16, s20, $0xb8;
	[tilespmem:$0x19800] =	vst v63  }
0x19f: {  	s25 =	simm.s32 $0x1C00  }
0x1a0: {  	[tilespmem:s25], [sflag:$0x1] =	stream.indirect.gather [hbm4b:s1+s20], $0x80, s16, s20, $0xb8;
	[tilespmem:$0x19800] =	vst v63  }
0x1a1: {  	s26 =	simm.s32 $0x6C00  }
0x1a2: {  	[tilespmem:s26], [sflag:$0x1] =	stream.indirect.gather [hbm4b:s12+s20], $0x80, s16, s20, $0xb8;
	[tilespmem:$0x19800] =	vst v63  }
0x1a3: {  	s28 =	simm.s32 $0x460  }
0x1a4: {  	[tilespmem:s28], [sflag:$0x1] =	stream.indirect.gather [hbm4b:s4+s20], $0x1, s17, s20, $0xb8;
	[tilespmem:$0x19800] =	vst v63  }
0x1a5: {  	s29 =	simm.s32 $0x3000  }
0x1a6: {  	[tilespmem:s29], [sflag:$0x1] =	stream.indirect.gather [hbm4b:s1+s20], $0x80, s17, s20, $0xb8;
	[tilespmem:$0x19800] =	vst v63  }
0x1a7: {  	_ = 	snop  }
0x1a8: {  	[tilespmem:s30], [sflag:$0x1] =	stream.indirect.gather [hbm4b:s12+s20], $0x80, s17, s20, $0xb8;
	[tilespmem:$0x19800] =	vst v63  }
0x1a9: {  	_ = 	snop  }
0x1aa: {  	[tilespmem:s31], [sflag:$0x1] =	stream.indirect.gather [hbm4b:s4+s20], $0x1, s18, s20, $0xb8;
	[tilespmem:$0x19800] =	vst v63  }
0x1ab: {  	_ = 	snop  }
0x1ac: {  	[tilespmem:s3], [sflag:$0x1] =	stream.indirect.gather [hbm4b:s1+s20], $0x80, s18, s20, $0xb8;
	[tilespmem:$0x19800] =	vst v63  }
0x1ad: {  	_ = 	snop  }
0x1ae: {  	[tilespmem:s0], [sflag:$0x1] =	stream.indirect.gather [hbm4b:s12+s20], $0x80, s18, s20, $0xb8;
	[tilespmem:$0x19800] =	vst v63  }
0x1af: {  	_ =	swait.ge [sflag:s8], $0x28  }
0x1b0: {  	[sflag:s8] =	ssyncset.done $0x0  }
0x1b1: {  	[sflag:s8] =	ssyncadd.s32 $0xFFFFFFD8  }
0x1b2: {  	_ =	swait.ge [sflag:s8], $0x1400  }
0x1b3: {  	[sflag:s8] =	ssyncset.done $0x0  }
0x1b4: {  	[sflag:s8] =	ssyncadd.s32 $0xFFFFEC00  }
0x1b5: {  	_ =	swait.ge [sflag:s8], $0x1400  }
0x1b6: {  	[sflag:s8] =	ssyncset.done $0x0  }
0x1b7: {  	[sflag:s8] =	ssyncadd.s32 $0xFFFFEC00  }
0x1b8: {  	_ =	swait.ge [sflag:s8], $0x28  }
0x1b9: {  	[sflag:s8] =	ssyncset.done $0x0  }
0x1ba: {  	[sflag:s8] =	ssyncadd.s32 $0xFFFFFFD8  }
0x1bb: {  	_ =	swait.ge [sflag:s8], $0x1400  }
0x1bc: {  	[sflag:s8] =	ssyncset.done $0x0  }
0x1bd: {  	[sflag:s8] =	ssyncadd.s32 $0xFFFFEC00  }
0x1be: {  	_ =	swait.ge [sflag:s8], $0x1400  }
0x1bf: {  	[sflag:s8] =	ssyncset.done $0x0  }
0x1c0: {  	[sflag:s8] =	ssyncadd.s32 $0xFFFFEC00  }
0x1c1: {  	_ =	swait.ge [sflag:s8], $0x28  }
0x1c2: {  	[sflag:s8] =	ssyncset.done $0x0  }
0x1c3: {  	[sflag:s8] =	ssyncadd.s32 $0xFFFFFFD8  }
0x1c4: {  	_ =	swait.ge [sflag:s8], $0x1400  }
0x1c5: {  	[sflag:s8] =	ssyncset.done $0x0  }
0x1c6: {  	[sflag:s8] =	ssyncadd.s32 $0xFFFFEC00  }
0x1c7: {  	_ =	swait.ge [sflag:s8], $0x1400  }
0x1c8: {  	[sflag:s8] =	ssyncset.done $0x0  }
0x1c9: {  	[sflag:s8] =	ssyncadd.s32 $0xFFFFEC00  }
0x1ca: {  	_ =	swait.ge [sflag:s8], $0x28  }
0x1cb: {  	[sflag:s8] =	ssyncset.done $0x0  }
0x1cc: {  	[sflag:s8] =	ssyncadd.s32 $0xFFFFFFD8  }
0x1cd: {  	_ =	swait.ge [sflag:s8], $0x1400  }
0x1ce: {  	[sflag:s8] =	ssyncset.done $0x0  }
0x1cf: {  	[sflag:s8] =	ssyncadd.s32 $0xFFFFEC00  }
0x1d0: {  	_ =	swait.ge [sflag:s8], $0x1400  }
0x1d1: {  	[sflag:s8] =	ssyncset.done $0x0  }
0x1d2: {  	s23 =	simm.s32 @!p0 $0x4;
	[sflag:s8] =	ssyncadd.s32 $0xFFFFEC00  }
0x1d3: {  	_ =	swait.ge @!p0 [sflag:s23], $0x1400  }
0x1d4: {  	[sflag:s23] =	ssyncset.done @!p0 $0x0  }
0x1d5: {  	[sflag:s23] =	ssyncadd.s32 @!p0 $0xFFFFEC00  }
0x1d6: {  	_ =	swait.ge @!p0 [sflag:s23], $0x1400  }
0x1d7: {  	[sflag:s23] =	ssyncset.done @!p0 $0x0  }
0x1d8: {  	[sflag:s23] =	ssyncadd.s32 @!p0 $0xFFFFEC00  }
0x1d9: {  	v0 =	vld [tilespmem:$0x500]  }
0x1da: {  	v1 =	vld [tilespmem:$0x530]  }
0x1db: {  	v2 =	vld [tilespmem:$0x560]  }
0x1dc: {  	v3 =	vld [tilespmem:$0x590];
	_ =	sdelay $0x4  }
0x1dd: {  	v4 =	vmax.f32 v0, v1;
	v5 =	vmax.f32 v2, v3  }
0x1de: {  	v4 =	vmax.f32 v4, v5  }
0x1df: {  	v0 =	vsub.f32 v0, v4  }
0x1e0: {  	v1 =	vsub.f32 v1, v4  }
0x1e1: {  	v0 =	vmul.f32 $1.442695020e+00, v0  }
0x1e2: {  	v2 =	vsub.f32 v2, v4;
	v1 =	vmul.f32 $1.442695020e+00, v1  }
0x1e3: {  	(erf) = vpow2.f32 v0  }
0x1e4: {  	v0 =	vmul.f32 $1.442695020e+00, v2;
	(erf) = vpow2.f32 v1;
	v1 =	vsub.f32 v3, v4;
	_ =	sdelay $0x1  }
0x1e5: {  	(erf) = vpow2.f32 v0;
	v0 =	vmul.f32 $1.442695020e+00, v1  }
0x1e6: {  	v2 =	vld [tilespmem:$0x570]  }
0x1e7: {  	v3 =	vld [tilespmem:$0x5A0];
	(erf) = vpow2.f32 v0  }
0x1e8: {  	v1 =	vld [tilespmem:$0x510]  }
0x1e9: {  	v0 =	vld [tilespmem:$0x540];
	_ =	sdelay $0x1  }
0x1ea: {  	v4 =	vpop (erf)  }
0x1eb: {  	v5 =	vpop (erf)  }
0x1ec: {  	v9 =	vmax.f32 v2, v3;
	v6 =	vadd.f32 v5, v4  }
0x1ed: {  	v8 =	vmax.f32 v1, v0;
	v7 =	vpop (erf)  }
0x1ee: {  	v8 =	vmax.f32 v8, v9;
	v6 =	vadd.f32 v6, v7  }
0x1ef: {  	v1 =	vsub.f32 v1, v8;
	v9 =	vpop (erf)  }
0x1f0: {  	v0 =	vsub.f32 v0, v8;
	v6 =	vadd.f32 v6, v9  }
0x1f1: {  	v1 =	vmul.f32 $1.442695020e+00, v1  }
0x1f2: {  	v2 =	vsub.f32 v2, v8;
	v0 =	vmul.f32 $1.442695020e+00, v0;
	(erf) = vrcp.f32 v6  }
0x1f3: {  	(erf) = vpow2.f32 v1  }
0x1f4: {  	v1 =	vsub.f32 v3, v8;
	(erf) = vpow2.f32 v0;
	v0 =	vmul.f32 $1.442695020e+00, v2;
	_ =	sdelay $0x1  }
0x1f5: {  	(erf) = vpow2.f32 v0;
	v0 =	vmul.f32 $1.442695020e+00, v1  }
0x1f6: {  	v3 =	vld [tilespmem:$0x5B0]  }
0x1f7: {  	v2 =	vld [tilespmem:$0x580];
	(erf) = vpow2.f32 v0  }
0x1f8: {  	v1 =	vld [tilespmem:$0x520]  }
0x1f9: {  	v0 =	vld [tilespmem:$0x550]  }
0x1fa: {  	v6 =	vpop (erf)  }
0x1fb: {  	v8 =	vpop (erf)  }
0x1fc: {  	v10 =	vpop (erf)  }
0x1fd: {  	v14 =	vmax.f32 v2, v3;
	v11 =	vadd.f32 v10, v8  }
0x1fe: {  	v13 =	vmax.f32 v1, v0;
	v12 =	vpop (erf)  }
0x1ff: {  	v13 =	vmax.f32 v13, v14;
	v11 =	vadd.f32 v11, v12  }
0x200: {  	v1 =	vsub.f32 v1, v13;
	v14 =	vpop (erf)  }
0x201: {  	v0 =	vsub.f32 v0, v13;
	v11 =	vadd.f32 v11, v14  }
0x202: {  	v1 =	vmul.f32 $1.442695020e+00, v1  }
0x203: {  	v2 =	vsub.f32 v2, v13;
	v0 =	vmul.f32 $1.442695020e+00, v0;
	(erf) = vrcp.f32 v11  }
0x204: {  	(erf) = vpow2.f32 v1  }
0x205: {  	v1 =	vsub.f32 v3, v13;
	(erf) = vpow2.f32 v0;
	v0 =	vmul.f32 $1.442695020e+00, v2;
	_ =	sdelay $0x1  }
0x206: {  	(erf) = vpow2.f32 v0;
	v0 =	vmul.f32 $1.442695020e+00, v1;
	_ =	sdelay $0x1  }
0x207: {  	(erf) = vpow2.f32 v0;
	_ =	sdelay $0x2  }
0x208: {  	v0 =	vpop (erf)  }
0x209: {  	v1 =	vpop (erf)  }
0x20a: {  	v2 =	vpop (erf)  }
0x20b: {  	v3 =	vadd.f32 v2, v1  }
0x20c: {  	v11 =	vpop (erf)  }
0x20d: {  	v3 =	vadd.f32 v3, v11  }
0x20e: {  	v13 =	vpop (erf)  }
0x20f: {  	v3 =	vadd.f32 v3, v13;
	_ =	sdelay $0x1  }
0x210: {  	(erf) = vrcp.f32 v3  }
0x211: {  	v3 =	vmul.f32 v6, v4;
	v4 =	vmul.f32 v6, v5;
	_ =	sdelay $0x1  }
0x212: {  	[tilespmem:$0x730] =	vst v4;
	v4 =	vmul.f32 v6, v9  }
0x213: {  	[tilespmem:$0x700] =	vst v3;
	v3 =	vmul.f32 v6, v7  }
0x214: {  	[tilespmem:$0x790] =	vst v4;
	v4 =	vmul.f32 v0, v10  }
0x215: {  	[tilespmem:$0x760] =	vst v3;
	v3 =	vmul.f32 v0, v8;
	_ =	sdelay $0x1  }
0x216: {  	[tilespmem:$0x710] =	vst v3;
	v3 =	vmul.f32 v0, v12  }
0x217: {  	[tilespmem:$0x740] =	vst v4;
	v0 =	vmul.f32 v0, v14;
	v4 =	vpop (erf)  }
0x218: {  	[tilespmem:$0x770] =	vst v3;
	v1 =	vmul.f32 v4, v1  }
0x219: {  	[tilespmem:$0x7A0] =	vst v0;
	v0 =	vmul.f32 v4, v2  }
0x21a: {  	[tilespmem:$0x720] =	vst v1;
	v1 =	vmul.f32 v4, v11  }
0x21b: {  	[tilespmem:$0x750] =	vst v0;
	v0 =	vmul.f32 v4, v13  }
0x21c: {  	[tilespmem:$0x780] =	vst v1  }
0x21d: {  	s23 =	simm.s32 $0x0;
	[tilespmem:$0x7B0] =	vst v0  }
0x21e: {  	v17 =	vld [tilespmem:s23+$0xA800]  }
0x21f: {  	v22 =	vld [tilespmem:s23+$0xBC00]  }
0x220: {  	v8 =	vld [tilespmem:s23+$0xA810]  }
0x221: {  	v27 =	vld [tilespmem:s23+$0xBC10]  }
0x222: {  	v28 =	vld [tilespmem:s23+$0xA820]  }
0x223: {  	v50 =	vld [tilespmem:s23+$0xBC20]  }
0x224: {  	v30 =	vld [tilespmem:s23+$0xA830]  }
0x225: {  	v13 =	vld [tilespmem:s23+$0xBC30]  }
0x226: {  	v18 =	vld [tilespmem:s23+$0xA840]  }
0x227: {  	v0 =	vld [tilespmem:s23+$0xE450]  }
0x228: {  	v9 =	vld [tilespmem:s23+$0x12070]  }
0x229: {  	v1 =	vld [tilespmem:s23+$0x13430]  }
0x22a: {  	v2 =	vld [tilespmem:s23+$0x10C50]  }
0x22b: {  	v4 =	vld [tilespmem:s23+$0xD000]  }
0x22c: {  	v6 =	vld [tilespmem:s23+$0xE470]  }
0x22d: {  	v10 =	vld [tilespmem:s23+$0xE460]  }
0x22e: {  	v12 =	vld [tilespmem:s23+$0xBC70]  }
0x22f: {  	v15 =	vld [tilespmem:s23+$0xE410]  }
0x230: {  	v16 =	vld [tilespmem:s23+$0x13420]  }
0x231: {  	v20 =	vld [tilespmem:s23+$0x10C00]  }
0x232: {  	v23 =	vld [tilespmem:s23+$0xF810]  }
0x233: {  	v24 =	vld [tilespmem:s23+$0xD010]  }
0x234: {  	v14 =	vld [tilespmem:s23+$0x13460]  }
0x235: {  	v26 =	vld [tilespmem:s23+$0x10C30]  }
0x236: {  	v31 =	vld [tilespmem:s23+$0xE440]  }
0x237: {  	v19 =	vld [tilespmem:s23+$0x13400]  }
0x238: {  	v33 =	vld [tilespmem:s23+$0xD070]  }
0x239: {  	v37 =	vld [tilespmem:s23+$0x10C20]  }
0x23a: {  	v39 =	vld [tilespmem:s23+$0xBC60]  }
0x23b: {  	v43 =	vld [tilespmem:s23+$0x12020]  }
0x23c: {  	v44 =	vld [tilespmem:s23+$0xD050]  }
0x23d: {  	v45 =	vld [tilespmem:s23+$0x10C70]  }
0x23e: {  	v32 =	vld [tilespmem:s23+$0x12030]  }
0x23f: {  	v54 =	vld [tilespmem:s23+$0xF840]  }
0x240: {  	v36 =	vld [tilespmem:s23+$0x12040]  }
0x241: {  	v3 =	vld [tilespmem:s23+$0xE420]  }
0x242: {  	v47 =	vld [tilespmem:s23+$0x12060]  }
0x243: {  	v38 =	vld [tilespmem:s23+$0xF830]  }
0x244: {  	v7 =	vld [tilespmem:s23+$0xD020]  }
0x245: {  	v40 =	vld [tilespmem:s23+$0xF860]  }
0x246: {  	v42 =	vld [tilespmem:s23+$0x12010]  }
0x247: {  	s24 =	simm.s32 $0x760;
	v29 =	vld [tilespmem:s23+$0x10C40]  }
0x248: {  	v25 =	vld.msk [tilespmem:s24+$0xFFFFFFD0 ss:$0x0], $0xffff  }
0x249: {  	v21 =	vld.msk [tilespmem:s24+$0xFFFFFFA0 ss:$0x0], $0xffff  }
0x24a: {  	v63 =	vld [tilespmem:s23+$0xBC50]  }
0x24b: {  	v11 =	vld.msk [tilespmem:s24+$0x0 ss:$0x0], $0xffff  }
0x24c: {  	v41 =	vld [tilespmem:s23+$0x10C10]  }
0x24d: {  	v5 =	vld.msk [tilespmem:s24+$0x30 ss:$0x0], $0xffff  }
0x24e: {  	v62 =	vld [tilespmem:s23+$0xF850];
	v60 =	vmul.f32 v22, v25;
	v51 =	vmul.f32 v29, v25  }
0x24f: {  	v52 =	vld [tilespmem:s23+$0xD060];
	v61 =	vmul.f32 v17, v21;
	v46 =	vmul.f32 v27, v25  }
0x250: {  	v35 =	vmul.f32 v28, v21;
	v28 =	vld [tilespmem:s23+$0xA850];
	v29 =	vmul.f32 v63, v25  }
0x251: {  	v34 =	vmul.f32 v30, v21;
	v63 =	vld [tilespmem:s23+$0xA860];
	v27 =	vmul.f32 v32, v11  }
0x252: {  	v53 =	vld [tilespmem:s23+$0xF820];
	v41 =	vmul.f32 v41, v25;
	v49 =	vmul.f32 v40, v21  }
0x253: {  	v55 =	vld [tilespmem:s23+$0xBC40];
	v40 =	vmul.f32 v38, v21;
	v17 =	vmul.f32 v36, v11  }
0x254: {  	v22 =	vld [tilespmem:s23+$0xD030];
	v38 =	vmul.f32 v42, v11;
	v42 =	vmul.f32 v62, v21  }
0x255: {  	v32 =	vld [tilespmem:s23+$0xF800];
	v54 =	vmul.f32 v54, v21;
	v48 =	vmul.f32 v28, v21  }
0x256: {  	s25 =	simm.s32 $0x200;
	v36 =	vld [tilespmem:s23+$0xD040];
	v30 =	vadd.f32 v60, v61;
	v28 =	vmul.f32 v50, v25;
	v50 =	vmul.f32 v63, v21  }
.LBB2_5:
0x257: {  	p0 =	sne.s32 s25, $0x4E00  }
0x258: {  	v18 =	vmul.f32 v18, v21;
	v48 =	vadd.f32 v29, v48;
	v56 =	vmul.f32 v47, v11;
	v57 =	vld [tilespmem:s23+$0xF870];
	s24 =	sadd.s32 $0x1, s24;
	s26 =	smov.u32 s25;
	s25 =	sadd.s32 $0x200, s25  }
0x259: {  	v58 =	vmul.f32 v8, v21;
	v13 =	vmul.f32 v13, v25;
	s26 =	sshra.s32 s26, $0x2;
	v59 =	vld [tilespmem:s23+$0x10C60]  }
0x25a: {  	v60 =	vmul.f32 v32, v21;
	v52 =	vmul.f32 v52, v11;
	v29 =	vld [tilespmem:s26+$0xA800]  }
0x25b: {  	v47 =	vadd.f32 v51, v54;
	v61 =	vmul.f32 v36, v11;
	v32 =	vld [tilespmem:s26+$0xBC00];
	v53 =	vmul.f32 v53, v21  }
0x25c: {  	v54 =	vmul.f32 v45, v25;
	v51 =	vadd.f32 v13, v34;
	v8 =	vld [tilespmem:s26+$0xA810];
	v13 =	vmul.f32 v55, v25  }
0x25d: {  	v62 =	vmul.f32 v9, v11;
	v45 =	vadd.f32 v28, v35;
	v55 =	vmul.f32 v0, v5;
	v34 =	vld [tilespmem:s26+$0xBC10]  }
0x25e: {  	v57 =	vmul.f32 v57, v21;
	v35 =	vld [tilespmem:s26+$0xA820];
	v0 =	vadd.f32 v13, v18;
	v9 =	vmul.f32 v59, v25  }
0x25f: {  	v44 =	vmul.f32 v44, v11;
	v43 =	vmul.f32 v43, v11;
	v28 =	vld [tilespmem:s26+$0xBC20]  }
0x260: {  	v39 =	vmul.f32 v39, v25;
	v37 =	vmul.f32 v37, v25;
	v36 =	vld [tilespmem:s26+$0xA830];
	v59 =	vadd.f32 v61, v0  }
0x261: {  	v33 =	vmul.f32 v33, v11;
	v19 =	vmul.f32 v19, v5;
	v49 =	vadd.f32 v9, v49;
	v13 =	vld [tilespmem:s26+$0xBC30]  }
0x262: {  	v31 =	vmul.f32 v31, v5;
	v26 =	vmul.f32 v26, v25;
	v46 =	vadd.f32 v46, v58;
	v18 =	vld [tilespmem:s26+$0xA840]  }
0x263: {  	v14 =	vmul.f32 v14, v5;
	v37 =	vadd.f32 v37, v53;
	v53 =	vadd.f32 v54, v57;
	v0 =	vld [tilespmem:s26+$0xE450]  }
0x264: {  	v24 =	vmul.f32 v24, v11;
	v23 =	vmul.f32 v23, v21;
	v31 =	vadd.f32 v31, v59;
	v9 =	vld [tilespmem:s26+$0x12070]  }
0x265: {  	v20 =	vmul.f32 v20, v25;
	v16 =	vmul.f32 v16, v5;
	v39 =	vadd.f32 v39, v50;
	v50 =	vld [tilespmem:s23+$0x12000]  }
0x266: {  	v15 =	vmul.f32 v15, v5;
	v12 =	vmul.f32 v12, v25;
	v24 =	vadd.f32 v24, v46;
	v54 =	vld [tilespmem:s23+$0xE400]  }
0x267: {  	v10 =	vmul.f32 v10, v5;
	v37 =	vadd.f32 v43, v37;
	[tilespmem:s23+$0x17040] =	vst v31;
	v31 =	vadd.f32 v52, v39;
	v39 =	vld [tilespmem:s23+$0x13470]  }
0x268: {  	v15 =	vadd.f32 v15, v24;
	v24 =	vmul.f32 v6, v5;
	v43 =	vadd.f32 v56, v49;
	v6 =	vld [tilespmem:s23+$0x13410]  }
0x269: {  	v4 =	vmul.f32 v4, v11;
	v20 =	vadd.f32 v20, v60;
	v10 =	vadd.f32 v10, v31;
	v31 =	vld [tilespmem:s23+$0xA870]  }
0x26a: {  	v2 =	vmul.f32 v2, v25;
	v49 =	vadd.f32 v62, v53;
	v46 =	vmul.f32 v50, v11;
	v25 =	vld [tilespmem:s23+$0x12050]  }
0x26b: {  	v30 =	vadd.f32 v4, v30;
	v4 =	vadd.f32 v41, v23;
	v50 =	vmul.f32 v54, v5;
	v23 =	vld [tilespmem:s23+$0x13440]  }
0x26c: {  	[tilespmem:s23+$0x17010] =	vst v15;
	v15 =	vadd.f32 v26, v40;
	v26 =	vadd.f32 v2, v42;
	v40 =	vld [tilespmem:s23+$0x13450];
	v39 =	vmul.f32 v39, v5  }
0x26d: {  	v4 =	vadd.f32 v38, v4;
	v42 =	vadd.f32 v46, v20;
	v41 =	vld [tilespmem:s23+$0xE430];
	[tilespmem:s23+$0x17060] =	vst v10;
	v6 =	vmul.f32 v6, v5  }
0x26e: {  	v20 =	vmul.f32 v1, v5;
	v10 =	vmul.f32 v31, v21;
	v15 =	vadd.f32 v27, v15;
	v1 =	vld [tilespmem:s26+$0x13430]  }
0x26f: {  	v27 =	vadd.f32 v39, v49;
	v2 =	vld [tilespmem:s26+$0x10C50];
	v21 =	vadd.f32 v6, v4;
	v25 =	vmul.f32 v25, v11  }
0x270: {  	v22 =	vmul.f32 v22, v11;
	v16 =	vadd.f32 v16, v37;
	v4 =	vld [tilespmem:s26+$0xD000];
	v15 =	vadd.f32 v20, v15  }
0x271: {  	v20 =	vadd.f32 v12, v10;
	v6 =	vld [tilespmem:s26+$0xE470];
	[tilespmem:s23+$0x18410] =	vst v21;
	v21 =	vadd.f32 v25, v26;
	v25 =	vmul.f32 v40, v5  }
0x272: {  	v22 =	vadd.f32 v22, v51;
	v31 =	vadd.f32 v44, v48;
	v10 =	vld [tilespmem:s26+$0xE460];
	v26 =	vmul.f32 v41, v5;
	[tilespmem:s23+$0x18470] =	vst v27  }
0x273: {  	v7 =	vmul.f32 v7, v11;
	v11 =	vadd.f32 v33, v20;
	v12 =	vld [tilespmem:s26+$0xBC70];
	[tilespmem:s23+$0x18430] =	vst v15;
	v20 =	vadd.f32 v25, v21  }
0x274: {  	v3 =	vmul.f32 v3, v5;
	v15 =	vld [tilespmem:s26+$0xE410];
	v21 =	vadd.f32 v26, v22;
	v22 =	vadd.f32 v55, v31;
	[tilespmem:s23+$0x18420] =	vst v16  }
0x275: {  	v14 =	vadd.f32 v14, v43;
	v11 =	vadd.f32 v24, v11;
	v16 =	vld [tilespmem:s26+$0x13420];
	[tilespmem:s23+$0x18450] =	vst v20  }
0x276: {  	v17 =	vadd.f32 v17, v47;
	v7 =	vadd.f32 v7, v45;
	v5 =	vmul.f32 v23, v5;
	v20 =	vld [tilespmem:s26+$0x10C00];
	[tilespmem:s23+$0x17030] =	vst v21  }
0x277: {  	v21 =	vadd.f32 v50, v30;
	v23 =	vld [tilespmem:s26+$0xF810];
	[tilespmem:s23+$0x17070] =	vst v11;
	v11 =	vadd.f32 v19, v42  }
0x278: {  	v3 =	vadd.f32 v3, v7;
	v5 =	vadd.f32 v5, v17;
	v24 =	vld [tilespmem:s26+$0xD010];
	[tilespmem:s23+$0x18460] =	vst v14  }
0x279: {  	v14 =	vld [tilespmem:s26+$0x13460];
	[tilespmem:s23+$0x18400] =	vst v11  }
0x27a: {  	v26 =	vld [tilespmem:s26+$0x10C30];
	[tilespmem:s23+$0x17000] =	vst v21  }
0x27b: {  	v31 =	vld [tilespmem:s26+$0xE440];
	[tilespmem:s23+$0x18440] =	vst v5  }
0x27c: {  	v19 =	vld [tilespmem:s26+$0x13400];
	[tilespmem:s23+$0x17020] =	vst v3  }
0x27d: {  	v33 =	vld [tilespmem:s26+$0xD070];
	[tilespmem:s23+$0x17050] =	vst v22;
	s23 =	smov.u32 s26  }
0x27e: {  	v37 =	vld [tilespmem:s23+$0x10C20]  }
0x27f: {  	v39 =	vld [tilespmem:s23+$0xBC60]  }
0x280: {  	v43 =	vld [tilespmem:s23+$0x12020]  }
0x281: {  	v44 =	vld [tilespmem:s23+$0xD050]  }
0x282: {  	v45 =	vld [tilespmem:s23+$0x10C70]  }
0x283: {  	v17 =	vld [tilespmem:s23+$0x12030]  }
0x284: {  	v50 =	vld [tilespmem:s23+$0xF840]  }
0x285: {  	v38 =	vld [tilespmem:s23+$0x12040]  }
0x286: {  	v3 =	vld [tilespmem:s23+$0xE420]  }
0x287: {  	v47 =	vld [tilespmem:s23+$0x12060]  }
0x288: {  	v40 =	vld [tilespmem:s23+$0xF830]  }
0x289: {  	v7 =	vld [tilespmem:s23+$0xD020]  }
0x28a: {  	v42 =	vld [tilespmem:s23+$0xF860]  }
0x28b: {  	v48 =	vld [tilespmem:s23+$0x12010]  }
0x28c: {  	v27 =	vld [tilespmem:s23+$0x10C40]  }
0x28d: {  	v25 =	vld.msk [tilespmem:s24+$0xFFFFFFD0 ss:$0x0], $0xffff  }
0x28e: {  	v21 =	vld.msk [tilespmem:s24+$0xFFFFFFA0 ss:$0x0], $0xffff  }
0x28f: {  	v30 =	vld [tilespmem:s23+$0xBC50]  }
0x290: {  	v11 =	vld.msk [tilespmem:s24+$0x0 ss:$0x0], $0xffff  }
0x291: {  	v41 =	vld [tilespmem:s23+$0x10C10]  }
0x292: {  	v5 =	vld.msk [tilespmem:s24+$0x30 ss:$0x0], $0xffff  }
0x293: {  	v32 =	vmul.f32 v32, v25;
	v51 =	vmul.f32 v27, v25;
	v22 =	vld [tilespmem:s23+$0xD030]  }
0x294: {  	v46 =	vmul.f32 v34, v25;
	v27 =	vmul.f32 v29, v21;
	v53 =	vld [tilespmem:s23+$0xF850]  }
0x295: {  	v35 =	vmul.f32 v35, v21;
	v29 =	vmul.f32 v30, v25;
	v54 =	vld [tilespmem:s23+$0xA850]  }
0x296: {  	v34 =	vmul.f32 v36, v21;
	v30 =	vadd.f32 v32, v27;
	v27 =	vmul.f32 v17, v11;
	v56 =	vld [tilespmem:s23+$0xA860]  }
.Ltmp1:
0x297: {  	v49 =	vmul.f32 v42, v21;
	v41 =	vmul.f32 v41, v25;
	v32 =	vld [tilespmem:s23+$0xF800];
	(pc) =	sbr.rel @p0 .LBB2_5-.Ltmp1, $4  }
0x298: {  	v40 =	vmul.f32 v40, v21;
	v17 =	vmul.f32 v38, v11;
	v52 =	vld [tilespmem:s23+$0xD060]  }
0x299: {  	v38 =	vmul.f32 v48, v11;
	v36 =	vld [tilespmem:s23+$0xD040];
	v42 =	vmul.f32 v53, v21  }
0x29a: {  	v48 =	vmul.f32 v54, v21;
	v53 =	vld [tilespmem:s23+$0xF820];
	v54 =	vmul.f32 v50, v21  }
0x29b: {  	v28 =	vmul.f32 v28, v25;
	v55 =	vld [tilespmem:s23+$0xBC40];
	v50 =	vmul.f32 v56, v21  }
0x29c: {  	v18 =	vmul.f32 v18, v21  }
0x29d: {  	v47 =	vmul.f32 v47, v11;
	v8 =	vmul.f32 v8, v21  }
0x29e: {  	v13 =	vmul.f32 v13, v25;
	v32 =	vmul.f32 v32, v21  }
0x29f: {  	v45 =	vmul.f32 v45, v25;
	v9 =	vmul.f32 v9, v11  }
0x2a0: {  	v31 =	vmul.f32 v31, v5;
	v39 =	vmul.f32 v39, v25  }
0x2a1: {  	v37 =	vmul.f32 v37, v25;
	v33 =	vmul.f32 v33, v11  }
0x2a2: {  	v26 =	vmul.f32 v26, v25;
	v24 =	vmul.f32 v24, v11  }
0x2a3: {  	v23 =	vmul.f32 v23, v21;
	v20 =	vmul.f32 v20, v25  }
0x2a4: {  	v15 =	vmul.f32 v15, v5;
	v16 =	vmul.f32 v16, v5  }
0x2a5: {  	v29 =	vadd.f32 v29, v48;
	v10 =	vmul.f32 v10, v5;
	v12 =	vmul.f32 v12, v25  }
0x2a6: {  	v51 =	vadd.f32 v51, v54;
	v2 =	vmul.f32 v2, v25;
	v4 =	vmul.f32 v4, v11  }
0x2a7: {  	v48 =	vmul.f32 v22, v11;
	v7 =	vmul.f32 v7, v11;
	v28 =	vadd.f32 v28, v35  }
0x2a8: {  	v56 =	vld [tilespmem:s23+$0x10C60];
	v3 =	vmul.f32 v3, v5;
	v13 =	vadd.f32 v13, v34;
	v8 =	vadd.f32 v46, v8  }
0x2a9: {  	v59 =	vld [tilespmem:s23+$0x13470];
	v52 =	vmul.f32 v52, v11;
	v39 =	vadd.f32 v39, v50;
	v20 =	vadd.f32 v20, v32  }
0x2aa: {  	v57 =	vld [tilespmem:s23+$0xF870];
	v36 =	vmul.f32 v36, v11;
	v23 =	vadd.f32 v41, v23;
	v40 =	vadd.f32 v26, v40  }
0x2ab: {  	v60 =	vld [tilespmem:s23+$0x13410];
	v2 =	vadd.f32 v2, v42;
	v4 =	vadd.f32 v4, v30;
	v61 =	vmul.f32 v53, v21  }
0x2ac: {  	v7 =	vadd.f32 v7, v28;
	v55 =	vmul.f32 v55, v25;
	v8 =	vadd.f32 v24, v8  }
0x2ad: {  	v39 =	vadd.f32 v52, v39;
	v23 =	vadd.f32 v38, v23;
	v62 =	vmul.f32 v56, v25  }
0x2ae: {  	v37 =	vadd.f32 v37, v61;
	v46 =	vmul.f32 v59, v5;
	v59 =	vadd.f32 v17, v51  }
0x2af: {  	v42 =	vld [tilespmem:s23+$0xE430];
	v63 =	vmul.f32 v57, v21;
	v3 =	vadd.f32 v3, v7;
	v18 =	vadd.f32 v55, v18  }
0x2b0: {  	v57 =	vld [tilespmem:s23+$0x12000];
	v24 =	vmul.f32 v60, v5;
	v8 =	vadd.f32 v15, v8;
	v10 =	vadd.f32 v10, v39  }
0x2b1: {  	v56 =	vmul.f32 v43, v11;
	v61 =	vld [tilespmem:s23+$0xA870];
	v34 =	vadd.f32 v62, v49;
	v58 =	vadd.f32 v45, v63  }
0x2b2: {  	v1 =	vmul.f32 v1, v5;
	v43 =	vld [tilespmem:s23+$0xE400];
	v23 =	vadd.f32 v24, v23;
	[tilespmem:s23+$0x17020] =	vst v3;
	v18 =	vadd.f32 v36, v18  }
0x2b3: {  	v0 =	vmul.f32 v0, v5;
	v63 =	vld [tilespmem:s23+$0x13440];
	v36 =	vadd.f32 v56, v37;
	[tilespmem:s23+$0x17060] =	vst v10;
	v10 =	vadd.f32 v48, v13  }
0x2b4: {  	v62 =	vld [tilespmem:s23+$0x12050];
	v53 =	vmul.f32 v42, v5;
	[tilespmem:s23+$0x17010] =	vst v8;
	v39 =	vadd.f32 v9, v58;
	v18 =	vadd.f32 v31, v18  }
0x2b5: {  	v35 =	vmul.f32 v44, v11;
	v9 =	vadd.f32 v27, v40;
	[tilespmem:s23+$0x18410] =	vst v23;
	v52 =	vadd.f32 v16, v36  }
0x2b6: {  	v41 =	vld [tilespmem:s23+$0x13450];
	v34 =	vadd.f32 v47, v34;
	v47 =	vmul.f32 v61, v21;
	v10 =	vadd.f32 v53, v10;
	[tilespmem:s23+$0x17040] =	vst v18  }
0x2b7: {  	v54 =	vmul.f32 v57, v11;
	v58 =	vmul.f32 v43, v5;
	v1 =	vadd.f32 v1, v9;
	[tilespmem:s23+$0x18420] =	vst v52  }
0x2b8: {  	v8 =	vadd.f32 v46, v39;
	v49 =	vadd.f32 v12, v47;
	[tilespmem:s23+$0x17030] =	vst v10;
	v60 =	vmul.f32 v63, v5  }
0x2b9: {  	v15 =	vmul.f32 v62, v11;
	v62 =	vadd.f32 v35, v29;
	[tilespmem:s23+$0x18430] =	vst v1;
	v1 =	vadd.f32 v58, v4  }
0x2ba: {  	v57 =	vmul.f32 v19, v5;
	[tilespmem:s23+$0x18470] =	vst v8;
	v8 =	vadd.f32 v54, v20;
	v63 =	vadd.f32 v60, v59  }
0x2bb: {  	v50 =	vmul.f32 v41, v5;
	v2 =	vadd.f32 v15, v2;
	v0 =	vadd.f32 v0, v62;
	[tilespmem:s23+$0x17000] =	vst v1  }
0x2bc: {  	v6 =	vmul.f32 v6, v5;
	v9 =	vadd.f32 v33, v49;
	v61 =	vadd.f32 v57, v8;
	[tilespmem:s23+$0x18440] =	vst v63  }
0x2bd: {  	v56 =	vmul.f32 v14, v5;
	v55 =	vadd.f32 v50, v2;
	[tilespmem:s23+$0x17050] =	vst v0  }
0x2be: {  	s22 =	smul.u32 $0x1400, s22;
	s21 =	sadd.s32 $0x1, s21;
	v6 =	vadd.f32 v6, v9;
	[tilespmem:s23+$0x18400] =	vst v61  }
0x2bf: {  	p0 =	sne.s32 s21, $0x14;
	v2 =	vadd.f32 v56, v34;
	[tilespmem:s23+$0x18450] =	vst v55  }
.Ltmp2:
0x2c0: {  	s22 =	sshrl.u32 s22, $0x3;
	[tilespmem:s23+$0x17070] =	vst v6;
	(pc) =	sbr.rel @p0 .LBB2_2-.Ltmp2, $4  }
0x2c1: {  	s28 =	simm.s32 $0x17000;
	s22 =	sadd.s32 s6, s22;
	[tilespmem:s23+$0x18460] =	vst v2  }
0x2c2: {  	[hbm4b:s22+s5] =	stream.linear.scatter [tilespmem:s28], [sflag:$0x4], $0x1400, $0x38;
	[tilespmem:$0x19800] =	vst v63  }
0x2c3: {  	s29 =	simm.s32 $0x18400;
	s22 =	sadd.s32 $0xC3500, s22  }
0x2c4: {  	[hbm4b:s22+s5] =	stream.linear.scatter [tilespmem:s29], [sflag:$0x4], $0x1400, $0x38;
	[tilespmem:$0x19800] =	vst v63  }
0x2c5: {  	_ =	swait.ge [sflag:s19], $0x28  }
0x2c6: {  	[sflag:s19] =	ssyncset.done $0x0  }
0x2c7: {  	[sflag:s19] =	ssyncadd.s32 $0xFFFFFFD8  }
0x2c8: {  	_ =	swait.ge [sflag:s19], $0x1400  }
0x2c9: {  	[sflag:s19] =	ssyncset.done $0x0  }
0x2ca: {  	[sflag:s19] =	ssyncadd.s32 $0xFFFFEC00  }
0x2cb: {  	_ =	swait.ge [sflag:s19], $0x1400  }
0x2cc: {  	[sflag:s19] =	ssyncset.done $0x0  }
0x2cd: {  	[sflag:s19] =	ssyncadd.s32 $0xFFFFEC00  }
0x2ce: {  	_ =	swait.ge [sflag:s19], $0x28  }
0x2cf: {  	[sflag:s19] =	ssyncset.done $0x0  }
0x2d0: {  	[sflag:s19] =	ssyncadd.s32 $0xFFFFFFD8  }
0x2d1: {  	_ =	swait.ge [sflag:s19], $0x1400  }
0x2d2: {  	[sflag:s19] =	ssyncset.done $0x0  }
0x2d3: {  	[sflag:s19] =	ssyncadd.s32 $0xFFFFEC00  }
0x2d4: {  	_ =	swait.ge [sflag:s19], $0x1400  }
0x2d5: {  	[sflag:s19] =	ssyncset.done $0x0  }
0x2d6: {  	[sflag:s19] =	ssyncadd.s32 $0xFFFFEC00  }
0x2d7: {  	_ =	swait.ge [sflag:s19], $0x28  }
0x2d8: {  	[sflag:s19] =	ssyncset.done $0x0  }
0x2d9: {  	[sflag:s19] =	ssyncadd.s32 $0xFFFFFFD8  }
0x2da: {  	_ =	swait.ge [sflag:s19], $0x1400  }
0x2db: {  	[sflag:s19] =	ssyncset.done $0x0  }
0x2dc: {  	[sflag:s19] =	ssyncadd.s32 $0xFFFFEC00  }
0x2dd: {  	_ =	swait.ge [sflag:s19], $0x1400  }
0x2de: {  	[sflag:s19] =	ssyncset.done $0x0  }
0x2df: {  	[sflag:s19] =	ssyncadd.s32 $0xFFFFEC00  }
0x2e0: {  	_ =	swait.ge [sflag:s19], $0x28  }
0x2e1: {  	[sflag:s19] =	ssyncset.done $0x0  }
0x2e2: {  	[sflag:s19] =	ssyncadd.s32 $0xFFFFFFD8  }
0x2e3: {  	_ =	swait.ge [sflag:s19], $0x1400  }
0x2e4: {  	[sflag:s19] =	ssyncset.done $0x0  }
0x2e5: {  	[sflag:s19] =	ssyncadd.s32 $0xFFFFEC00  }
0x2e6: {  	_ =	swait.ge [sflag:s19], $0x1400  }
0x2e7: {  	[sflag:s19] =	ssyncset.done $0x0  }
0x2e8: {  	s21 =	simm.s32 $0x3;
	[sflag:s19] =	ssyncadd.s32 $0xFFFFEC00  }
0x2e9: {  	_ =	swait.ge [sflag:s21], $0x1400  }
0x2ea: {  	[sflag:s21] =	ssyncset.done $0x0  }
0x2eb: {  	[sflag:s21] =	ssyncadd.s32 $0xFFFFEC00  }
0x2ec: {  	_ =	swait.ge [sflag:s21], $0x1400  }
0x2ed: {  	[sflag:s21] =	ssyncset.done $0x0  }
0x2ee: {  	s22 =	simm.s32 $0x4;
	[sflag:s21] =	ssyncadd.s32 $0xFFFFEC00  }
0x2ef: {  	_ =	swait.ge [sflag:s22], $0x1400  }
0x2f0: {  	[sflag:s22] =	ssyncset.done $0x0  }
0x2f1: {  	[sflag:s22] =	ssyncadd.s32 $0xFFFFEC00  }
0x2f2: {  	_ =	swait.ge [sflag:s22], $0x1400  }
0x2f3: {  	s23 =	rddreg [dreg:$0xa]  }
0x2f4: {  	s29 =	rddreg [dreg:$0x9];
	s23 =	sadd.s32 $0x1, s23  }
0x2f5: {  	p0 =	sne.s32 s23, s29  }
.Ltmp3:
0x2f6: {  	_ = 	snop;
	(pc) =	sbr.rel @p0 .LBB2_1-.Ltmp3, $3  }
0x2f7: {  	_ =	sdelay $0x1  }
0x2f8: {  	[sflag:s22] =	ssyncset.done $0x0  }
0x2f9: {  	[sflag:s22] =	ssyncadd.s32 $0xFFFFEC00  }
0x2fa: {  	_ =	sfence.sel $0x180000  }
0x2fb: {  	[bflag:$0x0] =	sbarrier.arrive $0xFFFF  }
0x2fc: {  	_ =	strace $0x90000047  }
0x2fd: {  	s0 =	stileid.u32;
	[bflag:$0x2] =	sbarrier.arrive $0xFFFF  }
0x2fe: {  	p0 =	sne.s32 s0, $0x0;
	s0 =	rddreg [dreg:$0x4]  }
0x2ff: {  	s0 =	sadd.s32 @!p0 $0x100000, s0  }
0x300: {  	[sflag:s0] =	ssyncadd.tile.s32 @!p0 $0x1;
	_ =	shalt  }
.Lfunc_end2:
_tile_overlayer_lowered:
.L_overlay_start_2:
0x301: {  	(tag) =	ssettag $0x2  }
0x302: {  	s0 =	rddreg [dreg:$0x0];
	s2 =	stileid.u32  }
0x303: {  	s1 =	rddreg [dreg:$0x1];
	p0 =	sne.s32 s2, $0x0  }
0x304: {  	s3 =	rddreg [dreg:$0x2];
	[bflag:$0x3] =	sbarrier.arrive $0xFFFF;
	s2 =	simm.s32 @!p0 $0x1C05  }
0x305: {  	[timem:s3], [sflag:s2] =	dma.local @!p0 [hbm:s0], s1  }
0x306: {  	s0 =	simm.s32 @!p0 $0x5  }
0x307: {  	_ =	swait.ge @!p0 [sflag:s0], s1  }
0x308: {  	s1 =	ssub.s32 @!p0 $0x0, s1;
	[sflag:s0] =	ssyncset.done @!p0 $0x0  }
0x309: {  	[sflag:s0] =	ssyncadd.s32 @!p0 s1  }
0x30a: {  	[bflag:$0x3] =	sbarrier.arrive $0xFFFF  }
0x30b: {  	_ =	shalt  }

</sc_bundles>
